<compile_context>
chip_gen: v7x
topology: tpu7x:2x2x1
jax: 0.10.2.dev20260603
libtpu: 0.0.44.dev20260713+nightly
codegen_flags: <defaults>
</compile_context>

<pallas_src>
import jax
import jax.numpy as jnp
from jax import lax
from jax.experimental import pallas as pl
from jax.experimental.pallas import tpu as pltpu
from jax.experimental.pallas import tpu_sc as plsc

N = 10000
E = 160000
G = 512
L = 5
D = 256
H = 512
BN_EPS = 1e-5
ATOM_OFFS = (0, 119, 123, 135, 147, 157, 163, 169, 171)

BR = 400
NBLK = N // BR
NC = 2
NS = 16
CH = 80
SE = E // NS
NCHUNK = SE // CH

_INV = 1.0 / (1.0 + BN_EPS) ** 0.5


def _edge_prep_body(ea_ref, src_ref, gidx_ref):
    a = ea_ref[0]
    b = ea_ref[1]
    c = ea_ref[2]
    gidx_ref[...] = (a + 2 * b + 4 * c) * N + src_ref[...]


def _edge_prep(ea3, src2):
    return pl.pallas_call(
        _edge_prep_body,
        out_shape=jax.ShapeDtypeStruct(src2.shape, jnp.int32),
    )(ea3, src2)


def _write_tables(h_in, bt, t_ref):
    for code in range(8):
        a = code & 1
        b = (code >> 1) & 1
        c = (code >> 2) & 1
        row = bt[a:a + 1, :] + bt[5 + b:6 + b, :] + bt[11 + c:12 + c, :]
        m = jnp.maximum(h_in + row, 0.0)
        t_ref[0, code] = m[:, :128]
        t_ref[1, code] = m[:, 128:]


def _enc0_body(x_ref, at_ref, vnrow_ref, bt_ref, hin_ref, t_ref):
    xb = x_ref[...].astype(jnp.float32)
    at = at_ref[...]
    h = jnp.zeros((BR, D), jnp.float32) + vnrow_ref[...]
    for k, off in enumerate(ATOM_OFFS):
        r0 = at[off:off + 1, :]
        r1 = at[off + 1:off + 2, :]
        h = h + r0 + xb[:, k:k + 1] * (r1 - r0)
    hin_ref[...] = h
    _write_tables(h, bt_ref[...], t_ref)


def _prep_layer0(x, atom_pad, vn_row, bt):
    return pl.pallas_call(
        _enc0_body,
        grid=(NBLK,),
        in_specs=[
            pl.BlockSpec((BR, 9), lambda i: (i, 0)),
            pl.BlockSpec((176, D), lambda i: (0, 0)),
            pl.BlockSpec((1, D), lambda i: (0, 0)),
            pl.BlockSpec((16, D), lambda i: (0, 0)),
        ],
        out_specs=[
            pl.BlockSpec((BR, D), lambda i: (i, 0)),
            pl.BlockSpec((2, 8, BR, 128), lambda i: (0, 0, i, 0)),
        ],
        out_shape=[
            jax.ShapeDtypeStruct((N, D), jnp.float32),
            jax.ShapeDtypeStruct((2, 8, N, 128), jnp.float32),
        ],
    )(x, atom_pad, vn_row, bt)


def _sc_body(t_hbm, gidx2_hbm, dst2_hbm, zer_hbm, out_hbm,
             idx_all, dst_all, r0, r1, aggr_s, g0, g1):
    rows = (r0, r1)
    gsem = (g0, g1)
    c = lax.axis_index("c")
    s = lax.axis_index("s")

    @pl.when(s == 0)
    def _():
        pltpu.sync_copy(zer_hbm, aggr_s)

    pltpu.sync_copy(gidx2_hbm.at[pl.ds(c * E + s * SE, SE)], idx_all)
    pltpu.sync_copy(dst2_hbm.at[pl.ds(s * 128, 128)], dst_all)
    plsc.subcore_barrier()

    def gslice(ch):
        return idx_all.at[pl.ds(pl.multiple_of(ch * CH, CH), CH)]

    for b in range(2):
        pltpu.async_copy(t_hbm.at[gslice(b)], rows[b], gsem[b])

    def group(g, carry):
        for b in range(2):
            ch = 2 * g + b
            pltpu.make_async_copy(t_hbm.at[gslice(ch)], rows[b],
                                  gsem[b]).wait()
            pltpu.sync_copy(rows[b], aggr_s.at[dst_all.at[ch]], add=True)
            nx = jnp.minimum(ch + 2, NCHUNK - 1)
            pltpu.async_copy(t_hbm.at[gslice(nx)], rows[b], gsem[b])
        return carry

    lax.fori_loop(0, (NCHUNK - 1) // 2, group, 0)

    last = NCHUNK - 1
    pltpu.make_async_copy(t_hbm.at[gslice(last)], rows[0], gsem[0]).wait()
    pltpu.sync_copy(rows[0], aggr_s.at[dst_all.at[last]], add=True)
    pltpu.make_async_copy(t_hbm.at[gslice(last)], rows[1], gsem[1]).wait()

    plsc.subcore_barrier()

    @pl.when(jnp.logical_and(s == 0, c == 0))
    def _():
        pltpu.sync_copy(aggr_s, out_hbm.at[0])

    @pl.when(jnp.logical_and(s == 0, c == 1))
    def _():
        pltpu.sync_copy(aggr_s, out_hbm.at[1])


def _edge_aggr(t_flat, gidx2, dst2, zer):
    mesh = plsc.VectorSubcoreMesh(core_axis_name="c", subcore_axis_name="s")
    f = pl.kernel(
        _sc_body,
        out_type=jax.ShapeDtypeStruct((NC, N, 128), jnp.float32),
        mesh=mesh,
        scratch_types=[
            pltpu.VMEM((SE,), jnp.int32),
            pltpu.VMEM((128, CH), jnp.int32),
            pltpu.VMEM((CH, 128), jnp.float32),
            pltpu.VMEM((CH, 128), jnp.float32),
            pltpu.VMEM_SHARED((N, 128), jnp.float32),
            pltpu.SemaphoreType.DMA,
            pltpu.SemaphoreType.DMA,
        ],
    )
    return f(t_flat, gidx2, dst2, zer)


def _vnup_body(hin_ref, brow_ref, vn_ref,
               vw1_ref, vb1_ref, vg1_ref, vbb1_ref,
               vw2_ref, vb2_ref, vg2_ref, vbb2_ref,
               vnout_ref, seg_ref):
    i = pl.program_id(0)
    brow = brow_ref[0]
    ids = lax.broadcasted_iota(jnp.int32, (G, BR), 0)
    oht = (brow == ids).astype(jnp.float32)
    contrib = jnp.dot(oht, hin_ref[...], preferred_element_type=jnp.float32)

    @pl.when(i == 0)
    def _():
        seg_ref[...] = contrib

    @pl.when(i > 0)
    def _():
        seg_ref[...] = seg_ref[...] + contrib

    @pl.when(i == NBLK - 1)
    def _():
        vt = seg_ref[...] + vn_ref[...]
        v = jnp.dot(vt, vw1_ref[...], preferred_element_type=jnp.float32) + vb1_ref[...]
        v = jnp.maximum(v * (vg1_ref[...] * _INV) + vbb1_ref[...], 0.0)
        v = jnp.dot(v, vw2_ref[...], preferred_element_type=jnp.float32) + vb2_ref[...]
        vnout_ref[...] = jnp.maximum(v * (vg2_ref[...] * _INV) + vbb2_ref[...], 0.0)


def _vnup(h_in, brow, vn, vw1, vb1, vg1, vbb1, vw2, vb2, vg2, vbb2):
    full = lambda shp: pl.BlockSpec(shp, lambda i: tuple(0 for _ in shp))
    return pl.pallas_call(
        _vnup_body,
        grid=(NBLK,),
        in_specs=[
            pl.BlockSpec((BR, D), lambda i: (i, 0)),
            pl.BlockSpec((1, 1, BR), lambda i: (i, 0, 0)),
            full((G, D)),
            full((D, H)), full((1, H)), full((1, H)), full((1, H)),
            full((H, D)), full((1, D)), full((1, D)), full((1, D)),
        ],
        out_specs=pl.BlockSpec((G, D), lambda i: (0, 0)),
        out_shape=jax.ShapeDtypeStruct((G, D), jnp.float32),
        scratch_shapes=[pltpu.VMEM((G, D), jnp.float32)],
    )(h_in, brow, vn, vw1, vb1, vg1, vbb1, vw2, vb2, vg2, vbb2)


def _gin_mlp_prep_body(hin_ref, aggr_ref, eps_ref,
                       w1_ref, b1_ref, g1_ref, bb1_ref,
                       w2_ref, b2_ref, g2_ref, bb2_ref,
                       bcol_ref, vnn_ref, bt_ref,
                       hinout_ref, t_ref):
    h_in = hin_ref[...]
    aggr = jnp.concatenate([aggr_ref[0], aggr_ref[1]], axis=1)
    z = (1.0 + eps_ref[0, 0]) * h_in + aggr
    y = jnp.dot(z, w1_ref[...], preferred_element_type=jnp.float32) + b1_ref[...]
    y = jnp.maximum(y * (g1_ref[...] * _INV) + bb1_ref[...], 0.0)
    y = jnp.dot(y, w2_ref[...], preferred_element_type=jnp.float32) + b2_ref[...]
    h2 = y * (g2_ref[...] * _INV) + bb2_ref[...]
    h = jnp.maximum(h2, 0.0)

    bcol = bcol_ref[...]
    ids = lax.broadcasted_iota(jnp.int32, (BR, G), 1)
    oh = (bcol == ids).astype(jnp.float32)
    h_in_next = h + jnp.dot(oh, vnn_ref[...],
                            preferred_element_type=jnp.float32)
    hinout_ref[...] = h_in_next
    _write_tables(h_in_next, bt_ref[...], t_ref)


def _gin_mlp_prep(h_in, aggr3, eps_l, w1, b1, g1, bb1, w2, b2, g2, bb2,
                  bcol, vn_next, bt_next):
    full = lambda shp: pl.BlockSpec(shp, lambda i: tuple(0 for _ in shp))
    return pl.pallas_call(
        _gin_mlp_prep_body,
        grid=(NBLK,),
        in_specs=[
            pl.BlockSpec((BR, D), lambda i: (i, 0)),
            pl.BlockSpec((2, BR, 128), lambda i: (0, i, 0)),
            full((1, 1)),
            full((D, H)), full((1, H)), full((1, H)), full((1, H)),
            full((H, D)), full((1, D)), full((1, D)), full((1, D)),
            pl.BlockSpec((BR, 1), lambda i: (i, 0)),
            full((G, D)),
            full((16, D)),
        ],
        out_specs=[
            pl.BlockSpec((BR, D), lambda i: (i, 0)),
            pl.BlockSpec((2, 8, BR, 128), lambda i: (0, 0, i, 0)),
        ],
        out_shape=[
            jax.ShapeDtypeStruct((N, D), jnp.float32),
            jax.ShapeDtypeStruct((2, 8, N, 128), jnp.float32),
        ],
    )(h_in, aggr3, eps_l, w1, b1, g1, bb1, w2, b2, g2, bb2,
      bcol, vn_next, bt_next)


def _gin_last_body(hin_ref, aggr_ref, brow_ref, eps_ref,
                   w1_ref, b1_ref, g1_ref, bb1_ref,
                   w2_ref, b2_ref, g2_ref, bb2_ref,
                   pw_ref, pb_ref, out_ref, seg_ref, cnt_ref):
    i = pl.program_id(0)
    h_in = hin_ref[...]
    aggr = jnp.concatenate([aggr_ref[0], aggr_ref[1]], axis=1)
    z = (1.0 + eps_ref[0, 0]) * h_in + aggr
    y = jnp.dot(z, w1_ref[...], preferred_element_type=jnp.float32) + b1_ref[...]
    y = jnp.maximum(y * (g1_ref[...] * _INV) + bb1_ref[...], 0.0)
    y = jnp.dot(y, w2_ref[...], preferred_element_type=jnp.float32) + b2_ref[...]
    hfin = y * (g2_ref[...] * _INV) + bb2_ref[...]

    brow = brow_ref[0]
    ids = lax.broadcasted_iota(jnp.int32, (G, BR), 0)
    oht = (brow == ids).astype(jnp.float32)
    contrib = jnp.dot(oht, hfin, preferred_element_type=jnp.float32)
    cnt = jnp.broadcast_to(jnp.sum(oht, axis=1, keepdims=True), (G, D))

    @pl.when(i == 0)
    def _():
        seg_ref[...] = contrib
        cnt_ref[...] = cnt

    @pl.when(i > 0)
    def _():
        seg_ref[...] = seg_ref[...] + contrib
        cnt_ref[...] = cnt_ref[...] + cnt

    @pl.when(i == NBLK - 1)
    def _():
        hg = seg_ref[...] / jnp.maximum(cnt_ref[...], 1.0)
        out_ref[...] = jnp.dot(hg, pw_ref[...],
                               preferred_element_type=jnp.float32) + pb_ref[...]


def _gin_last(h_in, aggr3, brow, eps_l, w1, b1, g1, bb1, w2, b2, g2, bb2,
              pw, pb):
    full = lambda shp: pl.BlockSpec(shp, lambda i: tuple(0 for _ in shp))
    t_out = pb.shape[1]
    return pl.pallas_call(
        _gin_last_body,
        grid=(NBLK,),
        in_specs=[
            pl.BlockSpec((BR, D), lambda i: (i, 0)),
            pl.BlockSpec((2, BR, 128), lambda i: (0, i, 0)),
            pl.BlockSpec((1, 1, BR), lambda i: (i, 0, 0)),
            full((1, 1)),
            full((D, H)), full((1, H)), full((1, H)), full((1, H)),
            full((H, D)), full((1, D)), full((1, D)), full((1, D)),
            full((D, t_out)), full((1, t_out)),
        ],
        out_specs=pl.BlockSpec((G, t_out), lambda i: (0, 0)),
        out_shape=jax.ShapeDtypeStruct((G, t_out), jnp.float32),
        scratch_shapes=[pltpu.VMEM((G, D), jnp.float32),
                        pltpu.VMEM((G, D), jnp.float32)],
    )(h_in, aggr3, brow, eps_l, w1, b1, g1, bb1, w2, b2, g2, bb2, pw, pb)


def kernel(x, edge_index, edge_attr, batch, atom_table, bond_tables, eps,
           mlp_W1, mlp_b1, mlp_bn_g, mlp_bn_b, mlp_W2, mlp_b2, bn_g, bn_b,
           vn_table, vn_W1, vn_b1, vn_bn1_g, vn_bn1_b, vn_W2, vn_b2,
           vn_bn2_g, vn_bn2_b, pred_W, pred_b):
    f32 = jnp.float32
    src = edge_index[0]
    dst = edge_index[1]
    ea3 = edge_attr.T.reshape(3, E // 128, 128)
    src2 = src.reshape(E // 128, 128)
    gidx = _edge_prep(ea3, src2).reshape(E)
    gidx2 = jnp.concatenate([gidx, gidx + 8 * N])
    dst2 = jnp.pad(dst.reshape(NS, NCHUNK, CH),
                   ((0, 0), (0, 128 - NCHUNK), (0, 0))).reshape(NS * 128, CH)
    zer = jnp.zeros((N, 128), f32)
    atom_pad = jnp.pad(atom_table, ((0, 3), (0, 0)))
    bcol = batch.reshape(N, 1)
    brow = batch.reshape(NBLK, 1, BR)

    vn = jnp.zeros((G, D), f32) + vn_table[0][None, :]
    bt0 = jnp.pad(bond_tables[0], ((0, 3), (0, 0)))
    h_in, t_all = _prep_layer0(x, atom_pad, vn_table, bt0)
    out = None
    for l in range(L):
        aggr3 = _edge_aggr(t_all.reshape(NC * 8 * N, 128), gidx2, dst2, zer)
        eps_l = eps[l].reshape(1, 1)
        mw = (mlp_W1[l], mlp_b1[l].reshape(1, H), mlp_bn_g[l].reshape(1, H),
              mlp_bn_b[l].reshape(1, H), mlp_W2[l], mlp_b2[l].reshape(1, D),
              bn_g[l].reshape(1, D), bn_b[l].reshape(1, D))
        if l < L - 1:
            vn = _vnup(
                h_in, brow, vn, vn_W1[l], vn_b1[l].reshape(1, H),
                vn_bn1_g[l].reshape(1, H), vn_bn1_b[l].reshape(1, H),
                vn_W2[l], vn_b2[l].reshape(1, D),
                vn_bn2_g[l].reshape(1, D), vn_bn2_b[l].reshape(1, D))
            bt_next = jnp.pad(bond_tables[l + 1], ((0, 3), (0, 0)))
            h_in, t_all = _gin_mlp_prep(h_in, aggr3, eps_l, *mw,
                                        bcol, vn, bt_next)
        else:
            out = _gin_last(h_in, aggr3, brow, eps_l, *mw,
                            pred_W, pred_b.reshape(1, -1))
    return out

# --- scband reference (transcript-rebuilt; emitter-appended) ---
"""Pipeline reference for scband-gnn-14972255994498 (READ-ONLY COPY).

The authoritative reference and input builder live on the scoring server;
editing this copy changes nothing except your own understanding.
"""

import jax, jax.numpy as jnp
import numpy as np

N = 10000
E = 160000
G = 512
L = 5
D = 256
H = 512
T = 128
ATOM_DIMS = [119, 4, 12, 12, 10, 6, 6, 2, 2]
BOND_DIMS = [5, 6, 2]
ATOM_OFF = jnp.asarray(np.concatenate([[0], np.cumsum(ATOM_DIMS)[:-1]]), dtype=jnp.int32)
BOND_OFF = jnp.asarray(np.concatenate([[0], np.cumsum(BOND_DIMS)[:-1]]), dtype=jnp.int32)
ATOM_TOTAL = int(np.sum(ATOM_DIMS))
BOND_TOTAL = int(np.sum(BOND_DIMS))
BN_EPS = 1e-5


def setup_inputs(seed=0):
    key = jax.random.key(seed)
    ks = jax.random.split(key, 16)
    s = 0.1
    inp = {}
    inp["x"] = jax.random.randint(ks[0], (N, 9), 0, 2, dtype=jnp.int32)
    inp["edge_index"] = jax.random.randint(ks[1], (2, E), 0, N, dtype=jnp.int32)
    inp["edge_attr"] = jax.random.randint(ks[2], (E, 3), 0, 2, dtype=jnp.int32)
    inp["batch"] = jnp.sort(jax.random.randint(ks[3], (N,), 0, G, dtype=jnp.int32))
    inp["atom_table"] = s * jax.random.normal(ks[4], (ATOM_TOTAL, D), dtype=jnp.float32)
    inp["bond_tables"] = s * jax.random.normal(ks[5], (L, BOND_TOTAL, D), dtype=jnp.float32)
    inp["eps"] = jnp.zeros((L,), dtype=jnp.float32)
    inp["mlp_W1"] = s * jax.random.normal(ks[6], (L, D, H), dtype=jnp.float32)
    inp["mlp_b1"] = jnp.zeros((L, H), dtype=jnp.float32)
    inp["mlp_bn_g"] = jnp.ones((L, H), dtype=jnp.float32)
    inp["mlp_bn_b"] = jnp.zeros((L, H), dtype=jnp.float32)
    inp["mlp_W2"] = s * jax.random.normal(ks[7], (L, H, D), dtype=jnp.float32)
    inp["mlp_b2"] = jnp.zeros((L, D), dtype=jnp.float32)
    inp["bn_g"] = jnp.ones((L, D), dtype=jnp.float32)
    inp["bn_b"] = jnp.zeros((L, D), dtype=jnp.float32)
    inp["vn_table"] = jnp.zeros((1, D), dtype=jnp.float32)
    inp["vn_W1"] = s * jax.random.normal(ks[8], (L - 1, D, H), dtype=jnp.float32)
    inp["vn_b1"] = jnp.zeros((L - 1, H), dtype=jnp.float32)
    inp["vn_bn1_g"] = jnp.ones((L - 1, H), dtype=jnp.float32)
    inp["vn_bn1_b"] = jnp.zeros((L - 1, H), dtype=jnp.float32)
    inp["vn_W2"] = s * jax.random.normal(ks[9], (L - 1, H, D), dtype=jnp.float32)
    inp["vn_b2"] = jnp.zeros((L - 1, D), dtype=jnp.float32)
    inp["vn_bn2_g"] = jnp.ones((L - 1, D), dtype=jnp.float32)
    inp["vn_bn2_b"] = jnp.zeros((L - 1, D), dtype=jnp.float32)
    inp["pred_W"] = s * jax.random.normal(ks[10], (D, T), dtype=jnp.float32)
    inp["pred_b"] = jnp.zeros((T,), dtype=jnp.float32)
    return inp


def _bn_eval(h, g, b):
    # eval-mode BatchNorm with freshly-initialized running stats (mean=0, var=1)
    return h / jnp.sqrt(1.0 + BN_EPS) * g + b


def _forward(x, edge_index, edge_attr, batch, atom_table, bond_tables, eps,
             mlp_W1, mlp_b1, mlp_bn_g, mlp_bn_b, mlp_W2, mlp_b2, bn_g, bn_b,
             vn_table, vn_W1, vn_b1, vn_bn1_g, vn_bn1_b, vn_W2, vn_b2,
             vn_bn2_g, vn_bn2_b, pred_W, pred_b):
    src = edge_index[0]
    dst = edge_index[1]
    # AtomEncoder: sum of per-column embeddings (offset indexing into one fused table)
    h = jnp.take(atom_table, x + ATOM_OFF[None, :], axis=0).sum(axis=1)
    # virtual node embedding (Embedding(1, emb) initialized to zeros)
    vn = jnp.zeros((G, D), dtype=h.dtype) + vn_table[0][None, :]
    for l in range(L):
        h_in = h + vn[batch]
        # BondEncoder for this layer
        eemb = jnp.take(bond_tables[l], edge_attr + BOND_OFF[None, :], axis=0).sum(axis=1)
        # GINConv: out = mlp((1+eps)*x + sum_j relu(x_j + edge_emb))
        msg = jax.nn.relu(h_in[src] + eemb)
        aggr = jax.ops.segment_sum(msg, dst, num_segments=N)
        z = (1.0 + eps[l]) * h_in + aggr
        z = z @ mlp_W1[l] + mlp_b1[l]
        z = jax.nn.relu(_bn_eval(z, mlp_bn_g[l], mlp_bn_b[l]))
        z = z @ mlp_W2[l] + mlp_b2[l]
        h = _bn_eval(z, bn_g[l], bn_b[l])
        if l < L - 1:
            h = jax.nn.relu(h)
            # virtual-node update uses the pre-conv node states h_in
            vt = jax.ops.segment_sum(h_in, batch, num_segments=G) + vn
            v = vt @ vn_W1[l] + vn_b1[l]
            v = jax.nn.relu(_bn_eval(v, vn_bn1_g[l], vn_bn1_b[l]))
            v = v @ vn_W2[l] + vn_b2[l]
            vn = jax.nn.relu(_bn_eval(v, vn_bn2_g[l], vn_bn2_b[l]))
    # JK='last', global mean pool, prediction head
    counts = jax.ops.segment_sum(jnp.ones((N,), dtype=h.dtype), batch, num_segments=G)
    hg = jax.ops.segment_sum(h, batch, num_segments=G) / jnp.maximum(counts, 1.0)[:, None]
    return hg @ pred_W + pred_b


def reference(x, edge_index, edge_attr, batch, atom_table, bond_tables, eps,
              mlp_W1, mlp_b1, mlp_bn_g, mlp_bn_b, mlp_W2, mlp_b2, bn_g, bn_b,
              vn_table, vn_W1, vn_b1, vn_bn1_g, vn_bn1_b, vn_W2, vn_b2,
              vn_bn2_g, vn_bn2_b, pred_W, pred_b):
    return _forward(
        x, edge_index, edge_attr, batch,
        atom_table, bond_tables, eps,
        mlp_W1, mlp_b1, mlp_bn_g, mlp_bn_b,
        mlp_W2, mlp_b2, bn_g, bn_b,
        vn_table, vn_W1, vn_b1, vn_bn1_g, vn_bn1_b,
        vn_W2, vn_b2, vn_bn2_g, vn_bn2_b,
        pred_W, pred_b)

if __name__ == "__main__":
    import jax
    _d = setup_inputs()
    print(jax.jit(kernel)(*tuple(_d.values())))

</pallas_src>

<mosaic_0001>
#map = affine_map<(d0, d1) -> (0, 0)>
#map1 = affine_map<(d0, d1) -> (0)>
#map2 = affine_map<(d0, d1) -> (0, 0, 0)>
module attributes {stable_mosaic.version = 14 : i64} {
  func.func @_sc_body(%arg0: i32, %arg1: i32, %arg2: memref<160000x128xf32, #tpu.memory_space<hbm>>, %arg3: memref<320000xi32, #tpu.memory_space<hbm>>, %arg4: memref<2048x80xi32, #tpu.memory_space<hbm>>, %arg5: memref<10000x128xf32, #tpu.memory_space<hbm>>, %arg6: memref<2x10000x128xf32, #tpu.memory_space<hbm>>, %arg7: memref<10000xi32, #tpu.memory_space<vmem>>, %arg8: memref<128x80xi32, #tpu.memory_space<vmem>>, %arg9: memref<80x128xf32, #tpu.memory_space<vmem>>, %arg10: memref<80x128xf32, #tpu.memory_space<vmem>>, %arg11: memref<10000x128xf32, #tpu.memory_space<vmem_shared>>, %arg12: memref<!tpu.dma_semaphore, #tpu.memory_space<semaphore_mem>>, %arg13: memref<!tpu.dma_semaphore, #tpu.memory_space<semaphore_mem>>) attributes {dimension_semantics = [#tpu.dimension_semantics<core_parallel>, #tpu.dimension_semantics<subcore_parallel>], iteration_bounds = array<i64: 2, 16>, scalar_prefetch = 0 : i64, scratch_operands = 7 : i64, tpu.core_type = #tpu.core_type<sc_vector_subcore>, window_params = [{transform_indices = #map}, {transform_indices = #map1}, {transform_indices = #map}, {transform_indices = #map}, {transform_indices = #map2}]} {
    %eq3A = arith.constant 0 : i32
    %eq3A_0 = arith.cmpi eq, %arg1, %eq3A : i32
    %convert_element_type3A = arith.extui %eq3A_0 : i1 to i32
    %cond3A = arith.constant 0 : i32
    %cond3A_1 = arith.cmpi ne, %convert_element_type3A, %cond3A : i32
    scf.if %cond3A_1 {
      "tpu.region"() ({
        %run_scoped3A_49 = tpu.sem_alloc : memref<!tpu.dma_semaphore, #tpu.memory_space<semaphore_mem>>
        tpu.enqueue_dma source(%arg5 : memref<10000x128xf32, #tpu.memory_space<hbm>>) target(%arg11 : memref<10000x128xf32, #tpu.memory_space<vmem_shared>>) target_semaphore(%run_scoped3A_49 : memref<!tpu.dma_semaphore, #tpu.memory_space<semaphore_mem>>)
        tpu.wait_dma2 semaphore(%run_scoped3A_49 : memref<!tpu.dma_semaphore, #tpu.memory_space<semaphore_mem>>) src(%arg5 : memref<10000x128xf32, #tpu.memory_space<hbm>>) dst(%arg11 : memref<10000x128xf32, #tpu.memory_space<vmem_shared>>)
        tpu.yield
      }) : () -> ()
    } else {
    }
    %mul3A = arith.constant 160000 : i32
    %mul3A_2 = arith.muli %arg0, %mul3A : i32
    %mul3A_3 = arith.constant 10000 : i32
    %mul3A_4 = arith.muli %arg1, %mul3A_3 : i32
    %add3A = arith.addi %mul3A_2, %mul3A_4 : i32
    "tpu.region"() ({
      %run_scoped3A_49 = tpu.sem_alloc : memref<!tpu.dma_semaphore, #tpu.memory_space<semaphore_mem>>
      %dma_start3A_50 = tpu.memref_slice %arg3[%add3A] : memref<320000xi32, #tpu.memory_space<hbm>> -> memref<10000xi32, #tpu.memory_space<hbm>>
      %dma_start3A_51 = tpu.memref_slice %arg3[%add3A] : memref<320000xi32, #tpu.memory_space<hbm>> -> memref<10000xi32, #tpu.memory_space<hbm>>
      tpu.enqueue_dma source(%dma_start3A_51 : memref<10000xi32, #tpu.memory_space<hbm>>) target(%arg7 : memref<10000xi32, #tpu.memory_space<vmem>>) target_semaphore(%run_scoped3A_49 : memref<!tpu.dma_semaphore, #tpu.memory_space<semaphore_mem>>)
      %dma_wait3A_52 = tpu.memref_slice %arg3[%add3A] : memref<320000xi32, #tpu.memory_space<hbm>> -> memref<10000xi32, #tpu.memory_space<hbm>>
      %dma_wait3A_53 = tpu.memref_slice %arg3[%add3A] : memref<320000xi32, #tpu.memory_space<hbm>> -> memref<10000xi32, #tpu.memory_space<hbm>>
      tpu.wait_dma2 semaphore(%run_scoped3A_49 : memref<!tpu.dma_semaphore, #tpu.memory_space<semaphore_mem>>) src(%dma_wait3A_53 : memref<10000xi32, #tpu.memory_space<hbm>>) dst(%arg7 : memref<10000xi32, #tpu.memory_space<vmem>>)
      tpu.yield
    }) : () -> ()
    %mul3A_5 = arith.constant 128 : i32
    %mul3A_6 = arith.muli %arg1, %mul3A_5 : i32
    "tpu.region"() ({
      %run_scoped3A_49 = tpu.sem_alloc : memref<!tpu.dma_semaphore, #tpu.memory_space<semaphore_mem>>
      %dma_start3A_50 = arith.constant 0 : i32
      %dma_start3A_51 = tpu.memref_slice %arg4[%mul3A_6, %dma_start3A_50] : memref<2048x80xi32, #tpu.memory_space<hbm>> -> memref<128x80xi32, #tpu.memory_space<hbm>>
      %dma_start3A_52 = arith.constant 0 : i32
      %dma_start3A_53 = tpu.memref_slice %arg4[%mul3A_6, %dma_start3A_52] : memref<2048x80xi32, #tpu.memory_space<hbm>> -> memref<128x80xi32, #tpu.memory_space<hbm>>
      tpu.enqueue_dma source(%dma_start3A_53 : memref<128x80xi32, #tpu.memory_space<hbm>>) target(%arg8 : memref<128x80xi32, #tpu.memory_space<vmem>>) target_semaphore(%run_scoped3A_49 : memref<!tpu.dma_semaphore, #tpu.memory_space<semaphore_mem>>)
      %dma_wait3A_54 = arith.constant 0 : i32
      %dma_wait3A_55 = tpu.memref_slice %arg4[%mul3A_6, %dma_wait3A_54] : memref<2048x80xi32, #tpu.memory_space<hbm>> -> memref<128x80xi32, #tpu.memory_space<hbm>>
      %dma_wait3A_56 = arith.constant 0 : i32
      %dma_wait3A_57 = tpu.memref_slice %arg4[%mul3A_6, %dma_wait3A_56] : memref<2048x80xi32, #tpu.memory_space<hbm>> -> memref<128x80xi32, #tpu.memory_space<hbm>>
      tpu.wait_dma2 semaphore(%run_scoped3A_49 : memref<!tpu.dma_semaphore, #tpu.memory_space<semaphore_mem>>) src(%dma_wait3A_57 : memref<128x80xi32, #tpu.memory_space<hbm>>) dst(%arg8 : memref<128x80xi32, #tpu.memory_space<vmem>>)
      tpu.yield
    }) : () -> ()
    %barrier3A = arith.constant 0 : index
    tpu.barrier barrier_id(%barrier3A)
    %multiple_of3A = arith.constant 0 : i32
    %multiple_of3A_7 = tpu.assume_multiple %multiple_of3A, 80 : i32
    %dma_start3A = tpu.memref_slice %arg7[%multiple_of3A_7] : memref<10000xi32, #tpu.memory_space<vmem>> -> memref<80xi32, #tpu.memory_space<vmem>>
    %dma_start3A_8 = arith.constant 0 : i32
    %dma_start3A_9 = arith.constant 0 : i32
    %dma_start3A_10 = tpu.memref_slice %arg2[%dma_start3A_8, %dma_start3A_9] : memref<160000x128xf32, #tpu.memory_space<hbm>> -> memref<160000x128xf32, #tpu.memory_space<hbm>>
    tpu.enqueue_indirect_dma source(%dma_start3A_10 : memref<160000x128xf32, #tpu.memory_space<hbm>>) target(%arg9 : memref<80x128xf32, #tpu.memory_space<vmem>>) offsets(%dma_start3A : memref<80xi32, #tpu.memory_space<vmem>>) semaphore(%arg12 : memref<!tpu.dma_semaphore, #tpu.memory_space<semaphore_mem>>)
    %multiple_of3A_11 = arith.constant 80 : i32
    %multiple_of3A_12 = tpu.assume_multiple %multiple_of3A_11, 80 : i32
    %dma_start3A_13 = tpu.memref_slice %arg7[%multiple_of3A_12] : memref<10000xi32, #tpu.memory_space<vmem>> -> memref<80xi32, #tpu.memory_space<vmem>>
    %dma_start3A_14 = arith.constant 0 : i32
    %dma_start3A_15 = arith.constant 0 : i32
    %dma_start3A_16 = tpu.memref_slice %arg2[%dma_start3A_14, %dma_start3A_15] : memref<160000x128xf32, #tpu.memory_space<hbm>> -> memref<160000x128xf32, #tpu.memory_space<hbm>>
    tpu.enqueue_indirect_dma source(%dma_start3A_16 : memref<160000x128xf32, #tpu.memory_space<hbm>>) target(%arg10 : memref<80x128xf32, #tpu.memory_space<vmem>>) offsets(%dma_start3A_13 : memref<80xi32, #tpu.memory_space<vmem>>) semaphore(%arg13 : memref<!tpu.dma_semaphore, #tpu.memory_space<semaphore_mem>>)
    %scan3A = arith.constant 0 : i32
    %scan3A_17 = arith.constant 0 : i32
    %scan3A_18 = arith.constant 62 : i32
    %scan3A_19 = arith.addi %scan3A_17, %scan3A_18 : i32
    %scan3A_20 = arith.constant 1 : i32
    scf.for %scan3A_49 = %scan3A_17 to %scan3A_19 step %scan3A_20  : i32 {
      %mul3A_50 = arith.constant 2 : i32
      %mul3A_51 = arith.muli %mul3A_50, %scan3A_49 : i32
      %add3A_52 = arith.constant 0 : i32
      %add3A_53 = arith.addi %mul3A_51, %add3A_52 : i32
      %mul3A_54 = arith.constant 80 : i32
      %mul3A_55 = arith.muli %add3A_53, %mul3A_54 : i32
      %multiple_of3A_56 = tpu.assume_multiple %mul3A_55, 80 : i32
      %dma_wait3A_57 = tpu.memref_slice %arg7[%multiple_of3A_56] : memref<10000xi32, #tpu.memory_space<vmem>> -> memref<80xi32, #tpu.memory_space<vmem>>
      %dma_wait3A_58 = arith.constant 0 : i32
      %dma_wait3A_59 = arith.constant 0 : i32
      %dma_wait3A_60 = tpu.memref_slice %arg2[%dma_wait3A_58, %dma_wait3A_59] : memref<160000x128xf32, #tpu.memory_space<hbm>> -> memref<160000x128xf32, #tpu.memory_space<hbm>>
      tpu.wait_indirect_dma semaphore(%arg12 : memref<!tpu.dma_semaphore, #tpu.memory_space<semaphore_mem>>) src(%dma_wait3A_60 : memref<160000x128xf32, #tpu.memory_space<hbm>>) dst(%arg9 : memref<80x128xf32, #tpu.memory_space<vmem>>)
      "tpu.region"() ({
        %run_scoped3A_93 = tpu.sem_alloc : memref<!tpu.dma_semaphore, #tpu.memory_space<semaphore_mem>>
        %dma_start3A_94 = arith.constant 0 : i32
        %dma_start3A_95 = tpu.memref_slice %arg8[%add3A_53, %dma_start3A_94] : memref<128x80xi32, #tpu.memory_space<vmem>> -> memref<1x80xi32, #tpu.memory_space<vmem>>
        %dma_start3A_96 = tpu.memref_squeeze %dma_start3A_95 : memref<1x80xi32, #tpu.memory_space<vmem>> -> memref<80xi32, #tpu.memory_space<vmem>>
        %dma_start3A_97 = arith.constant 0 : i32
        %dma_start3A_98 = arith.constant 0 : i32
        %dma_start3A_99 = tpu.memref_slice %arg11[%dma_start3A_97, %dma_start3A_98] : memref<10000x128xf32, #tpu.memory_space<vmem_shared>> -> memref<10000x128xf32, #tpu.memory_space<vmem_shared>>
        tpu.enqueue_indirect_dma source(%arg9 : memref<80x128xf32, #tpu.memory_space<vmem>>) target(%dma_start3A_99 : memref<10000x128xf32, #tpu.memory_space<vmem_shared>>) offsets(%dma_start3A_96 : memref<80xi32, #tpu.memory_space<vmem>>) semaphore(%run_scoped3A_93 : memref<!tpu.dma_semaphore, #tpu.memory_space<semaphore_mem>>) {add = true}
        %dma_wait3A_100 = arith.constant 0 : i32
        %dma_wait3A_101 = tpu.memref_slice %arg8[%add3A_53, %dma_wait3A_100] : memref<128x80xi32, #tpu.memory_space<vmem>> -> memref<1x80xi32, #tpu.memory_space<vmem>>
        %dma_wait3A_102 = tpu.memref_squeeze %dma_wait3A_101 : memref<1x80xi32, #tpu.memory_space<vmem>> -> memref<80xi32, #tpu.memory_space<vmem>>
        %dma_wait3A_103 = arith.constant 0 : i32
        %dma_wait3A_104 = arith.constant 0 : i32
        %dma_wait3A_105 = tpu.memref_slice %arg11[%dma_wait3A_103, %dma_wait3A_104] : memref<10000x128xf32, #tpu.memory_space<vmem_shared>> -> memref<10000x128xf32, #tpu.memory_space<vmem_shared>>
        tpu.wait_indirect_dma semaphore(%run_scoped3A_93 : memref<!tpu.dma_semaphore, #tpu.memory_space<semaphore_mem>>) src(%arg9 : memref<80x128xf32, #tpu.memory_space<vmem>>) dst(%dma_wait3A_105 : memref<10000x128xf32, #tpu.memory_space<vmem_shared>>)
        tpu.yield
      }) : () -> ()
      %add3A_61 = arith.constant 2 : i32
      %add3A_62 = arith.addi %add3A_53, %add3A_61 : i32
      %min3A = arith.constant 124 : i32
      %min3A_63 = arith.minsi %add3A_62, %min3A : i32
      %mul3A_64 = arith.constant 80 : i32
      %mul3A_65 = arith.muli %min3A_63, %mul3A_64 : i32
      %multiple_of3A_66 = tpu.assume_multiple %mul3A_65, 80 : i32
      %dma_start3A_67 = tpu.memref_slice %arg7[%multiple_of3A_66] : memref<10000xi32, #tpu.memory_space<vmem>> -> memref<80xi32, #tpu.memory_space<vmem>>
      %dma_start3A_68 = arith.constant 0 : i32
      %dma_start3A_69 = arith.constant 0 : i32
      %dma_start3A_70 = tpu.memref_slice %arg2[%dma_start3A_68, %dma_start3A_69] : memref<160000x128xf32, #tpu.memory_space<hbm>> -> memref<160000x128xf32, #tpu.memory_space<hbm>>
      tpu.enqueue_indirect_dma source(%dma_start3A_70 : memref<160000x128xf32, #tpu.memory_space<hbm>>) target(%arg9 : memref<80x128xf32, #tpu.memory_space<vmem>>) offsets(%dma_start3A_67 : memref<80xi32, #tpu.memory_space<vmem>>) semaphore(%arg12 : memref<!tpu.dma_semaphore, #tpu.memory_space<semaphore_mem>>)
      %mul3A_71 = arith.constant 2 : i32
      %mul3A_72 = arith.muli %mul3A_71, %scan3A_49 : i32
      %add3A_73 = arith.constant 1 : i32
      %add3A_74 = arith.addi %mul3A_72, %add3A_73 : i32
      %mul3A_75 = arith.constant 80 : i32
      %mul3A_76 = arith.muli %add3A_74, %mul3A_75 : i32
      %multiple_of3A_77 = tpu.assume_multiple %mul3A_76, 80 : i32
      %dma_wait3A_78 = tpu.memref_slice %arg7[%multiple_of3A_77] : memref<10000xi32, #tpu.memory_space<vmem>> -> memref<80xi32, #tpu.memory_space<vmem>>
      %dma_wait3A_79 = arith.constant 0 : i32
      %dma_wait3A_80 = arith.constant 0 : i32
      %dma_wait3A_81 = tpu.memref_slice %arg2[%dma_wait3A_79, %dma_wait3A_80] : memref<160000x128xf32, #tpu.memory_space<hbm>> -> memref<160000x128xf32, #tpu.memory_space<hbm>>
      tpu.wait_indirect_dma semaphore(%arg13 : memref<!tpu.dma_semaphore, #tpu.memory_space<semaphore_mem>>) src(%dma_wait3A_81 : memref<160000x128xf32, #tpu.memory_space<hbm>>) dst(%arg10 : memref<80x128xf32, #tpu.memory_space<vmem>>)
      "tpu.region"() ({
        %run_scoped3A_93 = tpu.sem_alloc : memref<!tpu.dma_semaphore, #tpu.memory_space<semaphore_mem>>
        %dma_start3A_94 = arith.constant 0 : i32
        %dma_start3A_95 = tpu.memref_slice %arg8[%add3A_74, %dma_start3A_94] : memref<128x80xi32, #tpu.memory_space<vmem>> -> memref<1x80xi32, #tpu.memory_space<vmem>>
        %dma_start3A_96 = tpu.memref_squeeze %dma_start3A_95 : memref<1x80xi32, #tpu.memory_space<vmem>> -> memref<80xi32, #tpu.memory_space<vmem>>
        %dma_start3A_97 = arith.constant 0 : i32
        %dma_start3A_98 = arith.constant 0 : i32
        %dma_start3A_99 = tpu.memref_slice %arg11[%dma_start3A_97, %dma_start3A_98] : memref<10000x128xf32, #tpu.memory_space<vmem_shared>> -> memref<10000x128xf32, #tpu.memory_space<vmem_shared>>
        tpu.enqueue_indirect_dma source(%arg10 : memref<80x128xf32, #tpu.memory_space<vmem>>) target(%dma_start3A_99 : memref<10000x128xf32, #tpu.memory_space<vmem_shared>>) offsets(%dma_start3A_96 : memref<80xi32, #tpu.memory_space<vmem>>) semaphore(%run_scoped3A_93 : memref<!tpu.dma_semaphore, #tpu.memory_space<semaphore_mem>>) {add = true}
        %dma_wait3A_100 = arith.constant 0 : i32
        %dma_wait3A_101 = tpu.memref_slice %arg8[%add3A_74, %dma_wait3A_100] : memref<128x80xi32, #tpu.memory_space<vmem>> -> memref<1x80xi32, #tpu.memory_space<vmem>>
        %dma_wait3A_102 = tpu.memref_squeeze %dma_wait3A_101 : memref<1x80xi32, #tpu.memory_space<vmem>> -> memref<80xi32, #tpu.memory_space<vmem>>
        %dma_wait3A_103 = arith.constant 0 : i32
        %dma_wait3A_104 = arith.constant 0 : i32
        %dma_wait3A_105 = tpu.memref_slice %arg11[%dma_wait3A_103, %dma_wait3A_104] : memref<10000x128xf32, #tpu.memory_space<vmem_shared>> -> memref<10000x128xf32, #tpu.memory_space<vmem_shared>>
        tpu.wait_indirect_dma semaphore(%run_scoped3A_93 : memref<!tpu.dma_semaphore, #tpu.memory_space<semaphore_mem>>) src(%arg10 : memref<80x128xf32, #tpu.memory_space<vmem>>) dst(%dma_wait3A_105 : memref<10000x128xf32, #tpu.memory_space<vmem_shared>>)
        tpu.yield
      }) : () -> ()
      %add3A_82 = arith.constant 2 : i32
      %add3A_83 = arith.addi %add3A_74, %add3A_82 : i32
      %min3A_84 = arith.constant 124 : i32
      %min3A_85 = arith.minsi %add3A_83, %min3A_84 : i32
      %mul3A_86 = arith.constant 80 : i32
      %mul3A_87 = arith.muli %min3A_85, %mul3A_86 : i32
      %multiple_of3A_88 = tpu.assume_multiple %mul3A_87, 80 : i32
      %dma_start3A_89 = tpu.memref_slice %arg7[%multiple_of3A_88] : memref<10000xi32, #tpu.memory_space<vmem>> -> memref<80xi32, #tpu.memory_space<vmem>>
      %dma_start3A_90 = arith.constant 0 : i32
      %dma_start3A_91 = arith.constant 0 : i32
      %dma_start3A_92 = tpu.memref_slice %arg2[%dma_start3A_90, %dma_start3A_91] : memref<160000x128xf32, #tpu.memory_space<hbm>> -> memref<160000x128xf32, #tpu.memory_space<hbm>>
      tpu.enqueue_indirect_dma source(%dma_start3A_92 : memref<160000x128xf32, #tpu.memory_space<hbm>>) target(%arg10 : memref<80x128xf32, #tpu.memory_space<vmem>>) offsets(%dma_start3A_89 : memref<80xi32, #tpu.memory_space<vmem>>) semaphore(%arg13 : memref<!tpu.dma_semaphore, #tpu.memory_space<semaphore_mem>>)
    }
    %scan3A_21 = arith.constant 62 : i32
    %multiple_of3A_22 = arith.constant 9920 : i32
    %multiple_of3A_23 = tpu.assume_multiple %multiple_of3A_22, 80 : i32
    %dma_wait3A = tpu.memref_slice %arg7[%multiple_of3A_23] : memref<10000xi32, #tpu.memory_space<vmem>> -> memref<80xi32, #tpu.memory_space<vmem>>
    %dma_wait3A_24 = arith.constant 0 : i32
    %dma_wait3A_25 = arith.constant 0 : i32
    %dma_wait3A_26 = tpu.memref_slice %arg2[%dma_wait3A_24, %dma_wait3A_25] : memref<160000x128xf32, #tpu.memory_space<hbm>> -> memref<160000x128xf32, #tpu.memory_space<hbm>>
    tpu.wait_indirect_dma semaphore(%arg12 : memref<!tpu.dma_semaphore, #tpu.memory_space<semaphore_mem>>) src(%dma_wait3A_26 : memref<160000x128xf32, #tpu.memory_space<hbm>>) dst(%arg9 : memref<80x128xf32, #tpu.memory_space<vmem>>)
    %run_scoped3A = arith.constant 124 : i32
    "tpu.region"() ({
      %run_scoped3A_49 = tpu.sem_alloc : memref<!tpu.dma_semaphore, #tpu.memory_space<semaphore_mem>>
      %dma_start3A_50 = arith.constant 0 : i32
      %dma_start3A_51 = tpu.memref_slice %arg8[%run_scoped3A, %dma_start3A_50] : memref<128x80xi32, #tpu.memory_space<vmem>> -> memref<1x80xi32, #tpu.memory_space<vmem>>
      %dma_start3A_52 = tpu.memref_squeeze %dma_start3A_51 : memref<1x80xi32, #tpu.memory_space<vmem>> -> memref<80xi32, #tpu.memory_space<vmem>>
      %dma_start3A_53 = arith.constant 0 : i32
      %dma_start3A_54 = arith.constant 0 : i32
      %dma_start3A_55 = tpu.memref_slice %arg11[%dma_start3A_53, %dma_start3A_54] : memref<10000x128xf32, #tpu.memory_space<vmem_shared>> -> memref<10000x128xf32, #tpu.memory_space<vmem_shared>>
      tpu.enqueue_indirect_dma source(%arg9 : memref<80x128xf32, #tpu.memory_space<vmem>>) target(%dma_start3A_55 : memref<10000x128xf32, #tpu.memory_space<vmem_shared>>) offsets(%dma_start3A_52 : memref<80xi32, #tpu.memory_space<vmem>>) semaphore(%run_scoped3A_49 : memref<!tpu.dma_semaphore, #tpu.memory_space<semaphore_mem>>) {add = true}
      %dma_wait3A_56 = arith.constant 0 : i32
      %dma_wait3A_57 = tpu.memref_slice %arg8[%run_scoped3A, %dma_wait3A_56] : memref<128x80xi32, #tpu.memory_space<vmem>> -> memref<1x80xi32, #tpu.memory_space<vmem>>
      %dma_wait3A_58 = tpu.memref_squeeze %dma_wait3A_57 : memref<1x80xi32, #tpu.memory_space<vmem>> -> memref<80xi32, #tpu.memory_space<vmem>>
      %dma_wait3A_59 = arith.constant 0 : i32
      %dma_wait3A_60 = arith.constant 0 : i32
      %dma_wait3A_61 = tpu.memref_slice %arg11[%dma_wait3A_59, %dma_wait3A_60] : memref<10000x128xf32, #tpu.memory_space<vmem_shared>> -> memref<10000x128xf32, #tpu.memory_space<vmem_shared>>
      tpu.wait_indirect_dma semaphore(%run_scoped3A_49 : memref<!tpu.dma_semaphore, #tpu.memory_space<semaphore_mem>>) src(%arg9 : memref<80x128xf32, #tpu.memory_space<vmem>>) dst(%dma_wait3A_61 : memref<10000x128xf32, #tpu.memory_space<vmem_shared>>)
      tpu.yield
    }) : () -> ()
    %multiple_of3A_27 = arith.constant 9920 : i32
    %multiple_of3A_28 = tpu.assume_multiple %multiple_of3A_27, 80 : i32
    %dma_wait3A_29 = tpu.memref_slice %arg7[%multiple_of3A_28] : memref<10000xi32, #tpu.memory_space<vmem>> -> memref<80xi32, #tpu.memory_space<vmem>>
    %dma_wait3A_30 = arith.constant 0 : i32
    %dma_wait3A_31 = arith.constant 0 : i32
    %dma_wait3A_32 = tpu.memref_slice %arg2[%dma_wait3A_30, %dma_wait3A_31] : memref<160000x128xf32, #tpu.memory_space<hbm>> -> memref<160000x128xf32, #tpu.memory_space<hbm>>
    tpu.wait_indirect_dma semaphore(%arg13 : memref<!tpu.dma_semaphore, #tpu.memory_space<semaphore_mem>>) src(%dma_wait3A_32 : memref<160000x128xf32, #tpu.memory_space<hbm>>) dst(%arg10 : memref<80x128xf32, #tpu.memory_space<vmem>>)
    %barrier3A_33 = arith.constant 0 : index
    tpu.barrier barrier_id(%barrier3A_33)
    %eq3A_34 = arith.constant 0 : i32
    %eq3A_35 = arith.cmpi eq, %arg1, %eq3A_34 : i32
    %eq3A_36 = arith.constant 0 : i32
    %eq3A_37 = arith.cmpi eq, %arg0, %eq3A_36 : i32
    %and3A = arith.andi %eq3A_35, %eq3A_37 : i1
    %convert_element_type3A_38 = arith.extui %and3A : i1 to i32
    %cond3A_39 = arith.constant 0 : i32
    %cond3A_40 = arith.cmpi ne, %convert_element_type3A_38, %cond3A_39 : i32
    scf.if %cond3A_40 {
      %run_scoped3A_49 = arith.constant 0 : i32
      "tpu.region"() ({
        %run_scoped3A_50 = tpu.sem_alloc : memref<!tpu.dma_semaphore, #tpu.memory_space<semaphore_mem>>
        %dma_start3A_51 = arith.constant 0 : i32
        %dma_start3A_52 = arith.constant 0 : i32
        %dma_start3A_53 = tpu.memref_slice %arg6[%run_scoped3A_49, %dma_start3A_51, %dma_start3A_52] : memref<2x10000x128xf32, #tpu.memory_space<hbm>> -> memref<1x10000x128xf32, #tpu.memory_space<hbm>>
        %dma_start3A_54 = tpu.memref_squeeze %dma_start3A_53 : memref<1x10000x128xf32, #tpu.memory_space<hbm>> -> memref<10000x128xf32, #tpu.memory_space<hbm>>
        tpu.enqueue_dma source(%arg11 : memref<10000x128xf32, #tpu.memory_space<vmem_shared>>) target(%dma_start3A_54 : memref<10000x128xf32, #tpu.memory_space<hbm>>) target_semaphore(%run_scoped3A_50 : memref<!tpu.dma_semaphore, #tpu.memory_space<semaphore_mem>>)
        %dma_wait3A_55 = arith.constant 0 : i32
        %dma_wait3A_56 = arith.constant 0 : i32
        %dma_wait3A_57 = tpu.memref_slice %arg6[%run_scoped3A_49, %dma_wait3A_55, %dma_wait3A_56] : memref<2x10000x128xf32, #tpu.memory_space<hbm>> -> memref<1x10000x128xf32, #tpu.memory_space<hbm>>
        %dma_wait3A_58 = tpu.memref_squeeze %dma_wait3A_57 : memref<1x10000x128xf32, #tpu.memory_space<hbm>> -> memref<10000x128xf32, #tpu.memory_space<hbm>>
        tpu.wait_dma2 semaphore(%run_scoped3A_50 : memref<!tpu.dma_semaphore, #tpu.memory_space<semaphore_mem>>) src(%arg11 : memref<10000x128xf32, #tpu.memory_space<vmem_shared>>) dst(%dma_wait3A_58 : memref<10000x128xf32, #tpu.memory_space<hbm>>)
        tpu.yield
      }) : () -> ()
    } else {
    }
    %eq3A_41 = arith.constant 0 : i32
    %eq3A_42 = arith.cmpi eq, %arg1, %eq3A_41 : i32
    %eq3A_43 = arith.constant 1 : i32
    %eq3A_44 = arith.cmpi eq, %arg0, %eq3A_43 : i32
    %and3A_45 = arith.andi %eq3A_42, %eq3A_44 : i1
    %convert_element_type3A_46 = arith.extui %and3A_45 : i1 to i32
    %cond3A_47 = arith.constant 0 : i32
    %cond3A_48 = arith.cmpi ne, %convert_element_type3A_46, %cond3A_47 : i32
    scf.if %cond3A_48 {
      %run_scoped3A_49 = arith.constant 1 : i32
      "tpu.region"() ({
        %run_scoped3A_50 = tpu.sem_alloc : memref<!tpu.dma_semaphore, #tpu.memory_space<semaphore_mem>>
        %dma_start3A_51 = arith.constant 0 : i32
        %dma_start3A_52 = arith.constant 0 : i32
        %dma_start3A_53 = tpu.memref_slice %arg6[%run_scoped3A_49, %dma_start3A_51, %dma_start3A_52] : memref<2x10000x128xf32, #tpu.memory_space<hbm>> -> memref<1x10000x128xf32, #tpu.memory_space<hbm>>
        %dma_start3A_54 = tpu.memref_squeeze %dma_start3A_53 : memref<1x10000x128xf32, #tpu.memory_space<hbm>> -> memref<10000x128xf32, #tpu.memory_space<hbm>>
        tpu.enqueue_dma source(%arg11 : memref<10000x128xf32, #tpu.memory_space<vmem_shared>>) target(%dma_start3A_54 : memref<10000x128xf32, #tpu.memory_space<hbm>>) target_semaphore(%run_scoped3A_50 : memref<!tpu.dma_semaphore, #tpu.memory_space<semaphore_mem>>)
        %dma_wait3A_55 = arith.constant 0 : i32
        %dma_wait3A_56 = arith.constant 0 : i32
        %dma_wait3A_57 = tpu.memref_slice %arg6[%run_scoped3A_49, %dma_wait3A_55, %dma_wait3A_56] : memref<2x10000x128xf32, #tpu.memory_space<hbm>> -> memref<1x10000x128xf32, #tpu.memory_space<hbm>>
        %dma_wait3A_58 = tpu.memref_squeeze %dma_wait3A_57 : memref<1x10000x128xf32, #tpu.memory_space<hbm>> -> memref<10000x128xf32, #tpu.memory_space<hbm>>
        tpu.wait_dma2 semaphore(%run_scoped3A_50 : memref<!tpu.dma_semaphore, #tpu.memory_space<semaphore_mem>>) src(%arg11 : memref<10000x128xf32, #tpu.memory_space<vmem_shared>>) dst(%dma_wait3A_58 : memref<10000x128xf32, #tpu.memory_space<hbm>>)
        tpu.yield
      }) : () -> ()
    } else {
    }
    return
  }
}

#map = affine_map<(d0, d1) -> (0, 0)>
#map1 = affine_map<(d0, d1) -> (0)>
#map2 = affine_map<(d0, d1) -> (0, 0, 0)>
module attributes {stable_mosaic.version = 14 : i64} {
  func.func @_sc_body(%arg0: i32, %arg1: i32, %arg2: memref<160000x128xf32, #tpu.memory_space<hbm>>, %arg3: memref<320000xi32, #tpu.memory_space<hbm>>, %arg4: memref<2048x80xi32, #tpu.memory_space<hbm>>, %arg5: memref<10000x128xf32, #tpu.memory_space<hbm>>, %arg6: memref<2x10000x128xf32, #tpu.memory_space<hbm>>, %arg7: memref<10000xi32, #tpu.memory_space<vmem>>, %arg8: memref<128x80xi32, #tpu.memory_space<vmem>>, %arg9: memref<80x128xf32, #tpu.memory_space<vmem>>, %arg10: memref<80x128xf32, #tpu.memory_space<vmem>>, %arg11: memref<10000x128xf32, #tpu.memory_space<vmem_shared>>, %arg12: memref<!tpu.dma_semaphore, #tpu.memory_space<semaphore_mem>>, %arg13: memref<!tpu.dma_semaphore, #tpu.memory_space<semaphore_mem>>) attributes {dimension_semantics = [#tpu.dimension_semantics<core_parallel>, #tpu.dimension_semantics<subcore_parallel>], iteration_bounds = array<i64: 2, 16>, scalar_prefetch = 0 : i64, scratch_operands = 7 : i64, tpu.core_type = #tpu.core_type<sc_vector_subcore>, window_params = [{transform_indices = #map}, {transform_indices = #map1}, {transform_indices = #map}, {transform_indices = #map}, {transform_indices = #map2}]} {
    %eq3A = arith.constant 0 : i32
    %eq3A_0 = arith.cmpi eq, %arg1, %eq3A : i32
    %convert_element_type3A = arith.extui %eq3A_0 : i1 to i32
    %cond3A = arith.constant 0 : i32
    %cond3A_1 = arith.cmpi ne, %convert_element_type3A, %cond3A : i32
    scf.if %cond3A_1 {
      "tpu.region"() ({
        %run_scoped3A_49 = tpu.sem_alloc : memref<!tpu.dma_semaphore, #tpu.memory_space<semaphore_mem>>
        tpu.enqueue_dma source(%arg5 : memref<10000x128xf32, #tpu.memory_space<hbm>>) target(%arg11 : memref<10000x128xf32, #tpu.memory_space<vmem_shared>>) target_semaphore(%run_scoped3A_49 : memref<!tpu.dma_semaphore, #tpu.memory_space<semaphore_mem>>)
        tpu.wait_dma2 semaphore(%run_scoped3A_49 : memref<!tpu.dma_semaphore, #tpu.memory_space<semaphore_mem>>) src(%arg5 : memref<10000x128xf32, #tpu.memory_space<hbm>>) dst(%arg11 : memref<10000x128xf32, #tpu.memory_space<vmem_shared>>)
        tpu.yield
      }) : () -> ()
    } else {
    }
    %mul3A = arith.constant 160000 : i32
    %mul3A_2 = arith.muli %arg0, %mul3A : i32
    %mul3A_3 = arith.constant 10000 : i32
    %mul3A_4 = arith.muli %arg1, %mul3A_3 : i32
    %add3A = arith.addi %mul3A_2, %mul3A_4 : i32
    "tpu.region"() ({
      %run_scoped3A_49 = tpu.sem_alloc : memref<!tpu.dma_semaphore, #tpu.memory_space<semaphore_mem>>
      %dma_start3A_50 = tpu.memref_slice %arg3[%add3A] : memref<320000xi32, #tpu.memory_space<hbm>> -> memref<10000xi32, #tpu.memory_space<hbm>>
      %dma_start3A_51 = tpu.memref_slice %arg3[%add3A] : memref<320000xi32, #tpu.memory_space<hbm>> -> memref<10000xi32, #tpu.memory_space<hbm>>
      tpu.enqueue_dma source(%dma_start3A_51 : memref<10000xi32, #tpu.memory_space<hbm>>) target(%arg7 : memref<10000xi32, #tpu.memory_space<vmem>>) target_semaphore(%run_scoped3A_49 : memref<!tpu.dma_semaphore, #tpu.memory_space<semaphore_mem>>)
      %dma_wait3A_52 = tpu.memref_slice %arg3[%add3A] : memref<320000xi32, #tpu.memory_space<hbm>> -> memref<10000xi32, #tpu.memory_space<hbm>>
      %dma_wait3A_53 = tpu.memref_slice %arg3[%add3A] : memref<320000xi32, #tpu.memory_space<hbm>> -> memref<10000xi32, #tpu.memory_space<hbm>>
      tpu.wait_dma2 semaphore(%run_scoped3A_49 : memref<!tpu.dma_semaphore, #tpu.memory_space<semaphore_mem>>) src(%dma_wait3A_53 : memref<10000xi32, #tpu.memory_space<hbm>>) dst(%arg7 : memref<10000xi32, #tpu.memory_space<vmem>>)
      tpu.yield
    }) : () -> ()
    %mul3A_5 = arith.constant 128 : i32
    %mul3A_6 = arith.muli %arg1, %mul3A_5 : i32
    "tpu.region"() ({
      %run_scoped3A_49 = tpu.sem_alloc : memref<!tpu.dma_semaphore, #tpu.memory_space<semaphore_mem>>
      %dma_start3A_50 = arith.constant 0 : i32
      %dma_start3A_51 = tpu.memref_slice %arg4[%mul3A_6, %dma_start3A_50] : memref<2048x80xi32, #tpu.memory_space<hbm>> -> memref<128x80xi32, #tpu.memory_space<hbm>>
      %dma_start3A_52 = arith.constant 0 : i32
      %dma_start3A_53 = tpu.memref_slice %arg4[%mul3A_6, %dma_start3A_52] : memref<2048x80xi32, #tpu.memory_space<hbm>> -> memref<128x80xi32, #tpu.memory_space<hbm>>
      tpu.enqueue_dma source(%dma_start3A_53 : memref<128x80xi32, #tpu.memory_space<hbm>>) target(%arg8 : memref<128x80xi32, #tpu.memory_space<vmem>>) target_semaphore(%run_scoped3A_49 : memref<!tpu.dma_semaphore, #tpu.memory_space<semaphore_mem>>)
      %dma_wait3A_54 = arith.constant 0 : i32
      %dma_wait3A_55 = tpu.memref_slice %arg4[%mul3A_6, %dma_wait3A_54] : memref<2048x80xi32, #tpu.memory_space<hbm>> -> memref<128x80xi32, #tpu.memory_space<hbm>>
      %dma_wait3A_56 = arith.constant 0 : i32
      %dma_wait3A_57 = tpu.memref_slice %arg4[%mul3A_6, %dma_wait3A_56] : memref<2048x80xi32, #tpu.memory_space<hbm>> -> memref<128x80xi32, #tpu.memory_space<hbm>>
      tpu.wait_dma2 semaphore(%run_scoped3A_49 : memref<!tpu.dma_semaphore, #tpu.memory_space<semaphore_mem>>) src(%dma_wait3A_57 : memref<128x80xi32, #tpu.memory_space<hbm>>) dst(%arg8 : memref<128x80xi32, #tpu.memory_space<vmem>>)
      tpu.yield
    }) : () -> ()
    %barrier3A = arith.constant 0 : index
    tpu.barrier barrier_id(%barrier3A)
    %multiple_of3A = arith.constant 0 : i32
    %multiple_of3A_7 = tpu.assume_multiple %multiple_of3A, 80 : i32
    %dma_start3A = tpu.memref_slice %arg7[%multiple_of3A_7] : memref<10000xi32, #tpu.memory_space<vmem>> -> memref<80xi32, #tpu.memory_space<vmem>>
    %dma_start3A_8 = arith.constant 0 : i32
    %dma_start3A_9 = arith.constant 0 : i32
    %dma_start3A_10 = tpu.memref_slice %arg2[%dma_start3A_8, %dma_start3A_9] : memref<160000x128xf32, #tpu.memory_space<hbm>> -> memref<160000x128xf32, #tpu.memory_space<hbm>>
    tpu.enqueue_indirect_dma source(%dma_start3A_10 : memref<160000x128xf32, #tpu.memory_space<hbm>>) target(%arg9 : memref<80x128xf32, #tpu.memory_space<vmem>>) offsets(%dma_start3A : memref<80xi32, #tpu.memory_space<vmem>>) semaphore(%arg12 : memref<!tpu.dma_semaphore, #tpu.memory_space<semaphore_mem>>)
    %multiple_of3A_11 = arith.constant 80 : i32
    %multiple_of3A_12 = tpu.assume_multiple %multiple_of3A_11, 80 : i32
    %dma_start3A_13 = tpu.memref_slice %arg7[%multiple_of3A_12] : memref<10000xi32, #tpu.memory_space<vmem>> -> memref<80xi32, #tpu.memory_space<vmem>>
    %dma_start3A_14 = arith.constant 0 : i32
    %dma_start3A_15 = arith.constant 0 : i32
    %dma_start3A_16 = tpu.memref_slice %arg2[%dma_start3A_14, %dma_start3A_15] : memref<160000x128xf32, #tpu.memory_space<hbm>> -> memref<160000x128xf32, #tpu.memory_space<hbm>>
    tpu.enqueue_indirect_dma source(%dma_start3A_16 : memref<160000x128xf32, #tpu.memory_space<hbm>>) target(%arg10 : memref<80x128xf32, #tpu.memory_space<vmem>>) offsets(%dma_start3A_13 : memref<80xi32, #tpu.memory_space<vmem>>) semaphore(%arg13 : memref<!tpu.dma_semaphore, #tpu.memory_space<semaphore_mem>>)
    %scan3A = arith.constant 0 : i32
    %scan3A_17 = arith.constant 0 : i32
    %scan3A_18 = arith.constant 62 : i32
    %scan3A_19 = arith.addi %scan3A_17, %scan3A_18 : i32
    %scan3A_20 = arith.constant 1 : i32
    scf.for %scan3A_49 = %scan3A_17 to %scan3A_19 step %scan3A_20  : i32 {
      %mul3A_50 = arith.constant 2 : i32
      %mul3A_51 = arith.muli %mul3A_50, %scan3A_49 : i32
      %add3A_52 = arith.constant 0 : i32
      %add3A_53 = arith.addi %mul3A_51, %add3A_52 : i32
      %mul3A_54 = arith.constant 80 : i32
      %mul3A_55 = arith.muli %add3A_53, %mul3A_54 : i32
      %multiple_of3A_56 = tpu.assume_multiple %mul3A_55, 80 : i32
      %dma_wait3A_57 = tpu.memref_slice %arg7[%multiple_of3A_56] : memref<10000xi32, #tpu.memory_space<vmem>> -> memref<80xi32, #tpu.memory_space<vmem>>
      %dma_wait3A_58 = arith.constant 0 : i32
      %dma_wait3A_59 = arith.constant 0 : i32
      %dma_wait3A_60 = tpu.memref_slice %arg2[%dma_wait3A_58, %dma_wait3A_59] : memref<160000x128xf32, #tpu.memory_space<hbm>> -> memref<160000x128xf32, #tpu.memory_space<hbm>>
      tpu.wait_indirect_dma semaphore(%arg12 : memref<!tpu.dma_semaphore, #tpu.memory_space<semaphore_mem>>) src(%dma_wait3A_60 : memref<160000x128xf32, #tpu.memory_space<hbm>>) dst(%arg9 : memref<80x128xf32, #tpu.memory_space<vmem>>)
      "tpu.region"() ({
        %run_scoped3A_93 = tpu.sem_alloc : memref<!tpu.dma_semaphore, #tpu.memory_space<semaphore_mem>>
        %dma_start3A_94 = arith.constant 0 : i32
        %dma_start3A_95 = tpu.memref_slice %arg8[%add3A_53, %dma_start3A_94] : memref<128x80xi32, #tpu.memory_space<vmem>> -> memref<1x80xi32, #tpu.memory_space<vmem>>
        %dma_start3A_96 = tpu.memref_squeeze %dma_start3A_95 : memref<1x80xi32, #tpu.memory_space<vmem>> -> memref<80xi32, #tpu.memory_space<vmem>>
        %dma_start3A_97 = arith.constant 0 : i32
        %dma_start3A_98 = arith.constant 0 : i32
        %dma_start3A_99 = tpu.memref_slice %arg11[%dma_start3A_97, %dma_start3A_98] : memref<10000x128xf32, #tpu.memory_space<vmem_shared>> -> memref<10000x128xf32, #tpu.memory_space<vmem_shared>>
        tpu.enqueue_indirect_dma source(%arg9 : memref<80x128xf32, #tpu.memory_space<vmem>>) target(%dma_start3A_99 : memref<10000x128xf32, #tpu.memory_space<vmem_shared>>) offsets(%dma_start3A_96 : memref<80xi32, #tpu.memory_space<vmem>>) semaphore(%run_scoped3A_93 : memref<!tpu.dma_semaphore, #tpu.memory_space<semaphore_mem>>) {add = true}
        %dma_wait3A_100 = arith.constant 0 : i32
        %dma_wait3A_101 = tpu.memref_slice %arg8[%add3A_53, %dma_wait3A_100] : memref<128x80xi32, #tpu.memory_space<vmem>> -> memref<1x80xi32, #tpu.memory_space<vmem>>
        %dma_wait3A_102 = tpu.memref_squeeze %dma_wait3A_101 : memref<1x80xi32, #tpu.memory_space<vmem>> -> memref<80xi32, #tpu.memory_space<vmem>>
        %dma_wait3A_103 = arith.constant 0 : i32
        %dma_wait3A_104 = arith.constant 0 : i32
        %dma_wait3A_105 = tpu.memref_slice %arg11[%dma_wait3A_103, %dma_wait3A_104] : memref<10000x128xf32, #tpu.memory_space<vmem_shared>> -> memref<10000x128xf32, #tpu.memory_space<vmem_shared>>
        tpu.wait_indirect_dma semaphore(%run_scoped3A_93 : memref<!tpu.dma_semaphore, #tpu.memory_space<semaphore_mem>>) src(%arg9 : memref<80x128xf32, #tpu.memory_space<vmem>>) dst(%dma_wait3A_105 : memref<10000x128xf32, #tpu.memory_space<vmem_shared>>)
        tpu.yield
      }) : () -> ()
      %add3A_61 = arith.constant 2 : i32
      %add3A_62 = arith.addi %add3A_53, %add3A_61 : i32
      %min3A = arith.constant 124 : i32
      %min3A_63 = arith.minsi %add3A_62, %min3A : i32
      %mul3A_64 = arith.constant 80 : i32
      %mul3A_65 = arith.muli %min3A_63, %mul3A_64 : i32
      %multiple_of3A_66 = tpu.assume_multiple %mul3A_65, 80 : i32
      %dma_start3A_67 = tpu.memref_slice %arg7[%multiple_of3A_66] : memref<10000xi32, #tpu.memory_space<vmem>> -> memref<80xi32, #tpu.memory_space<vmem>>
      %dma_start3A_68 = arith.constant 0 : i32
      %dma_start3A_69 = arith.constant 0 : i32
      %dma_start3A_70 = tpu.memref_slice %arg2[%dma_start3A_68, %dma_start3A_69] : memref<160000x128xf32, #tpu.memory_space<hbm>> -> memref<160000x128xf32, #tpu.memory_space<hbm>>
      tpu.enqueue_indirect_dma source(%dma_start3A_70 : memref<160000x128xf32, #tpu.memory_space<hbm>>) target(%arg9 : memref<80x128xf32, #tpu.memory_space<vmem>>) offsets(%dma_start3A_67 : memref<80xi32, #tpu.memory_space<vmem>>) semaphore(%arg12 : memref<!tpu.dma_semaphore, #tpu.memory_space<semaphore_mem>>)
      %mul3A_71 = arith.constant 2 : i32
      %mul3A_72 = arith.muli %mul3A_71, %scan3A_49 : i32
      %add3A_73 = arith.constant 1 : i32
      %add3A_74 = arith.addi %mul3A_72, %add3A_73 : i32
      %mul3A_75 = arith.constant 80 : i32
      %mul3A_76 = arith.muli %add3A_74, %mul3A_75 : i32
      %multiple_of3A_77 = tpu.assume_multiple %mul3A_76, 80 : i32
      %dma_wait3A_78 = tpu.memref_slice %arg7[%multiple_of3A_77] : memref<10000xi32, #tpu.memory_space<vmem>> -> memref<80xi32, #tpu.memory_space<vmem>>
      %dma_wait3A_79 = arith.constant 0 : i32
      %dma_wait3A_80 = arith.constant 0 : i32
      %dma_wait3A_81 = tpu.memref_slice %arg2[%dma_wait3A_79, %dma_wait3A_80] : memref<160000x128xf32, #tpu.memory_space<hbm>> -> memref<160000x128xf32, #tpu.memory_space<hbm>>
      tpu.wait_indirect_dma semaphore(%arg13 : memref<!tpu.dma_semaphore, #tpu.memory_space<semaphore_mem>>) src(%dma_wait3A_81 : memref<160000x128xf32, #tpu.memory_space<hbm>>) dst(%arg10 : memref<80x128xf32, #tpu.memory_space<vmem>>)
      "tpu.region"() ({
        %run_scoped3A_93 = tpu.sem_alloc : memref<!tpu.dma_semaphore, #tpu.memory_space<semaphore_mem>>
        %dma_start3A_94 = arith.constant 0 : i32
        %dma_start3A_95 = tpu.memref_slice %arg8[%add3A_74, %dma_start3A_94] : memref<128x80xi32, #tpu.memory_space<vmem>> -> memref<1x80xi32, #tpu.memory_space<vmem>>
        %dma_start3A_96 = tpu.memref_squeeze %dma_start3A_95 : memref<1x80xi32, #tpu.memory_space<vmem>> -> memref<80xi32, #tpu.memory_space<vmem>>
        %dma_start3A_97 = arith.constant 0 : i32
        %dma_start3A_98 = arith.constant 0 : i32
        %dma_start3A_99 = tpu.memref_slice %arg11[%dma_start3A_97, %dma_start3A_98] : memref<10000x128xf32, #tpu.memory_space<vmem_shared>> -> memref<10000x128xf32, #tpu.memory_space<vmem_shared>>
        tpu.enqueue_indirect_dma source(%arg10 : memref<80x128xf32, #tpu.memory_space<vmem>>) target(%dma_start3A_99 : memref<10000x128xf32, #tpu.memory_space<vmem_shared>>) offsets(%dma_start3A_96 : memref<80xi32, #tpu.memory_space<vmem>>) semaphore(%run_scoped3A_93 : memref<!tpu.dma_semaphore, #tpu.memory_space<semaphore_mem>>) {add = true}
        %dma_wait3A_100 = arith.constant 0 : i32
        %dma_wait3A_101 = tpu.memref_slice %arg8[%add3A_74, %dma_wait3A_100] : memref<128x80xi32, #tpu.memory_space<vmem>> -> memref<1x80xi32, #tpu.memory_space<vmem>>
        %dma_wait3A_102 = tpu.memref_squeeze %dma_wait3A_101 : memref<1x80xi32, #tpu.memory_space<vmem>> -> memref<80xi32, #tpu.memory_space<vmem>>
        %dma_wait3A_103 = arith.constant 0 : i32
        %dma_wait3A_104 = arith.constant 0 : i32
        %dma_wait3A_105 = tpu.memref_slice %arg11[%dma_wait3A_103, %dma_wait3A_104] : memref<10000x128xf32, #tpu.memory_space<vmem_shared>> -> memref<10000x128xf32, #tpu.memory_space<vmem_shared>>
        tpu.wait_indirect_dma semaphore(%run_scoped3A_93 : memref<!tpu.dma_semaphore, #tpu.memory_space<semaphore_mem>>) src(%arg10 : memref<80x128xf32, #tpu.memory_space<vmem>>) dst(%dma_wait3A_105 : memref<10000x128xf32, #tpu.memory_space<vmem_shared>>)
        tpu.yield
      }) : () -> ()
      %add3A_82 = arith.constant 2 : i32
      %add3A_83 = arith.addi %add3A_74, %add3A_82 : i32
      %min3A_84 = arith.constant 124 : i32
      %min3A_85 = arith.minsi %add3A_83, %min3A_84 : i32
      %mul3A_86 = arith.constant 80 : i32
      %mul3A_87 = arith.muli %min3A_85, %mul3A_86 : i32
      %multiple_of3A_88 = tpu.assume_multiple %mul3A_87, 80 : i32
      %dma_start3A_89 = tpu.memref_slice %arg7[%multiple_of3A_88] : memref<10000xi32, #tpu.memory_space<vmem>> -> memref<80xi32, #tpu.memory_space<vmem>>
      %dma_start3A_90 = arith.constant 0 : i32
      %dma_start3A_91 = arith.constant 0 : i32
      %dma_start3A_92 = tpu.memref_slice %arg2[%dma_start3A_90, %dma_start3A_91] : memref<160000x128xf32, #tpu.memory_space<hbm>> -> memref<160000x128xf32, #tpu.memory_space<hbm>>
      tpu.enqueue_indirect_dma source(%dma_start3A_92 : memref<160000x128xf32, #tpu.memory_space<hbm>>) target(%arg10 : memref<80x128xf32, #tpu.memory_space<vmem>>) offsets(%dma_start3A_89 : memref<80xi32, #tpu.memory_space<vmem>>) semaphore(%arg13 : memref<!tpu.dma_semaphore, #tpu.memory_space<semaphore_mem>>)
    }
    %scan3A_21 = arith.constant 62 : i32
    %multiple_of3A_22 = arith.constant 9920 : i32
    %multiple_of3A_23 = tpu.assume_multiple %multiple_of3A_22, 80 : i32
    %dma_wait3A = tpu.memref_slice %arg7[%multiple_of3A_23] : memref<10000xi32, #tpu.memory_space<vmem>> -> memref<80xi32, #tpu.memory_space<vmem>>
    %dma_wait3A_24 = arith.constant 0 : i32
    %dma_wait3A_25 = arith.constant 0 : i32
    %dma_wait3A_26 = tpu.memref_slice %arg2[%dma_wait3A_24, %dma_wait3A_25] : memref<160000x128xf32, #tpu.memory_space<hbm>> -> memref<160000x128xf32, #tpu.memory_space<hbm>>
    tpu.wait_indirect_dma semaphore(%arg12 : memref<!tpu.dma_semaphore, #tpu.memory_space<semaphore_mem>>) src(%dma_wait3A_26 : memref<160000x128xf32, #tpu.memory_space<hbm>>) dst(%arg9 : memref<80x128xf32, #tpu.memory_space<vmem>>)
    %run_scoped3A = arith.constant 124 : i32
    "tpu.region"() ({
      %run_scoped3A_49 = tpu.sem_alloc : memref<!tpu.dma_semaphore, #tpu.memory_space<semaphore_mem>>
      %dma_start3A_50 = arith.constant 0 : i32
      %dma_start3A_51 = tpu.memref_slice %arg8[%run_scoped3A, %dma_start3A_50] : memref<128x80xi32, #tpu.memory_space<vmem>> -> memref<1x80xi32, #tpu.memory_space<vmem>>
      %dma_start3A_52 = tpu.memref_squeeze %dma_start3A_51 : memref<1x80xi32, #tpu.memory_space<vmem>> -> memref<80xi32, #tpu.memory_space<vmem>>
      %dma_start3A_53 = arith.constant 0 : i32
      %dma_start3A_54 = arith.constant 0 : i32
      %dma_start3A_55 = tpu.memref_slice %arg11[%dma_start3A_53, %dma_start3A_54] : memref<10000x128xf32, #tpu.memory_space<vmem_shared>> -> memref<10000x128xf32, #tpu.memory_space<vmem_shared>>
      tpu.enqueue_indirect_dma source(%arg9 : memref<80x128xf32, #tpu.memory_space<vmem>>) target(%dma_start3A_55 : memref<10000x128xf32, #tpu.memory_space<vmem_shared>>) offsets(%dma_start3A_52 : memref<80xi32, #tpu.memory_space<vmem>>) semaphore(%run_scoped3A_49 : memref<!tpu.dma_semaphore, #tpu.memory_space<semaphore_mem>>) {add = true}
      %dma_wait3A_56 = arith.constant 0 : i32
      %dma_wait3A_57 = tpu.memref_slice %arg8[%run_scoped3A, %dma_wait3A_56] : memref<128x80xi32, #tpu.memory_space<vmem>> -> memref<1x80xi32, #tpu.memory_space<vmem>>
      %dma_wait3A_58 = tpu.memref_squeeze %dma_wait3A_57 : memref<1x80xi32, #tpu.memory_space<vmem>> -> memref<80xi32, #tpu.memory_space<vmem>>
      %dma_wait3A_59 = arith.constant 0 : i32
      %dma_wait3A_60 = arith.constant 0 : i32
      %dma_wait3A_61 = tpu.memref_slice %arg11[%dma_wait3A_59, %dma_wait3A_60] : memref<10000x128xf32, #tpu.memory_space<vmem_shared>> -> memref<10000x128xf32, #tpu.memory_space<vmem_shared>>
      tpu.wait_indirect_dma semaphore(%run_scoped3A_49 : memref<!tpu.dma_semaphore, #tpu.memory_space<semaphore_mem>>) src(%arg9 : memref<80x128xf32, #tpu.memory_space<vmem>>) dst(%dma_wait3A_61 : memref<10000x128xf32, #tpu.memory_space<vmem_shared>>)
      tpu.yield
    }) : () -> ()
    %multiple_of3A_27 = arith.constant 9920 : i32
    %multiple_of3A_28 = tpu.assume_multiple %multiple_of3A_27, 80 : i32
    %dma_wait3A_29 = tpu.memref_slice %arg7[%multiple_of3A_28] : memref<10000xi32, #tpu.memory_space<vmem>> -> memref<80xi32, #tpu.memory_space<vmem>>
    %dma_wait3A_30 = arith.constant 0 : i32
    %dma_wait3A_31 = arith.constant 0 : i32
    %dma_wait3A_32 = tpu.memref_slice %arg2[%dma_wait3A_30, %dma_wait3A_31] : memref<160000x128xf32, #tpu.memory_space<hbm>> -> memref<160000x128xf32, #tpu.memory_space<hbm>>
    tpu.wait_indirect_dma semaphore(%arg13 : memref<!tpu.dma_semaphore, #tpu.memory_space<semaphore_mem>>) src(%dma_wait3A_32 : memref<160000x128xf32, #tpu.memory_space<hbm>>) dst(%arg10 : memref<80x128xf32, #tpu.memory_space<vmem>>)
    %barrier3A_33 = arith.constant 0 : index
    tpu.barrier barrier_id(%barrier3A_33)
    %eq3A_34 = arith.constant 0 : i32
    %eq3A_35 = arith.cmpi eq, %arg1, %eq3A_34 : i32
    %eq3A_36 = arith.constant 0 : i32
    %eq3A_37 = arith.cmpi eq, %arg0, %eq3A_36 : i32
    %and3A = arith.andi %eq3A_35, %eq3A_37 : i1
    %convert_element_type3A_38 = arith.extui %and3A : i1 to i32
    %cond3A_39 = arith.constant 0 : i32
    %cond3A_40 = arith.cmpi ne, %convert_element_type3A_38, %cond3A_39 : i32
    scf.if %cond3A_40 {
      %run_scoped3A_49 = arith.constant 0 : i32
      "tpu.region"() ({
        %run_scoped3A_50 = tpu.sem_alloc : memref<!tpu.dma_semaphore, #tpu.memory_space<semaphore_mem>>
        %dma_start3A_51 = arith.constant 0 : i32
        %dma_start3A_52 = arith.constant 0 : i32
        %dma_start3A_53 = tpu.memref_slice %arg6[%run_scoped3A_49, %dma_start3A_51, %dma_start3A_52] : memref<2x10000x128xf32, #tpu.memory_space<hbm>> -> memref<1x10000x128xf32, #tpu.memory_space<hbm>>
        %dma_start3A_54 = tpu.memref_squeeze %dma_start3A_53 : memref<1x10000x128xf32, #tpu.memory_space<hbm>> -> memref<10000x128xf32, #tpu.memory_space<hbm>>
        tpu.enqueue_dma source(%arg11 : memref<10000x128xf32, #tpu.memory_space<vmem_shared>>) target(%dma_start3A_54 : memref<10000x128xf32, #tpu.memory_space<hbm>>) target_semaphore(%run_scoped3A_50 : memref<!tpu.dma_semaphore, #tpu.memory_space<semaphore_mem>>)
        %dma_wait3A_55 = arith.constant 0 : i32
        %dma_wait3A_56 = arith.constant 0 : i32
        %dma_wait3A_57 = tpu.memref_slice %arg6[%run_scoped3A_49, %dma_wait3A_55, %dma_wait3A_56] : memref<2x10000x128xf32, #tpu.memory_space<hbm>> -> memref<1x10000x128xf32, #tpu.memory_space<hbm>>
        %dma_wait3A_58 = tpu.memref_squeeze %dma_wait3A_57 : memref<1x10000x128xf32, #tpu.memory_space<hbm>> -> memref<10000x128xf32, #tpu.memory_space<hbm>>
        tpu.wait_dma2 semaphore(%run_scoped3A_50 : memref<!tpu.dma_semaphore, #tpu.memory_space<semaphore_mem>>) src(%arg11 : memref<10000x128xf32, #tpu.memory_space<vmem_shared>>) dst(%dma_wait3A_58 : memref<10000x128xf32, #tpu.memory_space<hbm>>)
        tpu.yield
      }) : () -> ()
    } else {
    }
    %eq3A_41 = arith.constant 0 : i32
    %eq3A_42 = arith.cmpi eq, %arg1, %eq3A_41 : i32
    %eq3A_43 = arith.constant 1 : i32
    %eq3A_44 = arith.cmpi eq, %arg0, %eq3A_43 : i32
    %and3A_45 = arith.andi %eq3A_42, %eq3A_44 : i1
    %convert_element_type3A_46 = arith.extui %and3A_45 : i1 to i32
    %cond3A_47 = arith.constant 0 : i32
    %cond3A_48 = arith.cmpi ne, %convert_element_type3A_46, %cond3A_47 : i32
    scf.if %cond3A_48 {
      %run_scoped3A_49 = arith.constant 1 : i32
      "tpu.region"() ({
        %run_scoped3A_50 = tpu.sem_alloc : memref<!tpu.dma_semaphore, #tpu.memory_space<semaphore_mem>>
        %dma_start3A_51 = arith.constant 0 : i32
        %dma_start3A_52 = arith.constant 0 : i32
        %dma_start3A_53 = tpu.memref_slice %arg6[%run_scoped3A_49, %dma_start3A_51, %dma_start3A_52] : memref<2x10000x128xf32, #tpu.memory_space<hbm>> -> memref<1x10000x128xf32, #tpu.memory_space<hbm>>
        %dma_start3A_54 = tpu.memref_squeeze %dma_start3A_53 : memref<1x10000x128xf32, #tpu.memory_space<hbm>> -> memref<10000x128xf32, #tpu.memory_space<hbm>>
        tpu.enqueue_dma source(%arg11 : memref<10000x128xf32, #tpu.memory_space<vmem_shared>>) target(%dma_start3A_54 : memref<10000x128xf32, #tpu.memory_space<hbm>>) target_semaphore(%run_scoped3A_50 : memref<!tpu.dma_semaphore, #tpu.memory_space<semaphore_mem>>)
        %dma_wait3A_55 = arith.constant 0 : i32
        %dma_wait3A_56 = arith.constant 0 : i32
        %dma_wait3A_57 = tpu.memref_slice %arg6[%run_scoped3A_49, %dma_wait3A_55, %dma_wait3A_56] : memref<2x10000x128xf32, #tpu.memory_space<hbm>> -> memref<1x10000x128xf32, #tpu.memory_space<hbm>>
        %dma_wait3A_58 = tpu.memref_squeeze %dma_wait3A_57 : memref<1x10000x128xf32, #tpu.memory_space<hbm>> -> memref<10000x128xf32, #tpu.memory_space<hbm>>
        tpu.wait_dma2 semaphore(%run_scoped3A_50 : memref<!tpu.dma_semaphore, #tpu.memory_space<semaphore_mem>>) src(%arg11 : memref<10000x128xf32, #tpu.memory_space<vmem_shared>>) dst(%dma_wait3A_58 : memref<10000x128xf32, #tpu.memory_space<hbm>>)
        tpu.yield
      }) : () -> ()
    } else {
    }
    return
  }
}

#map = affine_map<(d0, d1) -> (0, 0)>
#map1 = affine_map<(d0, d1) -> (0)>
#map2 = affine_map<(d0, d1) -> (0, 0, 0)>
module attributes {stable_mosaic.version = 14 : i64} {
  func.func @_sc_body(%arg0: i32, %arg1: i32, %arg2: memref<160000x128xf32, #tpu.memory_space<hbm>>, %arg3: memref<320000xi32, #tpu.memory_space<hbm>>, %arg4: memref<2048x80xi32, #tpu.memory_space<hbm>>, %arg5: memref<10000x128xf32, #tpu.memory_space<hbm>>, %arg6: memref<2x10000x128xf32, #tpu.memory_space<hbm>>, %arg7: memref<10000xi32, #tpu.memory_space<vmem>>, %arg8: memref<128x80xi32, #tpu.memory_space<vmem>>, %arg9: memref<80x128xf32, #tpu.memory_space<vmem>>, %arg10: memref<80x128xf32, #tpu.memory_space<vmem>>, %arg11: memref<10000x128xf32, #tpu.memory_space<vmem_shared>>, %arg12: memref<!tpu.dma_semaphore, #tpu.memory_space<semaphore_mem>>, %arg13: memref<!tpu.dma_semaphore, #tpu.memory_space<semaphore_mem>>) attributes {dimension_semantics = [#tpu.dimension_semantics<core_parallel>, #tpu.dimension_semantics<subcore_parallel>], iteration_bounds = array<i64: 2, 16>, scalar_prefetch = 0 : i64, scratch_operands = 7 : i64, tpu.core_type = #tpu.core_type<sc_vector_subcore>, window_params = [{transform_indices = #map}, {transform_indices = #map1}, {transform_indices = #map}, {transform_indices = #map}, {transform_indices = #map2}]} {
    %eq3A = arith.constant 0 : i32
    %eq3A_0 = arith.cmpi eq, %arg1, %eq3A : i32
    %convert_element_type3A = arith.extui %eq3A_0 : i1 to i32
    %cond3A = arith.constant 0 : i32
    %cond3A_1 = arith.cmpi ne, %convert_element_type3A, %cond3A : i32
    scf.if %cond3A_1 {
      "tpu.region"() ({
        %run_scoped3A_49 = tpu.sem_alloc : memref<!tpu.dma_semaphore, #tpu.memory_space<semaphore_mem>>
        tpu.enqueue_dma source(%arg5 : memref<10000x128xf32, #tpu.memory_space<hbm>>) target(%arg11 : memref<10000x128xf32, #tpu.memory_space<vmem_shared>>) target_semaphore(%run_scoped3A_49 : memref<!tpu.dma_semaphore, #tpu.memory_space<semaphore_mem>>)
        tpu.wait_dma2 semaphore(%run_scoped3A_49 : memref<!tpu.dma_semaphore, #tpu.memory_space<semaphore_mem>>) src(%arg5 : memref<10000x128xf32, #tpu.memory_space<hbm>>) dst(%arg11 : memref<10000x128xf32, #tpu.memory_space<vmem_shared>>)
        tpu.yield
      }) : () -> ()
    } else {
    }
    %mul3A = arith.constant 160000 : i32
    %mul3A_2 = arith.muli %arg0, %mul3A : i32
    %mul3A_3 = arith.constant 10000 : i32
    %mul3A_4 = arith.muli %arg1, %mul3A_3 : i32
    %add3A = arith.addi %mul3A_2, %mul3A_4 : i32
    "tpu.region"() ({
      %run_scoped3A_49 = tpu.sem_alloc : memref<!tpu.dma_semaphore, #tpu.memory_space<semaphore_mem>>
      %dma_start3A_50 = tpu.memref_slice %arg3[%add3A] : memref<320000xi32, #tpu.memory_space<hbm>> -> memref<10000xi32, #tpu.memory_space<hbm>>
      %dma_start3A_51 = tpu.memref_slice %arg3[%add3A] : memref<320000xi32, #tpu.memory_space<hbm>> -> memref<10000xi32, #tpu.memory_space<hbm>>
      tpu.enqueue_dma source(%dma_start3A_51 : memref<10000xi32, #tpu.memory_space<hbm>>) target(%arg7 : memref<10000xi32, #tpu.memory_space<vmem>>) target_semaphore(%run_scoped3A_49 : memref<!tpu.dma_semaphore, #tpu.memory_space<semaphore_mem>>)
      %dma_wait3A_52 = tpu.memref_slice %arg3[%add3A] : memref<320000xi32, #tpu.memory_space<hbm>> -> memref<10000xi32, #tpu.memory_space<hbm>>
      %dma_wait3A_53 = tpu.memref_slice %arg3[%add3A] : memref<320000xi32, #tpu.memory_space<hbm>> -> memref<10000xi32, #tpu.memory_space<hbm>>
      tpu.wait_dma2 semaphore(%run_scoped3A_49 : memref<!tpu.dma_semaphore, #tpu.memory_space<semaphore_mem>>) src(%dma_wait3A_53 : memref<10000xi32, #tpu.memory_space<hbm>>) dst(%arg7 : memref<10000xi32, #tpu.memory_space<vmem>>)
      tpu.yield
    }) : () -> ()
    %mul3A_5 = arith.constant 128 : i32
    %mul3A_6 = arith.muli %arg1, %mul3A_5 : i32
    "tpu.region"() ({
      %run_scoped3A_49 = tpu.sem_alloc : memref<!tpu.dma_semaphore, #tpu.memory_space<semaphore_mem>>
      %dma_start3A_50 = arith.constant 0 : i32
      %dma_start3A_51 = tpu.memref_slice %arg4[%mul3A_6, %dma_start3A_50] : memref<2048x80xi32, #tpu.memory_space<hbm>> -> memref<128x80xi32, #tpu.memory_space<hbm>>
      %dma_start3A_52 = arith.constant 0 : i32
      %dma_start3A_53 = tpu.memref_slice %arg4[%mul3A_6, %dma_start3A_52] : memref<2048x80xi32, #tpu.memory_space<hbm>> -> memref<128x80xi32, #tpu.memory_space<hbm>>
      tpu.enqueue_dma source(%dma_start3A_53 : memref<128x80xi32, #tpu.memory_space<hbm>>) target(%arg8 : memref<128x80xi32, #tpu.memory_space<vmem>>) target_semaphore(%run_scoped3A_49 : memref<!tpu.dma_semaphore, #tpu.memory_space<semaphore_mem>>)
      %dma_wait3A_54 = arith.constant 0 : i32
      %dma_wait3A_55 = tpu.memref_slice %arg4[%mul3A_6, %dma_wait3A_54] : memref<2048x80xi32, #tpu.memory_space<hbm>> -> memref<128x80xi32, #tpu.memory_space<hbm>>
      %dma_wait3A_56 = arith.constant 0 : i32
      %dma_wait3A_57 = tpu.memref_slice %arg4[%mul3A_6, %dma_wait3A_56] : memref<2048x80xi32, #tpu.memory_space<hbm>> -> memref<128x80xi32, #tpu.memory_space<hbm>>
      tpu.wait_dma2 semaphore(%run_scoped3A_49 : memref<!tpu.dma_semaphore, #tpu.memory_space<semaphore_mem>>) src(%dma_wait3A_57 : memref<128x80xi32, #tpu.memory_space<hbm>>) dst(%arg8 : memref<128x80xi32, #tpu.memory_space<vmem>>)
      tpu.yield
    }) : () -> ()
    %barrier3A = arith.constant 0 : index
    tpu.barrier barrier_id(%barrier3A)
    %multiple_of3A = arith.constant 0 : i32
    %multiple_of3A_7 = tpu.assume_multiple %multiple_of3A, 80 : i32
    %dma_start3A = tpu.memref_slice %arg7[%multiple_of3A_7] : memref<10000xi32, #tpu.memory_space<vmem>> -> memref<80xi32, #tpu.memory_space<vmem>>
    %dma_start3A_8 = arith.constant 0 : i32
    %dma_start3A_9 = arith.constant 0 : i32
    %dma_start3A_10 = tpu.memref_slice %arg2[%dma_start3A_8, %dma_start3A_9] : memref<160000x128xf32, #tpu.memory_space<hbm>> -> memref<160000x128xf32, #tpu.memory_space<hbm>>
    tpu.enqueue_indirect_dma source(%dma_start3A_10 : memref<160000x128xf32, #tpu.memory_space<hbm>>) target(%arg9 : memref<80x128xf32, #tpu.memory_space<vmem>>) offsets(%dma_start3A : memref<80xi32, #tpu.memory_space<vmem>>) semaphore(%arg12 : memref<!tpu.dma_semaphore, #tpu.memory_space<semaphore_mem>>)
    %multiple_of3A_11 = arith.constant 80 : i32
    %multiple_of3A_12 = tpu.assume_multiple %multiple_of3A_11, 80 : i32
    %dma_start3A_13 = tpu.memref_slice %arg7[%multiple_of3A_12] : memref<10000xi32, #tpu.memory_space<vmem>> -> memref<80xi32, #tpu.memory_space<vmem>>
    %dma_start3A_14 = arith.constant 0 : i32
    %dma_start3A_15 = arith.constant 0 : i32
    %dma_start3A_16 = tpu.memref_slice %arg2[%dma_start3A_14, %dma_start3A_15] : memref<160000x128xf32, #tpu.memory_space<hbm>> -> memref<160000x128xf32, #tpu.memory_space<hbm>>
    tpu.enqueue_indirect_dma source(%dma_start3A_16 : memref<160000x128xf32, #tpu.memory_space<hbm>>) target(%arg10 : memref<80x128xf32, #tpu.memory_space<vmem>>) offsets(%dma_start3A_13 : memref<80xi32, #tpu.memory_space<vmem>>) semaphore(%arg13 : memref<!tpu.dma_semaphore, #tpu.memory_space<semaphore_mem>>)
    %scan3A = arith.constant 0 : i32
    %scan3A_17 = arith.constant 0 : i32
    %scan3A_18 = arith.constant 62 : i32
    %scan3A_19 = arith.addi %scan3A_17, %scan3A_18 : i32
    %scan3A_20 = arith.constant 1 : i32
    scf.for %scan3A_49 = %scan3A_17 to %scan3A_19 step %scan3A_20  : i32 {
      %mul3A_50 = arith.constant 2 : i32
      %mul3A_51 = arith.muli %mul3A_50, %scan3A_49 : i32
      %add3A_52 = arith.constant 0 : i32
      %add3A_53 = arith.addi %mul3A_51, %add3A_52 : i32
      %mul3A_54 = arith.constant 80 : i32
      %mul3A_55 = arith.muli %add3A_53, %mul3A_54 : i32
      %multiple_of3A_56 = tpu.assume_multiple %mul3A_55, 80 : i32
      %dma_wait3A_57 = tpu.memref_slice %arg7[%multiple_of3A_56] : memref<10000xi32, #tpu.memory_space<vmem>> -> memref<80xi32, #tpu.memory_space<vmem>>
      %dma_wait3A_58 = arith.constant 0 : i32
      %dma_wait3A_59 = arith.constant 0 : i32
      %dma_wait3A_60 = tpu.memref_slice %arg2[%dma_wait3A_58, %dma_wait3A_59] : memref<160000x128xf32, #tpu.memory_space<hbm>> -> memref<160000x128xf32, #tpu.memory_space<hbm>>
      tpu.wait_indirect_dma semaphore(%arg12 : memref<!tpu.dma_semaphore, #tpu.memory_space<semaphore_mem>>) src(%dma_wait3A_60 : memref<160000x128xf32, #tpu.memory_space<hbm>>) dst(%arg9 : memref<80x128xf32, #tpu.memory_space<vmem>>)
      "tpu.region"() ({
        %run_scoped3A_93 = tpu.sem_alloc : memref<!tpu.dma_semaphore, #tpu.memory_space<semaphore_mem>>
        %dma_start3A_94 = arith.constant 0 : i32
        %dma_start3A_95 = tpu.memref_slice %arg8[%add3A_53, %dma_start3A_94] : memref<128x80xi32, #tpu.memory_space<vmem>> -> memref<1x80xi32, #tpu.memory_space<vmem>>
        %dma_start3A_96 = tpu.memref_squeeze %dma_start3A_95 : memref<1x80xi32, #tpu.memory_space<vmem>> -> memref<80xi32, #tpu.memory_space<vmem>>
        %dma_start3A_97 = arith.constant 0 : i32
        %dma_start3A_98 = arith.constant 0 : i32
        %dma_start3A_99 = tpu.memref_slice %arg11[%dma_start3A_97, %dma_start3A_98] : memref<10000x128xf32, #tpu.memory_space<vmem_shared>> -> memref<10000x128xf32, #tpu.memory_space<vmem_shared>>
        tpu.enqueue_indirect_dma source(%arg9 : memref<80x128xf32, #tpu.memory_space<vmem>>) target(%dma_start3A_99 : memref<10000x128xf32, #tpu.memory_space<vmem_shared>>) offsets(%dma_start3A_96 : memref<80xi32, #tpu.memory_space<vmem>>) semaphore(%run_scoped3A_93 : memref<!tpu.dma_semaphore, #tpu.memory_space<semaphore_mem>>) {add = true}
        %dma_wait3A_100 = arith.constant 0 : i32
        %dma_wait3A_101 = tpu.memref_slice %arg8[%add3A_53, %dma_wait3A_100] : memref<128x80xi32, #tpu.memory_space<vmem>> -> memref<1x80xi32, #tpu.memory_space<vmem>>
        %dma_wait3A_102 = tpu.memref_squeeze %dma_wait3A_101 : memref<1x80xi32, #tpu.memory_space<vmem>> -> memref<80xi32, #tpu.memory_space<vmem>>
        %dma_wait3A_103 = arith.constant 0 : i32
        %dma_wait3A_104 = arith.constant 0 : i32
        %dma_wait3A_105 = tpu.memref_slice %arg11[%dma_wait3A_103, %dma_wait3A_104] : memref<10000x128xf32, #tpu.memory_space<vmem_shared>> -> memref<10000x128xf32, #tpu.memory_space<vmem_shared>>
        tpu.wait_indirect_dma semaphore(%run_scoped3A_93 : memref<!tpu.dma_semaphore, #tpu.memory_space<semaphore_mem>>) src(%arg9 : memref<80x128xf32, #tpu.memory_space<vmem>>) dst(%dma_wait3A_105 : memref<10000x128xf32, #tpu.memory_space<vmem_shared>>)
        tpu.yield
      }) : () -> ()
      %add3A_61 = arith.constant 2 : i32
      %add3A_62 = arith.addi %add3A_53, %add3A_61 : i32
      %min3A = arith.constant 124 : i32
      %min3A_63 = arith.minsi %add3A_62, %min3A : i32
      %mul3A_64 = arith.constant 80 : i32
      %mul3A_65 = arith.muli %min3A_63, %mul3A_64 : i32
      %multiple_of3A_66 = tpu.assume_multiple %mul3A_65, 80 : i32
      %dma_start3A_67 = tpu.memref_slice %arg7[%multiple_of3A_66] : memref<10000xi32, #tpu.memory_space<vmem>> -> memref<80xi32, #tpu.memory_space<vmem>>
      %dma_start3A_68 = arith.constant 0 : i32
      %dma_start3A_69 = arith.constant 0 : i32
      %dma_start3A_70 = tpu.memref_slice %arg2[%dma_start3A_68, %dma_start3A_69] : memref<160000x128xf32, #tpu.memory_space<hbm>> -> memref<160000x128xf32, #tpu.memory_space<hbm>>
      tpu.enqueue_indirect_dma source(%dma_start3A_70 : memref<160000x128xf32, #tpu.memory_space<hbm>>) target(%arg9 : memref<80x128xf32, #tpu.memory_space<vmem>>) offsets(%dma_start3A_67 : memref<80xi32, #tpu.memory_space<vmem>>) semaphore(%arg12 : memref<!tpu.dma_semaphore, #tpu.memory_space<semaphore_mem>>)
      %mul3A_71 = arith.constant 2 : i32
      %mul3A_72 = arith.muli %mul3A_71, %scan3A_49 : i32
      %add3A_73 = arith.constant 1 : i32
      %add3A_74 = arith.addi %mul3A_72, %add3A_73 : i32
      %mul3A_75 = arith.constant 80 : i32
      %mul3A_76 = arith.muli %add3A_74, %mul3A_75 : i32
      %multiple_of3A_77 = tpu.assume_multiple %mul3A_76, 80 : i32
      %dma_wait3A_78 = tpu.memref_slice %arg7[%multiple_of3A_77] : memref<10000xi32, #tpu.memory_space<vmem>> -> memref<80xi32, #tpu.memory_space<vmem>>
      %dma_wait3A_79 = arith.constant 0 : i32
      %dma_wait3A_80 = arith.constant 0 : i32
      %dma_wait3A_81 = tpu.memref_slice %arg2[%dma_wait3A_79, %dma_wait3A_80] : memref<160000x128xf32, #tpu.memory_space<hbm>> -> memref<160000x128xf32, #tpu.memory_space<hbm>>
      tpu.wait_indirect_dma semaphore(%arg13 : memref<!tpu.dma_semaphore, #tpu.memory_space<semaphore_mem>>) src(%dma_wait3A_81 : memref<160000x128xf32, #tpu.memory_space<hbm>>) dst(%arg10 : memref<80x128xf32, #tpu.memory_space<vmem>>)
      "tpu.region"() ({
        %run_scoped3A_93 = tpu.sem_alloc : memref<!tpu.dma_semaphore, #tpu.memory_space<semaphore_mem>>
        %dma_start3A_94 = arith.constant 0 : i32
        %dma_start3A_95 = tpu.memref_slice %arg8[%add3A_74, %dma_start3A_94] : memref<128x80xi32, #tpu.memory_space<vmem>> -> memref<1x80xi32, #tpu.memory_space<vmem>>
        %dma_start3A_96 = tpu.memref_squeeze %dma_start3A_95 : memref<1x80xi32, #tpu.memory_space<vmem>> -> memref<80xi32, #tpu.memory_space<vmem>>
        %dma_start3A_97 = arith.constant 0 : i32
        %dma_start3A_98 = arith.constant 0 : i32
        %dma_start3A_99 = tpu.memref_slice %arg11[%dma_start3A_97, %dma_start3A_98] : memref<10000x128xf32, #tpu.memory_space<vmem_shared>> -> memref<10000x128xf32, #tpu.memory_space<vmem_shared>>
        tpu.enqueue_indirect_dma source(%arg10 : memref<80x128xf32, #tpu.memory_space<vmem>>) target(%dma_start3A_99 : memref<10000x128xf32, #tpu.memory_space<vmem_shared>>) offsets(%dma_start3A_96 : memref<80xi32, #tpu.memory_space<vmem>>) semaphore(%run_scoped3A_93 : memref<!tpu.dma_semaphore, #tpu.memory_space<semaphore_mem>>) {add = true}
        %dma_wait3A_100 = arith.constant 0 : i32
        %dma_wait3A_101 = tpu.memref_slice %arg8[%add3A_74, %dma_wait3A_100] : memref<128x80xi32, #tpu.memory_space<vmem>> -> memref<1x80xi32, #tpu.memory_space<vmem>>
        %dma_wait3A_102 = tpu.memref_squeeze %dma_wait3A_101 : memref<1x80xi32, #tpu.memory_space<vmem>> -> memref<80xi32, #tpu.memory_space<vmem>>
        %dma_wait3A_103 = arith.constant 0 : i32
        %dma_wait3A_104 = arith.constant 0 : i32
        %dma_wait3A_105 = tpu.memref_slice %arg11[%dma_wait3A_103, %dma_wait3A_104] : memref<10000x128xf32, #tpu.memory_space<vmem_shared>> -> memref<10000x128xf32, #tpu.memory_space<vmem_shared>>
        tpu.wait_indirect_dma semaphore(%run_scoped3A_93 : memref<!tpu.dma_semaphore, #tpu.memory_space<semaphore_mem>>) src(%arg10 : memref<80x128xf32, #tpu.memory_space<vmem>>) dst(%dma_wait3A_105 : memref<10000x128xf32, #tpu.memory_space<vmem_shared>>)
        tpu.yield
      }) : () -> ()
      %add3A_82 = arith.constant 2 : i32
      %add3A_83 = arith.addi %add3A_74, %add3A_82 : i32
      %min3A_84 = arith.constant 124 : i32
      %min3A_85 = arith.minsi %add3A_83, %min3A_84 : i32
      %mul3A_86 = arith.constant 80 : i32
      %mul3A_87 = arith.muli %min3A_85, %mul3A_86 : i32
      %multiple_of3A_88 = tpu.assume_multiple %mul3A_87, 80 : i32
      %dma_start3A_89 = tpu.memref_slice %arg7[%multiple_of3A_88] : memref<10000xi32, #tpu.memory_space<vmem>> -> memref<80xi32, #tpu.memory_space<vmem>>
      %dma_start3A_90 = arith.constant 0 : i32
      %dma_start3A_91 = arith.constant 0 : i32
      %dma_start3A_92 = tpu.memref_slice %arg2[%dma_start3A_90, %dma_start3A_91] : memref<160000x128xf32, #tpu.memory_space<hbm>> -> memref<160000x128xf32, #tpu.memory_space<hbm>>
      tpu.enqueue_indirect_dma source(%dma_start3A_92 : memref<160000x128xf32, #tpu.memory_space<hbm>>) target(%arg10 : memref<80x128xf32, #tpu.memory_space<vmem>>) offsets(%dma_start3A_89 : memref<80xi32, #tpu.memory_space<vmem>>) semaphore(%arg13 : memref<!tpu.dma_semaphore, #tpu.memory_space<semaphore_mem>>)
    }
    %scan3A_21 = arith.constant 62 : i32
    %multiple_of3A_22 = arith.constant 9920 : i32
    %multiple_of3A_23 = tpu.assume_multiple %multiple_of3A_22, 80 : i32
    %dma_wait3A = tpu.memref_slice %arg7[%multiple_of3A_23] : memref<10000xi32, #tpu.memory_space<vmem>> -> memref<80xi32, #tpu.memory_space<vmem>>
    %dma_wait3A_24 = arith.constant 0 : i32
    %dma_wait3A_25 = arith.constant 0 : i32
    %dma_wait3A_26 = tpu.memref_slice %arg2[%dma_wait3A_24, %dma_wait3A_25] : memref<160000x128xf32, #tpu.memory_space<hbm>> -> memref<160000x128xf32, #tpu.memory_space<hbm>>
    tpu.wait_indirect_dma semaphore(%arg12 : memref<!tpu.dma_semaphore, #tpu.memory_space<semaphore_mem>>) src(%dma_wait3A_26 : memref<160000x128xf32, #tpu.memory_space<hbm>>) dst(%arg9 : memref<80x128xf32, #tpu.memory_space<vmem>>)
    %run_scoped3A = arith.constant 124 : i32
    "tpu.region"() ({
      %run_scoped3A_49 = tpu.sem_alloc : memref<!tpu.dma_semaphore, #tpu.memory_space<semaphore_mem>>
      %dma_start3A_50 = arith.constant 0 : i32
      %dma_start3A_51 = tpu.memref_slice %arg8[%run_scoped3A, %dma_start3A_50] : memref<128x80xi32, #tpu.memory_space<vmem>> -> memref<1x80xi32, #tpu.memory_space<vmem>>
      %dma_start3A_52 = tpu.memref_squeeze %dma_start3A_51 : memref<1x80xi32, #tpu.memory_space<vmem>> -> memref<80xi32, #tpu.memory_space<vmem>>
      %dma_start3A_53 = arith.constant 0 : i32
      %dma_start3A_54 = arith.constant 0 : i32
      %dma_start3A_55 = tpu.memref_slice %arg11[%dma_start3A_53, %dma_start3A_54] : memref<10000x128xf32, #tpu.memory_space<vmem_shared>> -> memref<10000x128xf32, #tpu.memory_space<vmem_shared>>
      tpu.enqueue_indirect_dma source(%arg9 : memref<80x128xf32, #tpu.memory_space<vmem>>) target(%dma_start3A_55 : memref<10000x128xf32, #tpu.memory_space<vmem_shared>>) offsets(%dma_start3A_52 : memref<80xi32, #tpu.memory_space<vmem>>) semaphore(%run_scoped3A_49 : memref<!tpu.dma_semaphore, #tpu.memory_space<semaphore_mem>>) {add = true}
      %dma_wait3A_56 = arith.constant 0 : i32
      %dma_wait3A_57 = tpu.memref_slice %arg8[%run_scoped3A, %dma_wait3A_56] : memref<128x80xi32, #tpu.memory_space<vmem>> -> memref<1x80xi32, #tpu.memory_space<vmem>>
      %dma_wait3A_58 = tpu.memref_squeeze %dma_wait3A_57 : memref<1x80xi32, #tpu.memory_space<vmem>> -> memref<80xi32, #tpu.memory_space<vmem>>
      %dma_wait3A_59 = arith.constant 0 : i32
      %dma_wait3A_60 = arith.constant 0 : i32
      %dma_wait3A_61 = tpu.memref_slice %arg11[%dma_wait3A_59, %dma_wait3A_60] : memref<10000x128xf32, #tpu.memory_space<vmem_shared>> -> memref<10000x128xf32, #tpu.memory_space<vmem_shared>>
      tpu.wait_indirect_dma semaphore(%run_scoped3A_49 : memref<!tpu.dma_semaphore, #tpu.memory_space<semaphore_mem>>) src(%arg9 : memref<80x128xf32, #tpu.memory_space<vmem>>) dst(%dma_wait3A_61 : memref<10000x128xf32, #tpu.memory_space<vmem_shared>>)
      tpu.yield
    }) : () -> ()
    %multiple_of3A_27 = arith.constant 9920 : i32
    %multiple_of3A_28 = tpu.assume_multiple %multiple_of3A_27, 80 : i32
    %dma_wait3A_29 = tpu.memref_slice %arg7[%multiple_of3A_28] : memref<10000xi32, #tpu.memory_space<vmem>> -> memref<80xi32, #tpu.memory_space<vmem>>
    %dma_wait3A_30 = arith.constant 0 : i32
    %dma_wait3A_31 = arith.constant 0 : i32
    %dma_wait3A_32 = tpu.memref_slice %arg2[%dma_wait3A_30, %dma_wait3A_31] : memref<160000x128xf32, #tpu.memory_space<hbm>> -> memref<160000x128xf32, #tpu.memory_space<hbm>>
    tpu.wait_indirect_dma semaphore(%arg13 : memref<!tpu.dma_semaphore, #tpu.memory_space<semaphore_mem>>) src(%dma_wait3A_32 : memref<160000x128xf32, #tpu.memory_space<hbm>>) dst(%arg10 : memref<80x128xf32, #tpu.memory_space<vmem>>)
    %barrier3A_33 = arith.constant 0 : index
    tpu.barrier barrier_id(%barrier3A_33)
    %eq3A_34 = arith.constant 0 : i32
    %eq3A_35 = arith.cmpi eq, %arg1, %eq3A_34 : i32
    %eq3A_36 = arith.constant 0 : i32
    %eq3A_37 = arith.cmpi eq, %arg0, %eq3A_36 : i32
    %and3A = arith.andi %eq3A_35, %eq3A_37 : i1
    %convert_element_type3A_38 = arith.extui %and3A : i1 to i32
    %cond3A_39 = arith.constant 0 : i32
    %cond3A_40 = arith.cmpi ne, %convert_element_type3A_38, %cond3A_39 : i32
    scf.if %cond3A_40 {
      %run_scoped3A_49 = arith.constant 0 : i32
      "tpu.region"() ({
        %run_scoped3A_50 = tpu.sem_alloc : memref<!tpu.dma_semaphore, #tpu.memory_space<semaphore_mem>>
        %dma_start3A_51 = arith.constant 0 : i32
        %dma_start3A_52 = arith.constant 0 : i32
        %dma_start3A_53 = tpu.memref_slice %arg6[%run_scoped3A_49, %dma_start3A_51, %dma_start3A_52] : memref<2x10000x128xf32, #tpu.memory_space<hbm>> -> memref<1x10000x128xf32, #tpu.memory_space<hbm>>
        %dma_start3A_54 = tpu.memref_squeeze %dma_start3A_53 : memref<1x10000x128xf32, #tpu.memory_space<hbm>> -> memref<10000x128xf32, #tpu.memory_space<hbm>>
        tpu.enqueue_dma source(%arg11 : memref<10000x128xf32, #tpu.memory_space<vmem_shared>>) target(%dma_start3A_54 : memref<10000x128xf32, #tpu.memory_space<hbm>>) target_semaphore(%run_scoped3A_50 : memref<!tpu.dma_semaphore, #tpu.memory_space<semaphore_mem>>)
        %dma_wait3A_55 = arith.constant 0 : i32
        %dma_wait3A_56 = arith.constant 0 : i32
        %dma_wait3A_57 = tpu.memref_slice %arg6[%run_scoped3A_49, %dma_wait3A_55, %dma_wait3A_56] : memref<2x10000x128xf32, #tpu.memory_space<hbm>> -> memref<1x10000x128xf32, #tpu.memory_space<hbm>>
        %dma_wait3A_58 = tpu.memref_squeeze %dma_wait3A_57 : memref<1x10000x128xf32, #tpu.memory_space<hbm>> -> memref<10000x128xf32, #tpu.memory_space<hbm>>
        tpu.wait_dma2 semaphore(%run_scoped3A_50 : memref<!tpu.dma_semaphore, #tpu.memory_space<semaphore_mem>>) src(%arg11 : memref<10000x128xf32, #tpu.memory_space<vmem_shared>>) dst(%dma_wait3A_58 : memref<10000x128xf32, #tpu.memory_space<hbm>>)
        tpu.yield
      }) : () -> ()
    } else {
    }
    %eq3A_41 = arith.constant 0 : i32
    %eq3A_42 = arith.cmpi eq, %arg1, %eq3A_41 : i32
    %eq3A_43 = arith.constant 1 : i32
    %eq3A_44 = arith.cmpi eq, %arg0, %eq3A_43 : i32
    %and3A_45 = arith.andi %eq3A_42, %eq3A_44 : i1
    %convert_element_type3A_46 = arith.extui %and3A_45 : i1 to i32
    %cond3A_47 = arith.constant 0 : i32
    %cond3A_48 = arith.cmpi ne, %convert_element_type3A_46, %cond3A_47 : i32
    scf.if %cond3A_48 {
      %run_scoped3A_49 = arith.constant 1 : i32
      "tpu.region"() ({
        %run_scoped3A_50 = tpu.sem_alloc : memref<!tpu.dma_semaphore, #tpu.memory_space<semaphore_mem>>
        %dma_start3A_51 = arith.constant 0 : i32
        %dma_start3A_52 = arith.constant 0 : i32
        %dma_start3A_53 = tpu.memref_slice %arg6[%run_scoped3A_49, %dma_start3A_51, %dma_start3A_52] : memref<2x10000x128xf32, #tpu.memory_space<hbm>> -> memref<1x10000x128xf32, #tpu.memory_space<hbm>>
        %dma_start3A_54 = tpu.memref_squeeze %dma_start3A_53 : memref<1x10000x128xf32, #tpu.memory_space<hbm>> -> memref<10000x128xf32, #tpu.memory_space<hbm>>
        tpu.enqueue_dma source(%arg11 : memref<10000x128xf32, #tpu.memory_space<vmem_shared>>) target(%dma_start3A_54 : memref<10000x128xf32, #tpu.memory_space<hbm>>) target_semaphore(%run_scoped3A_50 : memref<!tpu.dma_semaphore, #tpu.memory_space<semaphore_mem>>)
        %dma_wait3A_55 = arith.constant 0 : i32
        %dma_wait3A_56 = arith.constant 0 : i32
        %dma_wait3A_57 = tpu.memref_slice %arg6[%run_scoped3A_49, %dma_wait3A_55, %dma_wait3A_56] : memref<2x10000x128xf32, #tpu.memory_space<hbm>> -> memref<1x10000x128xf32, #tpu.memory_space<hbm>>
        %dma_wait3A_58 = tpu.memref_squeeze %dma_wait3A_57 : memref<1x10000x128xf32, #tpu.memory_space<hbm>> -> memref<10000x128xf32, #tpu.memory_space<hbm>>
        tpu.wait_dma2 semaphore(%run_scoped3A_50 : memref<!tpu.dma_semaphore, #tpu.memory_space<semaphore_mem>>) src(%arg11 : memref<10000x128xf32, #tpu.memory_space<vmem_shared>>) dst(%dma_wait3A_58 : memref<10000x128xf32, #tpu.memory_space<hbm>>)
        tpu.yield
      }) : () -> ()
    } else {
    }
    return
  }
}

#map = affine_map<(d0, d1) -> (0, 0)>
#map1 = affine_map<(d0, d1) -> (0)>
#map2 = affine_map<(d0, d1) -> (0, 0, 0)>
module attributes {stable_mosaic.version = 14 : i64} {
  func.func @_sc_body(%arg0: i32, %arg1: i32, %arg2: memref<160000x128xf32, #tpu.memory_space<hbm>>, %arg3: memref<320000xi32, #tpu.memory_space<hbm>>, %arg4: memref<2048x80xi32, #tpu.memory_space<hbm>>, %arg5: memref<10000x128xf32, #tpu.memory_space<hbm>>, %arg6: memref<2x10000x128xf32, #tpu.memory_space<hbm>>, %arg7: memref<10000xi32, #tpu.memory_space<vmem>>, %arg8: memref<128x80xi32, #tpu.memory_space<vmem>>, %arg9: memref<80x128xf32, #tpu.memory_space<vmem>>, %arg10: memref<80x128xf32, #tpu.memory_space<vmem>>, %arg11: memref<10000x128xf32, #tpu.memory_space<vmem_shared>>, %arg12: memref<!tpu.dma_semaphore, #tpu.memory_space<semaphore_mem>>, %arg13: memref<!tpu.dma_semaphore, #tpu.memory_space<semaphore_mem>>) attributes {dimension_semantics = [#tpu.dimension_semantics<core_parallel>, #tpu.dimension_semantics<subcore_parallel>], iteration_bounds = array<i64: 2, 16>, scalar_prefetch = 0 : i64, scratch_operands = 7 : i64, tpu.core_type = #tpu.core_type<sc_vector_subcore>, window_params = [{transform_indices = #map}, {transform_indices = #map1}, {transform_indices = #map}, {transform_indices = #map}, {transform_indices = #map2}]} {
    %eq3A = arith.constant 0 : i32
    %eq3A_0 = arith.cmpi eq, %arg1, %eq3A : i32
    %convert_element_type3A = arith.extui %eq3A_0 : i1 to i32
    %cond3A = arith.constant 0 : i32
    %cond3A_1 = arith.cmpi ne, %convert_element_type3A, %cond3A : i32
    scf.if %cond3A_1 {
      "tpu.region"() ({
        %run_scoped3A_49 = tpu.sem_alloc : memref<!tpu.dma_semaphore, #tpu.memory_space<semaphore_mem>>
        tpu.enqueue_dma source(%arg5 : memref<10000x128xf32, #tpu.memory_space<hbm>>) target(%arg11 : memref<10000x128xf32, #tpu.memory_space<vmem_shared>>) target_semaphore(%run_scoped3A_49 : memref<!tpu.dma_semaphore, #tpu.memory_space<semaphore_mem>>)
        tpu.wait_dma2 semaphore(%run_scoped3A_49 : memref<!tpu.dma_semaphore, #tpu.memory_space<semaphore_mem>>) src(%arg5 : memref<10000x128xf32, #tpu.memory_space<hbm>>) dst(%arg11 : memref<10000x128xf32, #tpu.memory_space<vmem_shared>>)
        tpu.yield
      }) : () -> ()
    } else {
    }
    %mul3A = arith.constant 160000 : i32
    %mul3A_2 = arith.muli %arg0, %mul3A : i32
    %mul3A_3 = arith.constant 10000 : i32
    %mul3A_4 = arith.muli %arg1, %mul3A_3 : i32
    %add3A = arith.addi %mul3A_2, %mul3A_4 : i32
    "tpu.region"() ({
      %run_scoped3A_49 = tpu.sem_alloc : memref<!tpu.dma_semaphore, #tpu.memory_space<semaphore_mem>>
      %dma_start3A_50 = tpu.memref_slice %arg3[%add3A] : memref<320000xi32, #tpu.memory_space<hbm>> -> memref<10000xi32, #tpu.memory_space<hbm>>
      %dma_start3A_51 = tpu.memref_slice %arg3[%add3A] : memref<320000xi32, #tpu.memory_space<hbm>> -> memref<10000xi32, #tpu.memory_space<hbm>>
      tpu.enqueue_dma source(%dma_start3A_51 : memref<10000xi32, #tpu.memory_space<hbm>>) target(%arg7 : memref<10000xi32, #tpu.memory_space<vmem>>) target_semaphore(%run_scoped3A_49 : memref<!tpu.dma_semaphore, #tpu.memory_space<semaphore_mem>>)
      %dma_wait3A_52 = tpu.memref_slice %arg3[%add3A] : memref<320000xi32, #tpu.memory_space<hbm>> -> memref<10000xi32, #tpu.memory_space<hbm>>
      %dma_wait3A_53 = tpu.memref_slice %arg3[%add3A] : memref<320000xi32, #tpu.memory_space<hbm>> -> memref<10000xi32, #tpu.memory_space<hbm>>
      tpu.wait_dma2 semaphore(%run_scoped3A_49 : memref<!tpu.dma_semaphore, #tpu.memory_space<semaphore_mem>>) src(%dma_wait3A_53 : memref<10000xi32, #tpu.memory_space<hbm>>) dst(%arg7 : memref<10000xi32, #tpu.memory_space<vmem>>)
      tpu.yield
    }) : () -> ()
    %mul3A_5 = arith.constant 128 : i32
    %mul3A_6 = arith.muli %arg1, %mul3A_5 : i32
    "tpu.region"() ({
      %run_scoped3A_49 = tpu.sem_alloc : memref<!tpu.dma_semaphore, #tpu.memory_space<semaphore_mem>>
      %dma_start3A_50 = arith.constant 0 : i32
      %dma_start3A_51 = tpu.memref_slice %arg4[%mul3A_6, %dma_start3A_50] : memref<2048x80xi32, #tpu.memory_space<hbm>> -> memref<128x80xi32, #tpu.memory_space<hbm>>
      %dma_start3A_52 = arith.constant 0 : i32
      %dma_start3A_53 = tpu.memref_slice %arg4[%mul3A_6, %dma_start3A_52] : memref<2048x80xi32, #tpu.memory_space<hbm>> -> memref<128x80xi32, #tpu.memory_space<hbm>>
      tpu.enqueue_dma source(%dma_start3A_53 : memref<128x80xi32, #tpu.memory_space<hbm>>) target(%arg8 : memref<128x80xi32, #tpu.memory_space<vmem>>) target_semaphore(%run_scoped3A_49 : memref<!tpu.dma_semaphore, #tpu.memory_space<semaphore_mem>>)
      %dma_wait3A_54 = arith.constant 0 : i32
      %dma_wait3A_55 = tpu.memref_slice %arg4[%mul3A_6, %dma_wait3A_54] : memref<2048x80xi32, #tpu.memory_space<hbm>> -> memref<128x80xi32, #tpu.memory_space<hbm>>
      %dma_wait3A_56 = arith.constant 0 : i32
      %dma_wait3A_57 = tpu.memref_slice %arg4[%mul3A_6, %dma_wait3A_56] : memref<2048x80xi32, #tpu.memory_space<hbm>> -> memref<128x80xi32, #tpu.memory_space<hbm>>
      tpu.wait_dma2 semaphore(%run_scoped3A_49 : memref<!tpu.dma_semaphore, #tpu.memory_space<semaphore_mem>>) src(%dma_wait3A_57 : memref<128x80xi32, #tpu.memory_space<hbm>>) dst(%arg8 : memref<128x80xi32, #tpu.memory_space<vmem>>)
      tpu.yield
    }) : () -> ()
    %barrier3A = arith.constant 0 : index
    tpu.barrier barrier_id(%barrier3A)
    %multiple_of3A = arith.constant 0 : i32
    %multiple_of3A_7 = tpu.assume_multiple %multiple_of3A, 80 : i32
    %dma_start3A = tpu.memref_slice %arg7[%multiple_of3A_7] : memref<10000xi32, #tpu.memory_space<vmem>> -> memref<80xi32, #tpu.memory_space<vmem>>
    %dma_start3A_8 = arith.constant 0 : i32
    %dma_start3A_9 = arith.constant 0 : i32
    %dma_start3A_10 = tpu.memref_slice %arg2[%dma_start3A_8, %dma_start3A_9] : memref<160000x128xf32, #tpu.memory_space<hbm>> -> memref<160000x128xf32, #tpu.memory_space<hbm>>
    tpu.enqueue_indirect_dma source(%dma_start3A_10 : memref<160000x128xf32, #tpu.memory_space<hbm>>) target(%arg9 : memref<80x128xf32, #tpu.memory_space<vmem>>) offsets(%dma_start3A : memref<80xi32, #tpu.memory_space<vmem>>) semaphore(%arg12 : memref<!tpu.dma_semaphore, #tpu.memory_space<semaphore_mem>>)
    %multiple_of3A_11 = arith.constant 80 : i32
    %multiple_of3A_12 = tpu.assume_multiple %multiple_of3A_11, 80 : i32
    %dma_start3A_13 = tpu.memref_slice %arg7[%multiple_of3A_12] : memref<10000xi32, #tpu.memory_space<vmem>> -> memref<80xi32, #tpu.memory_space<vmem>>
    %dma_start3A_14 = arith.constant 0 : i32
    %dma_start3A_15 = arith.constant 0 : i32
    %dma_start3A_16 = tpu.memref_slice %arg2[%dma_start3A_14, %dma_start3A_15] : memref<160000x128xf32, #tpu.memory_space<hbm>> -> memref<160000x128xf32, #tpu.memory_space<hbm>>
    tpu.enqueue_indirect_dma source(%dma_start3A_16 : memref<160000x128xf32, #tpu.memory_space<hbm>>) target(%arg10 : memref<80x128xf32, #tpu.memory_space<vmem>>) offsets(%dma_start3A_13 : memref<80xi32, #tpu.memory_space<vmem>>) semaphore(%arg13 : memref<!tpu.dma_semaphore, #tpu.memory_space<semaphore_mem>>)
    %scan3A = arith.constant 0 : i32
    %scan3A_17 = arith.constant 0 : i32
    %scan3A_18 = arith.constant 62 : i32
    %scan3A_19 = arith.addi %scan3A_17, %scan3A_18 : i32
    %scan3A_20 = arith.constant 1 : i32
    scf.for %scan3A_49 = %scan3A_17 to %scan3A_19 step %scan3A_20  : i32 {
      %mul3A_50 = arith.constant 2 : i32
      %mul3A_51 = arith.muli %mul3A_50, %scan3A_49 : i32
      %add3A_52 = arith.constant 0 : i32
      %add3A_53 = arith.addi %mul3A_51, %add3A_52 : i32
      %mul3A_54 = arith.constant 80 : i32
      %mul3A_55 = arith.muli %add3A_53, %mul3A_54 : i32
      %multiple_of3A_56 = tpu.assume_multiple %mul3A_55, 80 : i32
      %dma_wait3A_57 = tpu.memref_slice %arg7[%multiple_of3A_56] : memref<10000xi32, #tpu.memory_space<vmem>> -> memref<80xi32, #tpu.memory_space<vmem>>
      %dma_wait3A_58 = arith.constant 0 : i32
      %dma_wait3A_59 = arith.constant 0 : i32
      %dma_wait3A_60 = tpu.memref_slice %arg2[%dma_wait3A_58, %dma_wait3A_59] : memref<160000x128xf32, #tpu.memory_space<hbm>> -> memref<160000x128xf32, #tpu.memory_space<hbm>>
      tpu.wait_indirect_dma semaphore(%arg12 : memref<!tpu.dma_semaphore, #tpu.memory_space<semaphore_mem>>) src(%dma_wait3A_60 : memref<160000x128xf32, #tpu.memory_space<hbm>>) dst(%arg9 : memref<80x128xf32, #tpu.memory_space<vmem>>)
      "tpu.region"() ({
        %run_scoped3A_93 = tpu.sem_alloc : memref<!tpu.dma_semaphore, #tpu.memory_space<semaphore_mem>>
        %dma_start3A_94 = arith.constant 0 : i32
        %dma_start3A_95 = tpu.memref_slice %arg8[%add3A_53, %dma_start3A_94] : memref<128x80xi32, #tpu.memory_space<vmem>> -> memref<1x80xi32, #tpu.memory_space<vmem>>
        %dma_start3A_96 = tpu.memref_squeeze %dma_start3A_95 : memref<1x80xi32, #tpu.memory_space<vmem>> -> memref<80xi32, #tpu.memory_space<vmem>>
        %dma_start3A_97 = arith.constant 0 : i32
        %dma_start3A_98 = arith.constant 0 : i32
        %dma_start3A_99 = tpu.memref_slice %arg11[%dma_start3A_97, %dma_start3A_98] : memref<10000x128xf32, #tpu.memory_space<vmem_shared>> -> memref<10000x128xf32, #tpu.memory_space<vmem_shared>>
        tpu.enqueue_indirect_dma source(%arg9 : memref<80x128xf32, #tpu.memory_space<vmem>>) target(%dma_start3A_99 : memref<10000x128xf32, #tpu.memory_space<vmem_shared>>) offsets(%dma_start3A_96 : memref<80xi32, #tpu.memory_space<vmem>>) semaphore(%run_scoped3A_93 : memref<!tpu.dma_semaphore, #tpu.memory_space<semaphore_mem>>) {add = true}
        %dma_wait3A_100 = arith.constant 0 : i32
        %dma_wait3A_101 = tpu.memref_slice %arg8[%add3A_53, %dma_wait3A_100] : memref<128x80xi32, #tpu.memory_space<vmem>> -> memref<1x80xi32, #tpu.memory_space<vmem>>
        %dma_wait3A_102 = tpu.memref_squeeze %dma_wait3A_101 : memref<1x80xi32, #tpu.memory_space<vmem>> -> memref<80xi32, #tpu.memory_space<vmem>>
        %dma_wait3A_103 = arith.constant 0 : i32
        %dma_wait3A_104 = arith.constant 0 : i32
        %dma_wait3A_105 = tpu.memref_slice %arg11[%dma_wait3A_103, %dma_wait3A_104] : memref<10000x128xf32, #tpu.memory_space<vmem_shared>> -> memref<10000x128xf32, #tpu.memory_space<vmem_shared>>
        tpu.wait_indirect_dma semaphore(%run_scoped3A_93 : memref<!tpu.dma_semaphore, #tpu.memory_space<semaphore_mem>>) src(%arg9 : memref<80x128xf32, #tpu.memory_space<vmem>>) dst(%dma_wait3A_105 : memref<10000x128xf32, #tpu.memory_space<vmem_shared>>)
        tpu.yield
      }) : () -> ()
      %add3A_61 = arith.constant 2 : i32
      %add3A_62 = arith.addi %add3A_53, %add3A_61 : i32
      %min3A = arith.constant 124 : i32
      %min3A_63 = arith.minsi %add3A_62, %min3A : i32
      %mul3A_64 = arith.constant 80 : i32
      %mul3A_65 = arith.muli %min3A_63, %mul3A_64 : i32
      %multiple_of3A_66 = tpu.assume_multiple %mul3A_65, 80 : i32
      %dma_start3A_67 = tpu.memref_slice %arg7[%multiple_of3A_66] : memref<10000xi32, #tpu.memory_space<vmem>> -> memref<80xi32, #tpu.memory_space<vmem>>
      %dma_start3A_68 = arith.constant 0 : i32
      %dma_start3A_69 = arith.constant 0 : i32
      %dma_start3A_70 = tpu.memref_slice %arg2[%dma_start3A_68, %dma_start3A_69] : memref<160000x128xf32, #tpu.memory_space<hbm>> -> memref<160000x128xf32, #tpu.memory_space<hbm>>
      tpu.enqueue_indirect_dma source(%dma_start3A_70 : memref<160000x128xf32, #tpu.memory_space<hbm>>) target(%arg9 : memref<80x128xf32, #tpu.memory_space<vmem>>) offsets(%dma_start3A_67 : memref<80xi32, #tpu.memory_space<vmem>>) semaphore(%arg12 : memref<!tpu.dma_semaphore, #tpu.memory_space<semaphore_mem>>)
      %mul3A_71 = arith.constant 2 : i32
      %mul3A_72 = arith.muli %mul3A_71, %scan3A_49 : i32
      %add3A_73 = arith.constant 1 : i32
      %add3A_74 = arith.addi %mul3A_72, %add3A_73 : i32
      %mul3A_75 = arith.constant 80 : i32
      %mul3A_76 = arith.muli %add3A_74, %mul3A_75 : i32
      %multiple_of3A_77 = tpu.assume_multiple %mul3A_76, 80 : i32
      %dma_wait3A_78 = tpu.memref_slice %arg7[%multiple_of3A_77] : memref<10000xi32, #tpu.memory_space<vmem>> -> memref<80xi32, #tpu.memory_space<vmem>>
      %dma_wait3A_79 = arith.constant 0 : i32
      %dma_wait3A_80 = arith.constant 0 : i32
      %dma_wait3A_81 = tpu.memref_slice %arg2[%dma_wait3A_79, %dma_wait3A_80] : memref<160000x128xf32, #tpu.memory_space<hbm>> -> memref<160000x128xf32, #tpu.memory_space<hbm>>
      tpu.wait_indirect_dma semaphore(%arg13 : memref<!tpu.dma_semaphore, #tpu.memory_space<semaphore_mem>>) src(%dma_wait3A_81 : memref<160000x128xf32, #tpu.memory_space<hbm>>) dst(%arg10 : memref<80x128xf32, #tpu.memory_space<vmem>>)
      "tpu.region"() ({
        %run_scoped3A_93 = tpu.sem_alloc : memref<!tpu.dma_semaphore, #tpu.memory_space<semaphore_mem>>
        %dma_start3A_94 = arith.constant 0 : i32
        %dma_start3A_95 = tpu.memref_slice %arg8[%add3A_74, %dma_start3A_94] : memref<128x80xi32, #tpu.memory_space<vmem>> -> memref<1x80xi32, #tpu.memory_space<vmem>>
        %dma_start3A_96 = tpu.memref_squeeze %dma_start3A_95 : memref<1x80xi32, #tpu.memory_space<vmem>> -> memref<80xi32, #tpu.memory_space<vmem>>
        %dma_start3A_97 = arith.constant 0 : i32
        %dma_start3A_98 = arith.constant 0 : i32
        %dma_start3A_99 = tpu.memref_slice %arg11[%dma_start3A_97, %dma_start3A_98] : memref<10000x128xf32, #tpu.memory_space<vmem_shared>> -> memref<10000x128xf32, #tpu.memory_space<vmem_shared>>
        tpu.enqueue_indirect_dma source(%arg10 : memref<80x128xf32, #tpu.memory_space<vmem>>) target(%dma_start3A_99 : memref<10000x128xf32, #tpu.memory_space<vmem_shared>>) offsets(%dma_start3A_96 : memref<80xi32, #tpu.memory_space<vmem>>) semaphore(%run_scoped3A_93 : memref<!tpu.dma_semaphore, #tpu.memory_space<semaphore_mem>>) {add = true}
        %dma_wait3A_100 = arith.constant 0 : i32
        %dma_wait3A_101 = tpu.memref_slice %arg8[%add3A_74, %dma_wait3A_100] : memref<128x80xi32, #tpu.memory_space<vmem>> -> memref<1x80xi32, #tpu.memory_space<vmem>>
        %dma_wait3A_102 = tpu.memref_squeeze %dma_wait3A_101 : memref<1x80xi32, #tpu.memory_space<vmem>> -> memref<80xi32, #tpu.memory_space<vmem>>
        %dma_wait3A_103 = arith.constant 0 : i32
        %dma_wait3A_104 = arith.constant 0 : i32
        %dma_wait3A_105 = tpu.memref_slice %arg11[%dma_wait3A_103, %dma_wait3A_104] : memref<10000x128xf32, #tpu.memory_space<vmem_shared>> -> memref<10000x128xf32, #tpu.memory_space<vmem_shared>>
        tpu.wait_indirect_dma semaphore(%run_scoped3A_93 : memref<!tpu.dma_semaphore, #tpu.memory_space<semaphore_mem>>) src(%arg10 : memref<80x128xf32, #tpu.memory_space<vmem>>) dst(%dma_wait3A_105 : memref<10000x128xf32, #tpu.memory_space<vmem_shared>>)
        tpu.yield
      }) : () -> ()
      %add3A_82 = arith.constant 2 : i32
      %add3A_83 = arith.addi %add3A_74, %add3A_82 : i32
      %min3A_84 = arith.constant 124 : i32
      %min3A_85 = arith.minsi %add3A_83, %min3A_84 : i32
      %mul3A_86 = arith.constant 80 : i32
      %mul3A_87 = arith.muli %min3A_85, %mul3A_86 : i32
      %multiple_of3A_88 = tpu.assume_multiple %mul3A_87, 80 : i32
      %dma_start3A_89 = tpu.memref_slice %arg7[%multiple_of3A_88] : memref<10000xi32, #tpu.memory_space<vmem>> -> memref<80xi32, #tpu.memory_space<vmem>>
      %dma_start3A_90 = arith.constant 0 : i32
      %dma_start3A_91 = arith.constant 0 : i32
      %dma_start3A_92 = tpu.memref_slice %arg2[%dma_start3A_90, %dma_start3A_91] : memref<160000x128xf32, #tpu.memory_space<hbm>> -> memref<160000x128xf32, #tpu.memory_space<hbm>>
      tpu.enqueue_indirect_dma source(%dma_start3A_92 : memref<160000x128xf32, #tpu.memory_space<hbm>>) target(%arg10 : memref<80x128xf32, #tpu.memory_space<vmem>>) offsets(%dma_start3A_89 : memref<80xi32, #tpu.memory_space<vmem>>) semaphore(%arg13 : memref<!tpu.dma_semaphore, #tpu.memory_space<semaphore_mem>>)
    }
    %scan3A_21 = arith.constant 62 : i32
    %multiple_of3A_22 = arith.constant 9920 : i32
    %multiple_of3A_23 = tpu.assume_multiple %multiple_of3A_22, 80 : i32
    %dma_wait3A = tpu.memref_slice %arg7[%multiple_of3A_23] : memref<10000xi32, #tpu.memory_space<vmem>> -> memref<80xi32, #tpu.memory_space<vmem>>
    %dma_wait3A_24 = arith.constant 0 : i32
    %dma_wait3A_25 = arith.constant 0 : i32
    %dma_wait3A_26 = tpu.memref_slice %arg2[%dma_wait3A_24, %dma_wait3A_25] : memref<160000x128xf32, #tpu.memory_space<hbm>> -> memref<160000x128xf32, #tpu.memory_space<hbm>>
    tpu.wait_indirect_dma semaphore(%arg12 : memref<!tpu.dma_semaphore, #tpu.memory_space<semaphore_mem>>) src(%dma_wait3A_26 : memref<160000x128xf32, #tpu.memory_space<hbm>>) dst(%arg9 : memref<80x128xf32, #tpu.memory_space<vmem>>)
    %run_scoped3A = arith.constant 124 : i32
    "tpu.region"() ({
      %run_scoped3A_49 = tpu.sem_alloc : memref<!tpu.dma_semaphore, #tpu.memory_space<semaphore_mem>>
      %dma_start3A_50 = arith.constant 0 : i32
      %dma_start3A_51 = tpu.memref_slice %arg8[%run_scoped3A, %dma_start3A_50] : memref<128x80xi32, #tpu.memory_space<vmem>> -> memref<1x80xi32, #tpu.memory_space<vmem>>
      %dma_start3A_52 = tpu.memref_squeeze %dma_start3A_51 : memref<1x80xi32, #tpu.memory_space<vmem>> -> memref<80xi32, #tpu.memory_space<vmem>>
      %dma_start3A_53 = arith.constant 0 : i32
      %dma_start3A_54 = arith.constant 0 : i32
      %dma_start3A_55 = tpu.memref_slice %arg11[%dma_start3A_53, %dma_start3A_54] : memref<10000x128xf32, #tpu.memory_space<vmem_shared>> -> memref<10000x128xf32, #tpu.memory_space<vmem_shared>>
      tpu.enqueue_indirect_dma source(%arg9 : memref<80x128xf32, #tpu.memory_space<vmem>>) target(%dma_start3A_55 : memref<10000x128xf32, #tpu.memory_space<vmem_shared>>) offsets(%dma_start3A_52 : memref<80xi32, #tpu.memory_space<vmem>>) semaphore(%run_scoped3A_49 : memref<!tpu.dma_semaphore, #tpu.memory_space<semaphore_mem>>) {add = true}
      %dma_wait3A_56 = arith.constant 0 : i32
      %dma_wait3A_57 = tpu.memref_slice %arg8[%run_scoped3A, %dma_wait3A_56] : memref<128x80xi32, #tpu.memory_space<vmem>> -> memref<1x80xi32, #tpu.memory_space<vmem>>
      %dma_wait3A_58 = tpu.memref_squeeze %dma_wait3A_57 : memref<1x80xi32, #tpu.memory_space<vmem>> -> memref<80xi32, #tpu.memory_space<vmem>>
      %dma_wait3A_59 = arith.constant 0 : i32
      %dma_wait3A_60 = arith.constant 0 : i32
      %dma_wait3A_61 = tpu.memref_slice %arg11[%dma_wait3A_59, %dma_wait3A_60] : memref<10000x128xf32, #tpu.memory_space<vmem_shared>> -> memref<10000x128xf32, #tpu.memory_space<vmem_shared>>
      tpu.wait_indirect_dma semaphore(%run_scoped3A_49 : memref<!tpu.dma_semaphore, #tpu.memory_space<semaphore_mem>>) src(%arg9 : memref<80x128xf32, #tpu.memory_space<vmem>>) dst(%dma_wait3A_61 : memref<10000x128xf32, #tpu.memory_space<vmem_shared>>)
      tpu.yield
    }) : () -> ()
    %multiple_of3A_27 = arith.constant 9920 : i32
    %multiple_of3A_28 = tpu.assume_multiple %multiple_of3A_27, 80 : i32
    %dma_wait3A_29 = tpu.memref_slice %arg7[%multiple_of3A_28] : memref<10000xi32, #tpu.memory_space<vmem>> -> memref<80xi32, #tpu.memory_space<vmem>>
    %dma_wait3A_30 = arith.constant 0 : i32
    %dma_wait3A_31 = arith.constant 0 : i32
    %dma_wait3A_32 = tpu.memref_slice %arg2[%dma_wait3A_30, %dma_wait3A_31] : memref<160000x128xf32, #tpu.memory_space<hbm>> -> memref<160000x128xf32, #tpu.memory_space<hbm>>
    tpu.wait_indirect_dma semaphore(%arg13 : memref<!tpu.dma_semaphore, #tpu.memory_space<semaphore_mem>>) src(%dma_wait3A_32 : memref<160000x128xf32, #tpu.memory_space<hbm>>) dst(%arg10 : memref<80x128xf32, #tpu.memory_space<vmem>>)
    %barrier3A_33 = arith.constant 0 : index
    tpu.barrier barrier_id(%barrier3A_33)
    %eq3A_34 = arith.constant 0 : i32
    %eq3A_35 = arith.cmpi eq, %arg1, %eq3A_34 : i32
    %eq3A_36 = arith.constant 0 : i32
    %eq3A_37 = arith.cmpi eq, %arg0, %eq3A_36 : i32
    %and3A = arith.andi %eq3A_35, %eq3A_37 : i1
    %convert_element_type3A_38 = arith.extui %and3A : i1 to i32
    %cond3A_39 = arith.constant 0 : i32
    %cond3A_40 = arith.cmpi ne, %convert_element_type3A_38, %cond3A_39 : i32
    scf.if %cond3A_40 {
      %run_scoped3A_49 = arith.constant 0 : i32
      "tpu.region"() ({
        %run_scoped3A_50 = tpu.sem_alloc : memref<!tpu.dma_semaphore, #tpu.memory_space<semaphore_mem>>
        %dma_start3A_51 = arith.constant 0 : i32
        %dma_start3A_52 = arith.constant 0 : i32
        %dma_start3A_53 = tpu.memref_slice %arg6[%run_scoped3A_49, %dma_start3A_51, %dma_start3A_52] : memref<2x10000x128xf32, #tpu.memory_space<hbm>> -> memref<1x10000x128xf32, #tpu.memory_space<hbm>>
        %dma_start3A_54 = tpu.memref_squeeze %dma_start3A_53 : memref<1x10000x128xf32, #tpu.memory_space<hbm>> -> memref<10000x128xf32, #tpu.memory_space<hbm>>
        tpu.enqueue_dma source(%arg11 : memref<10000x128xf32, #tpu.memory_space<vmem_shared>>) target(%dma_start3A_54 : memref<10000x128xf32, #tpu.memory_space<hbm>>) target_semaphore(%run_scoped3A_50 : memref<!tpu.dma_semaphore, #tpu.memory_space<semaphore_mem>>)
        %dma_wait3A_55 = arith.constant 0 : i32
        %dma_wait3A_56 = arith.constant 0 : i32
        %dma_wait3A_57 = tpu.memref_slice %arg6[%run_scoped3A_49, %dma_wait3A_55, %dma_wait3A_56] : memref<2x10000x128xf32, #tpu.memory_space<hbm>> -> memref<1x10000x128xf32, #tpu.memory_space<hbm>>
        %dma_wait3A_58 = tpu.memref_squeeze %dma_wait3A_57 : memref<1x10000x128xf32, #tpu.memory_space<hbm>> -> memref<10000x128xf32, #tpu.memory_space<hbm>>
        tpu.wait_dma2 semaphore(%run_scoped3A_50 : memref<!tpu.dma_semaphore, #tpu.memory_space<semaphore_mem>>) src(%arg11 : memref<10000x128xf32, #tpu.memory_space<vmem_shared>>) dst(%dma_wait3A_58 : memref<10000x128xf32, #tpu.memory_space<hbm>>)
        tpu.yield
      }) : () -> ()
    } else {
    }
    %eq3A_41 = arith.constant 0 : i32
    %eq3A_42 = arith.cmpi eq, %arg1, %eq3A_41 : i32
    %eq3A_43 = arith.constant 1 : i32
    %eq3A_44 = arith.cmpi eq, %arg0, %eq3A_43 : i32
    %and3A_45 = arith.andi %eq3A_42, %eq3A_44 : i1
    %convert_element_type3A_46 = arith.extui %and3A_45 : i1 to i32
    %cond3A_47 = arith.constant 0 : i32
    %cond3A_48 = arith.cmpi ne, %convert_element_type3A_46, %cond3A_47 : i32
    scf.if %cond3A_48 {
      %run_scoped3A_49 = arith.constant 1 : i32
      "tpu.region"() ({
        %run_scoped3A_50 = tpu.sem_alloc : memref<!tpu.dma_semaphore, #tpu.memory_space<semaphore_mem>>
        %dma_start3A_51 = arith.constant 0 : i32
        %dma_start3A_52 = arith.constant 0 : i32
        %dma_start3A_53 = tpu.memref_slice %arg6[%run_scoped3A_49, %dma_start3A_51, %dma_start3A_52] : memref<2x10000x128xf32, #tpu.memory_space<hbm>> -> memref<1x10000x128xf32, #tpu.memory_space<hbm>>
        %dma_start3A_54 = tpu.memref_squeeze %dma_start3A_53 : memref<1x10000x128xf32, #tpu.memory_space<hbm>> -> memref<10000x128xf32, #tpu.memory_space<hbm>>
        tpu.enqueue_dma source(%arg11 : memref<10000x128xf32, #tpu.memory_space<vmem_shared>>) target(%dma_start3A_54 : memref<10000x128xf32, #tpu.memory_space<hbm>>) target_semaphore(%run_scoped3A_50 : memref<!tpu.dma_semaphore, #tpu.memory_space<semaphore_mem>>)
        %dma_wait3A_55 = arith.constant 0 : i32
        %dma_wait3A_56 = arith.constant 0 : i32
        %dma_wait3A_57 = tpu.memref_slice %arg6[%run_scoped3A_49, %dma_wait3A_55, %dma_wait3A_56] : memref<2x10000x128xf32, #tpu.memory_space<hbm>> -> memref<1x10000x128xf32, #tpu.memory_space<hbm>>
        %dma_wait3A_58 = tpu.memref_squeeze %dma_wait3A_57 : memref<1x10000x128xf32, #tpu.memory_space<hbm>> -> memref<10000x128xf32, #tpu.memory_space<hbm>>
        tpu.wait_dma2 semaphore(%run_scoped3A_50 : memref<!tpu.dma_semaphore, #tpu.memory_space<semaphore_mem>>) src(%arg11 : memref<10000x128xf32, #tpu.memory_space<vmem_shared>>) dst(%dma_wait3A_58 : memref<10000x128xf32, #tpu.memory_space<hbm>>)
        tpu.yield
      }) : () -> ()
    } else {
    }
    return
  }
}

#map = affine_map<(d0, d1) -> (0, 0)>
#map1 = affine_map<(d0, d1) -> (0)>
#map2 = affine_map<(d0, d1) -> (0, 0, 0)>
module attributes {stable_mosaic.version = 14 : i64} {
  func.func @_sc_body(%arg0: i32, %arg1: i32, %arg2: memref<160000x128xf32, #tpu.memory_space<hbm>>, %arg3: memref<320000xi32, #tpu.memory_space<hbm>>, %arg4: memref<2048x80xi32, #tpu.memory_space<hbm>>, %arg5: memref<10000x128xf32, #tpu.memory_space<hbm>>, %arg6: memref<2x10000x128xf32, #tpu.memory_space<hbm>>, %arg7: memref<10000xi32, #tpu.memory_space<vmem>>, %arg8: memref<128x80xi32, #tpu.memory_space<vmem>>, %arg9: memref<80x128xf32, #tpu.memory_space<vmem>>, %arg10: memref<80x128xf32, #tpu.memory_space<vmem>>, %arg11: memref<10000x128xf32, #tpu.memory_space<vmem_shared>>, %arg12: memref<!tpu.dma_semaphore, #tpu.memory_space<semaphore_mem>>, %arg13: memref<!tpu.dma_semaphore, #tpu.memory_space<semaphore_mem>>) attributes {dimension_semantics = [#tpu.dimension_semantics<core_parallel>, #tpu.dimension_semantics<subcore_parallel>], iteration_bounds = array<i64: 2, 16>, scalar_prefetch = 0 : i64, scratch_operands = 7 : i64, tpu.core_type = #tpu.core_type<sc_vector_subcore>, window_params = [{transform_indices = #map}, {transform_indices = #map1}, {transform_indices = #map}, {transform_indices = #map}, {transform_indices = #map2}]} {
    %eq3A = arith.constant 0 : i32
    %eq3A_0 = arith.cmpi eq, %arg1, %eq3A : i32
    %convert_element_type3A = arith.extui %eq3A_0 : i1 to i32
    %cond3A = arith.constant 0 : i32
    %cond3A_1 = arith.cmpi ne, %convert_element_type3A, %cond3A : i32
    scf.if %cond3A_1 {
      "tpu.region"() ({
        %run_scoped3A_49 = tpu.sem_alloc : memref<!tpu.dma_semaphore, #tpu.memory_space<semaphore_mem>>
        tpu.enqueue_dma source(%arg5 : memref<10000x128xf32, #tpu.memory_space<hbm>>) target(%arg11 : memref<10000x128xf32, #tpu.memory_space<vmem_shared>>) target_semaphore(%run_scoped3A_49 : memref<!tpu.dma_semaphore, #tpu.memory_space<semaphore_mem>>)
        tpu.wait_dma2 semaphore(%run_scoped3A_49 : memref<!tpu.dma_semaphore, #tpu.memory_space<semaphore_mem>>) src(%arg5 : memref<10000x128xf32, #tpu.memory_space<hbm>>) dst(%arg11 : memref<10000x128xf32, #tpu.memory_space<vmem_shared>>)
        tpu.yield
      }) : () -> ()
    } else {
    }
    %mul3A = arith.constant 160000 : i32
    %mul3A_2 = arith.muli %arg0, %mul3A : i32
    %mul3A_3 = arith.constant 10000 : i32
    %mul3A_4 = arith.muli %arg1, %mul3A_3 : i32
    %add3A = arith.addi %mul3A_2, %mul3A_4 : i32
    "tpu.region"() ({
      %run_scoped3A_49 = tpu.sem_alloc : memref<!tpu.dma_semaphore, #tpu.memory_space<semaphore_mem>>
      %dma_start3A_50 = tpu.memref_slice %arg3[%add3A] : memref<320000xi32, #tpu.memory_space<hbm>> -> memref<10000xi32, #tpu.memory_space<hbm>>
      %dma_start3A_51 = tpu.memref_slice %arg3[%add3A] : memref<320000xi32, #tpu.memory_space<hbm>> -> memref<10000xi32, #tpu.memory_space<hbm>>
      tpu.enqueue_dma source(%dma_start3A_51 : memref<10000xi32, #tpu.memory_space<hbm>>) target(%arg7 : memref<10000xi32, #tpu.memory_space<vmem>>) target_semaphore(%run_scoped3A_49 : memref<!tpu.dma_semaphore, #tpu.memory_space<semaphore_mem>>)
      %dma_wait3A_52 = tpu.memref_slice %arg3[%add3A] : memref<320000xi32, #tpu.memory_space<hbm>> -> memref<10000xi32, #tpu.memory_space<hbm>>
      %dma_wait3A_53 = tpu.memref_slice %arg3[%add3A] : memref<320000xi32, #tpu.memory_space<hbm>> -> memref<10000xi32, #tpu.memory_space<hbm>>
      tpu.wait_dma2 semaphore(%run_scoped3A_49 : memref<!tpu.dma_semaphore, #tpu.memory_space<semaphore_mem>>) src(%dma_wait3A_53 : memref<10000xi32, #tpu.memory_space<hbm>>) dst(%arg7 : memref<10000xi32, #tpu.memory_space<vmem>>)
      tpu.yield
    }) : () -> ()
    %mul3A_5 = arith.constant 128 : i32
    %mul3A_6 = arith.muli %arg1, %mul3A_5 : i32
    "tpu.region"() ({
      %run_scoped3A_49 = tpu.sem_alloc : memref<!tpu.dma_semaphore, #tpu.memory_space<semaphore_mem>>
      %dma_start3A_50 = arith.constant 0 : i32
      %dma_start3A_51 = tpu.memref_slice %arg4[%mul3A_6, %dma_start3A_50] : memref<2048x80xi32, #tpu.memory_space<hbm>> -> memref<128x80xi32, #tpu.memory_space<hbm>>
      %dma_start3A_52 = arith.constant 0 : i32
      %dma_start3A_53 = tpu.memref_slice %arg4[%mul3A_6, %dma_start3A_52] : memref<2048x80xi32, #tpu.memory_space<hbm>> -> memref<128x80xi32, #tpu.memory_space<hbm>>
      tpu.enqueue_dma source(%dma_start3A_53 : memref<128x80xi32, #tpu.memory_space<hbm>>) target(%arg8 : memref<128x80xi32, #tpu.memory_space<vmem>>) target_semaphore(%run_scoped3A_49 : memref<!tpu.dma_semaphore, #tpu.memory_space<semaphore_mem>>)
      %dma_wait3A_54 = arith.constant 0 : i32
      %dma_wait3A_55 = tpu.memref_slice %arg4[%mul3A_6, %dma_wait3A_54] : memref<2048x80xi32, #tpu.memory_space<hbm>> -> memref<128x80xi32, #tpu.memory_space<hbm>>
      %dma_wait3A_56 = arith.constant 0 : i32
      %dma_wait3A_57 = tpu.memref_slice %arg4[%mul3A_6, %dma_wait3A_56] : memref<2048x80xi32, #tpu.memory_space<hbm>> -> memref<128x80xi32, #tpu.memory_space<hbm>>
      tpu.wait_dma2 semaphore(%run_scoped3A_49 : memref<!tpu.dma_semaphore, #tpu.memory_space<semaphore_mem>>) src(%dma_wait3A_57 : memref<128x80xi32, #tpu.memory_space<hbm>>) dst(%arg8 : memref<128x80xi32, #tpu.memory_space<vmem>>)
      tpu.yield
    }) : () -> ()
    %barrier3A = arith.constant 0 : index
    tpu.barrier barrier_id(%barrier3A)
    %multiple_of3A = arith.constant 0 : i32
    %multiple_of3A_7 = tpu.assume_multiple %multiple_of3A, 80 : i32
    %dma_start3A = tpu.memref_slice %arg7[%multiple_of3A_7] : memref<10000xi32, #tpu.memory_space<vmem>> -> memref<80xi32, #tpu.memory_space<vmem>>
    %dma_start3A_8 = arith.constant 0 : i32
    %dma_start3A_9 = arith.constant 0 : i32
    %dma_start3A_10 = tpu.memref_slice %arg2[%dma_start3A_8, %dma_start3A_9] : memref<160000x128xf32, #tpu.memory_space<hbm>> -> memref<160000x128xf32, #tpu.memory_space<hbm>>
    tpu.enqueue_indirect_dma source(%dma_start3A_10 : memref<160000x128xf32, #tpu.memory_space<hbm>>) target(%arg9 : memref<80x128xf32, #tpu.memory_space<vmem>>) offsets(%dma_start3A : memref<80xi32, #tpu.memory_space<vmem>>) semaphore(%arg12 : memref<!tpu.dma_semaphore, #tpu.memory_space<semaphore_mem>>)
    %multiple_of3A_11 = arith.constant 80 : i32
    %multiple_of3A_12 = tpu.assume_multiple %multiple_of3A_11, 80 : i32
    %dma_start3A_13 = tpu.memref_slice %arg7[%multiple_of3A_12] : memref<10000xi32, #tpu.memory_space<vmem>> -> memref<80xi32, #tpu.memory_space<vmem>>
    %dma_start3A_14 = arith.constant 0 : i32
    %dma_start3A_15 = arith.constant 0 : i32
    %dma_start3A_16 = tpu.memref_slice %arg2[%dma_start3A_14, %dma_start3A_15] : memref<160000x128xf32, #tpu.memory_space<hbm>> -> memref<160000x128xf32, #tpu.memory_space<hbm>>
    tpu.enqueue_indirect_dma source(%dma_start3A_16 : memref<160000x128xf32, #tpu.memory_space<hbm>>) target(%arg10 : memref<80x128xf32, #tpu.memory_space<vmem>>) offsets(%dma_start3A_13 : memref<80xi32, #tpu.memory_space<vmem>>) semaphore(%arg13 : memref<!tpu.dma_semaphore, #tpu.memory_space<semaphore_mem>>)
    %scan3A = arith.constant 0 : i32
    %scan3A_17 = arith.constant 0 : i32
    %scan3A_18 = arith.constant 62 : i32
    %scan3A_19 = arith.addi %scan3A_17, %scan3A_18 : i32
    %scan3A_20 = arith.constant 1 : i32
    scf.for %scan3A_49 = %scan3A_17 to %scan3A_19 step %scan3A_20  : i32 {
      %mul3A_50 = arith.constant 2 : i32
      %mul3A_51 = arith.muli %mul3A_50, %scan3A_49 : i32
      %add3A_52 = arith.constant 0 : i32
      %add3A_53 = arith.addi %mul3A_51, %add3A_52 : i32
      %mul3A_54 = arith.constant 80 : i32
      %mul3A_55 = arith.muli %add3A_53, %mul3A_54 : i32
      %multiple_of3A_56 = tpu.assume_multiple %mul3A_55, 80 : i32
      %dma_wait3A_57 = tpu.memref_slice %arg7[%multiple_of3A_56] : memref<10000xi32, #tpu.memory_space<vmem>> -> memref<80xi32, #tpu.memory_space<vmem>>
      %dma_wait3A_58 = arith.constant 0 : i32
      %dma_wait3A_59 = arith.constant 0 : i32
      %dma_wait3A_60 = tpu.memref_slice %arg2[%dma_wait3A_58, %dma_wait3A_59] : memref<160000x128xf32, #tpu.memory_space<hbm>> -> memref<160000x128xf32, #tpu.memory_space<hbm>>
      tpu.wait_indirect_dma semaphore(%arg12 : memref<!tpu.dma_semaphore, #tpu.memory_space<semaphore_mem>>) src(%dma_wait3A_60 : memref<160000x128xf32, #tpu.memory_space<hbm>>) dst(%arg9 : memref<80x128xf32, #tpu.memory_space<vmem>>)
      "tpu.region"() ({
        %run_scoped3A_93 = tpu.sem_alloc : memref<!tpu.dma_semaphore, #tpu.memory_space<semaphore_mem>>
        %dma_start3A_94 = arith.constant 0 : i32
        %dma_start3A_95 = tpu.memref_slice %arg8[%add3A_53, %dma_start3A_94] : memref<128x80xi32, #tpu.memory_space<vmem>> -> memref<1x80xi32, #tpu.memory_space<vmem>>
        %dma_start3A_96 = tpu.memref_squeeze %dma_start3A_95 : memref<1x80xi32, #tpu.memory_space<vmem>> -> memref<80xi32, #tpu.memory_space<vmem>>
        %dma_start3A_97 = arith.constant 0 : i32
        %dma_start3A_98 = arith.constant 0 : i32
        %dma_start3A_99 = tpu.memref_slice %arg11[%dma_start3A_97, %dma_start3A_98] : memref<10000x128xf32, #tpu.memory_space<vmem_shared>> -> memref<10000x128xf32, #tpu.memory_space<vmem_shared>>
        tpu.enqueue_indirect_dma source(%arg9 : memref<80x128xf32, #tpu.memory_space<vmem>>) target(%dma_start3A_99 : memref<10000x128xf32, #tpu.memory_space<vmem_shared>>) offsets(%dma_start3A_96 : memref<80xi32, #tpu.memory_space<vmem>>) semaphore(%run_scoped3A_93 : memref<!tpu.dma_semaphore, #tpu.memory_space<semaphore_mem>>) {add = true}
        %dma_wait3A_100 = arith.constant 0 : i32
        %dma_wait3A_101 = tpu.memref_slice %arg8[%add3A_53, %dma_wait3A_100] : memref<128x80xi32, #tpu.memory_space<vmem>> -> memref<1x80xi32, #tpu.memory_space<vmem>>
        %dma_wait3A_102 = tpu.memref_squeeze %dma_wait3A_101 : memref<1x80xi32, #tpu.memory_space<vmem>> -> memref<80xi32, #tpu.memory_space<vmem>>
        %dma_wait3A_103 = arith.constant 0 : i32
        %dma_wait3A_104 = arith.constant 0 : i32
        %dma_wait3A_105 = tpu.memref_slice %arg11[%dma_wait3A_103, %dma_wait3A_104] : memref<10000x128xf32, #tpu.memory_space<vmem_shared>> -> memref<10000x128xf32, #tpu.memory_space<vmem_shared>>
        tpu.wait_indirect_dma semaphore(%run_scoped3A_93 : memref<!tpu.dma_semaphore, #tpu.memory_space<semaphore_mem>>) src(%arg9 : memref<80x128xf32, #tpu.memory_space<vmem>>) dst(%dma_wait3A_105 : memref<10000x128xf32, #tpu.memory_space<vmem_shared>>)
        tpu.yield
      }) : () -> ()
      %add3A_61 = arith.constant 2 : i32
      %add3A_62 = arith.addi %add3A_53, %add3A_61 : i32
      %min3A = arith.constant 124 : i32
      %min3A_63 = arith.minsi %add3A_62, %min3A : i32
      %mul3A_64 = arith.constant 80 : i32
      %mul3A_65 = arith.muli %min3A_63, %mul3A_64 : i32
      %multiple_of3A_66 = tpu.assume_multiple %mul3A_65, 80 : i32
      %dma_start3A_67 = tpu.memref_slice %arg7[%multiple_of3A_66] : memref<10000xi32, #tpu.memory_space<vmem>> -> memref<80xi32, #tpu.memory_space<vmem>>
      %dma_start3A_68 = arith.constant 0 : i32
      %dma_start3A_69 = arith.constant 0 : i32
      %dma_start3A_70 = tpu.memref_slice %arg2[%dma_start3A_68, %dma_start3A_69] : memref<160000x128xf32, #tpu.memory_space<hbm>> -> memref<160000x128xf32, #tpu.memory_space<hbm>>
      tpu.enqueue_indirect_dma source(%dma_start3A_70 : memref<160000x128xf32, #tpu.memory_space<hbm>>) target(%arg9 : memref<80x128xf32, #tpu.memory_space<vmem>>) offsets(%dma_start3A_67 : memref<80xi32, #tpu.memory_space<vmem>>) semaphore(%arg12 : memref<!tpu.dma_semaphore, #tpu.memory_space<semaphore_mem>>)
      %mul3A_71 = arith.constant 2 : i32
      %mul3A_72 = arith.muli %mul3A_71, %scan3A_49 : i32
      %add3A_73 = arith.constant 1 : i32
      %add3A_74 = arith.addi %mul3A_72, %add3A_73 : i32
      %mul3A_75 = arith.constant 80 : i32
      %mul3A_76 = arith.muli %add3A_74, %mul3A_75 : i32
      %multiple_of3A_77 = tpu.assume_multiple %mul3A_76, 80 : i32
      %dma_wait3A_78 = tpu.memref_slice %arg7[%multiple_of3A_77] : memref<10000xi32, #tpu.memory_space<vmem>> -> memref<80xi32, #tpu.memory_space<vmem>>
      %dma_wait3A_79 = arith.constant 0 : i32
      %dma_wait3A_80 = arith.constant 0 : i32
      %dma_wait3A_81 = tpu.memref_slice %arg2[%dma_wait3A_79, %dma_wait3A_80] : memref<160000x128xf32, #tpu.memory_space<hbm>> -> memref<160000x128xf32, #tpu.memory_space<hbm>>
      tpu.wait_indirect_dma semaphore(%arg13 : memref<!tpu.dma_semaphore, #tpu.memory_space<semaphore_mem>>) src(%dma_wait3A_81 : memref<160000x128xf32, #tpu.memory_space<hbm>>) dst(%arg10 : memref<80x128xf32, #tpu.memory_space<vmem>>)
      "tpu.region"() ({
        %run_scoped3A_93 = tpu.sem_alloc : memref<!tpu.dma_semaphore, #tpu.memory_space<semaphore_mem>>
        %dma_start3A_94 = arith.constant 0 : i32
        %dma_start3A_95 = tpu.memref_slice %arg8[%add3A_74, %dma_start3A_94] : memref<128x80xi32, #tpu.memory_space<vmem>> -> memref<1x80xi32, #tpu.memory_space<vmem>>
        %dma_start3A_96 = tpu.memref_squeeze %dma_start3A_95 : memref<1x80xi32, #tpu.memory_space<vmem>> -> memref<80xi32, #tpu.memory_space<vmem>>
        %dma_start3A_97 = arith.constant 0 : i32
        %dma_start3A_98 = arith.constant 0 : i32
        %dma_start3A_99 = tpu.memref_slice %arg11[%dma_start3A_97, %dma_start3A_98] : memref<10000x128xf32, #tpu.memory_space<vmem_shared>> -> memref<10000x128xf32, #tpu.memory_space<vmem_shared>>
        tpu.enqueue_indirect_dma source(%arg10 : memref<80x128xf32, #tpu.memory_space<vmem>>) target(%dma_start3A_99 : memref<10000x128xf32, #tpu.memory_space<vmem_shared>>) offsets(%dma_start3A_96 : memref<80xi32, #tpu.memory_space<vmem>>) semaphore(%run_scoped3A_93 : memref<!tpu.dma_semaphore, #tpu.memory_space<semaphore_mem>>) {add = true}
        %dma_wait3A_100 = arith.constant 0 : i32
        %dma_wait3A_101 = tpu.memref_slice %arg8[%add3A_74, %dma_wait3A_100] : memref<128x80xi32, #tpu.memory_space<vmem>> -> memref<1x80xi32, #tpu.memory_space<vmem>>
        %dma_wait3A_102 = tpu.memref_squeeze %dma_wait3A_101 : memref<1x80xi32, #tpu.memory_space<vmem>> -> memref<80xi32, #tpu.memory_space<vmem>>
        %dma_wait3A_103 = arith.constant 0 : i32
        %dma_wait3A_104 = arith.constant 0 : i32
        %dma_wait3A_105 = tpu.memref_slice %arg11[%dma_wait3A_103, %dma_wait3A_104] : memref<10000x128xf32, #tpu.memory_space<vmem_shared>> -> memref<10000x128xf32, #tpu.memory_space<vmem_shared>>
        tpu.wait_indirect_dma semaphore(%run_scoped3A_93 : memref<!tpu.dma_semaphore, #tpu.memory_space<semaphore_mem>>) src(%arg10 : memref<80x128xf32, #tpu.memory_space<vmem>>) dst(%dma_wait3A_105 : memref<10000x128xf32, #tpu.memory_space<vmem_shared>>)
        tpu.yield
      }) : () -> ()
      %add3A_82 = arith.constant 2 : i32
      %add3A_83 = arith.addi %add3A_74, %add3A_82 : i32
      %min3A_84 = arith.constant 124 : i32
      %min3A_85 = arith.minsi %add3A_83, %min3A_84 : i32
      %mul3A_86 = arith.constant 80 : i32
      %mul3A_87 = arith.muli %min3A_85, %mul3A_86 : i32
      %multiple_of3A_88 = tpu.assume_multiple %mul3A_87, 80 : i32
      %dma_start3A_89 = tpu.memref_slice %arg7[%multiple_of3A_88] : memref<10000xi32, #tpu.memory_space<vmem>> -> memref<80xi32, #tpu.memory_space<vmem>>
      %dma_start3A_90 = arith.constant 0 : i32
      %dma_start3A_91 = arith.constant 0 : i32
      %dma_start3A_92 = tpu.memref_slice %arg2[%dma_start3A_90, %dma_start3A_91] : memref<160000x128xf32, #tpu.memory_space<hbm>> -> memref<160000x128xf32, #tpu.memory_space<hbm>>
      tpu.enqueue_indirect_dma source(%dma_start3A_92 : memref<160000x128xf32, #tpu.memory_space<hbm>>) target(%arg10 : memref<80x128xf32, #tpu.memory_space<vmem>>) offsets(%dma_start3A_89 : memref<80xi32, #tpu.memory_space<vmem>>) semaphore(%arg13 : memref<!tpu.dma_semaphore, #tpu.memory_space<semaphore_mem>>)
    }
    %scan3A_21 = arith.constant 62 : i32
    %multiple_of3A_22 = arith.constant 9920 : i32
    %multiple_of3A_23 = tpu.assume_multiple %multiple_of3A_22, 80 : i32
    %dma_wait3A = tpu.memref_slice %arg7[%multiple_of3A_23] : memref<10000xi32, #tpu.memory_space<vmem>> -> memref<80xi32, #tpu.memory_space<vmem>>
    %dma_wait3A_24 = arith.constant 0 : i32
    %dma_wait3A_25 = arith.constant 0 : i32
    %dma_wait3A_26 = tpu.memref_slice %arg2[%dma_wait3A_24, %dma_wait3A_25] : memref<160000x128xf32, #tpu.memory_space<hbm>> -> memref<160000x128xf32, #tpu.memory_space<hbm>>
    tpu.wait_indirect_dma semaphore(%arg12 : memref<!tpu.dma_semaphore, #tpu.memory_space<semaphore_mem>>) src(%dma_wait3A_26 : memref<160000x128xf32, #tpu.memory_space<hbm>>) dst(%arg9 : memref<80x128xf32, #tpu.memory_space<vmem>>)
    %run_scoped3A = arith.constant 124 : i32
    "tpu.region"() ({
      %run_scoped3A_49 = tpu.sem_alloc : memref<!tpu.dma_semaphore, #tpu.memory_space<semaphore_mem>>
      %dma_start3A_50 = arith.constant 0 : i32
      %dma_start3A_51 = tpu.memref_slice %arg8[%run_scoped3A, %dma_start3A_50] : memref<128x80xi32, #tpu.memory_space<vmem>> -> memref<1x80xi32, #tpu.memory_space<vmem>>
      %dma_start3A_52 = tpu.memref_squeeze %dma_start3A_51 : memref<1x80xi32, #tpu.memory_space<vmem>> -> memref<80xi32, #tpu.memory_space<vmem>>
      %dma_start3A_53 = arith.constant 0 : i32
      %dma_start3A_54 = arith.constant 0 : i32
      %dma_start3A_55 = tpu.memref_slice %arg11[%dma_start3A_53, %dma_start3A_54] : memref<10000x128xf32, #tpu.memory_space<vmem_shared>> -> memref<10000x128xf32, #tpu.memory_space<vmem_shared>>
      tpu.enqueue_indirect_dma source(%arg9 : memref<80x128xf32, #tpu.memory_space<vmem>>) target(%dma_start3A_55 : memref<10000x128xf32, #tpu.memory_space<vmem_shared>>) offsets(%dma_start3A_52 : memref<80xi32, #tpu.memory_space<vmem>>) semaphore(%run_scoped3A_49 : memref<!tpu.dma_semaphore, #tpu.memory_space<semaphore_mem>>) {add = true}
      %dma_wait3A_56 = arith.constant 0 : i32
      %dma_wait3A_57 = tpu.memref_slice %arg8[%run_scoped3A, %dma_wait3A_56] : memref<128x80xi32, #tpu.memory_space<vmem>> -> memref<1x80xi32, #tpu.memory_space<vmem>>
      %dma_wait3A_58 = tpu.memref_squeeze %dma_wait3A_57 : memref<1x80xi32, #tpu.memory_space<vmem>> -> memref<80xi32, #tpu.memory_space<vmem>>
      %dma_wait3A_59 = arith.constant 0 : i32
      %dma_wait3A_60 = arith.constant 0 : i32
      %dma_wait3A_61 = tpu.memref_slice %arg11[%dma_wait3A_59, %dma_wait3A_60] : memref<10000x128xf32, #tpu.memory_space<vmem_shared>> -> memref<10000x128xf32, #tpu.memory_space<vmem_shared>>
      tpu.wait_indirect_dma semaphore(%run_scoped3A_49 : memref<!tpu.dma_semaphore, #tpu.memory_space<semaphore_mem>>) src(%arg9 : memref<80x128xf32, #tpu.memory_space<vmem>>) dst(%dma_wait3A_61 : memref<10000x128xf32, #tpu.memory_space<vmem_shared>>)
      tpu.yield
    }) : () -> ()
    %multiple_of3A_27 = arith.constant 9920 : i32
    %multiple_of3A_28 = tpu.assume_multiple %multiple_of3A_27, 80 : i32
    %dma_wait3A_29 = tpu.memref_slice %arg7[%multiple_of3A_28] : memref<10000xi32, #tpu.memory_space<vmem>> -> memref<80xi32, #tpu.memory_space<vmem>>
    %dma_wait3A_30 = arith.constant 0 : i32
    %dma_wait3A_31 = arith.constant 0 : i32
    %dma_wait3A_32 = tpu.memref_slice %arg2[%dma_wait3A_30, %dma_wait3A_31] : memref<160000x128xf32, #tpu.memory_space<hbm>> -> memref<160000x128xf32, #tpu.memory_space<hbm>>
    tpu.wait_indirect_dma semaphore(%arg13 : memref<!tpu.dma_semaphore, #tpu.memory_space<semaphore_mem>>) src(%dma_wait3A_32 : memref<160000x128xf32, #tpu.memory_space<hbm>>) dst(%arg10 : memref<80x128xf32, #tpu.memory_space<vmem>>)
    %barrier3A_33 = arith.constant 0 : index
    tpu.barrier barrier_id(%barrier3A_33)
    %eq3A_34 = arith.constant 0 : i32
    %eq3A_35 = arith.cmpi eq, %arg1, %eq3A_34 : i32
    %eq3A_36 = arith.constant 0 : i32
    %eq3A_37 = arith.cmpi eq, %arg0, %eq3A_36 : i32
    %and3A = arith.andi %eq3A_35, %eq3A_37 : i1
    %convert_element_type3A_38 = arith.extui %and3A : i1 to i32
    %cond3A_39 = arith.constant 0 : i32
    %cond3A_40 = arith.cmpi ne, %convert_element_type3A_38, %cond3A_39 : i32
    scf.if %cond3A_40 {
      %run_scoped3A_49 = arith.constant 0 : i32
      "tpu.region"() ({
        %run_scoped3A_50 = tpu.sem_alloc : memref<!tpu.dma_semaphore, #tpu.memory_space<semaphore_mem>>
        %dma_start3A_51 = arith.constant 0 : i32
        %dma_start3A_52 = arith.constant 0 : i32
        %dma_start3A_53 = tpu.memref_slice %arg6[%run_scoped3A_49, %dma_start3A_51, %dma_start3A_52] : memref<2x10000x128xf32, #tpu.memory_space<hbm>> -> memref<1x10000x128xf32, #tpu.memory_space<hbm>>
        %dma_start3A_54 = tpu.memref_squeeze %dma_start3A_53 : memref<1x10000x128xf32, #tpu.memory_space<hbm>> -> memref<10000x128xf32, #tpu.memory_space<hbm>>
        tpu.enqueue_dma source(%arg11 : memref<10000x128xf32, #tpu.memory_space<vmem_shared>>) target(%dma_start3A_54 : memref<10000x128xf32, #tpu.memory_space<hbm>>) target_semaphore(%run_scoped3A_50 : memref<!tpu.dma_semaphore, #tpu.memory_space<semaphore_mem>>)
        %dma_wait3A_55 = arith.constant 0 : i32
        %dma_wait3A_56 = arith.constant 0 : i32
        %dma_wait3A_57 = tpu.memref_slice %arg6[%run_scoped3A_49, %dma_wait3A_55, %dma_wait3A_56] : memref<2x10000x128xf32, #tpu.memory_space<hbm>> -> memref<1x10000x128xf32, #tpu.memory_space<hbm>>
        %dma_wait3A_58 = tpu.memref_squeeze %dma_wait3A_57 : memref<1x10000x128xf32, #tpu.memory_space<hbm>> -> memref<10000x128xf32, #tpu.memory_space<hbm>>
        tpu.wait_dma2 semaphore(%run_scoped3A_50 : memref<!tpu.dma_semaphore, #tpu.memory_space<semaphore_mem>>) src(%arg11 : memref<10000x128xf32, #tpu.memory_space<vmem_shared>>) dst(%dma_wait3A_58 : memref<10000x128xf32, #tpu.memory_space<hbm>>)
        tpu.yield
      }) : () -> ()
    } else {
    }
    %eq3A_41 = arith.constant 0 : i32
    %eq3A_42 = arith.cmpi eq, %arg1, %eq3A_41 : i32
    %eq3A_43 = arith.constant 1 : i32
    %eq3A_44 = arith.cmpi eq, %arg0, %eq3A_43 : i32
    %and3A_45 = arith.andi %eq3A_42, %eq3A_44 : i1
    %convert_element_type3A_46 = arith.extui %and3A_45 : i1 to i32
    %cond3A_47 = arith.constant 0 : i32
    %cond3A_48 = arith.cmpi ne, %convert_element_type3A_46, %cond3A_47 : i32
    scf.if %cond3A_48 {
      %run_scoped3A_49 = arith.constant 1 : i32
      "tpu.region"() ({
        %run_scoped3A_50 = tpu.sem_alloc : memref<!tpu.dma_semaphore, #tpu.memory_space<semaphore_mem>>
        %dma_start3A_51 = arith.constant 0 : i32
        %dma_start3A_52 = arith.constant 0 : i32
        %dma_start3A_53 = tpu.memref_slice %arg6[%run_scoped3A_49, %dma_start3A_51, %dma_start3A_52] : memref<2x10000x128xf32, #tpu.memory_space<hbm>> -> memref<1x10000x128xf32, #tpu.memory_space<hbm>>
        %dma_start3A_54 = tpu.memref_squeeze %dma_start3A_53 : memref<1x10000x128xf32, #tpu.memory_space<hbm>> -> memref<10000x128xf32, #tpu.memory_space<hbm>>
        tpu.enqueue_dma source(%arg11 : memref<10000x128xf32, #tpu.memory_space<vmem_shared>>) target(%dma_start3A_54 : memref<10000x128xf32, #tpu.memory_space<hbm>>) target_semaphore(%run_scoped3A_50 : memref<!tpu.dma_semaphore, #tpu.memory_space<semaphore_mem>>)
        %dma_wait3A_55 = arith.constant 0 : i32
        %dma_wait3A_56 = arith.constant 0 : i32
        %dma_wait3A_57 = tpu.memref_slice %arg6[%run_scoped3A_49, %dma_wait3A_55, %dma_wait3A_56] : memref<2x10000x128xf32, #tpu.memory_space<hbm>> -> memref<1x10000x128xf32, #tpu.memory_space<hbm>>
        %dma_wait3A_58 = tpu.memref_squeeze %dma_wait3A_57 : memref<1x10000x128xf32, #tpu.memory_space<hbm>> -> memref<10000x128xf32, #tpu.memory_space<hbm>>
        tpu.wait_dma2 semaphore(%run_scoped3A_50 : memref<!tpu.dma_semaphore, #tpu.memory_space<semaphore_mem>>) src(%arg11 : memref<10000x128xf32, #tpu.memory_space<vmem_shared>>) dst(%dma_wait3A_58 : memref<10000x128xf32, #tpu.memory_space<hbm>>)
        tpu.yield
      }) : () -> ()
    } else {
    }
    return
  }
}

module attributes {stable_mosaic.version = 14 : i64} {
  func.func @_edge_prep_body(%arg0: memref<3x1250x128xi32, #tpu.memory_space<vmem>>, %arg1: memref<1250x128xi32, #tpu.memory_space<vmem>>, %arg2: memref<1250x128xi32, #tpu.memory_space<vmem>>) attributes {dimension_semantics = [], scalar_prefetch = 0 : i64, scratch_operands = 0 : i64, tpu.core_type = #tpu.core_type<tc>} {
    %get3A = arith.constant 0 : index
    %get3A_0 = arith.constant 0 : index
    %get3A_1 = arith.constant 0 : index
    %get3A_2 = vector.load %arg0[%get3A, %get3A_0, %get3A_1] : memref<3x1250x128xi32, #tpu.memory_space<vmem>>, vector<1x1250x128xi32>
    %get3A_3 = vector.shape_cast %get3A_2 : vector<1x1250x128xi32> to vector<1250x128xi32>
    %get3A_4 = arith.constant 1 : index
    %get3A_5 = arith.constant 0 : index
    %get3A_6 = arith.constant 0 : index
    %get3A_7 = vector.load %arg0[%get3A_4, %get3A_5, %get3A_6] : memref<3x1250x128xi32, #tpu.memory_space<vmem>>, vector<1x1250x128xi32>
    %get3A_8 = vector.shape_cast %get3A_7 : vector<1x1250x128xi32> to vector<1250x128xi32>
    %get3A_9 = arith.constant 2 : index
    %get3A_10 = arith.constant 0 : index
    %get3A_11 = arith.constant 0 : index
    %get3A_12 = vector.load %arg0[%get3A_9, %get3A_10, %get3A_11] : memref<3x1250x128xi32, #tpu.memory_space<vmem>>, vector<1x1250x128xi32>
    %get3A_13 = vector.shape_cast %get3A_12 : vector<1x1250x128xi32> to vector<1250x128xi32>
    %mul3A = arith.constant 2 : i32
    %mul3A_14 = vector.broadcast %mul3A : i32 to vector<1250x128xi32>
    %mul3A_15 = arith.muli %mul3A_14, %get3A_8 : vector<1250x128xi32>
    %add3A = arith.addi %get3A_3, %mul3A_15 : vector<1250x128xi32>
    %mul3A_16 = arith.constant 4 : i32
    %mul3A_17 = vector.broadcast %mul3A_16 : i32 to vector<1250x128xi32>
    %mul3A_18 = arith.muli %mul3A_17, %get3A_13 : vector<1250x128xi32>
    %add3A_19 = arith.addi %add3A, %mul3A_18 : vector<1250x128xi32>
    %mul3A_20 = arith.constant 10000 : i32
    %mul3A_21 = vector.broadcast %mul3A_20 : i32 to vector<1250x128xi32>
    %mul3A_22 = arith.muli %add3A_19, %mul3A_21 : vector<1250x128xi32>
    %get3A_23 = arith.constant 0 : index
    %get3A_24 = arith.constant 0 : index
    %get3A_25 = vector.load %arg1[%get3A_23, %get3A_24] : memref<1250x128xi32, #tpu.memory_space<vmem>>, vector<1250x128xi32>
    %add3A_26 = arith.addi %mul3A_22, %get3A_25 : vector<1250x128xi32>
    %swap3A = arith.constant 0 : index
    %swap3A_27 = arith.constant 0 : index
    %swap3A_28 = vector.load %arg2[%swap3A, %swap3A_27] : memref<1250x128xi32, #tpu.memory_space<vmem>>, vector<1250x128xi32>
    tpu.vector_store %arg2[%swap3A, %swap3A_27], %add3A_26 {strides = array<i32>} : memref<1250x128xi32, #tpu.memory_space<vmem>>, vector<1250x128xi32>,
    return
  }
}

module attributes {stable_mosaic.version = 14 : i64} {
  func.func @_enc0_body(%arg0: i32, %arg1: memref<400x9xi32, #tpu.memory_space<vmem>>, %arg2: memref<176x256xf32, #tpu.memory_space<vmem>>, %arg3: memref<1x256xf32, #tpu.memory_space<vmem>>, %arg4: memref<16x256xf32, #tpu.memory_space<vmem>>, %arg5: memref<400x256xf32, #tpu.memory_space<vmem>>, %arg6: memref<2x8x400x128xf32, #tpu.memory_space<vmem>>) attributes {dimension_semantics = [#tpu.dimension_semantics<arbitrary>], iteration_bounds = array<i64: 25>, scalar_prefetch = 0 : i64, scratch_operands = 0 : i64, tpu.core_type = #tpu.core_type<tc>, window_params = [{transform_indices = @transform_0, window_bounds = array<i64: 400, 9>}, {pipeline_mode = #tpu.pipeline_mode<synchronous>, transform_indices = @transform_1, window_bounds = array<i64: 176, 256>}, {pipeline_mode = #tpu.pipeline_mode<synchronous>, transform_indices = @transform_2, window_bounds = array<i64: 1, 256>}, {pipeline_mode = #tpu.pipeline_mode<synchronous>, transform_indices = @transform_3, window_bounds = array<i64: 16, 256>}, {transform_indices = @transform_4, window_bounds = array<i64: 400, 256>}, {transform_indices = @transform_5, window_bounds = array<i64: 2, 8, 400, 128>}]} {
    %get3A = arith.constant 0 : index
    %get3A_0 = arith.constant 0 : index
    %get3A_1 = vector.load %arg1[%get3A, %get3A_0] : memref<400x9xi32, #tpu.memory_space<vmem>>, vector<400x9xi32>
    %convert_element_type3A = arith.sitofp %get3A_1 : vector<400x9xi32> to vector<400x9xf32>
    %get3A_2 = arith.constant 0 : index
    %get3A_3 = arith.constant 0 : index
    %get3A_4 = vector.load %arg2[%get3A_2, %get3A_3] : memref<176x256xf32, #tpu.memory_space<vmem>>, vector<176x256xf32>
    %broadcast_in_dim3A = arith.constant 0.000000e+00 : f32
    %broadcast_in_dim3A_5 = vector.broadcast %broadcast_in_dim3A : f32 to vector<400x256xf32>
    %get3A_6 = arith.constant 0 : index
    %get3A_7 = arith.constant 0 : index
    %get3A_8 = vector.load %arg3[%get3A_6, %get3A_7] : memref<1x256xf32, #tpu.memory_space<vmem>>, vector<1x256xf32>
    %add3A = vector.broadcast %get3A_8 : vector<1x256xf32> to vector<400x256xf32>
    %add3A_9 = arith.addf %broadcast_in_dim3A_5, %add3A : vector<400x256xf32>
    %slice3A = vector.extract_strided_slice %get3A_4 {offsets = [0, 0], sizes = [1, 256], strides = [1, 1]} : vector<176x256xf32> to vector<1x256xf32>
    %slice3A_10 = vector.extract_strided_slice %get3A_4 {offsets = [1, 0], sizes = [1, 256], strides = [1, 1]} : vector<176x256xf32> to vector<1x256xf32>
    %add3A_11 = vector.broadcast %slice3A : vector<1x256xf32> to vector<400x256xf32>
    %add3A_12 = arith.addf %add3A_9, %add3A_11 : vector<400x256xf32>
    %slice3A_13 = vector.extract_strided_slice %convert_element_type3A {offsets = [0, 0], sizes = [400, 1], strides = [1, 1]} : vector<400x9xf32> to vector<400x1xf32>
    %sub3A = arith.subf %slice3A_10, %slice3A : vector<1x256xf32>
    %mul3A = vector.broadcast %slice3A_13 : vector<400x1xf32> to vector<400x256xf32>
    %mul3A_14 = vector.broadcast %sub3A : vector<1x256xf32> to vector<400x256xf32>
    %mul3A_15 = arith.mulf %mul3A, %mul3A_14 : vector<400x256xf32>
    %add3A_16 = arith.addf %add3A_12, %mul3A_15 : vector<400x256xf32>
    %slice3A_17 = vector.extract_strided_slice %get3A_4 {offsets = [119, 0], sizes = [1, 256], strides = [1, 1]} : vector<176x256xf32> to vector<1x256xf32>
    %slice3A_18 = vector.extract_strided_slice %get3A_4 {offsets = [120, 0], sizes = [1, 256], strides = [1, 1]} : vector<176x256xf32> to vector<1x256xf32>
    %add3A_19 = vector.broadcast %slice3A_17 : vector<1x256xf32> to vector<400x256xf32>
    %add3A_20 = arith.addf %add3A_16, %add3A_19 : vector<400x256xf32>
    %slice3A_21 = vector.extract_strided_slice %convert_element_type3A {offsets = [0, 1], sizes = [400, 1], strides = [1, 1]} : vector<400x9xf32> to vector<400x1xf32>
    %sub3A_22 = arith.subf %slice3A_18, %slice3A_17 : vector<1x256xf32>
    %mul3A_23 = vector.broadcast %slice3A_21 : vector<400x1xf32> to vector<400x256xf32>
    %mul3A_24 = vector.broadcast %sub3A_22 : vector<1x256xf32> to vector<400x256xf32>
    %mul3A_25 = arith.mulf %mul3A_23, %mul3A_24 : vector<400x256xf32>
    %add3A_26 = arith.addf %add3A_20, %mul3A_25 : vector<400x256xf32>
    %slice3A_27 = vector.extract_strided_slice %get3A_4 {offsets = [123, 0], sizes = [1, 256], strides = [1, 1]} : vector<176x256xf32> to vector<1x256xf32>
    %slice3A_28 = vector.extract_strided_slice %get3A_4 {offsets = [124, 0], sizes = [1, 256], strides = [1, 1]} : vector<176x256xf32> to vector<1x256xf32>
    %add3A_29 = vector.broadcast %slice3A_27 : vector<1x256xf32> to vector<400x256xf32>
    %add3A_30 = arith.addf %add3A_26, %add3A_29 : vector<400x256xf32>
    %slice3A_31 = vector.extract_strided_slice %convert_element_type3A {offsets = [0, 2], sizes = [400, 1], strides = [1, 1]} : vector<400x9xf32> to vector<400x1xf32>
    %sub3A_32 = arith.subf %slice3A_28, %slice3A_27 : vector<1x256xf32>
    %mul3A_33 = vector.broadcast %slice3A_31 : vector<400x1xf32> to vector<400x256xf32>
    %mul3A_34 = vector.broadcast %sub3A_32 : vector<1x256xf32> to vector<400x256xf32>
    %mul3A_35 = arith.mulf %mul3A_33, %mul3A_34 : vector<400x256xf32>
    %add3A_36 = arith.addf %add3A_30, %mul3A_35 : vector<400x256xf32>
    %slice3A_37 = vector.extract_strided_slice %get3A_4 {offsets = [135, 0], sizes = [1, 256], strides = [1, 1]} : vector<176x256xf32> to vector<1x256xf32>
    %slice3A_38 = vector.extract_strided_slice %get3A_4 {offsets = [136, 0], sizes = [1, 256], strides = [1, 1]} : vector<176x256xf32> to vector<1x256xf32>
    %add3A_39 = vector.broadcast %slice3A_37 : vector<1x256xf32> to vector<400x256xf32>
    %add3A_40 = arith.addf %add3A_36, %add3A_39 : vector<400x256xf32>
    %slice3A_41 = vector.extract_strided_slice %convert_element_type3A {offsets = [0, 3], sizes = [400, 1], strides = [1, 1]} : vector<400x9xf32> to vector<400x1xf32>
    %sub3A_42 = arith.subf %slice3A_38, %slice3A_37 : vector<1x256xf32>
    %mul3A_43 = vector.broadcast %slice3A_41 : vector<400x1xf32> to vector<400x256xf32>
    %mul3A_44 = vector.broadcast %sub3A_42 : vector<1x256xf32> to vector<400x256xf32>
    %mul3A_45 = arith.mulf %mul3A_43, %mul3A_44 : vector<400x256xf32>
    %add3A_46 = arith.addf %add3A_40, %mul3A_45 : vector<400x256xf32>
    %slice3A_47 = vector.extract_strided_slice %get3A_4 {offsets = [147, 0], sizes = [1, 256], strides = [1, 1]} : vector<176x256xf32> to vector<1x256xf32>
    %slice3A_48 = vector.extract_strided_slice %get3A_4 {offsets = [148, 0], sizes = [1, 256], strides = [1, 1]} : vector<176x256xf32> to vector<1x256xf32>
    %add3A_49 = vector.broadcast %slice3A_47 : vector<1x256xf32> to vector<400x256xf32>
    %add3A_50 = arith.addf %add3A_46, %add3A_49 : vector<400x256xf32>
    %slice3A_51 = vector.extract_strided_slice %convert_element_type3A {offsets = [0, 4], sizes = [400, 1], strides = [1, 1]} : vector<400x9xf32> to vector<400x1xf32>
    %sub3A_52 = arith.subf %slice3A_48, %slice3A_47 : vector<1x256xf32>
    %mul3A_53 = vector.broadcast %slice3A_51 : vector<400x1xf32> to vector<400x256xf32>
    %mul3A_54 = vector.broadcast %sub3A_52 : vector<1x256xf32> to vector<400x256xf32>
    %mul3A_55 = arith.mulf %mul3A_53, %mul3A_54 : vector<400x256xf32>
    %add3A_56 = arith.addf %add3A_50, %mul3A_55 : vector<400x256xf32>
    %slice3A_57 = vector.extract_strided_slice %get3A_4 {offsets = [157, 0], sizes = [1, 256], strides = [1, 1]} : vector<176x256xf32> to vector<1x256xf32>
    %slice3A_58 = vector.extract_strided_slice %get3A_4 {offsets = [158, 0], sizes = [1, 256], strides = [1, 1]} : vector<176x256xf32> to vector<1x256xf32>
    %add3A_59 = vector.broadcast %slice3A_57 : vector<1x256xf32> to vector<400x256xf32>
    %add3A_60 = arith.addf %add3A_56, %add3A_59 : vector<400x256xf32>
    %slice3A_61 = vector.extract_strided_slice %convert_element_type3A {offsets = [0, 5], sizes = [400, 1], strides = [1, 1]} : vector<400x9xf32> to vector<400x1xf32>
    %sub3A_62 = arith.subf %slice3A_58, %slice3A_57 : vector<1x256xf32>
    %mul3A_63 = vector.broadcast %slice3A_61 : vector<400x1xf32> to vector<400x256xf32>
    %mul3A_64 = vector.broadcast %sub3A_62 : vector<1x256xf32> to vector<400x256xf32>
    %mul3A_65 = arith.mulf %mul3A_63, %mul3A_64 : vector<400x256xf32>
    %add3A_66 = arith.addf %add3A_60, %mul3A_65 : vector<400x256xf32>
    %slice3A_67 = vector.extract_strided_slice %get3A_4 {offsets = [163, 0], sizes = [1, 256], strides = [1, 1]} : vector<176x256xf32> to vector<1x256xf32>
    %slice3A_68 = vector.extract_strided_slice %get3A_4 {offsets = [164, 0], sizes = [1, 256], strides = [1, 1]} : vector<176x256xf32> to vector<1x256xf32>
    %add3A_69 = vector.broadcast %slice3A_67 : vector<1x256xf32> to vector<400x256xf32>
    %add3A_70 = arith.addf %add3A_66, %add3A_69 : vector<400x256xf32>
    %slice3A_71 = vector.extract_strided_slice %convert_element_type3A {offsets = [0, 6], sizes = [400, 1], strides = [1, 1]} : vector<400x9xf32> to vector<400x1xf32>
    %sub3A_72 = arith.subf %slice3A_68, %slice3A_67 : vector<1x256xf32>
    %mul3A_73 = vector.broadcast %slice3A_71 : vector<400x1xf32> to vector<400x256xf32>
    %mul3A_74 = vector.broadcast %sub3A_72 : vector<1x256xf32> to vector<400x256xf32>
    %mul3A_75 = arith.mulf %mul3A_73, %mul3A_74 : vector<400x256xf32>
    %add3A_76 = arith.addf %add3A_70, %mul3A_75 : vector<400x256xf32>
    %slice3A_77 = vector.extract_strided_slice %get3A_4 {offsets = [169, 0], sizes = [1, 256], strides = [1, 1]} : vector<176x256xf32> to vector<1x256xf32>
    %slice3A_78 = vector.extract_strided_slice %get3A_4 {offsets = [170, 0], sizes = [1, 256], strides = [1, 1]} : vector<176x256xf32> to vector<1x256xf32>
    %add3A_79 = vector.broadcast %slice3A_77 : vector<1x256xf32> to vector<400x256xf32>
    %add3A_80 = arith.addf %add3A_76, %add3A_79 : vector<400x256xf32>
    %slice3A_81 = vector.extract_strided_slice %convert_element_type3A {offsets = [0, 7], sizes = [400, 1], strides = [1, 1]} : vector<400x9xf32> to vector<400x1xf32>
    %sub3A_82 = arith.subf %slice3A_78, %slice3A_77 : vector<1x256xf32>
    %mul3A_83 = vector.broadcast %slice3A_81 : vector<400x1xf32> to vector<400x256xf32>
    %mul3A_84 = vector.broadcast %sub3A_82 : vector<1x256xf32> to vector<400x256xf32>
    %mul3A_85 = arith.mulf %mul3A_83, %mul3A_84 : vector<400x256xf32>
    %add3A_86 = arith.addf %add3A_80, %mul3A_85 : vector<400x256xf32>
    %slice3A_87 = vector.extract_strided_slice %get3A_4 {offsets = [171, 0], sizes = [1, 256], strides = [1, 1]} : vector<176x256xf32> to vector<1x256xf32>
    %slice3A_88 = vector.extract_strided_slice %get3A_4 {offsets = [172, 0], sizes = [1, 256], strides = [1, 1]} : vector<176x256xf32> to vector<1x256xf32>
    %add3A_89 = vector.broadcast %slice3A_87 : vector<1x256xf32> to vector<400x256xf32>
    %add3A_90 = arith.addf %add3A_86, %add3A_89 : vector<400x256xf32>
    %slice3A_91 = vector.extract_strided_slice %convert_element_type3A {offsets = [0, 8], sizes = [400, 1], strides = [1, 1]} : vector<400x9xf32> to vector<400x1xf32>
    %sub3A_92 = arith.subf %slice3A_88, %slice3A_87 : vector<1x256xf32>
    %mul3A_93 = vector.broadcast %slice3A_91 : vector<400x1xf32> to vector<400x256xf32>
    %mul3A_94 = vector.broadcast %sub3A_92 : vector<1x256xf32> to vector<400x256xf32>
    %mul3A_95 = arith.mulf %mul3A_93, %mul3A_94 : vector<400x256xf32>
    %add3A_96 = arith.addf %add3A_90, %mul3A_95 : vector<400x256xf32>
    %swap3A = arith.constant 0 : index
    %swap3A_97 = arith.constant 0 : index
    %swap3A_98 = vector.load %arg5[%swap3A, %swap3A_97] : memref<400x256xf32, #tpu.memory_space<vmem>>, vector<400x256xf32>
    tpu.vector_store %arg5[%swap3A, %swap3A_97], %add3A_96 {strides = array<i32>} : memref<400x256xf32, #tpu.memory_space<vmem>>, vector<400x256xf32>,
    %get3A_99 = arith.constant 0 : index
    %get3A_100 = arith.constant 0 : index
    %get3A_101 = vector.load %arg4[%get3A_99, %get3A_100] : memref<16x256xf32, #tpu.memory_space<vmem>>, vector<16x256xf32>
    %slice3A_102 = vector.extract_strided_slice %get3A_101 {offsets = [0, 0], sizes = [1, 256], strides = [1, 1]} : vector<16x256xf32> to vector<1x256xf32>
    %slice3A_103 = vector.extract_strided_slice %get3A_101 {offsets = [5, 0], sizes = [1, 256], strides = [1, 1]} : vector<16x256xf32> to vector<1x256xf32>
    %add3A_104 = arith.addf %slice3A_102, %slice3A_103 : vector<1x256xf32>
    %slice3A_105 = vector.extract_strided_slice %get3A_101 {offsets = [11, 0], sizes = [1, 256], strides = [1, 1]} : vector<16x256xf32> to vector<1x256xf32>
    %add3A_106 = arith.addf %add3A_104, %slice3A_105 : vector<1x256xf32>
    %add3A_107 = vector.broadcast %add3A_106 : vector<1x256xf32> to vector<400x256xf32>
    %add3A_108 = arith.addf %add3A_96, %add3A_107 : vector<400x256xf32>
    %max3A = arith.constant 0.000000e+00 : f32
    %max3A_109 = vector.broadcast %max3A : f32 to vector<400x256xf32>
    %max3A_110 = arith.maximumf %add3A_108, %max3A_109 : vector<400x256xf32>
    %slice3A_111 = vector.extract_strided_slice %max3A_110 {offsets = [0, 0], sizes = [400, 128], strides = [1, 1]} : vector<400x256xf32> to vector<400x128xf32>
    %swap3A_112 = arith.constant 0 : index
    %swap3A_113 = arith.constant 0 : index
    %swap3A_114 = arith.constant 0 : index
    %swap3A_115 = arith.constant 0 : index
    %swap3A_116 = vector.load %arg6[%swap3A_112, %swap3A_113, %swap3A_114, %swap3A_115] : memref<2x8x400x128xf32, #tpu.memory_space<vmem>>, vector<1x1x400x128xf32>
    %swap3A_117 = vector.shape_cast %swap3A_116 : vector<1x1x400x128xf32> to vector<400x128xf32>
    %swap3A_118 = vector.shape_cast %slice3A_111 : vector<400x128xf32> to vector<1x1x400x128xf32>
    tpu.vector_store %arg6[%swap3A_112, %swap3A_113, %swap3A_114, %swap3A_115], %swap3A_118 {strides = array<i32>} : memref<2x8x400x128xf32, #tpu.memory_space<vmem>>, vector<1x1x400x128xf32>,
    %slice3A_119 = vector.extract_strided_slice %max3A_110 {offsets = [0, 128], sizes = [400, 128], strides = [1, 1]} : vector<400x256xf32> to vector<400x128xf32>
    %swap3A_120 = arith.constant 1 : index
    %swap3A_121 = arith.constant 0 : index
    %swap3A_122 = arith.constant 0 : index
    %swap3A_123 = arith.constant 0 : index
    %swap3A_124 = vector.load %arg6[%swap3A_120, %swap3A_121, %swap3A_122, %swap3A_123] : memref<2x8x400x128xf32, #tpu.memory_space<vmem>>, vector<1x1x400x128xf32>
    %swap3A_125 = vector.shape_cast %swap3A_124 : vector<1x1x400x128xf32> to vector<400x128xf32>
    %swap3A_126 = vector.shape_cast %slice3A_119 : vector<400x128xf32> to vector<1x1x400x128xf32>
    tpu.vector_store %arg6[%swap3A_120, %swap3A_121, %swap3A_122, %swap3A_123], %swap3A_126 {strides = array<i32>} : memref<2x8x400x128xf32, #tpu.memory_space<vmem>>, vector<1x1x400x128xf32>,
    %slice3A_127 = vector.extract_strided_slice %get3A_101 {offsets = [1, 0], sizes = [1, 256], strides = [1, 1]} : vector<16x256xf32> to vector<1x256xf32>
    %slice3A_128 = vector.extract_strided_slice %get3A_101 {offsets = [5, 0], sizes = [1, 256], strides = [1, 1]} : vector<16x256xf32> to vector<1x256xf32>
    %add3A_129 = arith.addf %slice3A_127, %slice3A_128 : vector<1x256xf32>
    %slice3A_130 = vector.extract_strided_slice %get3A_101 {offsets = [11, 0], sizes = [1, 256], strides = [1, 1]} : vector<16x256xf32> to vector<1x256xf32>
    %add3A_131 = arith.addf %add3A_129, %slice3A_130 : vector<1x256xf32>
    %add3A_132 = vector.broadcast %add3A_131 : vector<1x256xf32> to vector<400x256xf32>
    %add3A_133 = arith.addf %add3A_96, %add3A_132 : vector<400x256xf32>
    %max3A_134 = arith.constant 0.000000e+00 : f32
    %max3A_135 = vector.broadcast %max3A_134 : f32 to vector<400x256xf32>
    %max3A_136 = arith.maximumf %add3A_133, %max3A_135 : vector<400x256xf32>
    %slice3A_137 = vector.extract_strided_slice %max3A_136 {offsets = [0, 0], sizes = [400, 128], strides = [1, 1]} : vector<400x256xf32> to vector<400x128xf32>
    %swap3A_138 = arith.constant 0 : index
    %swap3A_139 = arith.constant 1 : index
    %swap3A_140 = arith.constant 0 : index
    %swap3A_141 = arith.constant 0 : index
    %swap3A_142 = vector.load %arg6[%swap3A_138, %swap3A_139, %swap3A_140, %swap3A_141] : memref<2x8x400x128xf32, #tpu.memory_space<vmem>>, vector<1x1x400x128xf32>
    %swap3A_143 = vector.shape_cast %swap3A_142 : vector<1x1x400x128xf32> to vector<400x128xf32>
    %swap3A_144 = vector.shape_cast %slice3A_137 : vector<400x128xf32> to vector<1x1x400x128xf32>
    tpu.vector_store %arg6[%swap3A_138, %swap3A_139, %swap3A_140, %swap3A_141], %swap3A_144 {strides = array<i32>} : memref<2x8x400x128xf32, #tpu.memory_space<vmem>>, vector<1x1x400x128xf32>,
    %slice3A_145 = vector.extract_strided_slice %max3A_136 {offsets = [0, 128], sizes = [400, 128], strides = [1, 1]} : vector<400x256xf32> to vector<400x128xf32>
    %swap3A_146 = arith.constant 1 : index
    %swap3A_147 = arith.constant 1 : index
    %swap3A_148 = arith.constant 0 : index
    %swap3A_149 = arith.constant 0 : index
    %swap3A_150 = vector.load %arg6[%swap3A_146, %swap3A_147, %swap3A_148, %swap3A_149] : memref<2x8x400x128xf32, #tpu.memory_space<vmem>>, vector<1x1x400x128xf32>
    %swap3A_151 = vector.shape_cast %swap3A_150 : vector<1x1x400x128xf32> to vector<400x128xf32>
    %swap3A_152 = vector.shape_cast %slice3A_145 : vector<400x128xf32> to vector<1x1x400x128xf32>
    tpu.vector_store %arg6[%swap3A_146, %swap3A_147, %swap3A_148, %swap3A_149], %swap3A_152 {strides = array<i32>} : memref<2x8x400x128xf32, #tpu.memory_space<vmem>>, vector<1x1x400x128xf32>,
    %slice3A_153 = vector.extract_strided_slice %get3A_101 {offsets = [0, 0], sizes = [1, 256], strides = [1, 1]} : vector<16x256xf32> to vector<1x256xf32>
    %slice3A_154 = vector.extract_strided_slice %get3A_101 {offsets = [6, 0], sizes = [1, 256], strides = [1, 1]} : vector<16x256xf32> to vector<1x256xf32>
    %add3A_155 = arith.addf %slice3A_153, %slice3A_154 : vector<1x256xf32>
    %slice3A_156 = vector.extract_strided_slice %get3A_101 {offsets = [11, 0], sizes = [1, 256], strides = [1, 1]} : vector<16x256xf32> to vector<1x256xf32>
    %add3A_157 = arith.addf %add3A_155, %slice3A_156 : vector<1x256xf32>
    %add3A_158 = vector.broadcast %add3A_157 : vector<1x256xf32> to vector<400x256xf32>
    %add3A_159 = arith.addf %add3A_96, %add3A_158 : vector<400x256xf32>
    %max3A_160 = arith.constant 0.000000e+00 : f32
    %max3A_161 = vector.broadcast %max3A_160 : f32 to vector<400x256xf32>
    %max3A_162 = arith.maximumf %add3A_159, %max3A_161 : vector<400x256xf32>
    %slice3A_163 = vector.extract_strided_slice %max3A_162 {offsets = [0, 0], sizes = [400, 128], strides = [1, 1]} : vector<400x256xf32> to vector<400x128xf32>
    %swap3A_164 = arith.constant 0 : index
    %swap3A_165 = arith.constant 2 : index
    %swap3A_166 = arith.constant 0 : index
    %swap3A_167 = arith.constant 0 : index
    %swap3A_168 = vector.load %arg6[%swap3A_164, %swap3A_165, %swap3A_166, %swap3A_167] : memref<2x8x400x128xf32, #tpu.memory_space<vmem>>, vector<1x1x400x128xf32>
    %swap3A_169 = vector.shape_cast %swap3A_168 : vector<1x1x400x128xf32> to vector<400x128xf32>
    %swap3A_170 = vector.shape_cast %slice3A_163 : vector<400x128xf32> to vector<1x1x400x128xf32>
    tpu.vector_store %arg6[%swap3A_164, %swap3A_165, %swap3A_166, %swap3A_167], %swap3A_170 {strides = array<i32>} : memref<2x8x400x128xf32, #tpu.memory_space<vmem>>, vector<1x1x400x128xf32>,
    %slice3A_171 = vector.extract_strided_slice %max3A_162 {offsets = [0, 128], sizes = [400, 128], strides = [1, 1]} : vector<400x256xf32> to vector<400x128xf32>
    %swap3A_172 = arith.constant 1 : index
    %swap3A_173 = arith.constant 2 : index
    %swap3A_174 = arith.constant 0 : index
    %swap3A_175 = arith.constant 0 : index
    %swap3A_176 = vector.load %arg6[%swap3A_172, %swap3A_173, %swap3A_174, %swap3A_175] : memref<2x8x400x128xf32, #tpu.memory_space<vmem>>, vector<1x1x400x128xf32>
    %swap3A_177 = vector.shape_cast %swap3A_176 : vector<1x1x400x128xf32> to vector<400x128xf32>
    %swap3A_178 = vector.shape_cast %slice3A_171 : vector<400x128xf32> to vector<1x1x400x128xf32>
    tpu.vector_store %arg6[%swap3A_172, %swap3A_173, %swap3A_174, %swap3A_175], %swap3A_178 {strides = array<i32>} : memref<2x8x400x128xf32, #tpu.memory_space<vmem>>, vector<1x1x400x128xf32>,
    %slice3A_179 = vector.extract_strided_slice %get3A_101 {offsets = [1, 0], sizes = [1, 256], strides = [1, 1]} : vector<16x256xf32> to vector<1x256xf32>
    %slice3A_180 = vector.extract_strided_slice %get3A_101 {offsets = [6, 0], sizes = [1, 256], strides = [1, 1]} : vector<16x256xf32> to vector<1x256xf32>
    %add3A_181 = arith.addf %slice3A_179, %slice3A_180 : vector<1x256xf32>
    %slice3A_182 = vector.extract_strided_slice %get3A_101 {offsets = [11, 0], sizes = [1, 256], strides = [1, 1]} : vector<16x256xf32> to vector<1x256xf32>
    %add3A_183 = arith.addf %add3A_181, %slice3A_182 : vector<1x256xf32>
    %add3A_184 = vector.broadcast %add3A_183 : vector<1x256xf32> to vector<400x256xf32>
    %add3A_185 = arith.addf %add3A_96, %add3A_184 : vector<400x256xf32>
    %max3A_186 = arith.constant 0.000000e+00 : f32
    %max3A_187 = vector.broadcast %max3A_186 : f32 to vector<400x256xf32>
    %max3A_188 = arith.maximumf %add3A_185, %max3A_187 : vector<400x256xf32>
    %slice3A_189 = vector.extract_strided_slice %max3A_188 {offsets = [0, 0], sizes = [400, 128], strides = [1, 1]} : vector<400x256xf32> to vector<400x128xf32>
    %swap3A_190 = arith.constant 0 : index
    %swap3A_191 = arith.constant 3 : index
    %swap3A_192 = arith.constant 0 : index
    %swap3A_193 = arith.constant 0 : index
    %swap3A_194 = vector.load %arg6[%swap3A_190, %swap3A_191, %swap3A_192, %swap3A_193] : memref<2x8x400x128xf32, #tpu.memory_space<vmem>>, vector<1x1x400x128xf32>
    %swap3A_195 = vector.shape_cast %swap3A_194 : vector<1x1x400x128xf32> to vector<400x128xf32>
    %swap3A_196 = vector.shape_cast %slice3A_189 : vector<400x128xf32> to vector<1x1x400x128xf32>
    tpu.vector_store %arg6[%swap3A_190, %swap3A_191, %swap3A_192, %swap3A_193], %swap3A_196 {strides = array<i32>} : memref<2x8x400x128xf32, #tpu.memory_space<vmem>>, vector<1x1x400x128xf32>,
    %slice3A_197 = vector.extract_strided_slice %max3A_188 {offsets = [0, 128], sizes = [400, 128], strides = [1, 1]} : vector<400x256xf32> to vector<400x128xf32>
    %swap3A_198 = arith.constant 1 : index
    %swap3A_199 = arith.constant 3 : index
    %swap3A_200 = arith.constant 0 : index
    %swap3A_201 = arith.constant 0 : index
    %swap3A_202 = vector.load %arg6[%swap3A_198, %swap3A_199, %swap3A_200, %swap3A_201] : memref<2x8x400x128xf32, #tpu.memory_space<vmem>>, vector<1x1x400x128xf32>
    %swap3A_203 = vector.shape_cast %swap3A_202 : vector<1x1x400x128xf32> to vector<400x128xf32>
    %swap3A_204 = vector.shape_cast %slice3A_197 : vector<400x128xf32> to vector<1x1x400x128xf32>
    tpu.vector_store %arg6[%swap3A_198, %swap3A_199, %swap3A_200, %swap3A_201], %swap3A_204 {strides = array<i32>} : memref<2x8x400x128xf32, #tpu.memory_space<vmem>>, vector<1x1x400x128xf32>,
    %slice3A_205 = vector.extract_strided_slice %get3A_101 {offsets = [0, 0], sizes = [1, 256], strides = [1, 1]} : vector<16x256xf32> to vector<1x256xf32>
    %slice3A_206 = vector.extract_strided_slice %get3A_101 {offsets = [5, 0], sizes = [1, 256], strides = [1, 1]} : vector<16x256xf32> to vector<1x256xf32>
    %add3A_207 = arith.addf %slice3A_205, %slice3A_206 : vector<1x256xf32>
    %slice3A_208 = vector.extract_strided_slice %get3A_101 {offsets = [12, 0], sizes = [1, 256], strides = [1, 1]} : vector<16x256xf32> to vector<1x256xf32>
    %add3A_209 = arith.addf %add3A_207, %slice3A_208 : vector<1x256xf32>
    %add3A_210 = vector.broadcast %add3A_209 : vector<1x256xf32> to vector<400x256xf32>
    %add3A_211 = arith.addf %add3A_96, %add3A_210 : vector<400x256xf32>
    %max3A_212 = arith.constant 0.000000e+00 : f32
    %max3A_213 = vector.broadcast %max3A_212 : f32 to vector<400x256xf32>
    %max3A_214 = arith.maximumf %add3A_211, %max3A_213 : vector<400x256xf32>
    %slice3A_215 = vector.extract_strided_slice %max3A_214 {offsets = [0, 0], sizes = [400, 128], strides = [1, 1]} : vector<400x256xf32> to vector<400x128xf32>
    %swap3A_216 = arith.constant 0 : index
    %swap3A_217 = arith.constant 4 : index
    %swap3A_218 = arith.constant 0 : index
    %swap3A_219 = arith.constant 0 : index
    %swap3A_220 = vector.load %arg6[%swap3A_216, %swap3A_217, %swap3A_218, %swap3A_219] : memref<2x8x400x128xf32, #tpu.memory_space<vmem>>, vector<1x1x400x128xf32>
    %swap3A_221 = vector.shape_cast %swap3A_220 : vector<1x1x400x128xf32> to vector<400x128xf32>
    %swap3A_222 = vector.shape_cast %slice3A_215 : vector<400x128xf32> to vector<1x1x400x128xf32>
    tpu.vector_store %arg6[%swap3A_216, %swap3A_217, %swap3A_218, %swap3A_219], %swap3A_222 {strides = array<i32>} : memref<2x8x400x128xf32, #tpu.memory_space<vmem>>, vector<1x1x400x128xf32>,
    %slice3A_223 = vector.extract_strided_slice %max3A_214 {offsets = [0, 128], sizes = [400, 128], strides = [1, 1]} : vector<400x256xf32> to vector<400x128xf32>
    %swap3A_224 = arith.constant 1 : index
    %swap3A_225 = arith.constant 4 : index
    %swap3A_226 = arith.constant 0 : index
    %swap3A_227 = arith.constant 0 : index
    %swap3A_228 = vector.load %arg6[%swap3A_224, %swap3A_225, %swap3A_226, %swap3A_227] : memref<2x8x400x128xf32, #tpu.memory_space<vmem>>, vector<1x1x400x128xf32>
    %swap3A_229 = vector.shape_cast %swap3A_228 : vector<1x1x400x128xf32> to vector<400x128xf32>
    %swap3A_230 = vector.shape_cast %slice3A_223 : vector<400x128xf32> to vector<1x1x400x128xf32>
    tpu.vector_store %arg6[%swap3A_224, %swap3A_225, %swap3A_226, %swap3A_227], %swap3A_230 {strides = array<i32>} : memref<2x8x400x128xf32, #tpu.memory_space<vmem>>, vector<1x1x400x128xf32>,
    %slice3A_231 = vector.extract_strided_slice %get3A_101 {offsets = [1, 0], sizes = [1, 256], strides = [1, 1]} : vector<16x256xf32> to vector<1x256xf32>
    %slice3A_232 = vector.extract_strided_slice %get3A_101 {offsets = [5, 0], sizes = [1, 256], strides = [1, 1]} : vector<16x256xf32> to vector<1x256xf32>
    %add3A_233 = arith.addf %slice3A_231, %slice3A_232 : vector<1x256xf32>
    %slice3A_234 = vector.extract_strided_slice %get3A_101 {offsets = [12, 0], sizes = [1, 256], strides = [1, 1]} : vector<16x256xf32> to vector<1x256xf32>
    %add3A_235 = arith.addf %add3A_233, %slice3A_234 : vector<1x256xf32>
    %add3A_236 = vector.broadcast %add3A_235 : vector<1x256xf32> to vector<400x256xf32>
    %add3A_237 = arith.addf %add3A_96, %add3A_236 : vector<400x256xf32>
    %max3A_238 = arith.constant 0.000000e+00 : f32
    %max3A_239 = vector.broadcast %max3A_238 : f32 to vector<400x256xf32>
    %max3A_240 = arith.maximumf %add3A_237, %max3A_239 : vector<400x256xf32>
    %slice3A_241 = vector.extract_strided_slice %max3A_240 {offsets = [0, 0], sizes = [400, 128], strides = [1, 1]} : vector<400x256xf32> to vector<400x128xf32>
    %swap3A_242 = arith.constant 0 : index
    %swap3A_243 = arith.constant 5 : index
    %swap3A_244 = arith.constant 0 : index
    %swap3A_245 = arith.constant 0 : index
    %swap3A_246 = vector.load %arg6[%swap3A_242, %swap3A_243, %swap3A_244, %swap3A_245] : memref<2x8x400x128xf32, #tpu.memory_space<vmem>>, vector<1x1x400x128xf32>
    %swap3A_247 = vector.shape_cast %swap3A_246 : vector<1x1x400x128xf32> to vector<400x128xf32>
    %swap3A_248 = vector.shape_cast %slice3A_241 : vector<400x128xf32> to vector<1x1x400x128xf32>
    tpu.vector_store %arg6[%swap3A_242, %swap3A_243, %swap3A_244, %swap3A_245], %swap3A_248 {strides = array<i32>} : memref<2x8x400x128xf32, #tpu.memory_space<vmem>>, vector<1x1x400x128xf32>,
    %slice3A_249 = vector.extract_strided_slice %max3A_240 {offsets = [0, 128], sizes = [400, 128], strides = [1, 1]} : vector<400x256xf32> to vector<400x128xf32>
    %swap3A_250 = arith.constant 1 : index
    %swap3A_251 = arith.constant 5 : index
    %swap3A_252 = arith.constant 0 : index
    %swap3A_253 = arith.constant 0 : index
    %swap3A_254 = vector.load %arg6[%swap3A_250, %swap3A_251, %swap3A_252, %swap3A_253] : memref<2x8x400x128xf32, #tpu.memory_space<vmem>>, vector<1x1x400x128xf32>
    %swap3A_255 = vector.shape_cast %swap3A_254 : vector<1x1x400x128xf32> to vector<400x128xf32>
    %swap3A_256 = vector.shape_cast %slice3A_249 : vector<400x128xf32> to vector<1x1x400x128xf32>
    tpu.vector_store %arg6[%swap3A_250, %swap3A_251, %swap3A_252, %swap3A_253], %swap3A_256 {strides = array<i32>} : memref<2x8x400x128xf32, #tpu.memory_space<vmem>>, vector<1x1x400x128xf32>,
    %slice3A_257 = vector.extract_strided_slice %get3A_101 {offsets = [0, 0], sizes = [1, 256], strides = [1, 1]} : vector<16x256xf32> to vector<1x256xf32>
    %slice3A_258 = vector.extract_strided_slice %get3A_101 {offsets = [6, 0], sizes = [1, 256], strides = [1, 1]} : vector<16x256xf32> to vector<1x256xf32>
    %add3A_259 = arith.addf %slice3A_257, %slice3A_258 : vector<1x256xf32>
    %slice3A_260 = vector.extract_strided_slice %get3A_101 {offsets = [12, 0], sizes = [1, 256], strides = [1, 1]} : vector<16x256xf32> to vector<1x256xf32>
    %add3A_261 = arith.addf %add3A_259, %slice3A_260 : vector<1x256xf32>
    %add3A_262 = vector.broadcast %add3A_261 : vector<1x256xf32> to vector<400x256xf32>
    %add3A_263 = arith.addf %add3A_96, %add3A_262 : vector<400x256xf32>
    %max3A_264 = arith.constant 0.000000e+00 : f32
    %max3A_265 = vector.broadcast %max3A_264 : f32 to vector<400x256xf32>
    %max3A_266 = arith.maximumf %add3A_263, %max3A_265 : vector<400x256xf32>
    %slice3A_267 = vector.extract_strided_slice %max3A_266 {offsets = [0, 0], sizes = [400, 128], strides = [1, 1]} : vector<400x256xf32> to vector<400x128xf32>
    %swap3A_268 = arith.constant 0 : index
    %swap3A_269 = arith.constant 6 : index
    %swap3A_270 = arith.constant 0 : index
    %swap3A_271 = arith.constant 0 : index
    %swap3A_272 = vector.load %arg6[%swap3A_268, %swap3A_269, %swap3A_270, %swap3A_271] : memref<2x8x400x128xf32, #tpu.memory_space<vmem>>, vector<1x1x400x128xf32>
    %swap3A_273 = vector.shape_cast %swap3A_272 : vector<1x1x400x128xf32> to vector<400x128xf32>
    %swap3A_274 = vector.shape_cast %slice3A_267 : vector<400x128xf32> to vector<1x1x400x128xf32>
    tpu.vector_store %arg6[%swap3A_268, %swap3A_269, %swap3A_270, %swap3A_271], %swap3A_274 {strides = array<i32>} : memref<2x8x400x128xf32, #tpu.memory_space<vmem>>, vector<1x1x400x128xf32>,
    %slice3A_275 = vector.extract_strided_slice %max3A_266 {offsets = [0, 128], sizes = [400, 128], strides = [1, 1]} : vector<400x256xf32> to vector<400x128xf32>
    %swap3A_276 = arith.constant 1 : index
    %swap3A_277 = arith.constant 6 : index
    %swap3A_278 = arith.constant 0 : index
    %swap3A_279 = arith.constant 0 : index
    %swap3A_280 = vector.load %arg6[%swap3A_276, %swap3A_277, %swap3A_278, %swap3A_279] : memref<2x8x400x128xf32, #tpu.memory_space<vmem>>, vector<1x1x400x128xf32>
    %swap3A_281 = vector.shape_cast %swap3A_280 : vector<1x1x400x128xf32> to vector<400x128xf32>
    %swap3A_282 = vector.shape_cast %slice3A_275 : vector<400x128xf32> to vector<1x1x400x128xf32>
    tpu.vector_store %arg6[%swap3A_276, %swap3A_277, %swap3A_278, %swap3A_279], %swap3A_282 {strides = array<i32>} : memref<2x8x400x128xf32, #tpu.memory_space<vmem>>, vector<1x1x400x128xf32>,
    %slice3A_283 = vector.extract_strided_slice %get3A_101 {offsets = [1, 0], sizes = [1, 256], strides = [1, 1]} : vector<16x256xf32> to vector<1x256xf32>
    %slice3A_284 = vector.extract_strided_slice %get3A_101 {offsets = [6, 0], sizes = [1, 256], strides = [1, 1]} : vector<16x256xf32> to vector<1x256xf32>
    %add3A_285 = arith.addf %slice3A_283, %slice3A_284 : vector<1x256xf32>
    %slice3A_286 = vector.extract_strided_slice %get3A_101 {offsets = [12, 0], sizes = [1, 256], strides = [1, 1]} : vector<16x256xf32> to vector<1x256xf32>
    %add3A_287 = arith.addf %add3A_285, %slice3A_286 : vector<1x256xf32>
    %add3A_288 = vector.broadcast %add3A_287 : vector<1x256xf32> to vector<400x256xf32>
    %add3A_289 = arith.addf %add3A_96, %add3A_288 : vector<400x256xf32>
    %max3A_290 = arith.constant 0.000000e+00 : f32
    %max3A_291 = vector.broadcast %max3A_290 : f32 to vector<400x256xf32>
    %max3A_292 = arith.maximumf %add3A_289, %max3A_291 : vector<400x256xf32>
    %slice3A_293 = vector.extract_strided_slice %max3A_292 {offsets = [0, 0], sizes = [400, 128], strides = [1, 1]} : vector<400x256xf32> to vector<400x128xf32>
    %swap3A_294 = arith.constant 0 : index
    %swap3A_295 = arith.constant 7 : index
    %swap3A_296 = arith.constant 0 : index
    %swap3A_297 = arith.constant 0 : index
    %swap3A_298 = vector.load %arg6[%swap3A_294, %swap3A_295, %swap3A_296, %swap3A_297] : memref<2x8x400x128xf32, #tpu.memory_space<vmem>>, vector<1x1x400x128xf32>
    %swap3A_299 = vector.shape_cast %swap3A_298 : vector<1x1x400x128xf32> to vector<400x128xf32>
    %swap3A_300 = vector.shape_cast %slice3A_293 : vector<400x128xf32> to vector<1x1x400x128xf32>
    tpu.vector_store %arg6[%swap3A_294, %swap3A_295, %swap3A_296, %swap3A_297], %swap3A_300 {strides = array<i32>} : memref<2x8x400x128xf32, #tpu.memory_space<vmem>>, vector<1x1x400x128xf32>,
    %slice3A_301 = vector.extract_strided_slice %max3A_292 {offsets = [0, 128], sizes = [400, 128], strides = [1, 1]} : vector<400x256xf32> to vector<400x128xf32>
    %swap3A_302 = arith.constant 1 : index
    %swap3A_303 = arith.constant 7 : index
    %swap3A_304 = arith.constant 0 : index
    %swap3A_305 = arith.constant 0 : index
    %swap3A_306 = vector.load %arg6[%swap3A_302, %swap3A_303, %swap3A_304, %swap3A_305] : memref<2x8x400x128xf32, #tpu.memory_space<vmem>>, vector<1x1x400x128xf32>
    %swap3A_307 = vector.shape_cast %swap3A_306 : vector<1x1x400x128xf32> to vector<400x128xf32>
    %swap3A_308 = vector.shape_cast %slice3A_301 : vector<400x128xf32> to vector<1x1x400x128xf32>
    tpu.vector_store %arg6[%swap3A_302, %swap3A_303, %swap3A_304, %swap3A_305], %swap3A_308 {strides = array<i32>} : memref<2x8x400x128xf32, #tpu.memory_space<vmem>>, vector<1x1x400x128xf32>,
    return
  }
  func.func @transform_0(%arg0: i32) -> (i32, i32) {
    %c0_i32 = arith.constant 0 : i32
    %c0_i32_0 = arith.constant 0 : i32
    return %arg0, %c0_i32 : i32, i32
  }
  func.func @transform_1(%arg0: i32) -> (i32, i32) {
    %c0_i32 = arith.constant 0 : i32
    %c0_i32_0 = arith.constant 0 : i32
    %c0_i32_1 = arith.constant 0 : i32
    return %c0_i32, %c0_i32_0 : i32, i32
  }
  func.func @transform_2(%arg0: i32) -> (i32, i32) {
    %c0_i32 = arith.constant 0 : i32
    %c0_i32_0 = arith.constant 0 : i32
    %c0_i32_1 = arith.constant 0 : i32
    return %c0_i32, %c0_i32_0 : i32, i32
  }
  func.func @transform_3(%arg0: i32) -> (i32, i32) {
    %c0_i32 = arith.constant 0 : i32
    %c0_i32_0 = arith.constant 0 : i32
    %c0_i32_1 = arith.constant 0 : i32
    return %c0_i32, %c0_i32_0 : i32, i32
  }
  func.func @transform_4(%arg0: i32) -> (i32, i32) {
    %c0_i32 = arith.constant 0 : i32
    %c0_i32_0 = arith.constant 0 : i32
    return %arg0, %c0_i32 : i32, i32
  }
  func.func @transform_5(%arg0: i32) -> (i32, i32, i32, i32) {
    %c0_i32 = arith.constant 0 : i32
    %c0_i32_0 = arith.constant 0 : i32
    %c0_i32_1 = arith.constant 0 : i32
    %c0_i32_2 = arith.constant 0 : i32
    return %c0_i32, %c0_i32_0, %arg0, %c0_i32_1 : i32, i32, i32, i32
  }
}

module attributes {stable_mosaic.version = 14 : i64} {
  func.func @_vnup_body(%arg0: i32, %arg1: memref<400x256xf32, #tpu.memory_space<vmem>>, %arg2: memref<1x1x400xi32, #tpu.memory_space<vmem>>, %arg3: memref<512x256xf32, #tpu.memory_space<vmem>>, %arg4: memref<256x512xf32, #tpu.memory_space<vmem>>, %arg5: memref<1x512xf32, #tpu.memory_space<vmem>>, %arg6: memref<1x512xf32, #tpu.memory_space<vmem>>, %arg7: memref<1x512xf32, #tpu.memory_space<vmem>>, %arg8: memref<512x256xf32, #tpu.memory_space<vmem>>, %arg9: memref<1x256xf32, #tpu.memory_space<vmem>>, %arg10: memref<1x256xf32, #tpu.memory_space<vmem>>, %arg11: memref<1x256xf32, #tpu.memory_space<vmem>>, %arg12: memref<512x256xf32, #tpu.memory_space<vmem>>, %arg13: memref<512x256xf32, #tpu.memory_space<vmem>>) attributes {dimension_semantics = [#tpu.dimension_semantics<arbitrary>], iteration_bounds = array<i64: 25>, scalar_prefetch = 0 : i64, scratch_operands = 1 : i64, tpu.core_type = #tpu.core_type<tc>, window_params = [{transform_indices = @transform_0, window_bounds = array<i64: 400, 256>}, {transform_indices = @transform_1, window_bounds = array<i64: 1, 1, 400>}, {pipeline_mode = #tpu.pipeline_mode<synchronous>, transform_indices = @transform_2, window_bounds = array<i64: 512, 256>}, {pipeline_mode = #tpu.pipeline_mode<synchronous>, transform_indices = @transform_3, window_bounds = array<i64: 256, 512>}, {pipeline_mode = #tpu.pipeline_mode<synchronous>, transform_indices = @transform_4, window_bounds = array<i64: 1, 512>}, {pipeline_mode = #tpu.pipeline_mode<synchronous>, transform_indices = @transform_5, window_bounds = array<i64: 1, 512>}, {pipeline_mode = #tpu.pipeline_mode<synchronous>, transform_indices = @transform_6, window_bounds = array<i64: 1, 512>}, {pipeline_mode = #tpu.pipeline_mode<synchronous>, transform_indices = @transform_7, window_bounds = array<i64: 512, 256>}, {pipeline_mode = #tpu.pipeline_mode<synchronous>, transform_indices = @transform_8, window_bounds = array<i64: 1, 256>}, {pipeline_mode = #tpu.pipeline_mode<synchronous>, transform_indices = @transform_9, window_bounds = array<i64: 1, 256>}, {pipeline_mode = #tpu.pipeline_mode<synchronous>, transform_indices = @transform_10, window_bounds = array<i64: 1, 256>}, {pipeline_mode = #tpu.pipeline_mode<synchronous>, transform_indices = @transform_11, window_bounds = array<i64: 512, 256>}]} {
    %get3A = arith.constant 0 : index
    %get3A_0 = arith.constant 0 : index
    %get3A_1 = arith.constant 0 : index
    %get3A_2 = vector.load %arg2[%get3A, %get3A_0, %get3A_1] : memref<1x1x400xi32, #tpu.memory_space<vmem>>, vector<1x1x400xi32>
    %get3A_3 = vector.shape_cast %get3A_2 : vector<1x1x400xi32> to vector<1x400xi32>
    %iota3A = tpu.iota {dimensions = array<i32: 0>} : vector<512x400xi32>
    %eq3A = vector.broadcast %get3A_3 : vector<1x400xi32> to vector<512x400xi32>
    %eq3A_4 = arith.cmpi eq, %eq3A, %iota3A : vector<512x400xi32>
    %convert_element_type3A = arith.extui %eq3A_4 : vector<512x400xi1> to vector<512x400xi32>
    %convert_element_type3A_5 = arith.sitofp %convert_element_type3A : vector<512x400xi32> to vector<512x400xf32>
    %get3A_6 = arith.constant 0 : index
    %get3A_7 = arith.constant 0 : index
    %get3A_8 = vector.load %arg1[%get3A_6, %get3A_7] : memref<400x256xf32, #tpu.memory_space<vmem>>, vector<400x256xf32>
    %dot_general3A = arith.constant dense<0.000000e+00> : vector<512x256xf32>
    %dot_general3A_9 = tpu.matmul %convert_element_type3A_5, %get3A_8, %dot_general3A {dimension_numbers = #tpu.dot_dimension_numbers<[1], [0], [0], [1], [0, 0, 1, 1], [], []>, transpose_lhs_hint = false} : vector<512x400xf32>, vector<400x256xf32>, vector<512x256xf32> -> vector<512x256xf32>
    %eq3A_10 = arith.constant 0 : i32
    %eq3A_11 = arith.cmpi eq, %arg0, %eq3A_10 : i32
    %convert_element_type3A_12 = arith.extui %eq3A_11 : i1 to i32
    %cond3A = arith.constant 0 : i32
    %cond3A_13 = arith.cmpi ne, %convert_element_type3A_12, %cond3A : i32
    scf.if %cond3A_13 {
      %swap3A = arith.constant 0 : index
      %swap3A_23 = arith.constant 0 : index
      %swap3A_24 = vector.load %arg13[%swap3A, %swap3A_23] : memref<512x256xf32, #tpu.memory_space<vmem>>, vector<512x256xf32>
      tpu.vector_store %arg13[%swap3A, %swap3A_23], %dot_general3A_9 {strides = array<i32>} : memref<512x256xf32, #tpu.memory_space<vmem>>, vector<512x256xf32>,
    } else {
    }
    %gt3A = arith.constant 0 : i32
    %gt3A_14 = arith.cmpi sgt, %arg0, %gt3A : i32
    %convert_element_type3A_15 = arith.extui %gt3A_14 : i1 to i32
    %cond3A_16 = arith.constant 0 : i32
    %cond3A_17 = arith.cmpi ne, %convert_element_type3A_15, %cond3A_16 : i32
    scf.if %cond3A_17 {
      %get3A_23 = arith.constant 0 : index
      %get3A_24 = arith.constant 0 : index
      %get3A_25 = vector.load %arg13[%get3A_23, %get3A_24] : memref<512x256xf32, #tpu.memory_space<vmem>>, vector<512x256xf32>
      %add3A = arith.addf %get3A_25, %dot_general3A_9 : vector<512x256xf32>
      %swap3A = arith.constant 0 : index
      %swap3A_26 = arith.constant 0 : index
      %swap3A_27 = vector.load %arg13[%swap3A, %swap3A_26] : memref<512x256xf32, #tpu.memory_space<vmem>>, vector<512x256xf32>
      tpu.vector_store %arg13[%swap3A, %swap3A_26], %add3A {strides = array<i32>} : memref<512x256xf32, #tpu.memory_space<vmem>>, vector<512x256xf32>,
    } else {
    }
    %eq3A_18 = arith.constant 24 : i32
    %eq3A_19 = arith.cmpi eq, %arg0, %eq3A_18 : i32
    %convert_element_type3A_20 = arith.extui %eq3A_19 : i1 to i32
    %cond3A_21 = arith.constant 0 : i32
    %cond3A_22 = arith.cmpi ne, %convert_element_type3A_20, %cond3A_21 : i32
    scf.if %cond3A_22 {
      %get3A_23 = arith.constant 0 : index
      %get3A_24 = arith.constant 0 : index
      %get3A_25 = vector.load %arg13[%get3A_23, %get3A_24] : memref<512x256xf32, #tpu.memory_space<vmem>>, vector<512x256xf32>
      %get3A_26 = arith.constant 0 : index
      %get3A_27 = arith.constant 0 : index
      %get3A_28 = vector.load %arg3[%get3A_26, %get3A_27] : memref<512x256xf32, #tpu.memory_space<vmem>>, vector<512x256xf32>
      %add3A = arith.addf %get3A_25, %get3A_28 : vector<512x256xf32>
      %get3A_29 = arith.constant 0 : index
      %get3A_30 = arith.constant 0 : index
      %get3A_31 = vector.load %arg4[%get3A_29, %get3A_30] : memref<256x512xf32, #tpu.memory_space<vmem>>, vector<256x512xf32>
      %dot_general3A_32 = arith.constant dense<0.000000e+00> : vector<512x512xf32>
      %dot_general3A_33 = tpu.matmul %add3A, %get3A_31, %dot_general3A_32 {dimension_numbers = #tpu.dot_dimension_numbers<[1], [0], [0], [1], [0, 0, 1, 1], [], []>, transpose_lhs_hint = false} : vector<512x256xf32>, vector<256x512xf32>, vector<512x512xf32> -> vector<512x512xf32>
      %get3A_34 = arith.constant 0 : index
      %get3A_35 = arith.constant 0 : index
      %get3A_36 = vector.load %arg5[%get3A_34, %get3A_35] : memref<1x512xf32, #tpu.memory_space<vmem>>, vector<1x512xf32>
      %add3A_37 = vector.broadcast %get3A_36 : vector<1x512xf32> to vector<512x512xf32>
      %add3A_38 = arith.addf %dot_general3A_33, %add3A_37 : vector<512x512xf32>
      %get3A_39 = arith.constant 0 : index
      %get3A_40 = arith.constant 0 : index
      %get3A_41 = vector.load %arg6[%get3A_39, %get3A_40] : memref<1x512xf32, #tpu.memory_space<vmem>>, vector<1x512xf32>
      %mul3A = arith.constant 0.999994993 : f32
      %mul3A_42 = vector.broadcast %mul3A : f32 to vector<1x512xf32>
      %mul3A_43 = arith.mulf %get3A_41, %mul3A_42 : vector<1x512xf32>
      %mul3A_44 = vector.broadcast %mul3A_43 : vector<1x512xf32> to vector<512x512xf32>
      %mul3A_45 = arith.mulf %add3A_38, %mul3A_44 : vector<512x512xf32>
      %get3A_46 = arith.constant 0 : index
      %get3A_47 = arith.constant 0 : index
      %get3A_48 = vector.load %arg7[%get3A_46, %get3A_47] : memref<1x512xf32, #tpu.memory_space<vmem>>, vector<1x512xf32>
      %add3A_49 = vector.broadcast %get3A_48 : vector<1x512xf32> to vector<512x512xf32>
      %add3A_50 = arith.addf %mul3A_45, %add3A_49 : vector<512x512xf32>
      %max3A = arith.constant 0.000000e+00 : f32
      %max3A_51 = vector.broadcast %max3A : f32 to vector<512x512xf32>
      %max3A_52 = arith.maximumf %add3A_50, %max3A_51 : vector<512x512xf32>
      %get3A_53 = arith.constant 0 : index
      %get3A_54 = arith.constant 0 : index
      %get3A_55 = vector.load %arg8[%get3A_53, %get3A_54] : memref<512x256xf32, #tpu.memory_space<vmem>>, vector<512x256xf32>
      %dot_general3A_56 = arith.constant dense<0.000000e+00> : vector<512x256xf32>
      %dot_general3A_57 = tpu.matmul %max3A_52, %get3A_55, %dot_general3A_56 {dimension_numbers = #tpu.dot_dimension_numbers<[1], [0], [0], [1], [0, 0, 1, 1], [], []>, transpose_lhs_hint = false} : vector<512x512xf32>, vector<512x256xf32>, vector<512x256xf32> -> vector<512x256xf32>
      %get3A_58 = arith.constant 0 : index
      %get3A_59 = arith.constant 0 : index
      %get3A_60 = vector.load %arg9[%get3A_58, %get3A_59] : memref<1x256xf32, #tpu.memory_space<vmem>>, vector<1x256xf32>
      %add3A_61 = vector.broadcast %get3A_60 : vector<1x256xf32> to vector<512x256xf32>
      %add3A_62 = arith.addf %dot_general3A_57, %add3A_61 : vector<512x256xf32>
      %get3A_63 = arith.constant 0 : index
      %get3A_64 = arith.constant 0 : index
      %get3A_65 = vector.load %arg10[%get3A_63, %get3A_64] : memref<1x256xf32, #tpu.memory_space<vmem>>, vector<1x256xf32>
      %mul3A_66 = arith.constant 0.999994993 : f32
      %mul3A_67 = vector.broadcast %mul3A_66 : f32 to vector<1x256xf32>
      %mul3A_68 = arith.mulf %get3A_65, %mul3A_67 : vector<1x256xf32>
      %mul3A_69 = vector.broadcast %mul3A_68 : vector<1x256xf32> to vector<512x256xf32>
      %mul3A_70 = arith.mulf %add3A_62, %mul3A_69 : vector<512x256xf32>
      %get3A_71 = arith.constant 0 : index
      %get3A_72 = arith.constant 0 : index
      %get3A_73 = vector.load %arg11[%get3A_71, %get3A_72] : memref<1x256xf32, #tpu.memory_space<vmem>>, vector<1x256xf32>
      %add3A_74 = vector.broadcast %get3A_73 : vector<1x256xf32> to vector<512x256xf32>
      %add3A_75 = arith.addf %mul3A_70, %add3A_74 : vector<512x256xf32>
      %max3A_76 = arith.constant 0.000000e+00 : f32
      %max3A_77 = vector.broadcast %max3A_76 : f32 to vector<512x256xf32>
      %max3A_78 = arith.maximumf %add3A_75, %max3A_77 : vector<512x256xf32>
      %swap3A = arith.constant 0 : index
      %swap3A_79 = arith.constant 0 : index
      %swap3A_80 = vector.load %arg12[%swap3A, %swap3A_79] : memref<512x256xf32, #tpu.memory_space<vmem>>, vector<512x256xf32>
      tpu.vector_store %arg12[%swap3A, %swap3A_79], %max3A_78 {strides = array<i32>} : memref<512x256xf32, #tpu.memory_space<vmem>>, vector<512x256xf32>,
    } else {
    }
    return
  }
  func.func @transform_0(%arg0: i32) -> (i32, i32) {
    %c0_i32 = arith.constant 0 : i32
    %c0_i32_0 = arith.constant 0 : i32
    return %arg0, %c0_i32 : i32, i32
  }
  func.func @transform_1(%arg0: i32) -> (i32, i32, i32) {
    %c0_i32 = arith.constant 0 : i32
    %c0_i32_0 = arith.constant 0 : i32
    %c0_i32_1 = arith.constant 0 : i32
    return %arg0, %c0_i32, %c0_i32_0 : i32, i32, i32
  }
  func.func @transform_2(%arg0: i32) -> (i32, i32) {
    %c0_i32 = arith.constant 0 : i32
    %c0_i32_0 = arith.constant 0 : i32
    %c0_i32_1 = arith.constant 0 : i32
    return %c0_i32, %c0_i32_0 : i32, i32
  }
  func.func @transform_3(%arg0: i32) -> (i32, i32) {
    %c0_i32 = arith.constant 0 : i32
    %c0_i32_0 = arith.constant 0 : i32
    %c0_i32_1 = arith.constant 0 : i32
    return %c0_i32, %c0_i32_0 : i32, i32
  }
  func.func @transform_4(%arg0: i32) -> (i32, i32) {
    %c0_i32 = arith.constant 0 : i32
    %c0_i32_0 = arith.constant 0 : i32
    %c0_i32_1 = arith.constant 0 : i32
    return %c0_i32, %c0_i32_0 : i32, i32
  }
  func.func @transform_5(%arg0: i32) -> (i32, i32) {
    %c0_i32 = arith.constant 0 : i32
    %c0_i32_0 = arith.constant 0 : i32
    %c0_i32_1 = arith.constant 0 : i32
    return %c0_i32, %c0_i32_0 : i32, i32
  }
  func.func @transform_6(%arg0: i32) -> (i32, i32) {
    %c0_i32 = arith.constant 0 : i32
    %c0_i32_0 = arith.constant 0 : i32
    %c0_i32_1 = arith.constant 0 : i32
    return %c0_i32, %c0_i32_0 : i32, i32
  }
  func.func @transform_7(%arg0: i32) -> (i32, i32) {
    %c0_i32 = arith.constant 0 : i32
    %c0_i32_0 = arith.constant 0 : i32
    %c0_i32_1 = arith.constant 0 : i32
    return %c0_i32, %c0_i32_0 : i32, i32
  }
  func.func @transform_8(%arg0: i32) -> (i32, i32) {
    %c0_i32 = arith.constant 0 : i32
    %c0_i32_0 = arith.constant 0 : i32
    %c0_i32_1 = arith.constant 0 : i32
    return %c0_i32, %c0_i32_0 : i32, i32
  }
  func.func @transform_9(%arg0: i32) -> (i32, i32) {
    %c0_i32 = arith.constant 0 : i32
    %c0_i32_0 = arith.constant 0 : i32
    %c0_i32_1 = arith.constant 0 : i32
    return %c0_i32, %c0_i32_0 : i32, i32
  }
  func.func @transform_10(%arg0: i32) -> (i32, i32) {
    %c0_i32 = arith.constant 0 : i32
    %c0_i32_0 = arith.constant 0 : i32
    %c0_i32_1 = arith.constant 0 : i32
    return %c0_i32, %c0_i32_0 : i32, i32
  }
  func.func @transform_11(%arg0: i32) -> (i32, i32) {
    %c0_i32 = arith.constant 0 : i32
    %c0_i32_0 = arith.constant 0 : i32
    %c0_i32_1 = arith.constant 0 : i32
    return %c0_i32, %c0_i32_0 : i32, i32
  }
}

module attributes {stable_mosaic.version = 14 : i64} {
  func.func @_gin_mlp_prep_body(%arg0: i32, %arg1: memref<400x256xf32, #tpu.memory_space<vmem>>, %arg2: memref<2x400x128xf32, #tpu.memory_space<vmem>>, %arg3: memref<1x1xf32, #tpu.memory_space<vmem>>, %arg4: memref<256x512xf32, #tpu.memory_space<vmem>>, %arg5: memref<1x512xf32, #tpu.memory_space<vmem>>, %arg6: memref<1x512xf32, #tpu.memory_space<vmem>>, %arg7: memref<1x512xf32, #tpu.memory_space<vmem>>, %arg8: memref<512x256xf32, #tpu.memory_space<vmem>>, %arg9: memref<1x256xf32, #tpu.memory_space<vmem>>, %arg10: memref<1x256xf32, #tpu.memory_space<vmem>>, %arg11: memref<1x256xf32, #tpu.memory_space<vmem>>, %arg12: memref<400x1xi32, #tpu.memory_space<vmem>>, %arg13: memref<512x256xf32, #tpu.memory_space<vmem>>, %arg14: memref<16x256xf32, #tpu.memory_space<vmem>>, %arg15: memref<400x256xf32, #tpu.memory_space<vmem>>, %arg16: memref<2x8x400x128xf32, #tpu.memory_space<vmem>>) attributes {dimension_semantics = [#tpu.dimension_semantics<arbitrary>], iteration_bounds = array<i64: 25>, scalar_prefetch = 0 : i64, scratch_operands = 0 : i64, tpu.core_type = #tpu.core_type<tc>, window_params = [{transform_indices = @transform_0, window_bounds = array<i64: 400, 256>}, {transform_indices = @transform_1, window_bounds = array<i64: 2, 400, 128>}, {pipeline_mode = #tpu.pipeline_mode<synchronous>, transform_indices = @transform_2, window_bounds = array<i64: 1, 1>}, {pipeline_mode = #tpu.pipeline_mode<synchronous>, transform_indices = @transform_3, window_bounds = array<i64: 256, 512>}, {pipeline_mode = #tpu.pipeline_mode<synchronous>, transform_indices = @transform_4, window_bounds = array<i64: 1, 512>}, {pipeline_mode = #tpu.pipeline_mode<synchronous>, transform_indices = @transform_5, window_bounds = array<i64: 1, 512>}, {pipeline_mode = #tpu.pipeline_mode<synchronous>, transform_indices = @transform_6, window_bounds = array<i64: 1, 512>}, {pipeline_mode = #tpu.pipeline_mode<synchronous>, transform_indices = @transform_7, window_bounds = array<i64: 512, 256>}, {pipeline_mode = #tpu.pipeline_mode<synchronous>, transform_indices = @transform_8, window_bounds = array<i64: 1, 256>}, {pipeline_mode = #tpu.pipeline_mode<synchronous>, transform_indices = @transform_9, window_bounds = array<i64: 1, 256>}, {pipeline_mode = #tpu.pipeline_mode<synchronous>, transform_indices = @transform_10, window_bounds = array<i64: 1, 256>}, {transform_indices = @transform_11, window_bounds = array<i64: 400, 1>}, {pipeline_mode = #tpu.pipeline_mode<synchronous>, transform_indices = @transform_12, window_bounds = array<i64: 512, 256>}, {pipeline_mode = #tpu.pipeline_mode<synchronous>, transform_indices = @transform_13, window_bounds = array<i64: 16, 256>}, {transform_indices = @transform_14, window_bounds = array<i64: 400, 256>}, {transform_indices = @transform_15, window_bounds = array<i64: 2, 8, 400, 128>}]} {
    %get3A = arith.constant 0 : index
    %get3A_0 = arith.constant 0 : index
    %get3A_1 = vector.load %arg1[%get3A, %get3A_0] : memref<400x256xf32, #tpu.memory_space<vmem>>, vector<400x256xf32>
    %get3A_2 = arith.constant 0 : index
    %get3A_3 = arith.constant 0 : index
    %get3A_4 = arith.constant 0 : index
    %get3A_5 = vector.load %arg2[%get3A_2, %get3A_3, %get3A_4] : memref<2x400x128xf32, #tpu.memory_space<vmem>>, vector<1x400x128xf32>
    %get3A_6 = vector.shape_cast %get3A_5 : vector<1x400x128xf32> to vector<400x128xf32>
    %get3A_7 = arith.constant 1 : index
    %get3A_8 = arith.constant 0 : index
    %get3A_9 = arith.constant 0 : index
    %get3A_10 = vector.load %arg2[%get3A_7, %get3A_8, %get3A_9] : memref<2x400x128xf32, #tpu.memory_space<vmem>>, vector<1x400x128xf32>
    %get3A_11 = vector.shape_cast %get3A_10 : vector<1x400x128xf32> to vector<400x128xf32>
    %concatenate3A = tpu.concatenate %get3A_6, %get3A_11 in 1 : vector<400x128xf32>, vector<400x128xf32> -> vector<400x256xf32>
    %get3A_12 = arith.constant 0 : index
    %get3A_13 = arith.constant 0 : index
    %get3A_14 = vector.load %arg3[%get3A_12, %get3A_13] : memref<1x1xf32, #tpu.memory_space<vmem>>, vector<1x1xf32>
    %get3A_15 = vector.extract %get3A_14[0, 0] : f32 from vector<1x1xf32>
    %add3A = arith.constant 1.000000e+00 : f32
    %add3A_16 = arith.addf %add3A, %get3A_15 : f32
    %mul3A = vector.broadcast %add3A_16 : f32 to vector<400x256xf32>
    %mul3A_17 = arith.mulf %mul3A, %get3A_1 : vector<400x256xf32>
    %add3A_18 = arith.addf %mul3A_17, %concatenate3A : vector<400x256xf32>
    %get3A_19 = arith.constant 0 : index
    %get3A_20 = arith.constant 0 : index
    %get3A_21 = vector.load %arg4[%get3A_19, %get3A_20] : memref<256x512xf32, #tpu.memory_space<vmem>>, vector<256x512xf32>
    %dot_general3A = arith.constant dense<0.000000e+00> : vector<400x512xf32>
    %dot_general3A_22 = tpu.matmul %add3A_18, %get3A_21, %dot_general3A {dimension_numbers = #tpu.dot_dimension_numbers<[1], [0], [0], [1], [0, 0, 1, 1], [], []>, transpose_lhs_hint = false} : vector<400x256xf32>, vector<256x512xf32>, vector<400x512xf32> -> vector<400x512xf32>
    %get3A_23 = arith.constant 0 : index
    %get3A_24 = arith.constant 0 : index
    %get3A_25 = vector.load %arg5[%get3A_23, %get3A_24] : memref<1x512xf32, #tpu.memory_space<vmem>>, vector<1x512xf32>
    %add3A_26 = vector.broadcast %get3A_25 : vector<1x512xf32> to vector<400x512xf32>
    %add3A_27 = arith.addf %dot_general3A_22, %add3A_26 : vector<400x512xf32>
    %get3A_28 = arith.constant 0 : index
    %get3A_29 = arith.constant 0 : index
    %get3A_30 = vector.load %arg6[%get3A_28, %get3A_29] : memref<1x512xf32, #tpu.memory_space<vmem>>, vector<1x512xf32>
    %mul3A_31 = arith.constant 0.999994993 : f32
    %mul3A_32 = vector.broadcast %mul3A_31 : f32 to vector<1x512xf32>
    %mul3A_33 = arith.mulf %get3A_30, %mul3A_32 : vector<1x512xf32>
    %mul3A_34 = vector.broadcast %mul3A_33 : vector<1x512xf32> to vector<400x512xf32>
    %mul3A_35 = arith.mulf %add3A_27, %mul3A_34 : vector<400x512xf32>
    %get3A_36 = arith.constant 0 : index
    %get3A_37 = arith.constant 0 : index
    %get3A_38 = vector.load %arg7[%get3A_36, %get3A_37] : memref<1x512xf32, #tpu.memory_space<vmem>>, vector<1x512xf32>
    %add3A_39 = vector.broadcast %get3A_38 : vector<1x512xf32> to vector<400x512xf32>
    %add3A_40 = arith.addf %mul3A_35, %add3A_39 : vector<400x512xf32>
    %max3A = arith.constant 0.000000e+00 : f32
    %max3A_41 = vector.broadcast %max3A : f32 to vector<400x512xf32>
    %max3A_42 = arith.maximumf %add3A_40, %max3A_41 : vector<400x512xf32>
    %get3A_43 = arith.constant 0 : index
    %get3A_44 = arith.constant 0 : index
    %get3A_45 = vector.load %arg8[%get3A_43, %get3A_44] : memref<512x256xf32, #tpu.memory_space<vmem>>, vector<512x256xf32>
    %dot_general3A_46 = arith.constant dense<0.000000e+00> : vector<400x256xf32>
    %dot_general3A_47 = tpu.matmul %max3A_42, %get3A_45, %dot_general3A_46 {dimension_numbers = #tpu.dot_dimension_numbers<[1], [0], [0], [1], [0, 0, 1, 1], [], []>, transpose_lhs_hint = false} : vector<400x512xf32>, vector<512x256xf32>, vector<400x256xf32> -> vector<400x256xf32>
    %get3A_48 = arith.constant 0 : index
    %get3A_49 = arith.constant 0 : index
    %get3A_50 = vector.load %arg9[%get3A_48, %get3A_49] : memref<1x256xf32, #tpu.memory_space<vmem>>, vector<1x256xf32>
    %add3A_51 = vector.broadcast %get3A_50 : vector<1x256xf32> to vector<400x256xf32>
    %add3A_52 = arith.addf %dot_general3A_47, %add3A_51 : vector<400x256xf32>
    %get3A_53 = arith.constant 0 : index
    %get3A_54 = arith.constant 0 : index
    %get3A_55 = vector.load %arg10[%get3A_53, %get3A_54] : memref<1x256xf32, #tpu.memory_space<vmem>>, vector<1x256xf32>
    %mul3A_56 = arith.constant 0.999994993 : f32
    %mul3A_57 = vector.broadcast %mul3A_56 : f32 to vector<1x256xf32>
    %mul3A_58 = arith.mulf %get3A_55, %mul3A_57 : vector<1x256xf32>
    %mul3A_59 = vector.broadcast %mul3A_58 : vector<1x256xf32> to vector<400x256xf32>
    %mul3A_60 = arith.mulf %add3A_52, %mul3A_59 : vector<400x256xf32>
    %get3A_61 = arith.constant 0 : index
    %get3A_62 = arith.constant 0 : index
    %get3A_63 = vector.load %arg11[%get3A_61, %get3A_62] : memref<1x256xf32, #tpu.memory_space<vmem>>, vector<1x256xf32>
    %add3A_64 = vector.broadcast %get3A_63 : vector<1x256xf32> to vector<400x256xf32>
    %add3A_65 = arith.addf %mul3A_60, %add3A_64 : vector<400x256xf32>
    %max3A_66 = arith.constant 0.000000e+00 : f32
    %max3A_67 = vector.broadcast %max3A_66 : f32 to vector<400x256xf32>
    %max3A_68 = arith.maximumf %add3A_65, %max3A_67 : vector<400x256xf32>
    %get3A_69 = arith.constant 0 : index
    %get3A_70 = arith.constant 0 : index
    %get3A_71 = vector.load %arg12[%get3A_69, %get3A_70] : memref<400x1xi32, #tpu.memory_space<vmem>>, vector<400x1xi32>
    %iota3A = tpu.iota {dimensions = array<i32: 1>} : vector<400x512xi32>
    %eq3A = vector.broadcast %get3A_71 : vector<400x1xi32> to vector<400x512xi32>
    %eq3A_72 = arith.cmpi eq, %eq3A, %iota3A : vector<400x512xi32>
    %convert_element_type3A = arith.extui %eq3A_72 : vector<400x512xi1> to vector<400x512xi32>
    %convert_element_type3A_73 = arith.sitofp %convert_element_type3A : vector<400x512xi32> to vector<400x512xf32>
    %get3A_74 = arith.constant 0 : index
    %get3A_75 = arith.constant 0 : index
    %get3A_76 = vector.load %arg13[%get3A_74, %get3A_75] : memref<512x256xf32, #tpu.memory_space<vmem>>, vector<512x256xf32>
    %dot_general3A_77 = arith.constant dense<0.000000e+00> : vector<400x256xf32>
    %dot_general3A_78 = tpu.matmul %convert_element_type3A_73, %get3A_76, %dot_general3A_77 {dimension_numbers = #tpu.dot_dimension_numbers<[1], [0], [0], [1], [0, 0, 1, 1], [], []>, transpose_lhs_hint = false} : vector<400x512xf32>, vector<512x256xf32>, vector<400x256xf32> -> vector<400x256xf32>
    %add3A_79 = arith.addf %max3A_68, %dot_general3A_78 : vector<400x256xf32>
    %swap3A = arith.constant 0 : index
    %swap3A_80 = arith.constant 0 : index
    %swap3A_81 = vector.load %arg15[%swap3A, %swap3A_80] : memref<400x256xf32, #tpu.memory_space<vmem>>, vector<400x256xf32>
    tpu.vector_store %arg15[%swap3A, %swap3A_80], %add3A_79 {strides = array<i32>} : memref<400x256xf32, #tpu.memory_space<vmem>>, vector<400x256xf32>,
    %get3A_82 = arith.constant 0 : index
    %get3A_83 = arith.constant 0 : index
    %get3A_84 = vector.load %arg14[%get3A_82, %get3A_83] : memref<16x256xf32, #tpu.memory_space<vmem>>, vector<16x256xf32>
    %slice3A = vector.extract_strided_slice %get3A_84 {offsets = [0, 0], sizes = [1, 256], strides = [1, 1]} : vector<16x256xf32> to vector<1x256xf32>
    %slice3A_85 = vector.extract_strided_slice %get3A_84 {offsets = [5, 0], sizes = [1, 256], strides = [1, 1]} : vector<16x256xf32> to vector<1x256xf32>
    %add3A_86 = arith.addf %slice3A, %slice3A_85 : vector<1x256xf32>
    %slice3A_87 = vector.extract_strided_slice %get3A_84 {offsets = [11, 0], sizes = [1, 256], strides = [1, 1]} : vector<16x256xf32> to vector<1x256xf32>
    %add3A_88 = arith.addf %add3A_86, %slice3A_87 : vector<1x256xf32>
    %add3A_89 = vector.broadcast %add3A_88 : vector<1x256xf32> to vector<400x256xf32>
    %add3A_90 = arith.addf %add3A_79, %add3A_89 : vector<400x256xf32>
    %max3A_91 = arith.constant 0.000000e+00 : f32
    %max3A_92 = vector.broadcast %max3A_91 : f32 to vector<400x256xf32>
    %max3A_93 = arith.maximumf %add3A_90, %max3A_92 : vector<400x256xf32>
    %slice3A_94 = vector.extract_strided_slice %max3A_93 {offsets = [0, 0], sizes = [400, 128], strides = [1, 1]} : vector<400x256xf32> to vector<400x128xf32>
    %swap3A_95 = arith.constant 0 : index
    %swap3A_96 = arith.constant 0 : index
    %swap3A_97 = arith.constant 0 : index
    %swap3A_98 = arith.constant 0 : index
    %swap3A_99 = vector.load %arg16[%swap3A_95, %swap3A_96, %swap3A_97, %swap3A_98] : memref<2x8x400x128xf32, #tpu.memory_space<vmem>>, vector<1x1x400x128xf32>
    %swap3A_100 = vector.shape_cast %swap3A_99 : vector<1x1x400x128xf32> to vector<400x128xf32>
    %swap3A_101 = vector.shape_cast %slice3A_94 : vector<400x128xf32> to vector<1x1x400x128xf32>
    tpu.vector_store %arg16[%swap3A_95, %swap3A_96, %swap3A_97, %swap3A_98], %swap3A_101 {strides = array<i32>} : memref<2x8x400x128xf32, #tpu.memory_space<vmem>>, vector<1x1x400x128xf32>,
    %slice3A_102 = vector.extract_strided_slice %max3A_93 {offsets = [0, 128], sizes = [400, 128], strides = [1, 1]} : vector<400x256xf32> to vector<400x128xf32>
    %swap3A_103 = arith.constant 1 : index
    %swap3A_104 = arith.constant 0 : index
    %swap3A_105 = arith.constant 0 : index
    %swap3A_106 = arith.constant 0 : index
    %swap3A_107 = vector.load %arg16[%swap3A_103, %swap3A_104, %swap3A_105, %swap3A_106] : memref<2x8x400x128xf32, #tpu.memory_space<vmem>>, vector<1x1x400x128xf32>
    %swap3A_108 = vector.shape_cast %swap3A_107 : vector<1x1x400x128xf32> to vector<400x128xf32>
    %swap3A_109 = vector.shape_cast %slice3A_102 : vector<400x128xf32> to vector<1x1x400x128xf32>
    tpu.vector_store %arg16[%swap3A_103, %swap3A_104, %swap3A_105, %swap3A_106], %swap3A_109 {strides = array<i32>} : memref<2x8x400x128xf32, #tpu.memory_space<vmem>>, vector<1x1x400x128xf32>,
    %slice3A_110 = vector.extract_strided_slice %get3A_84 {offsets = [1, 0], sizes = [1, 256], strides = [1, 1]} : vector<16x256xf32> to vector<1x256xf32>
    %slice3A_111 = vector.extract_strided_slice %get3A_84 {offsets = [5, 0], sizes = [1, 256], strides = [1, 1]} : vector<16x256xf32> to vector<1x256xf32>
    %add3A_112 = arith.addf %slice3A_110, %slice3A_111 : vector<1x256xf32>
    %slice3A_113 = vector.extract_strided_slice %get3A_84 {offsets = [11, 0], sizes = [1, 256], strides = [1, 1]} : vector<16x256xf32> to vector<1x256xf32>
    %add3A_114 = arith.addf %add3A_112, %slice3A_113 : vector<1x256xf32>
    %add3A_115 = vector.broadcast %add3A_114 : vector<1x256xf32> to vector<400x256xf32>
    %add3A_116 = arith.addf %add3A_79, %add3A_115 : vector<400x256xf32>
    %max3A_117 = arith.constant 0.000000e+00 : f32
    %max3A_118 = vector.broadcast %max3A_117 : f32 to vector<400x256xf32>
    %max3A_119 = arith.maximumf %add3A_116, %max3A_118 : vector<400x256xf32>
    %slice3A_120 = vector.extract_strided_slice %max3A_119 {offsets = [0, 0], sizes = [400, 128], strides = [1, 1]} : vector<400x256xf32> to vector<400x128xf32>
    %swap3A_121 = arith.constant 0 : index
    %swap3A_122 = arith.constant 1 : index
    %swap3A_123 = arith.constant 0 : index
    %swap3A_124 = arith.constant 0 : index
    %swap3A_125 = vector.load %arg16[%swap3A_121, %swap3A_122, %swap3A_123, %swap3A_124] : memref<2x8x400x128xf32, #tpu.memory_space<vmem>>, vector<1x1x400x128xf32>
    %swap3A_126 = vector.shape_cast %swap3A_125 : vector<1x1x400x128xf32> to vector<400x128xf32>
    %swap3A_127 = vector.shape_cast %slice3A_120 : vector<400x128xf32> to vector<1x1x400x128xf32>
    tpu.vector_store %arg16[%swap3A_121, %swap3A_122, %swap3A_123, %swap3A_124], %swap3A_127 {strides = array<i32>} : memref<2x8x400x128xf32, #tpu.memory_space<vmem>>, vector<1x1x400x128xf32>,
    %slice3A_128 = vector.extract_strided_slice %max3A_119 {offsets = [0, 128], sizes = [400, 128], strides = [1, 1]} : vector<400x256xf32> to vector<400x128xf32>
    %swap3A_129 = arith.constant 1 : index
    %swap3A_130 = arith.constant 1 : index
    %swap3A_131 = arith.constant 0 : index
    %swap3A_132 = arith.constant 0 : index
    %swap3A_133 = vector.load %arg16[%swap3A_129, %swap3A_130, %swap3A_131, %swap3A_132] : memref<2x8x400x128xf32, #tpu.memory_space<vmem>>, vector<1x1x400x128xf32>
    %swap3A_134 = vector.shape_cast %swap3A_133 : vector<1x1x400x128xf32> to vector<400x128xf32>
    %swap3A_135 = vector.shape_cast %slice3A_128 : vector<400x128xf32> to vector<1x1x400x128xf32>
    tpu.vector_store %arg16[%swap3A_129, %swap3A_130, %swap3A_131, %swap3A_132], %swap3A_135 {strides = array<i32>} : memref<2x8x400x128xf32, #tpu.memory_space<vmem>>, vector<1x1x400x128xf32>,
    %slice3A_136 = vector.extract_strided_slice %get3A_84 {offsets = [0, 0], sizes = [1, 256], strides = [1, 1]} : vector<16x256xf32> to vector<1x256xf32>
    %slice3A_137 = vector.extract_strided_slice %get3A_84 {offsets = [6, 0], sizes = [1, 256], strides = [1, 1]} : vector<16x256xf32> to vector<1x256xf32>
    %add3A_138 = arith.addf %slice3A_136, %slice3A_137 : vector<1x256xf32>
    %slice3A_139 = vector.extract_strided_slice %get3A_84 {offsets = [11, 0], sizes = [1, 256], strides = [1, 1]} : vector<16x256xf32> to vector<1x256xf32>
    %add3A_140 = arith.addf %add3A_138, %slice3A_139 : vector<1x256xf32>
    %add3A_141 = vector.broadcast %add3A_140 : vector<1x256xf32> to vector<400x256xf32>
    %add3A_142 = arith.addf %add3A_79, %add3A_141 : vector<400x256xf32>
    %max3A_143 = arith.constant 0.000000e+00 : f32
    %max3A_144 = vector.broadcast %max3A_143 : f32 to vector<400x256xf32>
    %max3A_145 = arith.maximumf %add3A_142, %max3A_144 : vector<400x256xf32>
    %slice3A_146 = vector.extract_strided_slice %max3A_145 {offsets = [0, 0], sizes = [400, 128], strides = [1, 1]} : vector<400x256xf32> to vector<400x128xf32>
    %swap3A_147 = arith.constant 0 : index
    %swap3A_148 = arith.constant 2 : index
    %swap3A_149 = arith.constant 0 : index
    %swap3A_150 = arith.constant 0 : index
    %swap3A_151 = vector.load %arg16[%swap3A_147, %swap3A_148, %swap3A_149, %swap3A_150] : memref<2x8x400x128xf32, #tpu.memory_space<vmem>>, vector<1x1x400x128xf32>
    %swap3A_152 = vector.shape_cast %swap3A_151 : vector<1x1x400x128xf32> to vector<400x128xf32>
    %swap3A_153 = vector.shape_cast %slice3A_146 : vector<400x128xf32> to vector<1x1x400x128xf32>
    tpu.vector_store %arg16[%swap3A_147, %swap3A_148, %swap3A_149, %swap3A_150], %swap3A_153 {strides = array<i32>} : memref<2x8x400x128xf32, #tpu.memory_space<vmem>>, vector<1x1x400x128xf32>,
    %slice3A_154 = vector.extract_strided_slice %max3A_145 {offsets = [0, 128], sizes = [400, 128], strides = [1, 1]} : vector<400x256xf32> to vector<400x128xf32>
    %swap3A_155 = arith.constant 1 : index
    %swap3A_156 = arith.constant 2 : index
    %swap3A_157 = arith.constant 0 : index
    %swap3A_158 = arith.constant 0 : index
    %swap3A_159 = vector.load %arg16[%swap3A_155, %swap3A_156, %swap3A_157, %swap3A_158] : memref<2x8x400x128xf32, #tpu.memory_space<vmem>>, vector<1x1x400x128xf32>
    %swap3A_160 = vector.shape_cast %swap3A_159 : vector<1x1x400x128xf32> to vector<400x128xf32>
    %swap3A_161 = vector.shape_cast %slice3A_154 : vector<400x128xf32> to vector<1x1x400x128xf32>
    tpu.vector_store %arg16[%swap3A_155, %swap3A_156, %swap3A_157, %swap3A_158], %swap3A_161 {strides = array<i32>} : memref<2x8x400x128xf32, #tpu.memory_space<vmem>>, vector<1x1x400x128xf32>,
    %slice3A_162 = vector.extract_strided_slice %get3A_84 {offsets = [1, 0], sizes = [1, 256], strides = [1, 1]} : vector<16x256xf32> to vector<1x256xf32>
    %slice3A_163 = vector.extract_strided_slice %get3A_84 {offsets = [6, 0], sizes = [1, 256], strides = [1, 1]} : vector<16x256xf32> to vector<1x256xf32>
    %add3A_164 = arith.addf %slice3A_162, %slice3A_163 : vector<1x256xf32>
    %slice3A_165 = vector.extract_strided_slice %get3A_84 {offsets = [11, 0], sizes = [1, 256], strides = [1, 1]} : vector<16x256xf32> to vector<1x256xf32>
    %add3A_166 = arith.addf %add3A_164, %slice3A_165 : vector<1x256xf32>
    %add3A_167 = vector.broadcast %add3A_166 : vector<1x256xf32> to vector<400x256xf32>
    %add3A_168 = arith.addf %add3A_79, %add3A_167 : vector<400x256xf32>
    %max3A_169 = arith.constant 0.000000e+00 : f32
    %max3A_170 = vector.broadcast %max3A_169 : f32 to vector<400x256xf32>
    %max3A_171 = arith.maximumf %add3A_168, %max3A_170 : vector<400x256xf32>
    %slice3A_172 = vector.extract_strided_slice %max3A_171 {offsets = [0, 0], sizes = [400, 128], strides = [1, 1]} : vector<400x256xf32> to vector<400x128xf32>
    %swap3A_173 = arith.constant 0 : index
    %swap3A_174 = arith.constant 3 : index
    %swap3A_175 = arith.constant 0 : index
    %swap3A_176 = arith.constant 0 : index
    %swap3A_177 = vector.load %arg16[%swap3A_173, %swap3A_174, %swap3A_175, %swap3A_176] : memref<2x8x400x128xf32, #tpu.memory_space<vmem>>, vector<1x1x400x128xf32>
    %swap3A_178 = vector.shape_cast %swap3A_177 : vector<1x1x400x128xf32> to vector<400x128xf32>
    %swap3A_179 = vector.shape_cast %slice3A_172 : vector<400x128xf32> to vector<1x1x400x128xf32>
    tpu.vector_store %arg16[%swap3A_173, %swap3A_174, %swap3A_175, %swap3A_176], %swap3A_179 {strides = array<i32>} : memref<2x8x400x128xf32, #tpu.memory_space<vmem>>, vector<1x1x400x128xf32>,
    %slice3A_180 = vector.extract_strided_slice %max3A_171 {offsets = [0, 128], sizes = [400, 128], strides = [1, 1]} : vector<400x256xf32> to vector<400x128xf32>
    %swap3A_181 = arith.constant 1 : index
    %swap3A_182 = arith.constant 3 : index
    %swap3A_183 = arith.constant 0 : index
    %swap3A_184 = arith.constant 0 : index
    %swap3A_185 = vector.load %arg16[%swap3A_181, %swap3A_182, %swap3A_183, %swap3A_184] : memref<2x8x400x128xf32, #tpu.memory_space<vmem>>, vector<1x1x400x128xf32>
    %swap3A_186 = vector.shape_cast %swap3A_185 : vector<1x1x400x128xf32> to vector<400x128xf32>
    %swap3A_187 = vector.shape_cast %slice3A_180 : vector<400x128xf32> to vector<1x1x400x128xf32>
    tpu.vector_store %arg16[%swap3A_181, %swap3A_182, %swap3A_183, %swap3A_184], %swap3A_187 {strides = array<i32>} : memref<2x8x400x128xf32, #tpu.memory_space<vmem>>, vector<1x1x400x128xf32>,
    %slice3A_188 = vector.extract_strided_slice %get3A_84 {offsets = [0, 0], sizes = [1, 256], strides = [1, 1]} : vector<16x256xf32> to vector<1x256xf32>
    %slice3A_189 = vector.extract_strided_slice %get3A_84 {offsets = [5, 0], sizes = [1, 256], strides = [1, 1]} : vector<16x256xf32> to vector<1x256xf32>
    %add3A_190 = arith.addf %slice3A_188, %slice3A_189 : vector<1x256xf32>
    %slice3A_191 = vector.extract_strided_slice %get3A_84 {offsets = [12, 0], sizes = [1, 256], strides = [1, 1]} : vector<16x256xf32> to vector<1x256xf32>
    %add3A_192 = arith.addf %add3A_190, %slice3A_191 : vector<1x256xf32>
    %add3A_193 = vector.broadcast %add3A_192 : vector<1x256xf32> to vector<400x256xf32>
    %add3A_194 = arith.addf %add3A_79, %add3A_193 : vector<400x256xf32>
    %max3A_195 = arith.constant 0.000000e+00 : f32
    %max3A_196 = vector.broadcast %max3A_195 : f32 to vector<400x256xf32>
    %max3A_197 = arith.maximumf %add3A_194, %max3A_196 : vector<400x256xf32>
    %slice3A_198 = vector.extract_strided_slice %max3A_197 {offsets = [0, 0], sizes = [400, 128], strides = [1, 1]} : vector<400x256xf32> to vector<400x128xf32>
    %swap3A_199 = arith.constant 0 : index
    %swap3A_200 = arith.constant 4 : index
    %swap3A_201 = arith.constant 0 : index
    %swap3A_202 = arith.constant 0 : index
    %swap3A_203 = vector.load %arg16[%swap3A_199, %swap3A_200, %swap3A_201, %swap3A_202] : memref<2x8x400x128xf32, #tpu.memory_space<vmem>>, vector<1x1x400x128xf32>
    %swap3A_204 = vector.shape_cast %swap3A_203 : vector<1x1x400x128xf32> to vector<400x128xf32>
    %swap3A_205 = vector.shape_cast %slice3A_198 : vector<400x128xf32> to vector<1x1x400x128xf32>
    tpu.vector_store %arg16[%swap3A_199, %swap3A_200, %swap3A_201, %swap3A_202], %swap3A_205 {strides = array<i32>} : memref<2x8x400x128xf32, #tpu.memory_space<vmem>>, vector<1x1x400x128xf32>,
    %slice3A_206 = vector.extract_strided_slice %max3A_197 {offsets = [0, 128], sizes = [400, 128], strides = [1, 1]} : vector<400x256xf32> to vector<400x128xf32>
    %swap3A_207 = arith.constant 1 : index
    %swap3A_208 = arith.constant 4 : index
    %swap3A_209 = arith.constant 0 : index
    %swap3A_210 = arith.constant 0 : index
    %swap3A_211 = vector.load %arg16[%swap3A_207, %swap3A_208, %swap3A_209, %swap3A_210] : memref<2x8x400x128xf32, #tpu.memory_space<vmem>>, vector<1x1x400x128xf32>
    %swap3A_212 = vector.shape_cast %swap3A_211 : vector<1x1x400x128xf32> to vector<400x128xf32>
    %swap3A_213 = vector.shape_cast %slice3A_206 : vector<400x128xf32> to vector<1x1x400x128xf32>
    tpu.vector_store %arg16[%swap3A_207, %swap3A_208, %swap3A_209, %swap3A_210], %swap3A_213 {strides = array<i32>} : memref<2x8x400x128xf32, #tpu.memory_space<vmem>>, vector<1x1x400x128xf32>,
    %slice3A_214 = vector.extract_strided_slice %get3A_84 {offsets = [1, 0], sizes = [1, 256], strides = [1, 1]} : vector<16x256xf32> to vector<1x256xf32>
    %slice3A_215 = vector.extract_strided_slice %get3A_84 {offsets = [5, 0], sizes = [1, 256], strides = [1, 1]} : vector<16x256xf32> to vector<1x256xf32>
    %add3A_216 = arith.addf %slice3A_214, %slice3A_215 : vector<1x256xf32>
    %slice3A_217 = vector.extract_strided_slice %get3A_84 {offsets = [12, 0], sizes = [1, 256], strides = [1, 1]} : vector<16x256xf32> to vector<1x256xf32>
    %add3A_218 = arith.addf %add3A_216, %slice3A_217 : vector<1x256xf32>
    %add3A_219 = vector.broadcast %add3A_218 : vector<1x256xf32> to vector<400x256xf32>
    %add3A_220 = arith.addf %add3A_79, %add3A_219 : vector<400x256xf32>
    %max3A_221 = arith.constant 0.000000e+00 : f32
    %max3A_222 = vector.broadcast %max3A_221 : f32 to vector<400x256xf32>
    %max3A_223 = arith.maximumf %add3A_220, %max3A_222 : vector<400x256xf32>
    %slice3A_224 = vector.extract_strided_slice %max3A_223 {offsets = [0, 0], sizes = [400, 128], strides = [1, 1]} : vector<400x256xf32> to vector<400x128xf32>
    %swap3A_225 = arith.constant 0 : index
    %swap3A_226 = arith.constant 5 : index
    %swap3A_227 = arith.constant 0 : index
    %swap3A_228 = arith.constant 0 : index
    %swap3A_229 = vector.load %arg16[%swap3A_225, %swap3A_226, %swap3A_227, %swap3A_228] : memref<2x8x400x128xf32, #tpu.memory_space<vmem>>, vector<1x1x400x128xf32>
    %swap3A_230 = vector.shape_cast %swap3A_229 : vector<1x1x400x128xf32> to vector<400x128xf32>
    %swap3A_231 = vector.shape_cast %slice3A_224 : vector<400x128xf32> to vector<1x1x400x128xf32>
    tpu.vector_store %arg16[%swap3A_225, %swap3A_226, %swap3A_227, %swap3A_228], %swap3A_231 {strides = array<i32>} : memref<2x8x400x128xf32, #tpu.memory_space<vmem>>, vector<1x1x400x128xf32>,
    %slice3A_232 = vector.extract_strided_slice %max3A_223 {offsets = [0, 128], sizes = [400, 128], strides = [1, 1]} : vector<400x256xf32> to vector<400x128xf32>
    %swap3A_233 = arith.constant 1 : index
    %swap3A_234 = arith.constant 5 : index
    %swap3A_235 = arith.constant 0 : index
    %swap3A_236 = arith.constant 0 : index
    %swap3A_237 = vector.load %arg16[%swap3A_233, %swap3A_234, %swap3A_235, %swap3A_236] : memref<2x8x400x128xf32, #tpu.memory_space<vmem>>, vector<1x1x400x128xf32>
    %swap3A_238 = vector.shape_cast %swap3A_237 : vector<1x1x400x128xf32> to vector<400x128xf32>
    %swap3A_239 = vector.shape_cast %slice3A_232 : vector<400x128xf32> to vector<1x1x400x128xf32>
    tpu.vector_store %arg16[%swap3A_233, %swap3A_234, %swap3A_235, %swap3A_236], %swap3A_239 {strides = array<i32>} : memref<2x8x400x128xf32, #tpu.memory_space<vmem>>, vector<1x1x400x128xf32>,
    %slice3A_240 = vector.extract_strided_slice %get3A_84 {offsets = [0, 0], sizes = [1, 256], strides = [1, 1]} : vector<16x256xf32> to vector<1x256xf32>
    %slice3A_241 = vector.extract_strided_slice %get3A_84 {offsets = [6, 0], sizes = [1, 256], strides = [1, 1]} : vector<16x256xf32> to vector<1x256xf32>
    %add3A_242 = arith.addf %slice3A_240, %slice3A_241 : vector<1x256xf32>
    %slice3A_243 = vector.extract_strided_slice %get3A_84 {offsets = [12, 0], sizes = [1, 256], strides = [1, 1]} : vector<16x256xf32> to vector<1x256xf32>
    %add3A_244 = arith.addf %add3A_242, %slice3A_243 : vector<1x256xf32>
    %add3A_245 = vector.broadcast %add3A_244 : vector<1x256xf32> to vector<400x256xf32>
    %add3A_246 = arith.addf %add3A_79, %add3A_245 : vector<400x256xf32>
    %max3A_247 = arith.constant 0.000000e+00 : f32
    %max3A_248 = vector.broadcast %max3A_247 : f32 to vector<400x256xf32>
    %max3A_249 = arith.maximumf %add3A_246, %max3A_248 : vector<400x256xf32>
    %slice3A_250 = vector.extract_strided_slice %max3A_249 {offsets = [0, 0], sizes = [400, 128], strides = [1, 1]} : vector<400x256xf32> to vector<400x128xf32>
    %swap3A_251 = arith.constant 0 : index
    %swap3A_252 = arith.constant 6 : index
    %swap3A_253 = arith.constant 0 : index
    %swap3A_254 = arith.constant 0 : index
    %swap3A_255 = vector.load %arg16[%swap3A_251, %swap3A_252, %swap3A_253, %swap3A_254] : memref<2x8x400x128xf32, #tpu.memory_space<vmem>>, vector<1x1x400x128xf32>
    %swap3A_256 = vector.shape_cast %swap3A_255 : vector<1x1x400x128xf32> to vector<400x128xf32>
    %swap3A_257 = vector.shape_cast %slice3A_250 : vector<400x128xf32> to vector<1x1x400x128xf32>
    tpu.vector_store %arg16[%swap3A_251, %swap3A_252, %swap3A_253, %swap3A_254], %swap3A_257 {strides = array<i32>} : memref<2x8x400x128xf32, #tpu.memory_space<vmem>>, vector<1x1x400x128xf32>,
    %slice3A_258 = vector.extract_strided_slice %max3A_249 {offsets = [0, 128], sizes = [400, 128], strides = [1, 1]} : vector<400x256xf32> to vector<400x128xf32>
    %swap3A_259 = arith.constant 1 : index
    %swap3A_260 = arith.constant 6 : index
    %swap3A_261 = arith.constant 0 : index
    %swap3A_262 = arith.constant 0 : index
    %swap3A_263 = vector.load %arg16[%swap3A_259, %swap3A_260, %swap3A_261, %swap3A_262] : memref<2x8x400x128xf32, #tpu.memory_space<vmem>>, vector<1x1x400x128xf32>
    %swap3A_264 = vector.shape_cast %swap3A_263 : vector<1x1x400x128xf32> to vector<400x128xf32>
    %swap3A_265 = vector.shape_cast %slice3A_258 : vector<400x128xf32> to vector<1x1x400x128xf32>
    tpu.vector_store %arg16[%swap3A_259, %swap3A_260, %swap3A_261, %swap3A_262], %swap3A_265 {strides = array<i32>} : memref<2x8x400x128xf32, #tpu.memory_space<vmem>>, vector<1x1x400x128xf32>,
    %slice3A_266 = vector.extract_strided_slice %get3A_84 {offsets = [1, 0], sizes = [1, 256], strides = [1, 1]} : vector<16x256xf32> to vector<1x256xf32>
    %slice3A_267 = vector.extract_strided_slice %get3A_84 {offsets = [6, 0], sizes = [1, 256], strides = [1, 1]} : vector<16x256xf32> to vector<1x256xf32>
    %add3A_268 = arith.addf %slice3A_266, %slice3A_267 : vector<1x256xf32>
    %slice3A_269 = vector.extract_strided_slice %get3A_84 {offsets = [12, 0], sizes = [1, 256], strides = [1, 1]} : vector<16x256xf32> to vector<1x256xf32>
    %add3A_270 = arith.addf %add3A_268, %slice3A_269 : vector<1x256xf32>
    %add3A_271 = vector.broadcast %add3A_270 : vector<1x256xf32> to vector<400x256xf32>
    %add3A_272 = arith.addf %add3A_79, %add3A_271 : vector<400x256xf32>
    %max3A_273 = arith.constant 0.000000e+00 : f32
    %max3A_274 = vector.broadcast %max3A_273 : f32 to vector<400x256xf32>
    %max3A_275 = arith.maximumf %add3A_272, %max3A_274 : vector<400x256xf32>
    %slice3A_276 = vector.extract_strided_slice %max3A_275 {offsets = [0, 0], sizes = [400, 128], strides = [1, 1]} : vector<400x256xf32> to vector<400x128xf32>
    %swap3A_277 = arith.constant 0 : index
    %swap3A_278 = arith.constant 7 : index
    %swap3A_279 = arith.constant 0 : index
    %swap3A_280 = arith.constant 0 : index
    %swap3A_281 = vector.load %arg16[%swap3A_277, %swap3A_278, %swap3A_279, %swap3A_280] : memref<2x8x400x128xf32, #tpu.memory_space<vmem>>, vector<1x1x400x128xf32>
    %swap3A_282 = vector.shape_cast %swap3A_281 : vector<1x1x400x128xf32> to vector<400x128xf32>
    %swap3A_283 = vector.shape_cast %slice3A_276 : vector<400x128xf32> to vector<1x1x400x128xf32>
    tpu.vector_store %arg16[%swap3A_277, %swap3A_278, %swap3A_279, %swap3A_280], %swap3A_283 {strides = array<i32>} : memref<2x8x400x128xf32, #tpu.memory_space<vmem>>, vector<1x1x400x128xf32>,
    %slice3A_284 = vector.extract_strided_slice %max3A_275 {offsets = [0, 128], sizes = [400, 128], strides = [1, 1]} : vector<400x256xf32> to vector<400x128xf32>
    %swap3A_285 = arith.constant 1 : index
    %swap3A_286 = arith.constant 7 : index
    %swap3A_287 = arith.constant 0 : index
    %swap3A_288 = arith.constant 0 : index
    %swap3A_289 = vector.load %arg16[%swap3A_285, %swap3A_286, %swap3A_287, %swap3A_288] : memref<2x8x400x128xf32, #tpu.memory_space<vmem>>, vector<1x1x400x128xf32>
    %swap3A_290 = vector.shape_cast %swap3A_289 : vector<1x1x400x128xf32> to vector<400x128xf32>
    %swap3A_291 = vector.shape_cast %slice3A_284 : vector<400x128xf32> to vector<1x1x400x128xf32>
    tpu.vector_store %arg16[%swap3A_285, %swap3A_286, %swap3A_287, %swap3A_288], %swap3A_291 {strides = array<i32>} : memref<2x8x400x128xf32, #tpu.memory_space<vmem>>, vector<1x1x400x128xf32>,
    return
  }
  func.func @transform_0(%arg0: i32) -> (i32, i32) {
    %c0_i32 = arith.constant 0 : i32
    %c0_i32_0 = arith.constant 0 : i32
    return %arg0, %c0_i32 : i32, i32
  }
  func.func @transform_1(%arg0: i32) -> (i32, i32, i32) {
    %c0_i32 = arith.constant 0 : i32
    %c0_i32_0 = arith.constant 0 : i32
    %c0_i32_1 = arith.constant 0 : i32
    return %c0_i32, %arg0, %c0_i32_0 : i32, i32, i32
  }
  func.func @transform_2(%arg0: i32) -> (i32, i32) {
    %c0_i32 = arith.constant 0 : i32
    %c0_i32_0 = arith.constant 0 : i32
    %c0_i32_1 = arith.constant 0 : i32
    return %c0_i32, %c0_i32_0 : i32, i32
  }
  func.func @transform_3(%arg0: i32) -> (i32, i32) {
    %c0_i32 = arith.constant 0 : i32
    %c0_i32_0 = arith.constant 0 : i32
    %c0_i32_1 = arith.constant 0 : i32
    return %c0_i32, %c0_i32_0 : i32, i32
  }
  func.func @transform_4(%arg0: i32) -> (i32, i32) {
    %c0_i32 = arith.constant 0 : i32
    %c0_i32_0 = arith.constant 0 : i32
    %c0_i32_1 = arith.constant 0 : i32
    return %c0_i32, %c0_i32_0 : i32, i32
  }
  func.func @transform_5(%arg0: i32) -> (i32, i32) {
    %c0_i32 = arith.constant 0 : i32
    %c0_i32_0 = arith.constant 0 : i32
    %c0_i32_1 = arith.constant 0 : i32
    return %c0_i32, %c0_i32_0 : i32, i32
  }
  func.func @transform_6(%arg0: i32) -> (i32, i32) {
    %c0_i32 = arith.constant 0 : i32
    %c0_i32_0 = arith.constant 0 : i32
    %c0_i32_1 = arith.constant 0 : i32
    return %c0_i32, %c0_i32_0 : i32, i32
  }
  func.func @transform_7(%arg0: i32) -> (i32, i32) {
    %c0_i32 = arith.constant 0 : i32
    %c0_i32_0 = arith.constant 0 : i32
    %c0_i32_1 = arith.constant 0 : i32
    return %c0_i32, %c0_i32_0 : i32, i32
  }
  func.func @transform_8(%arg0: i32) -> (i32, i32) {
    %c0_i32 = arith.constant 0 : i32
    %c0_i32_0 = arith.constant 0 : i32
    %c0_i32_1 = arith.constant 0 : i32
    return %c0_i32, %c0_i32_0 : i32, i32
  }
  func.func @transform_9(%arg0: i32) -> (i32, i32) {
    %c0_i32 = arith.constant 0 : i32
    %c0_i32_0 = arith.constant 0 : i32
    %c0_i32_1 = arith.constant 0 : i32
    return %c0_i32, %c0_i32_0 : i32, i32
  }
  func.func @transform_10(%arg0: i32) -> (i32, i32) {
    %c0_i32 = arith.constant 0 : i32
    %c0_i32_0 = arith.constant 0 : i32
    %c0_i32_1 = arith.constant 0 : i32
    return %c0_i32, %c0_i32_0 : i32, i32
  }
  func.func @transform_11(%arg0: i32) -> (i32, i32) {
    %c0_i32 = arith.constant 0 : i32
    %c0_i32_0 = arith.constant 0 : i32
    return %arg0, %c0_i32 : i32, i32
  }
  func.func @transform_12(%arg0: i32) -> (i32, i32) {
    %c0_i32 = arith.constant 0 : i32
    %c0_i32_0 = arith.constant 0 : i32
    %c0_i32_1 = arith.constant 0 : i32
    return %c0_i32, %c0_i32_0 : i32, i32
  }
  func.func @transform_13(%arg0: i32) -> (i32, i32) {
    %c0_i32 = arith.constant 0 : i32
    %c0_i32_0 = arith.constant 0 : i32
    %c0_i32_1 = arith.constant 0 : i32
    return %c0_i32, %c0_i32_0 : i32, i32
  }
  func.func @transform_14(%arg0: i32) -> (i32, i32) {
    %c0_i32 = arith.constant 0 : i32
    %c0_i32_0 = arith.constant 0 : i32
    return %arg0, %c0_i32 : i32, i32
  }
  func.func @transform_15(%arg0: i32) -> (i32, i32, i32, i32) {
    %c0_i32 = arith.constant 0 : i32
    %c0_i32_0 = arith.constant 0 : i32
    %c0_i32_1 = arith.constant 0 : i32
    %c0_i32_2 = arith.constant 0 : i32
    return %c0_i32, %c0_i32_0, %arg0, %c0_i32_1 : i32, i32, i32, i32
  }
}

module attributes {stable_mosaic.version = 14 : i64} {
  func.func @_gin_last_body(%arg0: i32, %arg1: memref<400x256xf32, #tpu.memory_space<vmem>>, %arg2: memref<2x400x128xf32, #tpu.memory_space<vmem>>, %arg3: memref<1x1x400xi32, #tpu.memory_space<vmem>>, %arg4: memref<1x1xf32, #tpu.memory_space<vmem>>, %arg5: memref<256x512xf32, #tpu.memory_space<vmem>>, %arg6: memref<1x512xf32, #tpu.memory_space<vmem>>, %arg7: memref<1x512xf32, #tpu.memory_space<vmem>>, %arg8: memref<1x512xf32, #tpu.memory_space<vmem>>, %arg9: memref<512x256xf32, #tpu.memory_space<vmem>>, %arg10: memref<1x256xf32, #tpu.memory_space<vmem>>, %arg11: memref<1x256xf32, #tpu.memory_space<vmem>>, %arg12: memref<1x256xf32, #tpu.memory_space<vmem>>, %arg13: memref<256x128xf32, #tpu.memory_space<vmem>>, %arg14: memref<1x128xf32, #tpu.memory_space<vmem>>, %arg15: memref<512x128xf32, #tpu.memory_space<vmem>>, %arg16: memref<512x256xf32, #tpu.memory_space<vmem>>, %arg17: memref<512x256xf32, #tpu.memory_space<vmem>>) attributes {dimension_semantics = [#tpu.dimension_semantics<arbitrary>], iteration_bounds = array<i64: 25>, scalar_prefetch = 0 : i64, scratch_operands = 2 : i64, tpu.core_type = #tpu.core_type<tc>, window_params = [{transform_indices = @transform_0, window_bounds = array<i64: 400, 256>}, {transform_indices = @transform_1, window_bounds = array<i64: 2, 400, 128>}, {transform_indices = @transform_2, window_bounds = array<i64: 1, 1, 400>}, {pipeline_mode = #tpu.pipeline_mode<synchronous>, transform_indices = @transform_3, window_bounds = array<i64: 1, 1>}, {pipeline_mode = #tpu.pipeline_mode<synchronous>, transform_indices = @transform_4, window_bounds = array<i64: 256, 512>}, {pipeline_mode = #tpu.pipeline_mode<synchronous>, transform_indices = @transform_5, window_bounds = array<i64: 1, 512>}, {pipeline_mode = #tpu.pipeline_mode<synchronous>, transform_indices = @transform_6, window_bounds = array<i64: 1, 512>}, {pipeline_mode = #tpu.pipeline_mode<synchronous>, transform_indices = @transform_7, window_bounds = array<i64: 1, 512>}, {pipeline_mode = #tpu.pipeline_mode<synchronous>, transform_indices = @transform_8, window_bounds = array<i64: 512, 256>}, {pipeline_mode = #tpu.pipeline_mode<synchronous>, transform_indices = @transform_9, window_bounds = array<i64: 1, 256>}, {pipeline_mode = #tpu.pipeline_mode<synchronous>, transform_indices = @transform_10, window_bounds = array<i64: 1, 256>}, {pipeline_mode = #tpu.pipeline_mode<synchronous>, transform_indices = @transform_11, window_bounds = array<i64: 1, 256>}, {pipeline_mode = #tpu.pipeline_mode<synchronous>, transform_indices = @transform_12, window_bounds = array<i64: 256, 128>}, {pipeline_mode = #tpu.pipeline_mode<synchronous>, transform_indices = @transform_13, window_bounds = array<i64: 1, 128>}, {pipeline_mode = #tpu.pipeline_mode<synchronous>, transform_indices = @transform_14, window_bounds = array<i64: 512, 128>}]} {
    %get3A = arith.constant 0 : index
    %get3A_0 = arith.constant 0 : index
    %get3A_1 = vector.load %arg1[%get3A, %get3A_0] : memref<400x256xf32, #tpu.memory_space<vmem>>, vector<400x256xf32>
    %get3A_2 = arith.constant 0 : index
    %get3A_3 = arith.constant 0 : index
    %get3A_4 = arith.constant 0 : index
    %get3A_5 = vector.load %arg2[%get3A_2, %get3A_3, %get3A_4] : memref<2x400x128xf32, #tpu.memory_space<vmem>>, vector<1x400x128xf32>
    %get3A_6 = vector.shape_cast %get3A_5 : vector<1x400x128xf32> to vector<400x128xf32>
    %get3A_7 = arith.constant 1 : index
    %get3A_8 = arith.constant 0 : index
    %get3A_9 = arith.constant 0 : index
    %get3A_10 = vector.load %arg2[%get3A_7, %get3A_8, %get3A_9] : memref<2x400x128xf32, #tpu.memory_space<vmem>>, vector<1x400x128xf32>
    %get3A_11 = vector.shape_cast %get3A_10 : vector<1x400x128xf32> to vector<400x128xf32>
    %concatenate3A = tpu.concatenate %get3A_6, %get3A_11 in 1 : vector<400x128xf32>, vector<400x128xf32> -> vector<400x256xf32>
    %get3A_12 = arith.constant 0 : index
    %get3A_13 = arith.constant 0 : index
    %get3A_14 = vector.load %arg4[%get3A_12, %get3A_13] : memref<1x1xf32, #tpu.memory_space<vmem>>, vector<1x1xf32>
    %get3A_15 = vector.extract %get3A_14[0, 0] : f32 from vector<1x1xf32>
    %add3A = arith.constant 1.000000e+00 : f32
    %add3A_16 = arith.addf %add3A, %get3A_15 : f32
    %mul3A = vector.broadcast %add3A_16 : f32 to vector<400x256xf32>
    %mul3A_17 = arith.mulf %mul3A, %get3A_1 : vector<400x256xf32>
    %add3A_18 = arith.addf %mul3A_17, %concatenate3A : vector<400x256xf32>
    %get3A_19 = arith.constant 0 : index
    %get3A_20 = arith.constant 0 : index
    %get3A_21 = vector.load %arg5[%get3A_19, %get3A_20] : memref<256x512xf32, #tpu.memory_space<vmem>>, vector<256x512xf32>
    %dot_general3A = arith.constant dense<0.000000e+00> : vector<400x512xf32>
    %dot_general3A_22 = tpu.matmul %add3A_18, %get3A_21, %dot_general3A {dimension_numbers = #tpu.dot_dimension_numbers<[1], [0], [0], [1], [0, 0, 1, 1], [], []>, transpose_lhs_hint = false} : vector<400x256xf32>, vector<256x512xf32>, vector<400x512xf32> -> vector<400x512xf32>
    %get3A_23 = arith.constant 0 : index
    %get3A_24 = arith.constant 0 : index
    %get3A_25 = vector.load %arg6[%get3A_23, %get3A_24] : memref<1x512xf32, #tpu.memory_space<vmem>>, vector<1x512xf32>
    %add3A_26 = vector.broadcast %get3A_25 : vector<1x512xf32> to vector<400x512xf32>
    %add3A_27 = arith.addf %dot_general3A_22, %add3A_26 : vector<400x512xf32>
    %get3A_28 = arith.constant 0 : index
    %get3A_29 = arith.constant 0 : index
    %get3A_30 = vector.load %arg7[%get3A_28, %get3A_29] : memref<1x512xf32, #tpu.memory_space<vmem>>, vector<1x512xf32>
    %mul3A_31 = arith.constant 0.999994993 : f32
    %mul3A_32 = vector.broadcast %mul3A_31 : f32 to vector<1x512xf32>
    %mul3A_33 = arith.mulf %get3A_30, %mul3A_32 : vector<1x512xf32>
    %mul3A_34 = vector.broadcast %mul3A_33 : vector<1x512xf32> to vector<400x512xf32>
    %mul3A_35 = arith.mulf %add3A_27, %mul3A_34 : vector<400x512xf32>
    %get3A_36 = arith.constant 0 : index
    %get3A_37 = arith.constant 0 : index
    %get3A_38 = vector.load %arg8[%get3A_36, %get3A_37] : memref<1x512xf32, #tpu.memory_space<vmem>>, vector<1x512xf32>
    %add3A_39 = vector.broadcast %get3A_38 : vector<1x512xf32> to vector<400x512xf32>
    %add3A_40 = arith.addf %mul3A_35, %add3A_39 : vector<400x512xf32>
    %max3A = arith.constant 0.000000e+00 : f32
    %max3A_41 = vector.broadcast %max3A : f32 to vector<400x512xf32>
    %max3A_42 = arith.maximumf %add3A_40, %max3A_41 : vector<400x512xf32>
    %get3A_43 = arith.constant 0 : index
    %get3A_44 = arith.constant 0 : index
    %get3A_45 = vector.load %arg9[%get3A_43, %get3A_44] : memref<512x256xf32, #tpu.memory_space<vmem>>, vector<512x256xf32>
    %dot_general3A_46 = arith.constant dense<0.000000e+00> : vector<400x256xf32>
    %dot_general3A_47 = tpu.matmul %max3A_42, %get3A_45, %dot_general3A_46 {dimension_numbers = #tpu.dot_dimension_numbers<[1], [0], [0], [1], [0, 0, 1, 1], [], []>, transpose_lhs_hint = false} : vector<400x512xf32>, vector<512x256xf32>, vector<400x256xf32> -> vector<400x256xf32>
    %get3A_48 = arith.constant 0 : index
    %get3A_49 = arith.constant 0 : index
    %get3A_50 = vector.load %arg10[%get3A_48, %get3A_49] : memref<1x256xf32, #tpu.memory_space<vmem>>, vector<1x256xf32>
    %add3A_51 = vector.broadcast %get3A_50 : vector<1x256xf32> to vector<400x256xf32>
    %add3A_52 = arith.addf %dot_general3A_47, %add3A_51 : vector<400x256xf32>
    %get3A_53 = arith.constant 0 : index
    %get3A_54 = arith.constant 0 : index
    %get3A_55 = vector.load %arg11[%get3A_53, %get3A_54] : memref<1x256xf32, #tpu.memory_space<vmem>>, vector<1x256xf32>
    %mul3A_56 = arith.constant 0.999994993 : f32
    %mul3A_57 = vector.broadcast %mul3A_56 : f32 to vector<1x256xf32>
    %mul3A_58 = arith.mulf %get3A_55, %mul3A_57 : vector<1x256xf32>
    %mul3A_59 = vector.broadcast %mul3A_58 : vector<1x256xf32> to vector<400x256xf32>
    %mul3A_60 = arith.mulf %add3A_52, %mul3A_59 : vector<400x256xf32>
    %get3A_61 = arith.constant 0 : index
    %get3A_62 = arith.constant 0 : index
    %get3A_63 = vector.load %arg12[%get3A_61, %get3A_62] : memref<1x256xf32, #tpu.memory_space<vmem>>, vector<1x256xf32>
    %add3A_64 = vector.broadcast %get3A_63 : vector<1x256xf32> to vector<400x256xf32>
    %add3A_65 = arith.addf %mul3A_60, %add3A_64 : vector<400x256xf32>
    %get3A_66 = arith.constant 0 : index
    %get3A_67 = arith.constant 0 : index
    %get3A_68 = arith.constant 0 : index
    %get3A_69 = vector.load %arg3[%get3A_66, %get3A_67, %get3A_68] : memref<1x1x400xi32, #tpu.memory_space<vmem>>, vector<1x1x400xi32>
    %get3A_70 = vector.shape_cast %get3A_69 : vector<1x1x400xi32> to vector<1x400xi32>
    %iota3A = tpu.iota {dimensions = array<i32: 0>} : vector<512x400xi32>
    %eq3A = vector.broadcast %get3A_70 : vector<1x400xi32> to vector<512x400xi32>
    %eq3A_71 = arith.cmpi eq, %eq3A, %iota3A : vector<512x400xi32>
    %convert_element_type3A = arith.extui %eq3A_71 : vector<512x400xi1> to vector<512x400xi32>
    %convert_element_type3A_72 = arith.sitofp %convert_element_type3A : vector<512x400xi32> to vector<512x400xf32>
    %dot_general3A_73 = arith.constant dense<0.000000e+00> : vector<512x256xf32>
    %dot_general3A_74 = tpu.matmul %convert_element_type3A_72, %add3A_65, %dot_general3A_73 {dimension_numbers = #tpu.dot_dimension_numbers<[1], [0], [0], [1], [0, 0, 1, 1], [], []>, transpose_lhs_hint = false} : vector<512x400xf32>, vector<400x256xf32>, vector<512x256xf32> -> vector<512x256xf32>
    %reduce_sum3A = arith.constant dense<0.000000e+00> : vector<512xf32>
    %reduce_sum3A_75 = vector.multi_reduction <add>, %convert_element_type3A_72, %reduce_sum3A [1] : vector<512x400xf32> to vector<512xf32>
    %broadcast_in_dim3A = vector.shape_cast %reduce_sum3A_75 : vector<512xf32> to vector<512x1xf32>
    %broadcast_in_dim3A_76 = vector.shape_cast %broadcast_in_dim3A : vector<512x1xf32> to vector<512x1xf32>
    %broadcast_in_dim3A_77 = vector.broadcast %broadcast_in_dim3A_76 : vector<512x1xf32> to vector<512x256xf32>
    %eq3A_78 = arith.constant 0 : i32
    %eq3A_79 = arith.cmpi eq, %arg0, %eq3A_78 : i32
    %convert_element_type3A_80 = arith.extui %eq3A_79 : i1 to i32
    %cond3A = arith.constant 0 : i32
    %cond3A_81 = arith.cmpi ne, %convert_element_type3A_80, %cond3A : i32
    scf.if %cond3A_81 {
      %swap3A = arith.constant 0 : index
      %swap3A_91 = arith.constant 0 : index
      %swap3A_92 = vector.load %arg16[%swap3A, %swap3A_91] : memref<512x256xf32, #tpu.memory_space<vmem>>, vector<512x256xf32>
      tpu.vector_store %arg16[%swap3A, %swap3A_91], %dot_general3A_74 {strides = array<i32>} : memref<512x256xf32, #tpu.memory_space<vmem>>, vector<512x256xf32>,
      %swap3A_93 = arith.constant 0 : index
      %swap3A_94 = arith.constant 0 : index
      %swap3A_95 = vector.load %arg17[%swap3A_93, %swap3A_94] : memref<512x256xf32, #tpu.memory_space<vmem>>, vector<512x256xf32>
      tpu.vector_store %arg17[%swap3A_93, %swap3A_94], %broadcast_in_dim3A_77 {strides = array<i32>} : memref<512x256xf32, #tpu.memory_space<vmem>>, vector<512x256xf32>,
    } else {
    }
    %gt3A = arith.constant 0 : i32
    %gt3A_82 = arith.cmpi sgt, %arg0, %gt3A : i32
    %convert_element_type3A_83 = arith.extui %gt3A_82 : i1 to i32
    %cond3A_84 = arith.constant 0 : i32
    %cond3A_85 = arith.cmpi ne, %convert_element_type3A_83, %cond3A_84 : i32
    scf.if %cond3A_85 {
      %get3A_91 = arith.constant 0 : index
      %get3A_92 = arith.constant 0 : index
      %get3A_93 = vector.load %arg16[%get3A_91, %get3A_92] : memref<512x256xf32, #tpu.memory_space<vmem>>, vector<512x256xf32>
      %add3A_94 = arith.addf %get3A_93, %dot_general3A_74 : vector<512x256xf32>
      %swap3A = arith.constant 0 : index
      %swap3A_95 = arith.constant 0 : index
      %swap3A_96 = vector.load %arg16[%swap3A, %swap3A_95] : memref<512x256xf32, #tpu.memory_space<vmem>>, vector<512x256xf32>
      tpu.vector_store %arg16[%swap3A, %swap3A_95], %add3A_94 {strides = array<i32>} : memref<512x256xf32, #tpu.memory_space<vmem>>, vector<512x256xf32>,
      %get3A_97 = arith.constant 0 : index
      %get3A_98 = arith.constant 0 : index
      %get3A_99 = vector.load %arg17[%get3A_97, %get3A_98] : memref<512x256xf32, #tpu.memory_space<vmem>>, vector<512x256xf32>
      %add3A_100 = arith.addf %get3A_99, %broadcast_in_dim3A_77 : vector<512x256xf32>
      %swap3A_101 = arith.constant 0 : index
      %swap3A_102 = arith.constant 0 : index
      %swap3A_103 = vector.load %arg17[%swap3A_101, %swap3A_102] : memref<512x256xf32, #tpu.memory_space<vmem>>, vector<512x256xf32>
      tpu.vector_store %arg17[%swap3A_101, %swap3A_102], %add3A_100 {strides = array<i32>} : memref<512x256xf32, #tpu.memory_space<vmem>>, vector<512x256xf32>,
    } else {
    }
    %eq3A_86 = arith.constant 24 : i32
    %eq3A_87 = arith.cmpi eq, %arg0, %eq3A_86 : i32
    %convert_element_type3A_88 = arith.extui %eq3A_87 : i1 to i32
    %cond3A_89 = arith.constant 0 : i32
    %cond3A_90 = arith.cmpi ne, %convert_element_type3A_88, %cond3A_89 : i32
    scf.if %cond3A_90 {
      %get3A_91 = arith.constant 0 : index
      %get3A_92 = arith.constant 0 : index
      %get3A_93 = vector.load %arg16[%get3A_91, %get3A_92] : memref<512x256xf32, #tpu.memory_space<vmem>>, vector<512x256xf32>
      %get3A_94 = arith.constant 0 : index
      %get3A_95 = arith.constant 0 : index
      %get3A_96 = vector.load %arg17[%get3A_94, %get3A_95] : memref<512x256xf32, #tpu.memory_space<vmem>>, vector<512x256xf32>
      %max3A_97 = arith.constant 1.000000e+00 : f32
      %max3A_98 = vector.broadcast %max3A_97 : f32 to vector<512x256xf32>
      %max3A_99 = arith.maximumf %get3A_96, %max3A_98 : vector<512x256xf32>
      %div3A = arith.divf %get3A_93, %max3A_99 : vector<512x256xf32>
      %get3A_100 = arith.constant 0 : index
      %get3A_101 = arith.constant 0 : index
      %get3A_102 = vector.load %arg13[%get3A_100, %get3A_101] : memref<256x128xf32, #tpu.memory_space<vmem>>, vector<256x128xf32>
      %dot_general3A_103 = arith.constant dense<0.000000e+00> : vector<512x128xf32>
      %dot_general3A_104 = tpu.matmul %div3A, %get3A_102, %dot_general3A_103 {dimension_numbers = #tpu.dot_dimension_numbers<[1], [0], [0], [1], [0, 0, 1, 1], [], []>, transpose_lhs_hint = false} : vector<512x256xf32>, vector<256x128xf32>, vector<512x128xf32> -> vector<512x128xf32>
      %get3A_105 = arith.constant 0 : index
      %get3A_106 = arith.constant 0 : index
      %get3A_107 = vector.load %arg14[%get3A_105, %get3A_106] : memref<1x128xf32, #tpu.memory_space<vmem>>, vector<1x128xf32>
      %add3A_108 = vector.broadcast %get3A_107 : vector<1x128xf32> to vector<512x128xf32>
      %add3A_109 = arith.addf %dot_general3A_104, %add3A_108 : vector<512x128xf32>
      %swap3A = arith.constant 0 : index
      %swap3A_110 = arith.constant 0 : index
      %swap3A_111 = vector.load %arg15[%swap3A, %swap3A_110] : memref<512x128xf32, #tpu.memory_space<vmem>>, vector<512x128xf32>
      tpu.vector_store %arg15[%swap3A, %swap3A_110], %add3A_109 {strides = array<i32>} : memref<512x128xf32, #tpu.memory_space<vmem>>, vector<512x128xf32>,
    } else {
    }
    return
  }
  func.func @transform_0(%arg0: i32) -> (i32, i32) {
    %c0_i32 = arith.constant 0 : i32
    %c0_i32_0 = arith.constant 0 : i32
    return %arg0, %c0_i32 : i32, i32
  }
  func.func @transform_1(%arg0: i32) -> (i32, i32, i32) {
    %c0_i32 = arith.constant 0 : i32
    %c0_i32_0 = arith.constant 0 : i32
    %c0_i32_1 = arith.constant 0 : i32
    return %c0_i32, %arg0, %c0_i32_0 : i32, i32, i32
  }
  func.func @transform_2(%arg0: i32) -> (i32, i32, i32) {
    %c0_i32 = arith.constant 0 : i32
    %c0_i32_0 = arith.constant 0 : i32
    %c0_i32_1 = arith.constant 0 : i32
    return %arg0, %c0_i32, %c0_i32_0 : i32, i32, i32
  }
  func.func @transform_3(%arg0: i32) -> (i32, i32) {
    %c0_i32 = arith.constant 0 : i32
    %c0_i32_0 = arith.constant 0 : i32
    %c0_i32_1 = arith.constant 0 : i32
    return %c0_i32, %c0_i32_0 : i32, i32
  }
  func.func @transform_4(%arg0: i32) -> (i32, i32) {
    %c0_i32 = arith.constant 0 : i32
    %c0_i32_0 = arith.constant 0 : i32
    %c0_i32_1 = arith.constant 0 : i32
    return %c0_i32, %c0_i32_0 : i32, i32
  }
  func.func @transform_5(%arg0: i32) -> (i32, i32) {
    %c0_i32 = arith.constant 0 : i32
    %c0_i32_0 = arith.constant 0 : i32
    %c0_i32_1 = arith.constant 0 : i32
    return %c0_i32, %c0_i32_0 : i32, i32
  }
  func.func @transform_6(%arg0: i32) -> (i32, i32) {
    %c0_i32 = arith.constant 0 : i32
    %c0_i32_0 = arith.constant 0 : i32
    %c0_i32_1 = arith.constant 0 : i32
    return %c0_i32, %c0_i32_0 : i32, i32
  }
  func.func @transform_7(%arg0: i32) -> (i32, i32) {
    %c0_i32 = arith.constant 0 : i32
    %c0_i32_0 = arith.constant 0 : i32
    %c0_i32_1 = arith.constant 0 : i32
    return %c0_i32, %c0_i32_0 : i32, i32
  }
  func.func @transform_8(%arg0: i32) -> (i32, i32) {
    %c0_i32 = arith.constant 0 : i32
    %c0_i32_0 = arith.constant 0 : i32
    %c0_i32_1 = arith.constant 0 : i32
    return %c0_i32, %c0_i32_0 : i32, i32
  }
  func.func @transform_9(%arg0: i32) -> (i32, i32) {
    %c0_i32 = arith.constant 0 : i32
    %c0_i32_0 = arith.constant 0 : i32
    %c0_i32_1 = arith.constant 0 : i32
    return %c0_i32, %c0_i32_0 : i32, i32
  }
  func.func @transform_10(%arg0: i32) -> (i32, i32) {
    %c0_i32 = arith.constant 0 : i32
    %c0_i32_0 = arith.constant 0 : i32
    %c0_i32_1 = arith.constant 0 : i32
    return %c0_i32, %c0_i32_0 : i32, i32
  }
  func.func @transform_11(%arg0: i32) -> (i32, i32) {
    %c0_i32 = arith.constant 0 : i32
    %c0_i32_0 = arith.constant 0 : i32
    %c0_i32_1 = arith.constant 0 : i32
    return %c0_i32, %c0_i32_0 : i32, i32
  }
  func.func @transform_12(%arg0: i32) -> (i32, i32) {
    %c0_i32 = arith.constant 0 : i32
    %c0_i32_0 = arith.constant 0 : i32
    %c0_i32_1 = arith.constant 0 : i32
    return %c0_i32, %c0_i32_0 : i32, i32
  }
  func.func @transform_13(%arg0: i32) -> (i32, i32) {
    %c0_i32 = arith.constant 0 : i32
    %c0_i32_0 = arith.constant 0 : i32
    %c0_i32_1 = arith.constant 0 : i32
    return %c0_i32, %c0_i32_0 : i32, i32
  }
  func.func @transform_14(%arg0: i32) -> (i32, i32) {
    %c0_i32 = arith.constant 0 : i32
    %c0_i32_0 = arith.constant 0 : i32
    %c0_i32_1 = arith.constant 0 : i32
    return %c0_i32, %c0_i32_0 : i32, i32
  }
}

</mosaic_0001>

<sc_bundles>
// kernel: kernel.18.cloned.1.call-start
scs
__scs_entry_jumppad:
0x0: {  	(pc) =	sbr.rel $0x88, $3  }
0x1: {  	(tag) =	ssettag $0x0;
	lr =	simm.s32 $0x1  }
0x2: {  	[smem:$0x3F87] =	sst lr;
	_ =	strace $0xD0000000  }
0x3: {  	_ = 	snop  }
0x4: {  	_ = 	snop  }
0x5: {  	_ = 	snop  }
0x6: {  	_ = 	snop  }
0x7: {  	_ = 	snop  }
__scs_overlays_trampoline_lowered:
0x8: {  	[smem:$0x3F96] =	sst s0  }
0x9: {  	[smem:$0x3F97] =	sst s1  }
0xa: {  	[smem:$0x3F98] =	sst s2  }
0xb: {  	[smem:$0x3F99] =	sst s3  }
0xc: {  	[smem:$0x3F9A] =	sst s4  }
0xd: {  	[smem:$0x3F9B] =	sst s5  }
0xe: {  	[smem:$0x3F9C] =	sst s6  }
0xf: {  	[smem:$0x3F9D] =	sst s7  }
0x10: {  	[smem:$0x3F9E] =	sst s8  }
0x11: {  	[smem:$0x3F9F] =	sst s9;
	s0 =	simm.s32 @!p0 $0x0  }
0x12: {  	s1 =	sld [smem:$0x3F85];
	s0 =	simm.s32 @p0 $0x1  }
0x13: {  	[smem:$0x3FA0] =	sst s0;
	s0 =	simm.s32 @!p1 $0x0  }
0x14: {  	s2 =	sld [smem:$0x3F84];
	s0 =	simm.s32 @p1 $0x1  }
0x15: {  	[smem:$0x3FA1] =	sst s0;
	s0 =	simm.s32 @!p2 $0x0  }
0x16: {  	s3 =	sld [smem:$0x3FDB];
	s0 =	simm.s32 @p2 $0x1  }
0x17: {  	s4 =	simm.s32 $0x1BF5;
	[smem:$0x3FA3] =	sst s0  }
0x18: {  	s0 =	sld [smem:$0x3F86];
	_ =	swait.ge [sflag:s4], $0x0  }
0x19: {  	s7 =	sld [smem:$0x3F87]  }
0x1a: {  	s8 =	sadd.s32 $0xFFFFE003, lr  }
0x1b: {  	s9 =	sadd.s32 $0xFFFFFEF7, lr;
	s5 =	simm.s32 $0xFFFFFFFF;
	p2 =	slt.u32 s8, $0xFFFFF086  }
0x1c: {  	p1 =	slt.u32 s9, $0xF7A;
	s5 =	simm.s32 @!p2 $0x0  }
0x1d: {  	s5 =	simm.s32 @p1 $0x1;
	p0 =	seq.s32 s7, s2  }
0x1e: {  	s7 =	smul.u32 @!p0 $0xF7A, s2;
	p2 =	seq.s32 @!p0 s5, $0x0  }
0x1f: {  	s9 =	smul.u32 $0xF7A, s1;
	s8 =	simm.s32 @!p0 $0x1BF5;
	p2 =	por !p2, p0  }
0x20: {  	[sflag:s8] =	ssyncset.s32 @!p0 $0xFFFFF086;
	s6 =	sadd.s32 @!p0 s3, s7;
	s7 =	simm.s32 @!p0 $0x108  }
0x21: {  	s3 =	sadd.s32 s3, s9;
	s6 =	sadd.s32 @!p0 $0x88, s6;
	s7 =	simm.s32 @p2 $0x1082  }
0x22: {  	[simem:s7], [sflag:s8] =	dma.local @!p0 [hbm:s6], $0xF7A  }
0x23: {  	s9 =	sor.u32 $0xD0000000, s2;
	s6 =	simm.s32 $0x108;
	_ =	swait.ge @!p0 [sflag:s8], $0x0  }
0x24: {  	s3 =	sadd.s32 $0x88, s3;
	s6 =	simm.s32 @!p1 $0x1082;
	[sflag:s4] =	ssyncset.s32 $0xFFFFF086  }
0x25: {  	[simem:s6], [sflag:s4] =	dma.local [hbm:s3], $0xF7A  }
0x26: {  	[smem:$0x3F87] =	sst s1;
	(tag) =	ssettag s2;
	_ =	strace s9  }
0x27: {  	s1 =	sld [smem:$0x3F97]  }
0x28: {  	s2 =	sld [smem:$0x3F98]  }
0x29: {  	s4 =	sld [smem:$0x3F9A]  }
0x2a: {  	p0 =	seq.s32 s5, $0x0;
	s5 =	sld [smem:$0x3F9B]  }
0x2b: {  	s6 =	sld [smem:$0x3F9C]  }
0x2c: {  	s7 =	sld [smem:$0x3F9D]  }
0x2d: {  	s3 =	simm.s32 $0x108;
	s8 =	sld [smem:$0x3F9E]  }
0x2e: {  	s3 =	simm.s32 @!p0 $0x1082;
	s9 =	sld [smem:$0x3F9F]  }
0x2f: {  	lr =	sadd.s32 s0, s3;
	s0 =	sld [smem:$0x3F96]  }
0x30: {  	s3 =	sld [smem:$0x3F99]  }
0x31: {  	[smem:$0x3FA2] =	sst s10  }
0x32: {  	s10 =	sld [smem:$0x3FA0];
	_ =	sdelay $0x3  }
0x33: {  	p0 =	seq.s32 s10, $0x1;
	s10 =	sld [smem:$0x3FA2];
	_ =	sdelay $0x3  }
0x34: {  	[smem:$0x3FA2] =	sst s10  }
0x35: {  	s10 =	sld [smem:$0x3FA1];
	_ =	sdelay $0x3  }
0x36: {  	p1 =	seq.s32 s10, $0x1;
	s10 =	sld [smem:$0x3FA2];
	_ =	sdelay $0x3  }
0x37: {  	[smem:$0x3FA2] =	sst s10  }
0x38: {  	s10 =	sld [smem:$0x3FA3]  }
0x39: {  	_ = 	snop;
	(pc) =	sbr.ind lr, $3  }
0x3a: {  	_ = 	snop  }
0x3b: {  	_ = 	snop  }
0x3c: {  	p2 =	seq.s32 s10, $0x1;
	s10 =	sld [smem:$0x3FA2]  }
0x3d: {  	_ =	shalt  }
0x3e: {  	_ =	shalt  }
0x3f: {  	_ =	shalt  }
0x40: {  	_ =	shalt  }
0x41: {  	_ =	shalt  }
0x42: {  	_ =	shalt  }
0x43: {  	_ =	shalt  }
0x44: {  	_ =	shalt  }
0x45: {  	_ =	shalt  }
0x46: {  	_ =	shalt  }
0x47: {  	_ =	shalt  }
0x48: {  	_ =	shalt  }
0x49: {  	_ =	shalt  }
0x4a: {  	_ =	shalt  }
0x4b: {  	_ =	shalt  }
0x4c: {  	_ =	shalt  }
0x4d: {  	_ =	shalt  }
0x4e: {  	_ =	shalt  }
0x4f: {  	_ =	shalt  }
0x50: {  	_ =	shalt  }
0x51: {  	_ =	shalt  }
0x52: {  	_ =	shalt  }
0x53: {  	_ =	shalt  }
0x54: {  	_ =	shalt  }
0x55: {  	_ =	shalt  }
0x56: {  	_ =	shalt  }
0x57: {  	_ =	shalt  }
0x58: {  	_ =	shalt  }
0x59: {  	_ =	shalt  }
0x5a: {  	_ =	shalt  }
0x5b: {  	_ =	shalt  }
0x5c: {  	_ =	shalt  }
0x5d: {  	_ =	shalt  }
0x5e: {  	_ =	shalt  }
0x5f: {  	_ =	shalt  }
0x60: {  	_ =	shalt  }
0x61: {  	_ =	shalt  }
0x62: {  	_ =	shalt  }
0x63: {  	_ =	shalt  }
0x64: {  	_ =	shalt  }
0x65: {  	_ =	shalt  }
0x66: {  	_ =	shalt  }
0x67: {  	_ =	shalt  }
0x68: {  	_ =	shalt  }
0x69: {  	_ =	shalt  }
0x6a: {  	_ =	shalt  }
0x6b: {  	_ =	shalt  }
0x6c: {  	_ =	shalt  }
0x6d: {  	_ =	shalt  }
0x6e: {  	_ =	shalt  }
0x6f: {  	_ =	shalt  }
0x70: {  	_ =	shalt  }
0x71: {  	_ =	shalt  }
0x72: {  	_ =	shalt  }
0x73: {  	_ =	shalt  }
0x74: {  	_ =	shalt  }
0x75: {  	_ =	shalt  }
0x76: {  	_ =	shalt  }
0x77: {  	_ =	shalt  }
0x78: {  	_ =	shalt  }
0x79: {  	_ =	shalt  }
0x7a: {  	_ =	shalt  }
0x7b: {  	_ =	shalt  }
0x7c: {  	_ =	shalt  }
0x7d: {  	_ =	shalt  }
0x7e: {  	_ =	shalt  }
0x7f: {  	_ =	shalt  }
0x80: {  	_ =	shalt  }
0x81: {  	_ =	shalt  }
0x82: {  	_ =	shalt  }
0x83: {  	_ =	shalt  }
0x84: {  	_ =	shalt  }
0x85: {  	_ =	shalt  }
0x86: {  	_ =	shalt  }
0x87: {  	_ =	shalt  }
.Lfunc_end0:
.L_simem_size_0:
called_computation_lowered:
.L_overlay_start_0:
0x88: {  	s2 =	sld [smem:$0x3FD9]  }
0x89: {  	s3 =	sld [smem:$0x3FFE];
	_ =	sdelay $0x1  }
0x8a: {  	s1 =	srdreg.scid  }
0x8b: {  	s0 =	sand.u32 $0x1, s1  }
0x8c: {  	s16 =	sshll.u32 s0, $0xA;
	s2 =	sadd.s32 s3, s2  }
0x8d: {  	s2 =	sadd.s32 s2, s16  }
0x8e: {  	[smem:$0x3FAE] =	sst s2  }
0x8f: {  	_ = 	snop  }
0x90: {  	(tm) =	ssettm $0x1  }
0x91: {  	s17 =	sld [smem:$0x3FFB];
	_ =	sdelay $0x3  }
0x92: {  	_ =	strace s17  }
0x93: {  	s2 =	sld [smem:$0x3FFC];
	_ =	sdelay $0x3  }
0x94: {  	_ =	strace s2  }
0x95: {  	s2 =	sld [smem:$0x3FFD];
	_ =	sdelay $0x3  }
0x96: {  	_ =	strace s2  }
0x97: {  	_ =	strace $0x8FFFFFFF  }
0x98: {  	s18 =	sld [smem:$0x3FDB];
	_ =	sdelay $0x1  }
0x99: {  	s19 =	simm.s32 $_scs_section_size  }
0x9a: {  	s4 =	simm.s32 $_size__tile_overlayer_lowered;
	s5 =	simm.s32 $_tile_overlayer_lowered  }
0x9b: {  	s22 =	simm.s32 $0x1BFF;
	s21 =	sshll.u32 s5, $0x1;
	s2 =	sadd.s32 s19, s18  }
0x9c: {  	s6 =	simm.s32 $0x0;
	s20 =	sshll.u32 s4, $0x1;
	s4 =	sadd.s32 s21, s2  }
0x9d: {  	[timem:s6], [sflag:s22] =	dma.local [hbm:s4], s20  }
0x9e: {  	_ =	swait.ge [sflag:s22], s20  }
0x9f: {  	s3 =	ssub.s32 $0x0, s20;
	[sflag:s22] =	ssyncset.done $0x0  }
0xa0: {  	[sflag:s22] =	ssyncadd.s32 s3;
	_ =	sdelay $0x1  }
0xa1: {  	s23 =	simm.s32 $0x1B8B  }
0xa2: {  	_ =	swait.ge [sflag:s23], $0x1  }
0xa3: {  	[sflag:s23] =	ssyncset.done $0x0  }
0xa4: {  	s25 =	simm.s32 $0x1B8E;
	s24 =	sld [smem:$0x3FFE];
	[sflag:s23] =	ssyncadd.s32 $0xFFFFFFFF  }
0xa5: {  	s26 =	simm.s32 $execute0_lowered;
	[smem:$0x3FD2] =	sst s25  }
0xa6: {  	s4 =	sshll.u32 s26, $0x1;
	_ =	strace $0x80000046;
	[dreg:$0x1] =	wrdreg $0xFFFFFFFF  }
0xa7: {  	s28 =	simm.s32 $_size_execute0_lowered;
	s2 =	sadd.s32 s2, s4;
	[dreg:$0x0] =	wrdreg $0x0  }
0xa8: {  	s4 =	sshll.u32 s28, $0x1;
	[dreg:$0x2] =	wrdreg s2  }
0xa9: {  	[dreg:$0x3] =	wrdreg s4  }
0xaa: {  	[dreg:$0x4] =	wrdreg $0xC0  }
0xab: {  	_ =	task [dreg:s6], $0x5FFFF  }
0xac: {  	[dreg:$0x1] =	wrdreg $0xFFFFFFFF  }
0xad: {  	[dreg:$0x0] =	wrdreg $0x60  }
0xae: {  	[dreg:$0x2] =	wrdreg s24  }
0xaf: {  	[dreg:$0x3] =	wrdreg $0xB7800  }
0xb0: {  	[dreg:$0x4] =	wrdreg $0x9  }
0xb1: {  	_ =	task.clear_ibuf [dreg:s6], $0x5FFFF;
	_ =	strace $0x90000046  }
0xb2: {  	s29 =	simm.s32 $0x9;
	_ =	strace $0x80000048  }
0xb3: {  	_ =	swait.ge [sflag:s29], $0x1  }
0xb4: {  	[sflag:s29] =	ssyncadd.s32 $0xFFFFFFFF  }
0xb5: {  	_ =	strace $0x90000048  }
0xb6: {  	_ =	sfence  }
0xb7: {  	s30 =	sld [smem:$0x0];
	_ =	sdelay $0x2  }
0xb8: {  	s31 =	sshll.u32 s1, $0xD;
	s1 =	sshrl.u32 s1, $0x2  }
0xb9: {  	s3 =	sand.u32 $0x4000, s31;
	s1 =	sadd.s32 s1, s30  }
0xba: {  	s0 =	sor.u32 s3, s0;
	s1 =	sshll.u32 s1, $0x11  }
0xbb: {  	s0 =	sor.u32 s1, s0  }
0xbc: {  	s0 =	sadd.s32 $0x8F2B, s0  }
0xbd: {  	[sflag:s0] =	ssyncadd.remote.s32 $0x1  }
0xbe: {  	_ =	sfence.sel $0xFFFF  }
0xbf: {  	[dreg:$0x0] =	wrdreg $0xFFFFFFFF;
	(pc) =	sbr.abs _section_cstart, $3  }
0xc0: {  	[dreg:$0x1] =	wrdreg $0xFFFFFFFF  }
0xc1: {  	_ =	task.clear_ibuf [dreg:s6], $0x2FFFF;
	_ =	strace $0x9FFFFFFF  }
0xc2: {  	(tm) =	ssettm $0x7FFFFFFF  }
0xc3: {  	_ =	shalt  }
tec
execute0_lowered:
.L_overlay_start_1:
0x0: {  	(tag) =	ssettag $0x1  }
0x1: {  	s8 =	rddreg [dreg:$0x0];
	s0 =	srdreg.scid  }
0x2: {  	s1 =	rddreg [dreg:$0x1];
	s22 =	stileid.u32  }
0x3: {  	s2 =	simm.s32 $0x0;
	s12 =	simm.s32 $0x2780;
	s13 =	simm.s32 $0x50  }
0x4: {  	s14 =	simm.s32 $0x6780;
	s15 =	simm.s32 $0x8F80;
	s16 =	simm.s32 $0x1  }
0x5: {  	s17 =	simm.s32 $0x2;
	s19 =	simm.s32 $0x26C0;
	s20 =	simm.s32 $0x6500  }
0x6: {  	s21 =	simm.s32 $0x6580;
	s9 =	sand.u32 $0x1, s0;
	s0 =	rddreg [dreg:$0x2]  }
0x7: {  	s24 =	simm.s32 $0x0;
	s5 =	smul.u32 $0x2710, s22;
	[smem:$0x7FF] =	sst s2  }
0x8: {  	s3 =	sadd.s32 $0x1E200, s8;
	s31 =	sshll.u32 s22, $0xB;
	p0 =	seq.s32 s22, $0x0  }
0x9: {  	s4 =	smul.u32 $0x27100, s9;
	_ =	strace $0x80000047;
	s6 =	ssub.s32 $0x2, s9  }
0xa: {  	s10 =	sadd.s32 s31, s8;
	p1 =	seq.s32 s9, $0x1;
	s18 =	sor.u32 s9, s22  }
0xb: {  	s11 =	sshrl.u32 s6, $0x1;
	p0 =	por !p0, !p1;
	p2 =	sne.s32 s18, $0x0  }
0xc: {  	s18 =	simm.s32 $0x6480;
	s4 =	sadd.s32 s5, s4;
	s5 =	sadd.s32 $0x304600, s8  }
0xd: {  	s11 =	ssub.s32 s6, s11;
	p1 =	por !p0, !p0;
	p0 =	sne.s32 s22, $0x0  }
0xe: {  	s22 =	sshll.u32 @!p2 s22, $0x6;
	s23 =	sshrl.u32 @!p2 s1, $0x3;
	s4 =	sshrl.u32 s4, $0x3  }
0xf: {  	s9 =	smax.u32 s11, $0x1;
	s11 =	simm.s32 $0x3;
	s22 =	sor.u32 @!p2 $0x1C03, s22  }
0x10: {  	s7 =	sadd.s32 s4, s8;
	s4 =	sadd.s32 $0x2DD400, s8;
	s8 =	sadd.s32 $0x32B700, s8  }
0x11: {  	s6 =	sadd.s32 $0x14400, s7;
	s7 =	sadd.s32 $0xC400, s10;
	s10 =	sshrl.u32 @!p0 s1, $0x3  }
.LBB2_1:
0x12: {  	s25 =	simm.s32 @!p0 $0x1C03  }
0x13: {  	[spmem:s10], [sflag:s25] =	dma.local @!p0 [hbm:s4], $0x27100  }
0x14: {  	s25 =	simm.s32 @!p0 $0x3  }
0x15: {  	_ =	swait.ge @!p0 [sflag:s25], $0x27100  }
0x16: {  	[sflag:s25] =	ssyncset.done @!p0 $0x0  }
0x17: {  	[sflag:s25] =	ssyncadd.s32 @!p0 $0xFFFD8F00  }
0x18: {  	[tilespmem:s2], [sflag:$0x3] =	stream.linear.gather [hbm4b:s6+s2], $0x2710, $0x38;
	[tilespmem:$0x1F000] =	vst v63  }
0x19: {  	_ =	swait.ge [sflag:s11], $0x2710  }
0x1a: {  	[sflag:s11] =	ssyncset.done $0x0  }
0x1b: {  	[sflag:s11] =	ssyncadd.s32 $0xFFFFD8F0  }
0x1c: {  	[tilespmem:s12], [sflag:$0x3] =	stream.linear.gather [hbm4b:s7+s2], $0x4000, $0x38;
	[tilespmem:$0x1F000] =	vst v63  }
0x1d: {  	_ =	swait.ge [sflag:s11], $0x4000  }
0x1e: {  	[sflag:s11] =	ssyncset.done $0x0  }
0x1f: {  	[sflag:s11] =	ssyncadd.s32 $0xFFFFC000  }
0x20: {  	[bflag:$0x0] =	sbarrier.arrive $0xFFFF  }
0x21: {  	[tilespmem:s14], [sflag:$0x1] =	stream.indirect.gather [hbm4b:s3+s13], $0x80, s2, s13, $0xb8;
	[tilespmem:$0x1F000] =	vst v63  }
0x22: {  	_ = 	snop  }
0x23: {  	[tilespmem:s15], [sflag:$0x2] =	stream.indirect.gather [hbm4b:s3+s13], $0x80, s13, s13, $0xb8;
	[tilespmem:$0x1F000] =	vst v63  }
0x24: {  	_ =	swait.ge [sflag:s16], $0x2800  }
0x25: {  	[sflag:s16] =	ssyncset.done $0x0  }
0x26: {  	s29 =	simm.s32 $0x2780;
	[sflag:s16] =	ssyncadd.s32 $0xFFFFD800  }
0x27: {  	[spmem:s1] =	stream.indirect.scatter.add.f32 [tilespmem:s14], [sflag:$0x3], $0x80, s29, s13, $0xb8;
	[tilespmem:$0x1F000] =	vst v63  }
0x28: {  	_ =	swait.ge [sflag:s11], $0x2800  }
0x29: {  	[sflag:s11] =	ssyncset.done $0x0  }
0x2a: {  	s30 =	simm.s32 $0xA0;
	[sflag:s11] =	ssyncadd.s32 $0xFFFFD800  }
0x2b: {  	[tilespmem:s14], [sflag:$0x1] =	stream.indirect.gather [hbm4b:s3+s13], $0x80, s30, s13, $0xb8;
	[tilespmem:$0x1F000] =	vst v63  }
0x2c: {  	_ =	swait.ge [sflag:s17], $0x2800  }
0x2d: {  	[sflag:s17] =	ssyncset.done $0x0  }
0x2e: {  	s31 =	simm.s32 $0x2800;
	[sflag:s17] =	ssyncadd.s32 $0xFFFFD800  }
0x2f: {  	[spmem:s1] =	stream.indirect.scatter.add.f32 [tilespmem:s15], [sflag:$0x3], $0x80, s31, s13, $0xb8;
	[tilespmem:$0x1F000] =	vst v63  }
0x30: {  	_ =	swait.ge [sflag:s11], $0x2800  }
0x31: {  	s28 =	simm.s32 $0xF0;
	[sflag:s11] =	ssyncset.done $0x0  }
0x32: {  	s26 =	simm.s32 $0x140;
	s25 =	simm.s32 $0x400;
	[sflag:s11] =	ssyncadd.s32 $0xFFFFD800  }
.LBB2_2:
0x33: {  	[tilespmem:s15], [sflag:$0x2] =	stream.indirect.gather [hbm4b:s3+s13], $0x80, s28, s13, $0xb8;
	[tilespmem:$0x1F000] =	vst v63  }
0x34: {  	s28 =	smov.u32 s25  }
0x35: {  	p3 =	sne.s32 s25, $0xF000;
	s25 =	sadd.s32 $0x400, s25;
	_ =	swait.ge [sflag:s16], $0x2800  }
0x36: {  	s28 =	sshra.s32 s28, $0x2;
	[sflag:s16] =	ssyncset.done $0x0  }
0x37: {  	s29 =	sadd.s32 $0x2780, s28;
	[sflag:s16] =	ssyncadd.s32 $0xFFFFD800  }
0x38: {  	[spmem:s1] =	stream.indirect.scatter.add.f32 [tilespmem:s14], [sflag:$0x3], $0x80, s29, s13, $0xb8;
	[tilespmem:$0x1F000] =	vst v63  }
0x39: {  	_ =	swait.ge [sflag:s11], $0x2800  }
0x3a: {  	[sflag:s11] =	ssyncset.done $0x0  }
0x3b: {  	[sflag:s11] =	ssyncadd.s32 $0xFFFFD800  }
0x3c: {  	[tilespmem:s14], [sflag:$0x1] =	stream.indirect.gather [hbm4b:s3+s13], $0x80, s26, s13, $0xb8;
	[tilespmem:$0x1F000] =	vst v63  }
0x3d: {  	_ =	swait.ge [sflag:s17], $0x2800  }
0x3e: {  	[sflag:s17] =	ssyncset.done $0x0  }
.Ltmp0:
0x3f: {  	s28 =	sadd.s32 $0x2800, s28;
	[sflag:s17] =	ssyncadd.s32 $0xFFFFD800;
	(pc) =	sbr.rel @p3 .LBB2_2-.Ltmp0, $4  }
0x40: {  	[spmem:s1] =	stream.indirect.scatter.add.f32 [tilespmem:s15], [sflag:$0x3], $0x80, s28, s13, $0xb8;
	[tilespmem:$0x1F000] =	vst v63  }
0x41: {  	_ =	swait.ge [sflag:s11], $0x2800  }
0x42: {  	[sflag:s11] =	ssyncset.done $0x0  }
0x43: {  	s28 =	sadd.s32 $0x50, s26;
	s26 =	sadd.s32 $0xA0, s26;
	[sflag:s11] =	ssyncadd.s32 $0xFFFFD800  }
0x44: {  	[tilespmem:s15], [sflag:$0x2] =	stream.indirect.gather [hbm4b:s3+s13], $0x80, s28, s13, $0xb8;
	[tilespmem:$0x1F000] =	vst v63  }
0x45: {  	_ =	swait.ge [sflag:s16], $0x2800  }
0x46: {  	[sflag:s16] =	ssyncset.done $0x0  }
0x47: {  	[sflag:s16] =	ssyncadd.s32 $0xFFFFD800  }
0x48: {  	[spmem:s1] =	stream.indirect.scatter.add.f32 [tilespmem:s14], [sflag:$0x3], $0x80, s18, s13, $0xb8;
	[tilespmem:$0x1F000] =	vst v63  }
0x49: {  	_ =	swait.ge [sflag:s11], $0x2800  }
0x4a: {  	[sflag:s11] =	ssyncset.done $0x0  }
0x4b: {  	[sflag:s11] =	ssyncadd.s32 $0xFFFFD800  }
0x4c: {  	[tilespmem:s14], [sflag:$0x1] =	stream.indirect.gather [hbm4b:s3+s13], $0x80, s19, s13, $0xb8;
	[tilespmem:$0x1F000] =	vst v63  }
0x4d: {  	_ =	swait.ge [sflag:s17], $0x2800  }
0x4e: {  	[sflag:s17] =	ssyncset.done $0x0  }
0x4f: {  	[sflag:s17] =	ssyncadd.s32 $0xFFFFD800  }
0x50: {  	[spmem:s1] =	stream.indirect.scatter.add.f32 [tilespmem:s15], [sflag:$0x3], $0x80, s20, s13, $0xb8;
	[tilespmem:$0x1F000] =	vst v63  }
0x51: {  	_ =	swait.ge [sflag:s11], $0x2800  }
0x52: {  	[sflag:s11] =	ssyncset.done $0x0  }
0x53: {  	[sflag:s11] =	ssyncadd.s32 $0xFFFFD800  }
0x54: {  	[tilespmem:s15], [sflag:$0x2] =	stream.indirect.gather [hbm4b:s3+s13], $0x80, s19, s13, $0xb8;
	[tilespmem:$0x1F000] =	vst v63  }
0x55: {  	_ =	swait.ge [sflag:s16], $0x2800  }
0x56: {  	[sflag:s16] =	ssyncset.done $0x0  }
0x57: {  	[sflag:s16] =	ssyncadd.s32 $0xFFFFD800  }
0x58: {  	[spmem:s1] =	stream.indirect.scatter.add.f32 [tilespmem:s14], [sflag:$0x3], $0x80, s21, s13, $0xb8;
	[tilespmem:$0x1F000] =	vst v63  }
0x59: {  	_ =	swait.ge [sflag:s11], $0x2800  }
0x5a: {  	[sflag:s11] =	ssyncset.done $0x0  }
0x5b: {  	[sflag:s11] =	ssyncadd.s32 $0xFFFFD800  }
0x5c: {  	_ =	swait.ge [sflag:s17], $0x2800  }
0x5d: {  	[sflag:s17] =	ssyncset.done $0x0  }
0x5e: {  	[sflag:s17] =	ssyncadd.s32 $0xFFFFD800  }
0x5f: {  	s25 =	simm.s32 @!p2 $0x3;
	[bflag:$0x0] =	sbarrier.arrive $0xFFFF  }
0x60: {  	[hbm:s5], [sflag:s22] =	dma.local @!p2 [spmem:s23], $0x27100  }
0x61: {  	_ =	swait.ge @!p2 [sflag:s25], $0x27100  }
0x62: {  	s26 =	simm.s32 @p1 $0x1C03;
	s24 =	sadd.s32 $0x1, s24;
	[sflag:s25] =	ssyncset.done @!p2 $0x0  }
0x63: {  	p3 =	sne.s32 s24, s9;
	[sflag:s25] =	ssyncadd.s32 @!p2 $0xFFFD8F00;
	s25 =	sshrl.u32 @p1 s1, $0x3  }
0x64: {  	[hbm:s8], [sflag:s26] =	dma.local @p1 [spmem:s25], $0x27100  }
.Ltmp1:
0x65: {  	_ = 	snop;
	(pc) =	sbr.rel @p3 .LBB2_1-.Ltmp1, $4  }
0x66: {  	s25 =	simm.s32 @p1 $0x3  }
0x67: {  	_ =	swait.ge @p1 [sflag:s25], $0x27100  }
0x68: {  	[sflag:s25] =	ssyncset.done @p1 $0x0  }
0x69: {  	[sflag:s25] =	ssyncadd.s32 @p1 $0xFFFD8F00  }
0x6a: {  	_ =	sfence.sel $0x180000  }
0x6b: {  	[bflag:$0x0] =	sbarrier.arrive $0xFFFF  }
0x6c: {  	_ =	strace $0x90000047  }
0x6d: {  	s0 =	sadd.s32 @!p0 $0x100000, s0;
	[bflag:$0x2] =	sbarrier.arrive $0xFFFF  }
0x6e: {  	[sflag:s0] =	ssyncadd.tile.s32 @!p0 $0x1;
	_ =	shalt  }
.Lfunc_end2:
_tile_overlayer_lowered:
.L_overlay_start_2:
0x6f: {  	(tag) =	ssettag $0x2  }
0x70: {  	s0 =	rddreg [dreg:$0x0];
	s2 =	stileid.u32  }
0x71: {  	s1 =	rddreg [dreg:$0x1];
	p0 =	sne.s32 s2, $0x0  }
0x72: {  	s3 =	rddreg [dreg:$0x2];
	[bflag:$0x3] =	sbarrier.arrive $0xFFFF;
	s2 =	simm.s32 @!p0 $0x1C03  }
0x73: {  	[timem:s3], [sflag:s2] =	dma.local @!p0 [hbm:s0], s1  }
0x74: {  	s0 =	simm.s32 @!p0 $0x3  }
0x75: {  	_ =	swait.ge @!p0 [sflag:s0], s1  }
0x76: {  	s1 =	ssub.s32 @!p0 $0x0, s1;
	[sflag:s0] =	ssyncset.done @!p0 $0x0  }
0x77: {  	[sflag:s0] =	ssyncadd.s32 @!p0 s1  }
0x78: {  	[bflag:$0x3] =	sbarrier.arrive $0xFFFF  }
0x79: {  	_ =	shalt  }

// kernel: kernel.21.cloned.1.call-start
scs
__scs_entry_jumppad:
0x0: {  	(pc) =	sbr.rel $0x88, $3  }
0x1: {  	(tag) =	ssettag $0x0;
	lr =	simm.s32 $0x1  }
0x2: {  	[smem:$0x3F87] =	sst lr;
	_ =	strace $0xD0000000  }
0x3: {  	_ = 	snop  }
0x4: {  	_ = 	snop  }
0x5: {  	_ = 	snop  }
0x6: {  	_ = 	snop  }
0x7: {  	_ = 	snop  }
__scs_overlays_trampoline_lowered:
0x8: {  	[smem:$0x3F96] =	sst s0  }
0x9: {  	[smem:$0x3F97] =	sst s1  }
0xa: {  	[smem:$0x3F98] =	sst s2  }
0xb: {  	[smem:$0x3F99] =	sst s3  }
0xc: {  	[smem:$0x3F9A] =	sst s4  }
0xd: {  	[smem:$0x3F9B] =	sst s5  }
0xe: {  	[smem:$0x3F9C] =	sst s6  }
0xf: {  	[smem:$0x3F9D] =	sst s7  }
0x10: {  	[smem:$0x3F9E] =	sst s8  }
0x11: {  	[smem:$0x3F9F] =	sst s9;
	s0 =	simm.s32 @!p0 $0x0  }
0x12: {  	s1 =	sld [smem:$0x3F85];
	s0 =	simm.s32 @p0 $0x1  }
0x13: {  	[smem:$0x3FA0] =	sst s0;
	s0 =	simm.s32 @!p1 $0x0  }
0x14: {  	s2 =	sld [smem:$0x3F84];
	s0 =	simm.s32 @p1 $0x1  }
0x15: {  	[smem:$0x3FA1] =	sst s0;
	s0 =	simm.s32 @!p2 $0x0  }
0x16: {  	s3 =	sld [smem:$0x3FDB];
	s0 =	simm.s32 @p2 $0x1  }
0x17: {  	s4 =	simm.s32 $0x1BF5;
	[smem:$0x3FA3] =	sst s0  }
0x18: {  	s0 =	sld [smem:$0x3F86];
	_ =	swait.ge [sflag:s4], $0x0  }
0x19: {  	s7 =	sld [smem:$0x3F87]  }
0x1a: {  	s8 =	sadd.s32 $0xFFFFE003, lr  }
0x1b: {  	s9 =	sadd.s32 $0xFFFFFEF7, lr;
	s5 =	simm.s32 $0xFFFFFFFF;
	p2 =	slt.u32 s8, $0xFFFFF086  }
0x1c: {  	p1 =	slt.u32 s9, $0xF7A;
	s5 =	simm.s32 @!p2 $0x0  }
0x1d: {  	s5 =	simm.s32 @p1 $0x1;
	p0 =	seq.s32 s7, s2  }
0x1e: {  	s7 =	smul.u32 @!p0 $0xF7A, s2;
	p2 =	seq.s32 @!p0 s5, $0x0  }
0x1f: {  	s9 =	smul.u32 $0xF7A, s1;
	s8 =	simm.s32 @!p0 $0x1BF5;
	p2 =	por !p2, p0  }
0x20: {  	[sflag:s8] =	ssyncset.s32 @!p0 $0xFFFFF086;
	s6 =	sadd.s32 @!p0 s3, s7;
	s7 =	simm.s32 @!p0 $0x108  }
0x21: {  	s3 =	sadd.s32 s3, s9;
	s6 =	sadd.s32 @!p0 $0x88, s6;
	s7 =	simm.s32 @p2 $0x1082  }
0x22: {  	[simem:s7], [sflag:s8] =	dma.local @!p0 [hbm:s6], $0xF7A  }
0x23: {  	s9 =	sor.u32 $0xD0000000, s2;
	s6 =	simm.s32 $0x108;
	_ =	swait.ge @!p0 [sflag:s8], $0x0  }
0x24: {  	s3 =	sadd.s32 $0x88, s3;
	s6 =	simm.s32 @!p1 $0x1082;
	[sflag:s4] =	ssyncset.s32 $0xFFFFF086  }
0x25: {  	[simem:s6], [sflag:s4] =	dma.local [hbm:s3], $0xF7A  }
0x26: {  	[smem:$0x3F87] =	sst s1;
	(tag) =	ssettag s2;
	_ =	strace s9  }
0x27: {  	s1 =	sld [smem:$0x3F97]  }
0x28: {  	s2 =	sld [smem:$0x3F98]  }
0x29: {  	s4 =	sld [smem:$0x3F9A]  }
0x2a: {  	p0 =	seq.s32 s5, $0x0;
	s5 =	sld [smem:$0x3F9B]  }
0x2b: {  	s6 =	sld [smem:$0x3F9C]  }
0x2c: {  	s7 =	sld [smem:$0x3F9D]  }
0x2d: {  	s3 =	simm.s32 $0x108;
	s8 =	sld [smem:$0x3F9E]  }
0x2e: {  	s3 =	simm.s32 @!p0 $0x1082;
	s9 =	sld [smem:$0x3F9F]  }
0x2f: {  	lr =	sadd.s32 s0, s3;
	s0 =	sld [smem:$0x3F96]  }
0x30: {  	s3 =	sld [smem:$0x3F99]  }
0x31: {  	[smem:$0x3FA2] =	sst s10  }
0x32: {  	s10 =	sld [smem:$0x3FA0];
	_ =	sdelay $0x3  }
0x33: {  	p0 =	seq.s32 s10, $0x1;
	s10 =	sld [smem:$0x3FA2];
	_ =	sdelay $0x3  }
0x34: {  	[smem:$0x3FA2] =	sst s10  }
0x35: {  	s10 =	sld [smem:$0x3FA1];
	_ =	sdelay $0x3  }
0x36: {  	p1 =	seq.s32 s10, $0x1;
	s10 =	sld [smem:$0x3FA2];
	_ =	sdelay $0x3  }
0x37: {  	[smem:$0x3FA2] =	sst s10  }
0x38: {  	s10 =	sld [smem:$0x3FA3]  }
0x39: {  	_ = 	snop;
	(pc) =	sbr.ind lr, $3  }
0x3a: {  	_ = 	snop  }
0x3b: {  	_ = 	snop  }
0x3c: {  	p2 =	seq.s32 s10, $0x1;
	s10 =	sld [smem:$0x3FA2]  }
0x3d: {  	_ =	shalt  }
0x3e: {  	_ =	shalt  }
0x3f: {  	_ =	shalt  }
0x40: {  	_ =	shalt  }
0x41: {  	_ =	shalt  }
0x42: {  	_ =	shalt  }
0x43: {  	_ =	shalt  }
0x44: {  	_ =	shalt  }
0x45: {  	_ =	shalt  }
0x46: {  	_ =	shalt  }
0x47: {  	_ =	shalt  }
0x48: {  	_ =	shalt  }
0x49: {  	_ =	shalt  }
0x4a: {  	_ =	shalt  }
0x4b: {  	_ =	shalt  }
0x4c: {  	_ =	shalt  }
0x4d: {  	_ =	shalt  }
0x4e: {  	_ =	shalt  }
0x4f: {  	_ =	shalt  }
0x50: {  	_ =	shalt  }
0x51: {  	_ =	shalt  }
0x52: {  	_ =	shalt  }
0x53: {  	_ =	shalt  }
0x54: {  	_ =	shalt  }
0x55: {  	_ =	shalt  }
0x56: {  	_ =	shalt  }
0x57: {  	_ =	shalt  }
0x58: {  	_ =	shalt  }
0x59: {  	_ =	shalt  }
0x5a: {  	_ =	shalt  }
0x5b: {  	_ =	shalt  }
0x5c: {  	_ =	shalt  }
0x5d: {  	_ =	shalt  }
0x5e: {  	_ =	shalt  }
0x5f: {  	_ =	shalt  }
0x60: {  	_ =	shalt  }
0x61: {  	_ =	shalt  }
0x62: {  	_ =	shalt  }
0x63: {  	_ =	shalt  }
0x64: {  	_ =	shalt  }
0x65: {  	_ =	shalt  }
0x66: {  	_ =	shalt  }
0x67: {  	_ =	shalt  }
0x68: {  	_ =	shalt  }
0x69: {  	_ =	shalt  }
0x6a: {  	_ =	shalt  }
0x6b: {  	_ =	shalt  }
0x6c: {  	_ =	shalt  }
0x6d: {  	_ =	shalt  }
0x6e: {  	_ =	shalt  }
0x6f: {  	_ =	shalt  }
0x70: {  	_ =	shalt  }
0x71: {  	_ =	shalt  }
0x72: {  	_ =	shalt  }
0x73: {  	_ =	shalt  }
0x74: {  	_ =	shalt  }
0x75: {  	_ =	shalt  }
0x76: {  	_ =	shalt  }
0x77: {  	_ =	shalt  }
0x78: {  	_ =	shalt  }
0x79: {  	_ =	shalt  }
0x7a: {  	_ =	shalt  }
0x7b: {  	_ =	shalt  }
0x7c: {  	_ =	shalt  }
0x7d: {  	_ =	shalt  }
0x7e: {  	_ =	shalt  }
0x7f: {  	_ =	shalt  }
0x80: {  	_ =	shalt  }
0x81: {  	_ =	shalt  }
0x82: {  	_ =	shalt  }
0x83: {  	_ =	shalt  }
0x84: {  	_ =	shalt  }
0x85: {  	_ =	shalt  }
0x86: {  	_ =	shalt  }
0x87: {  	_ =	shalt  }
.Lfunc_end0:
.L_simem_size_0:
called_computation.1_lowered:
.L_overlay_start_0:
0x88: {  	s2 =	sld [smem:$0x3FD9]  }
0x89: {  	s3 =	sld [smem:$0x3FFE];
	_ =	sdelay $0x1  }
0x8a: {  	s1 =	srdreg.scid  }
0x8b: {  	s0 =	sand.u32 $0x1, s1  }
0x8c: {  	s16 =	sshll.u32 s0, $0xA;
	s2 =	sadd.s32 s3, s2  }
0x8d: {  	s2 =	sadd.s32 s2, s16  }
0x8e: {  	[smem:$0x3FAE] =	sst s2  }
0x8f: {  	_ = 	snop  }
0x90: {  	(tm) =	ssettm $0x1  }
0x91: {  	s17 =	sld [smem:$0x3FFB];
	_ =	sdelay $0x3  }
0x92: {  	_ =	strace s17  }
0x93: {  	s2 =	sld [smem:$0x3FFC];
	_ =	sdelay $0x3  }
0x94: {  	_ =	strace s2  }
0x95: {  	s2 =	sld [smem:$0x3FFD];
	_ =	sdelay $0x3  }
0x96: {  	_ =	strace s2  }
0x97: {  	_ =	strace $0x8FFFFFFF  }
0x98: {  	s18 =	sld [smem:$0x3FDB];
	_ =	sdelay $0x1  }
0x99: {  	s19 =	simm.s32 $_scs_section_size  }
0x9a: {  	s4 =	simm.s32 $_size__tile_overlayer_lowered;
	s5 =	simm.s32 $_tile_overlayer_lowered  }
0x9b: {  	s22 =	simm.s32 $0x1BFF;
	s21 =	sshll.u32 s5, $0x1;
	s2 =	sadd.s32 s19, s18  }
0x9c: {  	s6 =	simm.s32 $0x0;
	s20 =	sshll.u32 s4, $0x1;
	s4 =	sadd.s32 s21, s2  }
0x9d: {  	[timem:s6], [sflag:s22] =	dma.local [hbm:s4], s20  }
0x9e: {  	_ =	swait.ge [sflag:s22], s20  }
0x9f: {  	s3 =	ssub.s32 $0x0, s20;
	[sflag:s22] =	ssyncset.done $0x0  }
0xa0: {  	[sflag:s22] =	ssyncadd.s32 s3;
	_ =	sdelay $0x1  }
0xa1: {  	s23 =	simm.s32 $0x1B8B  }
0xa2: {  	_ =	swait.ge [sflag:s23], $0x1  }
0xa3: {  	[sflag:s23] =	ssyncset.done $0x0  }
0xa4: {  	s25 =	simm.s32 $0x1B8E;
	s24 =	sld [smem:$0x3FFE];
	[sflag:s23] =	ssyncadd.s32 $0xFFFFFFFF  }
0xa5: {  	s26 =	simm.s32 $execute0_lowered;
	[smem:$0x3FD2] =	sst s25  }
0xa6: {  	s4 =	sshll.u32 s26, $0x1;
	_ =	strace $0x80000049;
	[dreg:$0x1] =	wrdreg $0xFFFFFFFF  }
0xa7: {  	s28 =	simm.s32 $_size_execute0_lowered;
	s2 =	sadd.s32 s2, s4;
	[dreg:$0x0] =	wrdreg $0x0  }
0xa8: {  	s4 =	sshll.u32 s28, $0x1;
	[dreg:$0x2] =	wrdreg s2  }
0xa9: {  	[dreg:$0x3] =	wrdreg s4  }
0xaa: {  	[dreg:$0x4] =	wrdreg $0xC0  }
0xab: {  	_ =	task [dreg:s6], $0x5FFFF  }
0xac: {  	[dreg:$0x1] =	wrdreg $0xFFFFFFFF  }
0xad: {  	[dreg:$0x0] =	wrdreg $0x60  }
0xae: {  	[dreg:$0x2] =	wrdreg s24  }
0xaf: {  	[dreg:$0x3] =	wrdreg $0xB7800  }
0xb0: {  	[dreg:$0x4] =	wrdreg $0x9  }
0xb1: {  	_ =	task.clear_ibuf [dreg:s6], $0x5FFFF;
	_ =	strace $0x90000049  }
0xb2: {  	s29 =	simm.s32 $0x9;
	_ =	strace $0x8000004B  }
0xb3: {  	_ =	swait.ge [sflag:s29], $0x1  }
0xb4: {  	[sflag:s29] =	ssyncadd.s32 $0xFFFFFFFF  }
0xb5: {  	_ =	strace $0x9000004B  }
0xb6: {  	_ =	sfence  }
0xb7: {  	s30 =	sld [smem:$0x0];
	_ =	sdelay $0x2  }
0xb8: {  	s31 =	sshll.u32 s1, $0xD;
	s1 =	sshrl.u32 s1, $0x2  }
0xb9: {  	s3 =	sand.u32 $0x4000, s31;
	s1 =	sadd.s32 s1, s30  }
0xba: {  	s0 =	sor.u32 s3, s0;
	s1 =	sshll.u32 s1, $0x11  }
0xbb: {  	s0 =	sor.u32 s1, s0  }
0xbc: {  	s0 =	sadd.s32 $0x8F2B, s0  }
0xbd: {  	[sflag:s0] =	ssyncadd.remote.s32 $0x1  }
0xbe: {  	_ =	sfence.sel $0xFFFF  }
0xbf: {  	[dreg:$0x0] =	wrdreg $0xFFFFFFFF;
	(pc) =	sbr.abs _section_cstart, $3  }
0xc0: {  	[dreg:$0x1] =	wrdreg $0xFFFFFFFF  }
0xc1: {  	_ =	task.clear_ibuf [dreg:s6], $0x2FFFF;
	_ =	strace $0x9FFFFFFF  }
0xc2: {  	(tm) =	ssettm $0x7FFFFFFF  }
0xc3: {  	_ =	shalt  }
tec
execute0_lowered:
.L_overlay_start_1:
0x0: {  	(tag) =	ssettag $0x1  }
0x1: {  	s8 =	rddreg [dreg:$0x0];
	s0 =	srdreg.scid  }
0x2: {  	s1 =	rddreg [dreg:$0x1];
	s22 =	stileid.u32  }
0x3: {  	s2 =	simm.s32 $0x0;
	s12 =	simm.s32 $0x2780;
	s13 =	simm.s32 $0x50  }
0x4: {  	s14 =	simm.s32 $0x6780;
	s15 =	simm.s32 $0x8F80;
	s16 =	simm.s32 $0x1  }
0x5: {  	s17 =	simm.s32 $0x2;
	s19 =	simm.s32 $0x26C0;
	s20 =	simm.s32 $0x6500  }
0x6: {  	s21 =	simm.s32 $0x6580;
	s9 =	sand.u32 $0x1, s0;
	s0 =	rddreg [dreg:$0x2]  }
0x7: {  	s24 =	simm.s32 $0x0;
	s5 =	smul.u32 $0x2710, s22;
	[smem:$0x7FF] =	sst s2  }
0x8: {  	s3 =	sadd.s32 $0x1E200, s8;
	s31 =	sshll.u32 s22, $0xB;
	p0 =	seq.s32 s22, $0x0  }
0x9: {  	s4 =	smul.u32 $0x27100, s9;
	_ =	strace $0x8000004A;
	s6 =	ssub.s32 $0x2, s9  }
0xa: {  	s10 =	sadd.s32 s31, s8;
	p1 =	seq.s32 s9, $0x1;
	s18 =	sor.u32 s9, s22  }
0xb: {  	s11 =	sshrl.u32 s6, $0x1;
	p0 =	por !p0, !p1;
	p2 =	sne.s32 s18, $0x0  }
0xc: {  	s18 =	simm.s32 $0x6480;
	s4 =	sadd.s32 s5, s4;
	s5 =	sadd.s32 $0x304600, s8  }
0xd: {  	s11 =	ssub.s32 s6, s11;
	p1 =	por !p0, !p0;
	p0 =	sne.s32 s22, $0x0  }
0xe: {  	s22 =	sshll.u32 @!p2 s22, $0x6;
	s23 =	sshrl.u32 @!p2 s1, $0x3;
	s4 =	sshrl.u32 s4, $0x3  }
0xf: {  	s9 =	smax.u32 s11, $0x1;
	s11 =	simm.s32 $0x3;
	s22 =	sor.u32 @!p2 $0x1C03, s22  }
0x10: {  	s7 =	sadd.s32 s4, s8;
	s4 =	sadd.s32 $0x2DD400, s8;
	s8 =	sadd.s32 $0x32B700, s8  }
0x11: {  	s6 =	sadd.s32 $0x14400, s7;
	s7 =	sadd.s32 $0xC400, s10;
	s10 =	sshrl.u32 @!p0 s1, $0x3  }
.LBB2_1:
0x12: {  	s25 =	simm.s32 @!p0 $0x1C03  }
0x13: {  	[spmem:s10], [sflag:s25] =	dma.local @!p0 [hbm:s4], $0x27100  }
0x14: {  	s25 =	simm.s32 @!p0 $0x3  }
0x15: {  	_ =	swait.ge @!p0 [sflag:s25], $0x27100  }
0x16: {  	[sflag:s25] =	ssyncset.done @!p0 $0x0  }
0x17: {  	[sflag:s25] =	ssyncadd.s32 @!p0 $0xFFFD8F00  }
0x18: {  	[tilespmem:s2], [sflag:$0x3] =	stream.linear.gather [hbm4b:s6+s2], $0x2710, $0x38;
	[tilespmem:$0x1F000] =	vst v63  }
0x19: {  	_ =	swait.ge [sflag:s11], $0x2710  }
0x1a: {  	[sflag:s11] =	ssyncset.done $0x0  }
0x1b: {  	[sflag:s11] =	ssyncadd.s32 $0xFFFFD8F0  }
0x1c: {  	[tilespmem:s12], [sflag:$0x3] =	stream.linear.gather [hbm4b:s7+s2], $0x4000, $0x38;
	[tilespmem:$0x1F000] =	vst v63  }
0x1d: {  	_ =	swait.ge [sflag:s11], $0x4000  }
0x1e: {  	[sflag:s11] =	ssyncset.done $0x0  }
0x1f: {  	[sflag:s11] =	ssyncadd.s32 $0xFFFFC000  }
0x20: {  	[bflag:$0x0] =	sbarrier.arrive $0xFFFF  }
0x21: {  	[tilespmem:s14], [sflag:$0x1] =	stream.indirect.gather [hbm4b:s3+s13], $0x80, s2, s13, $0xb8;
	[tilespmem:$0x1F000] =	vst v63  }
0x22: {  	_ = 	snop  }
0x23: {  	[tilespmem:s15], [sflag:$0x2] =	stream.indirect.gather [hbm4b:s3+s13], $0x80, s13, s13, $0xb8;
	[tilespmem:$0x1F000] =	vst v63  }
0x24: {  	_ =	swait.ge [sflag:s16], $0x2800  }
0x25: {  	[sflag:s16] =	ssyncset.done $0x0  }
0x26: {  	s29 =	simm.s32 $0x2780;
	[sflag:s16] =	ssyncadd.s32 $0xFFFFD800  }
0x27: {  	[spmem:s1] =	stream.indirect.scatter.add.f32 [tilespmem:s14], [sflag:$0x3], $0x80, s29, s13, $0xb8;
	[tilespmem:$0x1F000] =	vst v63  }
0x28: {  	_ =	swait.ge [sflag:s11], $0x2800  }
0x29: {  	[sflag:s11] =	ssyncset.done $0x0  }
0x2a: {  	s30 =	simm.s32 $0xA0;
	[sflag:s11] =	ssyncadd.s32 $0xFFFFD800  }
0x2b: {  	[tilespmem:s14], [sflag:$0x1] =	stream.indirect.gather [hbm4b:s3+s13], $0x80, s30, s13, $0xb8;
	[tilespmem:$0x1F000] =	vst v63  }
0x2c: {  	_ =	swait.ge [sflag:s17], $0x2800  }
0x2d: {  	[sflag:s17] =	ssyncset.done $0x0  }
0x2e: {  	s31 =	simm.s32 $0x2800;
	[sflag:s17] =	ssyncadd.s32 $0xFFFFD800  }
0x2f: {  	[spmem:s1] =	stream.indirect.scatter.add.f32 [tilespmem:s15], [sflag:$0x3], $0x80, s31, s13, $0xb8;
	[tilespmem:$0x1F000] =	vst v63  }
0x30: {  	_ =	swait.ge [sflag:s11], $0x2800  }
0x31: {  	s28 =	simm.s32 $0xF0;
	[sflag:s11] =	ssyncset.done $0x0  }
0x32: {  	s26 =	simm.s32 $0x140;
	s25 =	simm.s32 $0x400;
	[sflag:s11] =	ssyncadd.s32 $0xFFFFD800  }
.LBB2_2:
0x33: {  	[tilespmem:s15], [sflag:$0x2] =	stream.indirect.gather [hbm4b:s3+s13], $0x80, s28, s13, $0xb8;
	[tilespmem:$0x1F000] =	vst v63  }
0x34: {  	s28 =	smov.u32 s25  }
0x35: {  	p3 =	sne.s32 s25, $0xF000;
	s25 =	sadd.s32 $0x400, s25;
	_ =	swait.ge [sflag:s16], $0x2800  }
0x36: {  	s28 =	sshra.s32 s28, $0x2;
	[sflag:s16] =	ssyncset.done $0x0  }
0x37: {  	s29 =	sadd.s32 $0x2780, s28;
	[sflag:s16] =	ssyncadd.s32 $0xFFFFD800  }
0x38: {  	[spmem:s1] =	stream.indirect.scatter.add.f32 [tilespmem:s14], [sflag:$0x3], $0x80, s29, s13, $0xb8;
	[tilespmem:$0x1F000] =	vst v63  }
0x39: {  	_ =	swait.ge [sflag:s11], $0x2800  }
0x3a: {  	[sflag:s11] =	ssyncset.done $0x0  }
0x3b: {  	[sflag:s11] =	ssyncadd.s32 $0xFFFFD800  }
0x3c: {  	[tilespmem:s14], [sflag:$0x1] =	stream.indirect.gather [hbm4b:s3+s13], $0x80, s26, s13, $0xb8;
	[tilespmem:$0x1F000] =	vst v63  }
0x3d: {  	_ =	swait.ge [sflag:s17], $0x2800  }
0x3e: {  	[sflag:s17] =	ssyncset.done $0x0  }
.Ltmp0:
0x3f: {  	s28 =	sadd.s32 $0x2800, s28;
	[sflag:s17] =	ssyncadd.s32 $0xFFFFD800;
	(pc) =	sbr.rel @p3 .LBB2_2-.Ltmp0, $4  }
0x40: {  	[spmem:s1] =	stream.indirect.scatter.add.f32 [tilespmem:s15], [sflag:$0x3], $0x80, s28, s13, $0xb8;
	[tilespmem:$0x1F000] =	vst v63  }
0x41: {  	_ =	swait.ge [sflag:s11], $0x2800  }
0x42: {  	[sflag:s11] =	ssyncset.done $0x0  }
0x43: {  	s28 =	sadd.s32 $0x50, s26;
	s26 =	sadd.s32 $0xA0, s26;
	[sflag:s11] =	ssyncadd.s32 $0xFFFFD800  }
0x44: {  	[tilespmem:s15], [sflag:$0x2] =	stream.indirect.gather [hbm4b:s3+s13], $0x80, s28, s13, $0xb8;
	[tilespmem:$0x1F000] =	vst v63  }
0x45: {  	_ =	swait.ge [sflag:s16], $0x2800  }
0x46: {  	[sflag:s16] =	ssyncset.done $0x0  }
0x47: {  	[sflag:s16] =	ssyncadd.s32 $0xFFFFD800  }
0x48: {  	[spmem:s1] =	stream.indirect.scatter.add.f32 [tilespmem:s14], [sflag:$0x3], $0x80, s18, s13, $0xb8;
	[tilespmem:$0x1F000] =	vst v63  }
0x49: {  	_ =	swait.ge [sflag:s11], $0x2800  }
0x4a: {  	[sflag:s11] =	ssyncset.done $0x0  }
0x4b: {  	[sflag:s11] =	ssyncadd.s32 $0xFFFFD800  }
0x4c: {  	[tilespmem:s14], [sflag:$0x1] =	stream.indirect.gather [hbm4b:s3+s13], $0x80, s19, s13, $0xb8;
	[tilespmem:$0x1F000] =	vst v63  }
0x4d: {  	_ =	swait.ge [sflag:s17], $0x2800  }
0x4e: {  	[sflag:s17] =	ssyncset.done $0x0  }
0x4f: {  	[sflag:s17] =	ssyncadd.s32 $0xFFFFD800  }
0x50: {  	[spmem:s1] =	stream.indirect.scatter.add.f32 [tilespmem:s15], [sflag:$0x3], $0x80, s20, s13, $0xb8;
	[tilespmem:$0x1F000] =	vst v63  }
0x51: {  	_ =	swait.ge [sflag:s11], $0x2800  }
0x52: {  	[sflag:s11] =	ssyncset.done $0x0  }
0x53: {  	[sflag:s11] =	ssyncadd.s32 $0xFFFFD800  }
0x54: {  	[tilespmem:s15], [sflag:$0x2] =	stream.indirect.gather [hbm4b:s3+s13], $0x80, s19, s13, $0xb8;
	[tilespmem:$0x1F000] =	vst v63  }
0x55: {  	_ =	swait.ge [sflag:s16], $0x2800  }
0x56: {  	[sflag:s16] =	ssyncset.done $0x0  }
0x57: {  	[sflag:s16] =	ssyncadd.s32 $0xFFFFD800  }
0x58: {  	[spmem:s1] =	stream.indirect.scatter.add.f32 [tilespmem:s14], [sflag:$0x3], $0x80, s21, s13, $0xb8;
	[tilespmem:$0x1F000] =	vst v63  }
0x59: {  	_ =	swait.ge [sflag:s11], $0x2800  }
0x5a: {  	[sflag:s11] =	ssyncset.done $0x0  }
0x5b: {  	[sflag:s11] =	ssyncadd.s32 $0xFFFFD800  }
0x5c: {  	_ =	swait.ge [sflag:s17], $0x2800  }
0x5d: {  	[sflag:s17] =	ssyncset.done $0x0  }
0x5e: {  	[sflag:s17] =	ssyncadd.s32 $0xFFFFD800  }
0x5f: {  	s25 =	simm.s32 @!p2 $0x3;
	[bflag:$0x0] =	sbarrier.arrive $0xFFFF  }
0x60: {  	[hbm:s5], [sflag:s22] =	dma.local @!p2 [spmem:s23], $0x27100  }
0x61: {  	_ =	swait.ge @!p2 [sflag:s25], $0x27100  }
0x62: {  	s26 =	simm.s32 @p1 $0x1C03;
	s24 =	sadd.s32 $0x1, s24;
	[sflag:s25] =	ssyncset.done @!p2 $0x0  }
0x63: {  	p3 =	sne.s32 s24, s9;
	[sflag:s25] =	ssyncadd.s32 @!p2 $0xFFFD8F00;
	s25 =	sshrl.u32 @p1 s1, $0x3  }
0x64: {  	[hbm:s8], [sflag:s26] =	dma.local @p1 [spmem:s25], $0x27100  }
.Ltmp1:
0x65: {  	_ = 	snop;
	(pc) =	sbr.rel @p3 .LBB2_1-.Ltmp1, $4  }
0x66: {  	s25 =	simm.s32 @p1 $0x3  }
0x67: {  	_ =	swait.ge @p1 [sflag:s25], $0x27100  }
0x68: {  	[sflag:s25] =	ssyncset.done @p1 $0x0  }
0x69: {  	[sflag:s25] =	ssyncadd.s32 @p1 $0xFFFD8F00  }
0x6a: {  	_ =	sfence.sel $0x180000  }
0x6b: {  	[bflag:$0x0] =	sbarrier.arrive $0xFFFF  }
0x6c: {  	_ =	strace $0x9000004A  }
0x6d: {  	s0 =	sadd.s32 @!p0 $0x100000, s0;
	[bflag:$0x2] =	sbarrier.arrive $0xFFFF  }
0x6e: {  	[sflag:s0] =	ssyncadd.tile.s32 @!p0 $0x1;
	_ =	shalt  }
.Lfunc_end2:
_tile_overlayer_lowered:
.L_overlay_start_2:
0x6f: {  	(tag) =	ssettag $0x2  }
0x70: {  	s0 =	rddreg [dreg:$0x0];
	s2 =	stileid.u32  }
0x71: {  	s1 =	rddreg [dreg:$0x1];
	p0 =	sne.s32 s2, $0x0  }
0x72: {  	s3 =	rddreg [dreg:$0x2];
	[bflag:$0x3] =	sbarrier.arrive $0xFFFF;
	s2 =	simm.s32 @!p0 $0x1C03  }
0x73: {  	[timem:s3], [sflag:s2] =	dma.local @!p0 [hbm:s0], s1  }
0x74: {  	s0 =	simm.s32 @!p0 $0x3  }
0x75: {  	_ =	swait.ge @!p0 [sflag:s0], s1  }
0x76: {  	s1 =	ssub.s32 @!p0 $0x0, s1;
	[sflag:s0] =	ssyncset.done @!p0 $0x0  }
0x77: {  	[sflag:s0] =	ssyncadd.s32 @!p0 s1  }
0x78: {  	[bflag:$0x3] =	sbarrier.arrive $0xFFFF  }
0x79: {  	_ =	shalt  }

// kernel: kernel.24.cloned.1.call-start
scs
__scs_entry_jumppad:
0x0: {  	(pc) =	sbr.rel $0x88, $3  }
0x1: {  	(tag) =	ssettag $0x0;
	lr =	simm.s32 $0x1  }
0x2: {  	[smem:$0x3F87] =	sst lr;
	_ =	strace $0xD0000000  }
0x3: {  	_ = 	snop  }
0x4: {  	_ = 	snop  }
0x5: {  	_ = 	snop  }
0x6: {  	_ = 	snop  }
0x7: {  	_ = 	snop  }
__scs_overlays_trampoline_lowered:
0x8: {  	[smem:$0x3F96] =	sst s0  }
0x9: {  	[smem:$0x3F97] =	sst s1  }
0xa: {  	[smem:$0x3F98] =	sst s2  }
0xb: {  	[smem:$0x3F99] =	sst s3  }
0xc: {  	[smem:$0x3F9A] =	sst s4  }
0xd: {  	[smem:$0x3F9B] =	sst s5  }
0xe: {  	[smem:$0x3F9C] =	sst s6  }
0xf: {  	[smem:$0x3F9D] =	sst s7  }
0x10: {  	[smem:$0x3F9E] =	sst s8  }
0x11: {  	[smem:$0x3F9F] =	sst s9;
	s0 =	simm.s32 @!p0 $0x0  }
0x12: {  	s1 =	sld [smem:$0x3F85];
	s0 =	simm.s32 @p0 $0x1  }
0x13: {  	[smem:$0x3FA0] =	sst s0;
	s0 =	simm.s32 @!p1 $0x0  }
0x14: {  	s2 =	sld [smem:$0x3F84];
	s0 =	simm.s32 @p1 $0x1  }
0x15: {  	[smem:$0x3FA1] =	sst s0;
	s0 =	simm.s32 @!p2 $0x0  }
0x16: {  	s3 =	sld [smem:$0x3FDB];
	s0 =	simm.s32 @p2 $0x1  }
0x17: {  	s4 =	simm.s32 $0x1BF5;
	[smem:$0x3FA3] =	sst s0  }
0x18: {  	s0 =	sld [smem:$0x3F86];
	_ =	swait.ge [sflag:s4], $0x0  }
0x19: {  	s7 =	sld [smem:$0x3F87]  }
0x1a: {  	s8 =	sadd.s32 $0xFFFFE003, lr  }
0x1b: {  	s9 =	sadd.s32 $0xFFFFFEF7, lr;
	s5 =	simm.s32 $0xFFFFFFFF;
	p2 =	slt.u32 s8, $0xFFFFF086  }
0x1c: {  	p1 =	slt.u32 s9, $0xF7A;
	s5 =	simm.s32 @!p2 $0x0  }
0x1d: {  	s5 =	simm.s32 @p1 $0x1;
	p0 =	seq.s32 s7, s2  }
0x1e: {  	s7 =	smul.u32 @!p0 $0xF7A, s2;
	p2 =	seq.s32 @!p0 s5, $0x0  }
0x1f: {  	s9 =	smul.u32 $0xF7A, s1;
	s8 =	simm.s32 @!p0 $0x1BF5;
	p2 =	por !p2, p0  }
0x20: {  	[sflag:s8] =	ssyncset.s32 @!p0 $0xFFFFF086;
	s6 =	sadd.s32 @!p0 s3, s7;
	s7 =	simm.s32 @!p0 $0x108  }
0x21: {  	s3 =	sadd.s32 s3, s9;
	s6 =	sadd.s32 @!p0 $0x88, s6;
	s7 =	simm.s32 @p2 $0x1082  }
0x22: {  	[simem:s7], [sflag:s8] =	dma.local @!p0 [hbm:s6], $0xF7A  }
0x23: {  	s9 =	sor.u32 $0xD0000000, s2;
	s6 =	simm.s32 $0x108;
	_ =	swait.ge @!p0 [sflag:s8], $0x0  }
0x24: {  	s3 =	sadd.s32 $0x88, s3;
	s6 =	simm.s32 @!p1 $0x1082;
	[sflag:s4] =	ssyncset.s32 $0xFFFFF086  }
0x25: {  	[simem:s6], [sflag:s4] =	dma.local [hbm:s3], $0xF7A  }
0x26: {  	[smem:$0x3F87] =	sst s1;
	(tag) =	ssettag s2;
	_ =	strace s9  }
0x27: {  	s1 =	sld [smem:$0x3F97]  }
0x28: {  	s2 =	sld [smem:$0x3F98]  }
0x29: {  	s4 =	sld [smem:$0x3F9A]  }
0x2a: {  	p0 =	seq.s32 s5, $0x0;
	s5 =	sld [smem:$0x3F9B]  }
0x2b: {  	s6 =	sld [smem:$0x3F9C]  }
0x2c: {  	s7 =	sld [smem:$0x3F9D]  }
0x2d: {  	s3 =	simm.s32 $0x108;
	s8 =	sld [smem:$0x3F9E]  }
0x2e: {  	s3 =	simm.s32 @!p0 $0x1082;
	s9 =	sld [smem:$0x3F9F]  }
0x2f: {  	lr =	sadd.s32 s0, s3;
	s0 =	sld [smem:$0x3F96]  }
0x30: {  	s3 =	sld [smem:$0x3F99]  }
0x31: {  	[smem:$0x3FA2] =	sst s10  }
0x32: {  	s10 =	sld [smem:$0x3FA0];
	_ =	sdelay $0x3  }
0x33: {  	p0 =	seq.s32 s10, $0x1;
	s10 =	sld [smem:$0x3FA2];
	_ =	sdelay $0x3  }
0x34: {  	[smem:$0x3FA2] =	sst s10  }
0x35: {  	s10 =	sld [smem:$0x3FA1];
	_ =	sdelay $0x3  }
0x36: {  	p1 =	seq.s32 s10, $0x1;
	s10 =	sld [smem:$0x3FA2];
	_ =	sdelay $0x3  }
0x37: {  	[smem:$0x3FA2] =	sst s10  }
0x38: {  	s10 =	sld [smem:$0x3FA3]  }
0x39: {  	_ = 	snop;
	(pc) =	sbr.ind lr, $3  }
0x3a: {  	_ = 	snop  }
0x3b: {  	_ = 	snop  }
0x3c: {  	p2 =	seq.s32 s10, $0x1;
	s10 =	sld [smem:$0x3FA2]  }
0x3d: {  	_ =	shalt  }
0x3e: {  	_ =	shalt  }
0x3f: {  	_ =	shalt  }
0x40: {  	_ =	shalt  }
0x41: {  	_ =	shalt  }
0x42: {  	_ =	shalt  }
0x43: {  	_ =	shalt  }
0x44: {  	_ =	shalt  }
0x45: {  	_ =	shalt  }
0x46: {  	_ =	shalt  }
0x47: {  	_ =	shalt  }
0x48: {  	_ =	shalt  }
0x49: {  	_ =	shalt  }
0x4a: {  	_ =	shalt  }
0x4b: {  	_ =	shalt  }
0x4c: {  	_ =	shalt  }
0x4d: {  	_ =	shalt  }
0x4e: {  	_ =	shalt  }
0x4f: {  	_ =	shalt  }
0x50: {  	_ =	shalt  }
0x51: {  	_ =	shalt  }
0x52: {  	_ =	shalt  }
0x53: {  	_ =	shalt  }
0x54: {  	_ =	shalt  }
0x55: {  	_ =	shalt  }
0x56: {  	_ =	shalt  }
0x57: {  	_ =	shalt  }
0x58: {  	_ =	shalt  }
0x59: {  	_ =	shalt  }
0x5a: {  	_ =	shalt  }
0x5b: {  	_ =	shalt  }
0x5c: {  	_ =	shalt  }
0x5d: {  	_ =	shalt  }
0x5e: {  	_ =	shalt  }
0x5f: {  	_ =	shalt  }
0x60: {  	_ =	shalt  }
0x61: {  	_ =	shalt  }
0x62: {  	_ =	shalt  }
0x63: {  	_ =	shalt  }
0x64: {  	_ =	shalt  }
0x65: {  	_ =	shalt  }
0x66: {  	_ =	shalt  }
0x67: {  	_ =	shalt  }
0x68: {  	_ =	shalt  }
0x69: {  	_ =	shalt  }
0x6a: {  	_ =	shalt  }
0x6b: {  	_ =	shalt  }
0x6c: {  	_ =	shalt  }
0x6d: {  	_ =	shalt  }
0x6e: {  	_ =	shalt  }
0x6f: {  	_ =	shalt  }
0x70: {  	_ =	shalt  }
0x71: {  	_ =	shalt  }
0x72: {  	_ =	shalt  }
0x73: {  	_ =	shalt  }
0x74: {  	_ =	shalt  }
0x75: {  	_ =	shalt  }
0x76: {  	_ =	shalt  }
0x77: {  	_ =	shalt  }
0x78: {  	_ =	shalt  }
0x79: {  	_ =	shalt  }
0x7a: {  	_ =	shalt  }
0x7b: {  	_ =	shalt  }
0x7c: {  	_ =	shalt  }
0x7d: {  	_ =	shalt  }
0x7e: {  	_ =	shalt  }
0x7f: {  	_ =	shalt  }
0x80: {  	_ =	shalt  }
0x81: {  	_ =	shalt  }
0x82: {  	_ =	shalt  }
0x83: {  	_ =	shalt  }
0x84: {  	_ =	shalt  }
0x85: {  	_ =	shalt  }
0x86: {  	_ =	shalt  }
0x87: {  	_ =	shalt  }
.Lfunc_end0:
.L_simem_size_0:
called_computation.2_lowered:
.L_overlay_start_0:
0x88: {  	s2 =	sld [smem:$0x3FD9]  }
0x89: {  	s3 =	sld [smem:$0x3FFE];
	_ =	sdelay $0x1  }
0x8a: {  	s1 =	srdreg.scid  }
0x8b: {  	s0 =	sand.u32 $0x1, s1  }
0x8c: {  	s16 =	sshll.u32 s0, $0xA;
	s2 =	sadd.s32 s3, s2  }
0x8d: {  	s2 =	sadd.s32 s2, s16  }
0x8e: {  	[smem:$0x3FAE] =	sst s2  }
0x8f: {  	_ = 	snop  }
0x90: {  	(tm) =	ssettm $0x1  }
0x91: {  	s17 =	sld [smem:$0x3FFB];
	_ =	sdelay $0x3  }
0x92: {  	_ =	strace s17  }
0x93: {  	s2 =	sld [smem:$0x3FFC];
	_ =	sdelay $0x3  }
0x94: {  	_ =	strace s2  }
0x95: {  	s2 =	sld [smem:$0x3FFD];
	_ =	sdelay $0x3  }
0x96: {  	_ =	strace s2  }
0x97: {  	_ =	strace $0x8FFFFFFF  }
0x98: {  	s18 =	sld [smem:$0x3FDB];
	_ =	sdelay $0x1  }
0x99: {  	s19 =	simm.s32 $_scs_section_size  }
0x9a: {  	s4 =	simm.s32 $_size__tile_overlayer_lowered;
	s5 =	simm.s32 $_tile_overlayer_lowered  }
0x9b: {  	s22 =	simm.s32 $0x1BFF;
	s21 =	sshll.u32 s5, $0x1;
	s2 =	sadd.s32 s19, s18  }
0x9c: {  	s6 =	simm.s32 $0x0;
	s20 =	sshll.u32 s4, $0x1;
	s4 =	sadd.s32 s21, s2  }
0x9d: {  	[timem:s6], [sflag:s22] =	dma.local [hbm:s4], s20  }
0x9e: {  	_ =	swait.ge [sflag:s22], s20  }
0x9f: {  	s3 =	ssub.s32 $0x0, s20;
	[sflag:s22] =	ssyncset.done $0x0  }
0xa0: {  	[sflag:s22] =	ssyncadd.s32 s3;
	_ =	sdelay $0x1  }
0xa1: {  	s23 =	simm.s32 $0x1B8B  }
0xa2: {  	_ =	swait.ge [sflag:s23], $0x1  }
0xa3: {  	[sflag:s23] =	ssyncset.done $0x0  }
0xa4: {  	s25 =	simm.s32 $0x1B8E;
	s24 =	sld [smem:$0x3FFE];
	[sflag:s23] =	ssyncadd.s32 $0xFFFFFFFF  }
0xa5: {  	s26 =	simm.s32 $execute0_lowered;
	[smem:$0x3FD2] =	sst s25  }
0xa6: {  	s4 =	sshll.u32 s26, $0x1;
	_ =	strace $0x8000004C;
	[dreg:$0x1] =	wrdreg $0xFFFFFFFF  }
0xa7: {  	s28 =	simm.s32 $_size_execute0_lowered;
	s2 =	sadd.s32 s2, s4;
	[dreg:$0x0] =	wrdreg $0x0  }
0xa8: {  	s4 =	sshll.u32 s28, $0x1;
	[dreg:$0x2] =	wrdreg s2  }
0xa9: {  	[dreg:$0x3] =	wrdreg s4  }
0xaa: {  	[dreg:$0x4] =	wrdreg $0xC0  }
0xab: {  	_ =	task [dreg:s6], $0x5FFFF  }
0xac: {  	[dreg:$0x1] =	wrdreg $0xFFFFFFFF  }
0xad: {  	[dreg:$0x0] =	wrdreg $0x60  }
0xae: {  	[dreg:$0x2] =	wrdreg s24  }
0xaf: {  	[dreg:$0x3] =	wrdreg $0xB7800  }
0xb0: {  	[dreg:$0x4] =	wrdreg $0x9  }
0xb1: {  	_ =	task.clear_ibuf [dreg:s6], $0x5FFFF;
	_ =	strace $0x9000004C  }
0xb2: {  	s29 =	simm.s32 $0x9;
	_ =	strace $0x8000004E  }
0xb3: {  	_ =	swait.ge [sflag:s29], $0x1  }
0xb4: {  	[sflag:s29] =	ssyncadd.s32 $0xFFFFFFFF  }
0xb5: {  	_ =	strace $0x9000004E  }
0xb6: {  	_ =	sfence  }
0xb7: {  	s30 =	sld [smem:$0x0];
	_ =	sdelay $0x2  }
0xb8: {  	s31 =	sshll.u32 s1, $0xD;
	s1 =	sshrl.u32 s1, $0x2  }
0xb9: {  	s3 =	sand.u32 $0x4000, s31;
	s1 =	sadd.s32 s1, s30  }
0xba: {  	s0 =	sor.u32 s3, s0;
	s1 =	sshll.u32 s1, $0x11  }
0xbb: {  	s0 =	sor.u32 s1, s0  }
0xbc: {  	s0 =	sadd.s32 $0x8F2B, s0  }
0xbd: {  	[sflag:s0] =	ssyncadd.remote.s32 $0x1  }
0xbe: {  	_ =	sfence.sel $0xFFFF  }
0xbf: {  	[dreg:$0x0] =	wrdreg $0xFFFFFFFF;
	(pc) =	sbr.abs _section_cstart, $3  }
0xc0: {  	[dreg:$0x1] =	wrdreg $0xFFFFFFFF  }
0xc1: {  	_ =	task.clear_ibuf [dreg:s6], $0x2FFFF;
	_ =	strace $0x9FFFFFFF  }
0xc2: {  	(tm) =	ssettm $0x7FFFFFFF  }
0xc3: {  	_ =	shalt  }
tec
execute0_lowered:
.L_overlay_start_1:
0x0: {  	(tag) =	ssettag $0x1  }
0x1: {  	s8 =	rddreg [dreg:$0x0];
	s0 =	srdreg.scid  }
0x2: {  	s1 =	rddreg [dreg:$0x1];
	s22 =	stileid.u32  }
0x3: {  	s2 =	simm.s32 $0x0;
	s12 =	simm.s32 $0x2780;
	s13 =	simm.s32 $0x50  }
0x4: {  	s14 =	simm.s32 $0x6780;
	s15 =	simm.s32 $0x8F80;
	s16 =	simm.s32 $0x1  }
0x5: {  	s17 =	simm.s32 $0x2;
	s19 =	simm.s32 $0x26C0;
	s20 =	simm.s32 $0x6500  }
0x6: {  	s21 =	simm.s32 $0x6580;
	s9 =	sand.u32 $0x1, s0;
	s0 =	rddreg [dreg:$0x2]  }
0x7: {  	s24 =	simm.s32 $0x0;
	s5 =	smul.u32 $0x2710, s22;
	[smem:$0x7FF] =	sst s2  }
0x8: {  	s3 =	sadd.s32 $0x1E200, s8;
	s31 =	sshll.u32 s22, $0xB;
	p0 =	seq.s32 s22, $0x0  }
0x9: {  	s4 =	smul.u32 $0x27100, s9;
	_ =	strace $0x8000004D;
	s6 =	ssub.s32 $0x2, s9  }
0xa: {  	s10 =	sadd.s32 s31, s8;
	p1 =	seq.s32 s9, $0x1;
	s18 =	sor.u32 s9, s22  }
0xb: {  	s11 =	sshrl.u32 s6, $0x1;
	p0 =	por !p0, !p1;
	p2 =	sne.s32 s18, $0x0  }
0xc: {  	s18 =	simm.s32 $0x6480;
	s4 =	sadd.s32 s5, s4;
	s5 =	sadd.s32 $0x304600, s8  }
0xd: {  	s11 =	ssub.s32 s6, s11;
	p1 =	por !p0, !p0;
	p0 =	sne.s32 s22, $0x0  }
0xe: {  	s22 =	sshll.u32 @!p2 s22, $0x6;
	s23 =	sshrl.u32 @!p2 s1, $0x3;
	s4 =	sshrl.u32 s4, $0x3  }
0xf: {  	s9 =	smax.u32 s11, $0x1;
	s11 =	simm.s32 $0x3;
	s22 =	sor.u32 @!p2 $0x1C03, s22  }
0x10: {  	s7 =	sadd.s32 s4, s8;
	s4 =	sadd.s32 $0x2DD400, s8;
	s8 =	sadd.s32 $0x32B700, s8  }
0x11: {  	s6 =	sadd.s32 $0x14400, s7;
	s7 =	sadd.s32 $0xC400, s10;
	s10 =	sshrl.u32 @!p0 s1, $0x3  }
.LBB2_1:
0x12: {  	s25 =	simm.s32 @!p0 $0x1C03  }
0x13: {  	[spmem:s10], [sflag:s25] =	dma.local @!p0 [hbm:s4], $0x27100  }
0x14: {  	s25 =	simm.s32 @!p0 $0x3  }
0x15: {  	_ =	swait.ge @!p0 [sflag:s25], $0x27100  }
0x16: {  	[sflag:s25] =	ssyncset.done @!p0 $0x0  }
0x17: {  	[sflag:s25] =	ssyncadd.s32 @!p0 $0xFFFD8F00  }
0x18: {  	[tilespmem:s2], [sflag:$0x3] =	stream.linear.gather [hbm4b:s6+s2], $0x2710, $0x38;
	[tilespmem:$0x1F000] =	vst v63  }
0x19: {  	_ =	swait.ge [sflag:s11], $0x2710  }
0x1a: {  	[sflag:s11] =	ssyncset.done $0x0  }
0x1b: {  	[sflag:s11] =	ssyncadd.s32 $0xFFFFD8F0  }
0x1c: {  	[tilespmem:s12], [sflag:$0x3] =	stream.linear.gather [hbm4b:s7+s2], $0x4000, $0x38;
	[tilespmem:$0x1F000] =	vst v63  }
0x1d: {  	_ =	swait.ge [sflag:s11], $0x4000  }
0x1e: {  	[sflag:s11] =	ssyncset.done $0x0  }
0x1f: {  	[sflag:s11] =	ssyncadd.s32 $0xFFFFC000  }
0x20: {  	[bflag:$0x0] =	sbarrier.arrive $0xFFFF  }
0x21: {  	[tilespmem:s14], [sflag:$0x1] =	stream.indirect.gather [hbm4b:s3+s13], $0x80, s2, s13, $0xb8;
	[tilespmem:$0x1F000] =	vst v63  }
0x22: {  	_ = 	snop  }
0x23: {  	[tilespmem:s15], [sflag:$0x2] =	stream.indirect.gather [hbm4b:s3+s13], $0x80, s13, s13, $0xb8;
	[tilespmem:$0x1F000] =	vst v63  }
0x24: {  	_ =	swait.ge [sflag:s16], $0x2800  }
0x25: {  	[sflag:s16] =	ssyncset.done $0x0  }
0x26: {  	s29 =	simm.s32 $0x2780;
	[sflag:s16] =	ssyncadd.s32 $0xFFFFD800  }
0x27: {  	[spmem:s1] =	stream.indirect.scatter.add.f32 [tilespmem:s14], [sflag:$0x3], $0x80, s29, s13, $0xb8;
	[tilespmem:$0x1F000] =	vst v63  }
0x28: {  	_ =	swait.ge [sflag:s11], $0x2800  }
0x29: {  	[sflag:s11] =	ssyncset.done $0x0  }
0x2a: {  	s30 =	simm.s32 $0xA0;
	[sflag:s11] =	ssyncadd.s32 $0xFFFFD800  }
0x2b: {  	[tilespmem:s14], [sflag:$0x1] =	stream.indirect.gather [hbm4b:s3+s13], $0x80, s30, s13, $0xb8;
	[tilespmem:$0x1F000] =	vst v63  }
0x2c: {  	_ =	swait.ge [sflag:s17], $0x2800  }
0x2d: {  	[sflag:s17] =	ssyncset.done $0x0  }
0x2e: {  	s31 =	simm.s32 $0x2800;
	[sflag:s17] =	ssyncadd.s32 $0xFFFFD800  }
0x2f: {  	[spmem:s1] =	stream.indirect.scatter.add.f32 [tilespmem:s15], [sflag:$0x3], $0x80, s31, s13, $0xb8;
	[tilespmem:$0x1F000] =	vst v63  }
0x30: {  	_ =	swait.ge [sflag:s11], $0x2800  }
0x31: {  	s28 =	simm.s32 $0xF0;
	[sflag:s11] =	ssyncset.done $0x0  }
0x32: {  	s26 =	simm.s32 $0x140;
	s25 =	simm.s32 $0x400;
	[sflag:s11] =	ssyncadd.s32 $0xFFFFD800  }
.LBB2_2:
0x33: {  	[tilespmem:s15], [sflag:$0x2] =	stream.indirect.gather [hbm4b:s3+s13], $0x80, s28, s13, $0xb8;
	[tilespmem:$0x1F000] =	vst v63  }
0x34: {  	s28 =	smov.u32 s25  }
0x35: {  	p3 =	sne.s32 s25, $0xF000;
	s25 =	sadd.s32 $0x400, s25;
	_ =	swait.ge [sflag:s16], $0x2800  }
0x36: {  	s28 =	sshra.s32 s28, $0x2;
	[sflag:s16] =	ssyncset.done $0x0  }
0x37: {  	s29 =	sadd.s32 $0x2780, s28;
	[sflag:s16] =	ssyncadd.s32 $0xFFFFD800  }
0x38: {  	[spmem:s1] =	stream.indirect.scatter.add.f32 [tilespmem:s14], [sflag:$0x3], $0x80, s29, s13, $0xb8;
	[tilespmem:$0x1F000] =	vst v63  }
0x39: {  	_ =	swait.ge [sflag:s11], $0x2800  }
0x3a: {  	[sflag:s11] =	ssyncset.done $0x0  }
0x3b: {  	[sflag:s11] =	ssyncadd.s32 $0xFFFFD800  }
0x3c: {  	[tilespmem:s14], [sflag:$0x1] =	stream.indirect.gather [hbm4b:s3+s13], $0x80, s26, s13, $0xb8;
	[tilespmem:$0x1F000] =	vst v63  }
0x3d: {  	_ =	swait.ge [sflag:s17], $0x2800  }
0x3e: {  	[sflag:s17] =	ssyncset.done $0x0  }
.Ltmp0:
0x3f: {  	s28 =	sadd.s32 $0x2800, s28;
	[sflag:s17] =	ssyncadd.s32 $0xFFFFD800;
	(pc) =	sbr.rel @p3 .LBB2_2-.Ltmp0, $4  }
0x40: {  	[spmem:s1] =	stream.indirect.scatter.add.f32 [tilespmem:s15], [sflag:$0x3], $0x80, s28, s13, $0xb8;
	[tilespmem:$0x1F000] =	vst v63  }
0x41: {  	_ =	swait.ge [sflag:s11], $0x2800  }
0x42: {  	[sflag:s11] =	ssyncset.done $0x0  }
0x43: {  	s28 =	sadd.s32 $0x50, s26;
	s26 =	sadd.s32 $0xA0, s26;
	[sflag:s11] =	ssyncadd.s32 $0xFFFFD800  }
0x44: {  	[tilespmem:s15], [sflag:$0x2] =	stream.indirect.gather [hbm4b:s3+s13], $0x80, s28, s13, $0xb8;
	[tilespmem:$0x1F000] =	vst v63  }
0x45: {  	_ =	swait.ge [sflag:s16], $0x2800  }
0x46: {  	[sflag:s16] =	ssyncset.done $0x0  }
0x47: {  	[sflag:s16] =	ssyncadd.s32 $0xFFFFD800  }
0x48: {  	[spmem:s1] =	stream.indirect.scatter.add.f32 [tilespmem:s14], [sflag:$0x3], $0x80, s18, s13, $0xb8;
	[tilespmem:$0x1F000] =	vst v63  }
0x49: {  	_ =	swait.ge [sflag:s11], $0x2800  }
0x4a: {  	[sflag:s11] =	ssyncset.done $0x0  }
0x4b: {  	[sflag:s11] =	ssyncadd.s32 $0xFFFFD800  }
0x4c: {  	[tilespmem:s14], [sflag:$0x1] =	stream.indirect.gather [hbm4b:s3+s13], $0x80, s19, s13, $0xb8;
	[tilespmem:$0x1F000] =	vst v63  }
0x4d: {  	_ =	swait.ge [sflag:s17], $0x2800  }
0x4e: {  	[sflag:s17] =	ssyncset.done $0x0  }
0x4f: {  	[sflag:s17] =	ssyncadd.s32 $0xFFFFD800  }
0x50: {  	[spmem:s1] =	stream.indirect.scatter.add.f32 [tilespmem:s15], [sflag:$0x3], $0x80, s20, s13, $0xb8;
	[tilespmem:$0x1F000] =	vst v63  }
0x51: {  	_ =	swait.ge [sflag:s11], $0x2800  }
0x52: {  	[sflag:s11] =	ssyncset.done $0x0  }
0x53: {  	[sflag:s11] =	ssyncadd.s32 $0xFFFFD800  }
0x54: {  	[tilespmem:s15], [sflag:$0x2] =	stream.indirect.gather [hbm4b:s3+s13], $0x80, s19, s13, $0xb8;
	[tilespmem:$0x1F000] =	vst v63  }
0x55: {  	_ =	swait.ge [sflag:s16], $0x2800  }
0x56: {  	[sflag:s16] =	ssyncset.done $0x0  }
0x57: {  	[sflag:s16] =	ssyncadd.s32 $0xFFFFD800  }
0x58: {  	[spmem:s1] =	stream.indirect.scatter.add.f32 [tilespmem:s14], [sflag:$0x3], $0x80, s21, s13, $0xb8;
	[tilespmem:$0x1F000] =	vst v63  }
0x59: {  	_ =	swait.ge [sflag:s11], $0x2800  }
0x5a: {  	[sflag:s11] =	ssyncset.done $0x0  }
0x5b: {  	[sflag:s11] =	ssyncadd.s32 $0xFFFFD800  }
0x5c: {  	_ =	swait.ge [sflag:s17], $0x2800  }
0x5d: {  	[sflag:s17] =	ssyncset.done $0x0  }
0x5e: {  	[sflag:s17] =	ssyncadd.s32 $0xFFFFD800  }
0x5f: {  	s25 =	simm.s32 @!p2 $0x3;
	[bflag:$0x0] =	sbarrier.arrive $0xFFFF  }
0x60: {  	[hbm:s5], [sflag:s22] =	dma.local @!p2 [spmem:s23], $0x27100  }
0x61: {  	_ =	swait.ge @!p2 [sflag:s25], $0x27100  }
0x62: {  	s26 =	simm.s32 @p1 $0x1C03;
	s24 =	sadd.s32 $0x1, s24;
	[sflag:s25] =	ssyncset.done @!p2 $0x0  }
0x63: {  	p3 =	sne.s32 s24, s9;
	[sflag:s25] =	ssyncadd.s32 @!p2 $0xFFFD8F00;
	s25 =	sshrl.u32 @p1 s1, $0x3  }
0x64: {  	[hbm:s8], [sflag:s26] =	dma.local @p1 [spmem:s25], $0x27100  }
.Ltmp1:
0x65: {  	_ = 	snop;
	(pc) =	sbr.rel @p3 .LBB2_1-.Ltmp1, $4  }
0x66: {  	s25 =	simm.s32 @p1 $0x3  }
0x67: {  	_ =	swait.ge @p1 [sflag:s25], $0x27100  }
0x68: {  	[sflag:s25] =	ssyncset.done @p1 $0x0  }
0x69: {  	[sflag:s25] =	ssyncadd.s32 @p1 $0xFFFD8F00  }
0x6a: {  	_ =	sfence.sel $0x180000  }
0x6b: {  	[bflag:$0x0] =	sbarrier.arrive $0xFFFF  }
0x6c: {  	_ =	strace $0x9000004D  }
0x6d: {  	s0 =	sadd.s32 @!p0 $0x100000, s0;
	[bflag:$0x2] =	sbarrier.arrive $0xFFFF  }
0x6e: {  	[sflag:s0] =	ssyncadd.tile.s32 @!p0 $0x1;
	_ =	shalt  }
.Lfunc_end2:
_tile_overlayer_lowered:
.L_overlay_start_2:
0x6f: {  	(tag) =	ssettag $0x2  }
0x70: {  	s0 =	rddreg [dreg:$0x0];
	s2 =	stileid.u32  }
0x71: {  	s1 =	rddreg [dreg:$0x1];
	p0 =	sne.s32 s2, $0x0  }
0x72: {  	s3 =	rddreg [dreg:$0x2];
	[bflag:$0x3] =	sbarrier.arrive $0xFFFF;
	s2 =	simm.s32 @!p0 $0x1C03  }
0x73: {  	[timem:s3], [sflag:s2] =	dma.local @!p0 [hbm:s0], s1  }
0x74: {  	s0 =	simm.s32 @!p0 $0x3  }
0x75: {  	_ =	swait.ge @!p0 [sflag:s0], s1  }
0x76: {  	s1 =	ssub.s32 @!p0 $0x0, s1;
	[sflag:s0] =	ssyncset.done @!p0 $0x0  }
0x77: {  	[sflag:s0] =	ssyncadd.s32 @!p0 s1  }
0x78: {  	[bflag:$0x3] =	sbarrier.arrive $0xFFFF  }
0x79: {  	_ =	shalt  }

// kernel: kernel.27.cloned.1.call-start
scs
__scs_entry_jumppad:
0x0: {  	(pc) =	sbr.rel $0x88, $3  }
0x1: {  	(tag) =	ssettag $0x0;
	lr =	simm.s32 $0x1  }
0x2: {  	[smem:$0x3F87] =	sst lr;
	_ =	strace $0xD0000000  }
0x3: {  	_ = 	snop  }
0x4: {  	_ = 	snop  }
0x5: {  	_ = 	snop  }
0x6: {  	_ = 	snop  }
0x7: {  	_ = 	snop  }
__scs_overlays_trampoline_lowered:
0x8: {  	[smem:$0x3F96] =	sst s0  }
0x9: {  	[smem:$0x3F97] =	sst s1  }
0xa: {  	[smem:$0x3F98] =	sst s2  }
0xb: {  	[smem:$0x3F99] =	sst s3  }
0xc: {  	[smem:$0x3F9A] =	sst s4  }
0xd: {  	[smem:$0x3F9B] =	sst s5  }
0xe: {  	[smem:$0x3F9C] =	sst s6  }
0xf: {  	[smem:$0x3F9D] =	sst s7  }
0x10: {  	[smem:$0x3F9E] =	sst s8  }
0x11: {  	[smem:$0x3F9F] =	sst s9;
	s0 =	simm.s32 @!p0 $0x0  }
0x12: {  	s1 =	sld [smem:$0x3F85];
	s0 =	simm.s32 @p0 $0x1  }
0x13: {  	[smem:$0x3FA0] =	sst s0;
	s0 =	simm.s32 @!p1 $0x0  }
0x14: {  	s2 =	sld [smem:$0x3F84];
	s0 =	simm.s32 @p1 $0x1  }
0x15: {  	[smem:$0x3FA1] =	sst s0;
	s0 =	simm.s32 @!p2 $0x0  }
0x16: {  	s3 =	sld [smem:$0x3FDB];
	s0 =	simm.s32 @p2 $0x1  }
0x17: {  	s4 =	simm.s32 $0x1BF5;
	[smem:$0x3FA3] =	sst s0  }
0x18: {  	s0 =	sld [smem:$0x3F86];
	_ =	swait.ge [sflag:s4], $0x0  }
0x19: {  	s7 =	sld [smem:$0x3F87]  }
0x1a: {  	s8 =	sadd.s32 $0xFFFFE003, lr  }
0x1b: {  	s9 =	sadd.s32 $0xFFFFFEF7, lr;
	s5 =	simm.s32 $0xFFFFFFFF;
	p2 =	slt.u32 s8, $0xFFFFF086  }
0x1c: {  	p1 =	slt.u32 s9, $0xF7A;
	s5 =	simm.s32 @!p2 $0x0  }
0x1d: {  	s5 =	simm.s32 @p1 $0x1;
	p0 =	seq.s32 s7, s2  }
0x1e: {  	s7 =	smul.u32 @!p0 $0xF7A, s2;
	p2 =	seq.s32 @!p0 s5, $0x0  }
0x1f: {  	s9 =	smul.u32 $0xF7A, s1;
	s8 =	simm.s32 @!p0 $0x1BF5;
	p2 =	por !p2, p0  }
0x20: {  	[sflag:s8] =	ssyncset.s32 @!p0 $0xFFFFF086;
	s6 =	sadd.s32 @!p0 s3, s7;
	s7 =	simm.s32 @!p0 $0x108  }
0x21: {  	s3 =	sadd.s32 s3, s9;
	s6 =	sadd.s32 @!p0 $0x88, s6;
	s7 =	simm.s32 @p2 $0x1082  }
0x22: {  	[simem:s7], [sflag:s8] =	dma.local @!p0 [hbm:s6], $0xF7A  }
0x23: {  	s9 =	sor.u32 $0xD0000000, s2;
	s6 =	simm.s32 $0x108;
	_ =	swait.ge @!p0 [sflag:s8], $0x0  }
0x24: {  	s3 =	sadd.s32 $0x88, s3;
	s6 =	simm.s32 @!p1 $0x1082;
	[sflag:s4] =	ssyncset.s32 $0xFFFFF086  }
0x25: {  	[simem:s6], [sflag:s4] =	dma.local [hbm:s3], $0xF7A  }
0x26: {  	[smem:$0x3F87] =	sst s1;
	(tag) =	ssettag s2;
	_ =	strace s9  }
0x27: {  	s1 =	sld [smem:$0x3F97]  }
0x28: {  	s2 =	sld [smem:$0x3F98]  }
0x29: {  	s4 =	sld [smem:$0x3F9A]  }
0x2a: {  	p0 =	seq.s32 s5, $0x0;
	s5 =	sld [smem:$0x3F9B]  }
0x2b: {  	s6 =	sld [smem:$0x3F9C]  }
0x2c: {  	s7 =	sld [smem:$0x3F9D]  }
0x2d: {  	s3 =	simm.s32 $0x108;
	s8 =	sld [smem:$0x3F9E]  }
0x2e: {  	s3 =	simm.s32 @!p0 $0x1082;
	s9 =	sld [smem:$0x3F9F]  }
0x2f: {  	lr =	sadd.s32 s0, s3;
	s0 =	sld [smem:$0x3F96]  }
0x30: {  	s3 =	sld [smem:$0x3F99]  }
0x31: {  	[smem:$0x3FA2] =	sst s10  }
0x32: {  	s10 =	sld [smem:$0x3FA0];
	_ =	sdelay $0x3  }
0x33: {  	p0 =	seq.s32 s10, $0x1;
	s10 =	sld [smem:$0x3FA2];
	_ =	sdelay $0x3  }
0x34: {  	[smem:$0x3FA2] =	sst s10  }
0x35: {  	s10 =	sld [smem:$0x3FA1];
	_ =	sdelay $0x3  }
0x36: {  	p1 =	seq.s32 s10, $0x1;
	s10 =	sld [smem:$0x3FA2];
	_ =	sdelay $0x3  }
0x37: {  	[smem:$0x3FA2] =	sst s10  }
0x38: {  	s10 =	sld [smem:$0x3FA3]  }
0x39: {  	_ = 	snop;
	(pc) =	sbr.ind lr, $3  }
0x3a: {  	_ = 	snop  }
0x3b: {  	_ = 	snop  }
0x3c: {  	p2 =	seq.s32 s10, $0x1;
	s10 =	sld [smem:$0x3FA2]  }
0x3d: {  	_ =	shalt  }
0x3e: {  	_ =	shalt  }
0x3f: {  	_ =	shalt  }
0x40: {  	_ =	shalt  }
0x41: {  	_ =	shalt  }
0x42: {  	_ =	shalt  }
0x43: {  	_ =	shalt  }
0x44: {  	_ =	shalt  }
0x45: {  	_ =	shalt  }
0x46: {  	_ =	shalt  }
0x47: {  	_ =	shalt  }
0x48: {  	_ =	shalt  }
0x49: {  	_ =	shalt  }
0x4a: {  	_ =	shalt  }
0x4b: {  	_ =	shalt  }
0x4c: {  	_ =	shalt  }
0x4d: {  	_ =	shalt  }
0x4e: {  	_ =	shalt  }
0x4f: {  	_ =	shalt  }
0x50: {  	_ =	shalt  }
0x51: {  	_ =	shalt  }
0x52: {  	_ =	shalt  }
0x53: {  	_ =	shalt  }
0x54: {  	_ =	shalt  }
0x55: {  	_ =	shalt  }
0x56: {  	_ =	shalt  }
0x57: {  	_ =	shalt  }
0x58: {  	_ =	shalt  }
0x59: {  	_ =	shalt  }
0x5a: {  	_ =	shalt  }
0x5b: {  	_ =	shalt  }
0x5c: {  	_ =	shalt  }
0x5d: {  	_ =	shalt  }
0x5e: {  	_ =	shalt  }
0x5f: {  	_ =	shalt  }
0x60: {  	_ =	shalt  }
0x61: {  	_ =	shalt  }
0x62: {  	_ =	shalt  }
0x63: {  	_ =	shalt  }
0x64: {  	_ =	shalt  }
0x65: {  	_ =	shalt  }
0x66: {  	_ =	shalt  }
0x67: {  	_ =	shalt  }
0x68: {  	_ =	shalt  }
0x69: {  	_ =	shalt  }
0x6a: {  	_ =	shalt  }
0x6b: {  	_ =	shalt  }
0x6c: {  	_ =	shalt  }
0x6d: {  	_ =	shalt  }
0x6e: {  	_ =	shalt  }
0x6f: {  	_ =	shalt  }
0x70: {  	_ =	shalt  }
0x71: {  	_ =	shalt  }
0x72: {  	_ =	shalt  }
0x73: {  	_ =	shalt  }
0x74: {  	_ =	shalt  }
0x75: {  	_ =	shalt  }
0x76: {  	_ =	shalt  }
0x77: {  	_ =	shalt  }
0x78: {  	_ =	shalt  }
0x79: {  	_ =	shalt  }
0x7a: {  	_ =	shalt  }
0x7b: {  	_ =	shalt  }
0x7c: {  	_ =	shalt  }
0x7d: {  	_ =	shalt  }
0x7e: {  	_ =	shalt  }
0x7f: {  	_ =	shalt  }
0x80: {  	_ =	shalt  }
0x81: {  	_ =	shalt  }
0x82: {  	_ =	shalt  }
0x83: {  	_ =	shalt  }
0x84: {  	_ =	shalt  }
0x85: {  	_ =	shalt  }
0x86: {  	_ =	shalt  }
0x87: {  	_ =	shalt  }
.Lfunc_end0:
.L_simem_size_0:
called_computation.3_lowered:
.L_overlay_start_0:
0x88: {  	s2 =	sld [smem:$0x3FD9]  }
0x89: {  	s3 =	sld [smem:$0x3FFE];
	_ =	sdelay $0x1  }
0x8a: {  	s1 =	srdreg.scid  }
0x8b: {  	s0 =	sand.u32 $0x1, s1  }
0x8c: {  	s16 =	sshll.u32 s0, $0xA;
	s2 =	sadd.s32 s3, s2  }
0x8d: {  	s2 =	sadd.s32 s2, s16  }
0x8e: {  	[smem:$0x3FAE] =	sst s2  }
0x8f: {  	_ = 	snop  }
0x90: {  	(tm) =	ssettm $0x1  }
0x91: {  	s17 =	sld [smem:$0x3FFB];
	_ =	sdelay $0x3  }
0x92: {  	_ =	strace s17  }
0x93: {  	s2 =	sld [smem:$0x3FFC];
	_ =	sdelay $0x3  }
0x94: {  	_ =	strace s2  }
0x95: {  	s2 =	sld [smem:$0x3FFD];
	_ =	sdelay $0x3  }
0x96: {  	_ =	strace s2  }
0x97: {  	_ =	strace $0x8FFFFFFF  }
0x98: {  	s18 =	sld [smem:$0x3FDB];
	_ =	sdelay $0x1  }
0x99: {  	s19 =	simm.s32 $_scs_section_size  }
0x9a: {  	s4 =	simm.s32 $_size__tile_overlayer_lowered;
	s5 =	simm.s32 $_tile_overlayer_lowered  }
0x9b: {  	s22 =	simm.s32 $0x1BFF;
	s21 =	sshll.u32 s5, $0x1;
	s2 =	sadd.s32 s19, s18  }
0x9c: {  	s6 =	simm.s32 $0x0;
	s20 =	sshll.u32 s4, $0x1;
	s4 =	sadd.s32 s21, s2  }
0x9d: {  	[timem:s6], [sflag:s22] =	dma.local [hbm:s4], s20  }
0x9e: {  	_ =	swait.ge [sflag:s22], s20  }
0x9f: {  	s3 =	ssub.s32 $0x0, s20;
	[sflag:s22] =	ssyncset.done $0x0  }
0xa0: {  	[sflag:s22] =	ssyncadd.s32 s3;
	_ =	sdelay $0x1  }
0xa1: {  	s23 =	simm.s32 $0x1B8B  }
0xa2: {  	_ =	swait.ge [sflag:s23], $0x1  }
0xa3: {  	[sflag:s23] =	ssyncset.done $0x0  }
0xa4: {  	s25 =	simm.s32 $0x1B8E;
	s24 =	sld [smem:$0x3FFE];
	[sflag:s23] =	ssyncadd.s32 $0xFFFFFFFF  }
0xa5: {  	s26 =	simm.s32 $execute0_lowered;
	[smem:$0x3FD2] =	sst s25  }
0xa6: {  	s4 =	sshll.u32 s26, $0x1;
	_ =	strace $0x8000004F;
	[dreg:$0x1] =	wrdreg $0xFFFFFFFF  }
0xa7: {  	s28 =	simm.s32 $_size_execute0_lowered;
	s2 =	sadd.s32 s2, s4;
	[dreg:$0x0] =	wrdreg $0x0  }
0xa8: {  	s4 =	sshll.u32 s28, $0x1;
	[dreg:$0x2] =	wrdreg s2  }
0xa9: {  	[dreg:$0x3] =	wrdreg s4  }
0xaa: {  	[dreg:$0x4] =	wrdreg $0xC0  }
0xab: {  	_ =	task [dreg:s6], $0x5FFFF  }
0xac: {  	[dreg:$0x1] =	wrdreg $0xFFFFFFFF  }
0xad: {  	[dreg:$0x0] =	wrdreg $0x60  }
0xae: {  	[dreg:$0x2] =	wrdreg s24  }
0xaf: {  	[dreg:$0x3] =	wrdreg $0xB7800  }
0xb0: {  	[dreg:$0x4] =	wrdreg $0x9  }
0xb1: {  	_ =	task.clear_ibuf [dreg:s6], $0x5FFFF;
	_ =	strace $0x9000004F  }
0xb2: {  	s29 =	simm.s32 $0x9;
	_ =	strace $0x80000051  }
0xb3: {  	_ =	swait.ge [sflag:s29], $0x1  }
0xb4: {  	[sflag:s29] =	ssyncadd.s32 $0xFFFFFFFF  }
0xb5: {  	_ =	strace $0x90000051  }
0xb6: {  	_ =	sfence  }
0xb7: {  	s30 =	sld [smem:$0x0];
	_ =	sdelay $0x2  }
0xb8: {  	s31 =	sshll.u32 s1, $0xD;
	s1 =	sshrl.u32 s1, $0x2  }
0xb9: {  	s3 =	sand.u32 $0x4000, s31;
	s1 =	sadd.s32 s1, s30  }
0xba: {  	s0 =	sor.u32 s3, s0;
	s1 =	sshll.u32 s1, $0x11  }
0xbb: {  	s0 =	sor.u32 s1, s0  }
0xbc: {  	s0 =	sadd.s32 $0x8F2B, s0  }
0xbd: {  	[sflag:s0] =	ssyncadd.remote.s32 $0x1  }
0xbe: {  	_ =	sfence.sel $0xFFFF  }
0xbf: {  	[dreg:$0x0] =	wrdreg $0xFFFFFFFF;
	(pc) =	sbr.abs _section_cstart, $3  }
0xc0: {  	[dreg:$0x1] =	wrdreg $0xFFFFFFFF  }
0xc1: {  	_ =	task.clear_ibuf [dreg:s6], $0x2FFFF;
	_ =	strace $0x9FFFFFFF  }
0xc2: {  	(tm) =	ssettm $0x7FFFFFFF  }
0xc3: {  	_ =	shalt  }
tec
execute0_lowered:
.L_overlay_start_1:
0x0: {  	(tag) =	ssettag $0x1  }
0x1: {  	s8 =	rddreg [dreg:$0x0];
	s0 =	srdreg.scid  }
0x2: {  	s1 =	rddreg [dreg:$0x1];
	s22 =	stileid.u32  }
0x3: {  	s2 =	simm.s32 $0x0;
	s12 =	simm.s32 $0x2780;
	s13 =	simm.s32 $0x50  }
0x4: {  	s14 =	simm.s32 $0x6780;
	s15 =	simm.s32 $0x8F80;
	s16 =	simm.s32 $0x1  }
0x5: {  	s17 =	simm.s32 $0x2;
	s19 =	simm.s32 $0x26C0;
	s20 =	simm.s32 $0x6500  }
0x6: {  	s21 =	simm.s32 $0x6580;
	s9 =	sand.u32 $0x1, s0;
	s0 =	rddreg [dreg:$0x2]  }
0x7: {  	s24 =	simm.s32 $0x0;
	s5 =	smul.u32 $0x2710, s22;
	[smem:$0x7FF] =	sst s2  }
0x8: {  	s3 =	sadd.s32 $0x1E200, s8;
	s31 =	sshll.u32 s22, $0xB;
	p0 =	seq.s32 s22, $0x0  }
0x9: {  	s4 =	smul.u32 $0x27100, s9;
	_ =	strace $0x80000050;
	s6 =	ssub.s32 $0x2, s9  }
0xa: {  	s10 =	sadd.s32 s31, s8;
	p1 =	seq.s32 s9, $0x1;
	s18 =	sor.u32 s9, s22  }
0xb: {  	s11 =	sshrl.u32 s6, $0x1;
	p0 =	por !p0, !p1;
	p2 =	sne.s32 s18, $0x0  }
0xc: {  	s18 =	simm.s32 $0x6480;
	s4 =	sadd.s32 s5, s4;
	s5 =	sadd.s32 $0x304600, s8  }
0xd: {  	s11 =	ssub.s32 s6, s11;
	p1 =	por !p0, !p0;
	p0 =	sne.s32 s22, $0x0  }
0xe: {  	s22 =	sshll.u32 @!p2 s22, $0x6;
	s23 =	sshrl.u32 @!p2 s1, $0x3;
	s4 =	sshrl.u32 s4, $0x3  }
0xf: {  	s9 =	smax.u32 s11, $0x1;
	s11 =	simm.s32 $0x3;
	s22 =	sor.u32 @!p2 $0x1C03, s22  }
0x10: {  	s7 =	sadd.s32 s4, s8;
	s4 =	sadd.s32 $0x2DD400, s8;
	s8 =	sadd.s32 $0x32B700, s8  }
0x11: {  	s6 =	sadd.s32 $0x14400, s7;
	s7 =	sadd.s32 $0xC400, s10;
	s10 =	sshrl.u32 @!p0 s1, $0x3  }
.LBB2_1:
0x12: {  	s25 =	simm.s32 @!p0 $0x1C03  }
0x13: {  	[spmem:s10], [sflag:s25] =	dma.local @!p0 [hbm:s4], $0x27100  }
0x14: {  	s25 =	simm.s32 @!p0 $0x3  }
0x15: {  	_ =	swait.ge @!p0 [sflag:s25], $0x27100  }
0x16: {  	[sflag:s25] =	ssyncset.done @!p0 $0x0  }
0x17: {  	[sflag:s25] =	ssyncadd.s32 @!p0 $0xFFFD8F00  }
0x18: {  	[tilespmem:s2], [sflag:$0x3] =	stream.linear.gather [hbm4b:s6+s2], $0x2710, $0x38;
	[tilespmem:$0x1F000] =	vst v63  }
0x19: {  	_ =	swait.ge [sflag:s11], $0x2710  }
0x1a: {  	[sflag:s11] =	ssyncset.done $0x0  }
0x1b: {  	[sflag:s11] =	ssyncadd.s32 $0xFFFFD8F0  }
0x1c: {  	[tilespmem:s12], [sflag:$0x3] =	stream.linear.gather [hbm4b:s7+s2], $0x4000, $0x38;
	[tilespmem:$0x1F000] =	vst v63  }
0x1d: {  	_ =	swait.ge [sflag:s11], $0x4000  }
0x1e: {  	[sflag:s11] =	ssyncset.done $0x0  }
0x1f: {  	[sflag:s11] =	ssyncadd.s32 $0xFFFFC000  }
0x20: {  	[bflag:$0x0] =	sbarrier.arrive $0xFFFF  }
0x21: {  	[tilespmem:s14], [sflag:$0x1] =	stream.indirect.gather [hbm4b:s3+s13], $0x80, s2, s13, $0xb8;
	[tilespmem:$0x1F000] =	vst v63  }
0x22: {  	_ = 	snop  }
0x23: {  	[tilespmem:s15], [sflag:$0x2] =	stream.indirect.gather [hbm4b:s3+s13], $0x80, s13, s13, $0xb8;
	[tilespmem:$0x1F000] =	vst v63  }
0x24: {  	_ =	swait.ge [sflag:s16], $0x2800  }
0x25: {  	[sflag:s16] =	ssyncset.done $0x0  }
0x26: {  	s29 =	simm.s32 $0x2780;
	[sflag:s16] =	ssyncadd.s32 $0xFFFFD800  }
0x27: {  	[spmem:s1] =	stream.indirect.scatter.add.f32 [tilespmem:s14], [sflag:$0x3], $0x80, s29, s13, $0xb8;
	[tilespmem:$0x1F000] =	vst v63  }
0x28: {  	_ =	swait.ge [sflag:s11], $0x2800  }
0x29: {  	[sflag:s11] =	ssyncset.done $0x0  }
0x2a: {  	s30 =	simm.s32 $0xA0;
	[sflag:s11] =	ssyncadd.s32 $0xFFFFD800  }
0x2b: {  	[tilespmem:s14], [sflag:$0x1] =	stream.indirect.gather [hbm4b:s3+s13], $0x80, s30, s13, $0xb8;
	[tilespmem:$0x1F000] =	vst v63  }
0x2c: {  	_ =	swait.ge [sflag:s17], $0x2800  }
0x2d: {  	[sflag:s17] =	ssyncset.done $0x0  }
0x2e: {  	s31 =	simm.s32 $0x2800;
	[sflag:s17] =	ssyncadd.s32 $0xFFFFD800  }
0x2f: {  	[spmem:s1] =	stream.indirect.scatter.add.f32 [tilespmem:s15], [sflag:$0x3], $0x80, s31, s13, $0xb8;
	[tilespmem:$0x1F000] =	vst v63  }
0x30: {  	_ =	swait.ge [sflag:s11], $0x2800  }
0x31: {  	s28 =	simm.s32 $0xF0;
	[sflag:s11] =	ssyncset.done $0x0  }
0x32: {  	s26 =	simm.s32 $0x140;
	s25 =	simm.s32 $0x400;
	[sflag:s11] =	ssyncadd.s32 $0xFFFFD800  }
.LBB2_2:
0x33: {  	[tilespmem:s15], [sflag:$0x2] =	stream.indirect.gather [hbm4b:s3+s13], $0x80, s28, s13, $0xb8;
	[tilespmem:$0x1F000] =	vst v63  }
0x34: {  	s28 =	smov.u32 s25  }
0x35: {  	p3 =	sne.s32 s25, $0xF000;
	s25 =	sadd.s32 $0x400, s25;
	_ =	swait.ge [sflag:s16], $0x2800  }
0x36: {  	s28 =	sshra.s32 s28, $0x2;
	[sflag:s16] =	ssyncset.done $0x0  }
0x37: {  	s29 =	sadd.s32 $0x2780, s28;
	[sflag:s16] =	ssyncadd.s32 $0xFFFFD800  }
0x38: {  	[spmem:s1] =	stream.indirect.scatter.add.f32 [tilespmem:s14], [sflag:$0x3], $0x80, s29, s13, $0xb8;
	[tilespmem:$0x1F000] =	vst v63  }
0x39: {  	_ =	swait.ge [sflag:s11], $0x2800  }
0x3a: {  	[sflag:s11] =	ssyncset.done $0x0  }
0x3b: {  	[sflag:s11] =	ssyncadd.s32 $0xFFFFD800  }
0x3c: {  	[tilespmem:s14], [sflag:$0x1] =	stream.indirect.gather [hbm4b:s3+s13], $0x80, s26, s13, $0xb8;
	[tilespmem:$0x1F000] =	vst v63  }
0x3d: {  	_ =	swait.ge [sflag:s17], $0x2800  }
0x3e: {  	[sflag:s17] =	ssyncset.done $0x0  }
.Ltmp0:
0x3f: {  	s28 =	sadd.s32 $0x2800, s28;
	[sflag:s17] =	ssyncadd.s32 $0xFFFFD800;
	(pc) =	sbr.rel @p3 .LBB2_2-.Ltmp0, $4  }
0x40: {  	[spmem:s1] =	stream.indirect.scatter.add.f32 [tilespmem:s15], [sflag:$0x3], $0x80, s28, s13, $0xb8;
	[tilespmem:$0x1F000] =	vst v63  }
0x41: {  	_ =	swait.ge [sflag:s11], $0x2800  }
0x42: {  	[sflag:s11] =	ssyncset.done $0x0  }
0x43: {  	s28 =	sadd.s32 $0x50, s26;
	s26 =	sadd.s32 $0xA0, s26;
	[sflag:s11] =	ssyncadd.s32 $0xFFFFD800  }
0x44: {  	[tilespmem:s15], [sflag:$0x2] =	stream.indirect.gather [hbm4b:s3+s13], $0x80, s28, s13, $0xb8;
	[tilespmem:$0x1F000] =	vst v63  }
0x45: {  	_ =	swait.ge [sflag:s16], $0x2800  }
0x46: {  	[sflag:s16] =	ssyncset.done $0x0  }
0x47: {  	[sflag:s16] =	ssyncadd.s32 $0xFFFFD800  }
0x48: {  	[spmem:s1] =	stream.indirect.scatter.add.f32 [tilespmem:s14], [sflag:$0x3], $0x80, s18, s13, $0xb8;
	[tilespmem:$0x1F000] =	vst v63  }
0x49: {  	_ =	swait.ge [sflag:s11], $0x2800  }
0x4a: {  	[sflag:s11] =	ssyncset.done $0x0  }
0x4b: {  	[sflag:s11] =	ssyncadd.s32 $0xFFFFD800  }
0x4c: {  	[tilespmem:s14], [sflag:$0x1] =	stream.indirect.gather [hbm4b:s3+s13], $0x80, s19, s13, $0xb8;
	[tilespmem:$0x1F000] =	vst v63  }
0x4d: {  	_ =	swait.ge [sflag:s17], $0x2800  }
0x4e: {  	[sflag:s17] =	ssyncset.done $0x0  }
0x4f: {  	[sflag:s17] =	ssyncadd.s32 $0xFFFFD800  }
0x50: {  	[spmem:s1] =	stream.indirect.scatter.add.f32 [tilespmem:s15], [sflag:$0x3], $0x80, s20, s13, $0xb8;
	[tilespmem:$0x1F000] =	vst v63  }
0x51: {  	_ =	swait.ge [sflag:s11], $0x2800  }
0x52: {  	[sflag:s11] =	ssyncset.done $0x0  }
0x53: {  	[sflag:s11] =	ssyncadd.s32 $0xFFFFD800  }
0x54: {  	[tilespmem:s15], [sflag:$0x2] =	stream.indirect.gather [hbm4b:s3+s13], $0x80, s19, s13, $0xb8;
	[tilespmem:$0x1F000] =	vst v63  }
0x55: {  	_ =	swait.ge [sflag:s16], $0x2800  }
0x56: {  	[sflag:s16] =	ssyncset.done $0x0  }
0x57: {  	[sflag:s16] =	ssyncadd.s32 $0xFFFFD800  }
0x58: {  	[spmem:s1] =	stream.indirect.scatter.add.f32 [tilespmem:s14], [sflag:$0x3], $0x80, s21, s13, $0xb8;
	[tilespmem:$0x1F000] =	vst v63  }
0x59: {  	_ =	swait.ge [sflag:s11], $0x2800  }
0x5a: {  	[sflag:s11] =	ssyncset.done $0x0  }
0x5b: {  	[sflag:s11] =	ssyncadd.s32 $0xFFFFD800  }
0x5c: {  	_ =	swait.ge [sflag:s17], $0x2800  }
0x5d: {  	[sflag:s17] =	ssyncset.done $0x0  }
0x5e: {  	[sflag:s17] =	ssyncadd.s32 $0xFFFFD800  }
0x5f: {  	s25 =	simm.s32 @!p2 $0x3;
	[bflag:$0x0] =	sbarrier.arrive $0xFFFF  }
0x60: {  	[hbm:s5], [sflag:s22] =	dma.local @!p2 [spmem:s23], $0x27100  }
0x61: {  	_ =	swait.ge @!p2 [sflag:s25], $0x27100  }
0x62: {  	s26 =	simm.s32 @p1 $0x1C03;
	s24 =	sadd.s32 $0x1, s24;
	[sflag:s25] =	ssyncset.done @!p2 $0x0  }
0x63: {  	p3 =	sne.s32 s24, s9;
	[sflag:s25] =	ssyncadd.s32 @!p2 $0xFFFD8F00;
	s25 =	sshrl.u32 @p1 s1, $0x3  }
0x64: {  	[hbm:s8], [sflag:s26] =	dma.local @p1 [spmem:s25], $0x27100  }
.Ltmp1:
0x65: {  	_ = 	snop;
	(pc) =	sbr.rel @p3 .LBB2_1-.Ltmp1, $4  }
0x66: {  	s25 =	simm.s32 @p1 $0x3  }
0x67: {  	_ =	swait.ge @p1 [sflag:s25], $0x27100  }
0x68: {  	[sflag:s25] =	ssyncset.done @p1 $0x0  }
0x69: {  	[sflag:s25] =	ssyncadd.s32 @p1 $0xFFFD8F00  }
0x6a: {  	_ =	sfence.sel $0x180000  }
0x6b: {  	[bflag:$0x0] =	sbarrier.arrive $0xFFFF  }
0x6c: {  	_ =	strace $0x90000050  }
0x6d: {  	s0 =	sadd.s32 @!p0 $0x100000, s0;
	[bflag:$0x2] =	sbarrier.arrive $0xFFFF  }
0x6e: {  	[sflag:s0] =	ssyncadd.tile.s32 @!p0 $0x1;
	_ =	shalt  }
.Lfunc_end2:
_tile_overlayer_lowered:
.L_overlay_start_2:
0x6f: {  	(tag) =	ssettag $0x2  }
0x70: {  	s0 =	rddreg [dreg:$0x0];
	s2 =	stileid.u32  }
0x71: {  	s1 =	rddreg [dreg:$0x1];
	p0 =	sne.s32 s2, $0x0  }
0x72: {  	s3 =	rddreg [dreg:$0x2];
	[bflag:$0x3] =	sbarrier.arrive $0xFFFF;
	s2 =	simm.s32 @!p0 $0x1C03  }
0x73: {  	[timem:s3], [sflag:s2] =	dma.local @!p0 [hbm:s0], s1  }
0x74: {  	s0 =	simm.s32 @!p0 $0x3  }
0x75: {  	_ =	swait.ge @!p0 [sflag:s0], s1  }
0x76: {  	s1 =	ssub.s32 @!p0 $0x0, s1;
	[sflag:s0] =	ssyncset.done @!p0 $0x0  }
0x77: {  	[sflag:s0] =	ssyncadd.s32 @!p0 s1  }
0x78: {  	[bflag:$0x3] =	sbarrier.arrive $0xFFFF  }
0x79: {  	_ =	shalt  }

// kernel: kernel.30.cloned.1.call-start
scs
__scs_entry_jumppad:
0x0: {  	(pc) =	sbr.rel $0x88, $3  }
0x1: {  	(tag) =	ssettag $0x0;
	lr =	simm.s32 $0x1  }
0x2: {  	[smem:$0x3F87] =	sst lr;
	_ =	strace $0xD0000000  }
0x3: {  	_ = 	snop  }
0x4: {  	_ = 	snop  }
0x5: {  	_ = 	snop  }
0x6: {  	_ = 	snop  }
0x7: {  	_ = 	snop  }
__scs_overlays_trampoline_lowered:
0x8: {  	[smem:$0x3F96] =	sst s0  }
0x9: {  	[smem:$0x3F97] =	sst s1  }
0xa: {  	[smem:$0x3F98] =	sst s2  }
0xb: {  	[smem:$0x3F99] =	sst s3  }
0xc: {  	[smem:$0x3F9A] =	sst s4  }
0xd: {  	[smem:$0x3F9B] =	sst s5  }
0xe: {  	[smem:$0x3F9C] =	sst s6  }
0xf: {  	[smem:$0x3F9D] =	sst s7  }
0x10: {  	[smem:$0x3F9E] =	sst s8  }
0x11: {  	[smem:$0x3F9F] =	sst s9;
	s0 =	simm.s32 @!p0 $0x0  }
0x12: {  	s1 =	sld [smem:$0x3F85];
	s0 =	simm.s32 @p0 $0x1  }
0x13: {  	[smem:$0x3FA0] =	sst s0;
	s0 =	simm.s32 @!p1 $0x0  }
0x14: {  	s2 =	sld [smem:$0x3F84];
	s0 =	simm.s32 @p1 $0x1  }
0x15: {  	[smem:$0x3FA1] =	sst s0;
	s0 =	simm.s32 @!p2 $0x0  }
0x16: {  	s3 =	sld [smem:$0x3FDB];
	s0 =	simm.s32 @p2 $0x1  }
0x17: {  	s4 =	simm.s32 $0x1BF5;
	[smem:$0x3FA3] =	sst s0  }
0x18: {  	s0 =	sld [smem:$0x3F86];
	_ =	swait.ge [sflag:s4], $0x0  }
0x19: {  	s7 =	sld [smem:$0x3F87]  }
0x1a: {  	s8 =	sadd.s32 $0xFFFFE003, lr  }
0x1b: {  	s9 =	sadd.s32 $0xFFFFFEF7, lr;
	s5 =	simm.s32 $0xFFFFFFFF;
	p2 =	slt.u32 s8, $0xFFFFF086  }
0x1c: {  	p1 =	slt.u32 s9, $0xF7A;
	s5 =	simm.s32 @!p2 $0x0  }
0x1d: {  	s5 =	simm.s32 @p1 $0x1;
	p0 =	seq.s32 s7, s2  }
0x1e: {  	s7 =	smul.u32 @!p0 $0xF7A, s2;
	p2 =	seq.s32 @!p0 s5, $0x0  }
0x1f: {  	s9 =	smul.u32 $0xF7A, s1;
	s8 =	simm.s32 @!p0 $0x1BF5;
	p2 =	por !p2, p0  }
0x20: {  	[sflag:s8] =	ssyncset.s32 @!p0 $0xFFFFF086;
	s6 =	sadd.s32 @!p0 s3, s7;
	s7 =	simm.s32 @!p0 $0x108  }
0x21: {  	s3 =	sadd.s32 s3, s9;
	s6 =	sadd.s32 @!p0 $0x88, s6;
	s7 =	simm.s32 @p2 $0x1082  }
0x22: {  	[simem:s7], [sflag:s8] =	dma.local @!p0 [hbm:s6], $0xF7A  }
0x23: {  	s9 =	sor.u32 $0xD0000000, s2;
	s6 =	simm.s32 $0x108;
	_ =	swait.ge @!p0 [sflag:s8], $0x0  }
0x24: {  	s3 =	sadd.s32 $0x88, s3;
	s6 =	simm.s32 @!p1 $0x1082;
	[sflag:s4] =	ssyncset.s32 $0xFFFFF086  }
0x25: {  	[simem:s6], [sflag:s4] =	dma.local [hbm:s3], $0xF7A  }
0x26: {  	[smem:$0x3F87] =	sst s1;
	(tag) =	ssettag s2;
	_ =	strace s9  }
0x27: {  	s1 =	sld [smem:$0x3F97]  }
0x28: {  	s2 =	sld [smem:$0x3F98]  }
0x29: {  	s4 =	sld [smem:$0x3F9A]  }
0x2a: {  	p0 =	seq.s32 s5, $0x0;
	s5 =	sld [smem:$0x3F9B]  }
0x2b: {  	s6 =	sld [smem:$0x3F9C]  }
0x2c: {  	s7 =	sld [smem:$0x3F9D]  }
0x2d: {  	s3 =	simm.s32 $0x108;
	s8 =	sld [smem:$0x3F9E]  }
0x2e: {  	s3 =	simm.s32 @!p0 $0x1082;
	s9 =	sld [smem:$0x3F9F]  }
0x2f: {  	lr =	sadd.s32 s0, s3;
	s0 =	sld [smem:$0x3F96]  }
0x30: {  	s3 =	sld [smem:$0x3F99]  }
0x31: {  	[smem:$0x3FA2] =	sst s10  }
0x32: {  	s10 =	sld [smem:$0x3FA0];
	_ =	sdelay $0x3  }
0x33: {  	p0 =	seq.s32 s10, $0x1;
	s10 =	sld [smem:$0x3FA2];
	_ =	sdelay $0x3  }
0x34: {  	[smem:$0x3FA2] =	sst s10  }
0x35: {  	s10 =	sld [smem:$0x3FA1];
	_ =	sdelay $0x3  }
0x36: {  	p1 =	seq.s32 s10, $0x1;
	s10 =	sld [smem:$0x3FA2];
	_ =	sdelay $0x3  }
0x37: {  	[smem:$0x3FA2] =	sst s10  }
0x38: {  	s10 =	sld [smem:$0x3FA3]  }
0x39: {  	_ = 	snop;
	(pc) =	sbr.ind lr, $3  }
0x3a: {  	_ = 	snop  }
0x3b: {  	_ = 	snop  }
0x3c: {  	p2 =	seq.s32 s10, $0x1;
	s10 =	sld [smem:$0x3FA2]  }
0x3d: {  	_ =	shalt  }
0x3e: {  	_ =	shalt  }
0x3f: {  	_ =	shalt  }
0x40: {  	_ =	shalt  }
0x41: {  	_ =	shalt  }
0x42: {  	_ =	shalt  }
0x43: {  	_ =	shalt  }
0x44: {  	_ =	shalt  }
0x45: {  	_ =	shalt  }
0x46: {  	_ =	shalt  }
0x47: {  	_ =	shalt  }
0x48: {  	_ =	shalt  }
0x49: {  	_ =	shalt  }
0x4a: {  	_ =	shalt  }
0x4b: {  	_ =	shalt  }
0x4c: {  	_ =	shalt  }
0x4d: {  	_ =	shalt  }
0x4e: {  	_ =	shalt  }
0x4f: {  	_ =	shalt  }
0x50: {  	_ =	shalt  }
0x51: {  	_ =	shalt  }
0x52: {  	_ =	shalt  }
0x53: {  	_ =	shalt  }
0x54: {  	_ =	shalt  }
0x55: {  	_ =	shalt  }
0x56: {  	_ =	shalt  }
0x57: {  	_ =	shalt  }
0x58: {  	_ =	shalt  }
0x59: {  	_ =	shalt  }
0x5a: {  	_ =	shalt  }
0x5b: {  	_ =	shalt  }
0x5c: {  	_ =	shalt  }
0x5d: {  	_ =	shalt  }
0x5e: {  	_ =	shalt  }
0x5f: {  	_ =	shalt  }
0x60: {  	_ =	shalt  }
0x61: {  	_ =	shalt  }
0x62: {  	_ =	shalt  }
0x63: {  	_ =	shalt  }
0x64: {  	_ =	shalt  }
0x65: {  	_ =	shalt  }
0x66: {  	_ =	shalt  }
0x67: {  	_ =	shalt  }
0x68: {  	_ =	shalt  }
0x69: {  	_ =	shalt  }
0x6a: {  	_ =	shalt  }
0x6b: {  	_ =	shalt  }
0x6c: {  	_ =	shalt  }
0x6d: {  	_ =	shalt  }
0x6e: {  	_ =	shalt  }
0x6f: {  	_ =	shalt  }
0x70: {  	_ =	shalt  }
0x71: {  	_ =	shalt  }
0x72: {  	_ =	shalt  }
0x73: {  	_ =	shalt  }
0x74: {  	_ =	shalt  }
0x75: {  	_ =	shalt  }
0x76: {  	_ =	shalt  }
0x77: {  	_ =	shalt  }
0x78: {  	_ =	shalt  }
0x79: {  	_ =	shalt  }
0x7a: {  	_ =	shalt  }
0x7b: {  	_ =	shalt  }
0x7c: {  	_ =	shalt  }
0x7d: {  	_ =	shalt  }
0x7e: {  	_ =	shalt  }
0x7f: {  	_ =	shalt  }
0x80: {  	_ =	shalt  }
0x81: {  	_ =	shalt  }
0x82: {  	_ =	shalt  }
0x83: {  	_ =	shalt  }
0x84: {  	_ =	shalt  }
0x85: {  	_ =	shalt  }
0x86: {  	_ =	shalt  }
0x87: {  	_ =	shalt  }
.Lfunc_end0:
.L_simem_size_0:
called_computation.4_lowered:
.L_overlay_start_0:
0x88: {  	s2 =	sld [smem:$0x3FD9]  }
0x89: {  	s3 =	sld [smem:$0x3FFE];
	_ =	sdelay $0x1  }
0x8a: {  	s1 =	srdreg.scid  }
0x8b: {  	s0 =	sand.u32 $0x1, s1  }
0x8c: {  	s16 =	sshll.u32 s0, $0xA;
	s2 =	sadd.s32 s3, s2  }
0x8d: {  	s2 =	sadd.s32 s2, s16  }
0x8e: {  	[smem:$0x3FAE] =	sst s2  }
0x8f: {  	_ = 	snop  }
0x90: {  	(tm) =	ssettm $0x1  }
0x91: {  	s17 =	sld [smem:$0x3FFB];
	_ =	sdelay $0x3  }
0x92: {  	_ =	strace s17  }
0x93: {  	s2 =	sld [smem:$0x3FFC];
	_ =	sdelay $0x3  }
0x94: {  	_ =	strace s2  }
0x95: {  	s2 =	sld [smem:$0x3FFD];
	_ =	sdelay $0x3  }
0x96: {  	_ =	strace s2  }
0x97: {  	_ =	strace $0x8FFFFFFF  }
0x98: {  	s18 =	sld [smem:$0x3FDB];
	_ =	sdelay $0x1  }
0x99: {  	s19 =	simm.s32 $_scs_section_size  }
0x9a: {  	s4 =	simm.s32 $_size__tile_overlayer_lowered;
	s5 =	simm.s32 $_tile_overlayer_lowered  }
0x9b: {  	s22 =	simm.s32 $0x1BFF;
	s21 =	sshll.u32 s5, $0x1;
	s2 =	sadd.s32 s19, s18  }
0x9c: {  	s6 =	simm.s32 $0x0;
	s20 =	sshll.u32 s4, $0x1;
	s4 =	sadd.s32 s21, s2  }
0x9d: {  	[timem:s6], [sflag:s22] =	dma.local [hbm:s4], s20  }
0x9e: {  	_ =	swait.ge [sflag:s22], s20  }
0x9f: {  	s3 =	ssub.s32 $0x0, s20;
	[sflag:s22] =	ssyncset.done $0x0  }
0xa0: {  	[sflag:s22] =	ssyncadd.s32 s3;
	_ =	sdelay $0x1  }
0xa1: {  	s23 =	simm.s32 $0x1B8B  }
0xa2: {  	_ =	swait.ge [sflag:s23], $0x1  }
0xa3: {  	[sflag:s23] =	ssyncset.done $0x0  }
0xa4: {  	s25 =	simm.s32 $0x1B8E;
	s24 =	sld [smem:$0x3FFE];
	[sflag:s23] =	ssyncadd.s32 $0xFFFFFFFF  }
0xa5: {  	s26 =	simm.s32 $execute0_lowered;
	[smem:$0x3FD2] =	sst s25  }
0xa6: {  	s4 =	sshll.u32 s26, $0x1;
	_ =	strace $0x80000052;
	[dreg:$0x1] =	wrdreg $0xFFFFFFFF  }
0xa7: {  	s28 =	simm.s32 $_size_execute0_lowered;
	s2 =	sadd.s32 s2, s4;
	[dreg:$0x0] =	wrdreg $0x0  }
0xa8: {  	s4 =	sshll.u32 s28, $0x1;
	[dreg:$0x2] =	wrdreg s2  }
0xa9: {  	[dreg:$0x3] =	wrdreg s4  }
0xaa: {  	[dreg:$0x4] =	wrdreg $0xC0  }
0xab: {  	_ =	task [dreg:s6], $0x5FFFF  }
0xac: {  	[dreg:$0x1] =	wrdreg $0xFFFFFFFF  }
0xad: {  	[dreg:$0x0] =	wrdreg $0x60  }
0xae: {  	[dreg:$0x2] =	wrdreg s24  }
0xaf: {  	[dreg:$0x3] =	wrdreg $0xB7800  }
0xb0: {  	[dreg:$0x4] =	wrdreg $0x9  }
0xb1: {  	_ =	task.clear_ibuf [dreg:s6], $0x5FFFF;
	_ =	strace $0x90000052  }
0xb2: {  	s29 =	simm.s32 $0x9;
	_ =	strace $0x80000054  }
0xb3: {  	_ =	swait.ge [sflag:s29], $0x1  }
0xb4: {  	[sflag:s29] =	ssyncadd.s32 $0xFFFFFFFF  }
0xb5: {  	_ =	strace $0x90000054  }
0xb6: {  	_ =	sfence  }
0xb7: {  	s30 =	sld [smem:$0x0];
	_ =	sdelay $0x2  }
0xb8: {  	s31 =	sshll.u32 s1, $0xD;
	s1 =	sshrl.u32 s1, $0x2  }
0xb9: {  	s3 =	sand.u32 $0x4000, s31;
	s1 =	sadd.s32 s1, s30  }
0xba: {  	s0 =	sor.u32 s3, s0;
	s1 =	sshll.u32 s1, $0x11  }
0xbb: {  	s0 =	sor.u32 s1, s0  }
0xbc: {  	s0 =	sadd.s32 $0x8F2B, s0  }
0xbd: {  	[sflag:s0] =	ssyncadd.remote.s32 $0x1  }
0xbe: {  	_ =	sfence.sel $0xFFFF  }
0xbf: {  	[dreg:$0x0] =	wrdreg $0xFFFFFFFF;
	(pc) =	sbr.abs _section_cstart, $3  }
0xc0: {  	[dreg:$0x1] =	wrdreg $0xFFFFFFFF  }
0xc1: {  	_ =	task.clear_ibuf [dreg:s6], $0x2FFFF;
	_ =	strace $0x9FFFFFFF  }
0xc2: {  	(tm) =	ssettm $0x7FFFFFFF  }
0xc3: {  	_ =	shalt  }
tec
execute0_lowered:
.L_overlay_start_1:
0x0: {  	(tag) =	ssettag $0x1  }
0x1: {  	s8 =	rddreg [dreg:$0x0];
	s0 =	srdreg.scid  }
0x2: {  	s1 =	rddreg [dreg:$0x1];
	s22 =	stileid.u32  }
0x3: {  	s2 =	simm.s32 $0x0;
	s12 =	simm.s32 $0x2780;
	s13 =	simm.s32 $0x50  }
0x4: {  	s14 =	simm.s32 $0x6780;
	s15 =	simm.s32 $0x8F80;
	s16 =	simm.s32 $0x1  }
0x5: {  	s17 =	simm.s32 $0x2;
	s19 =	simm.s32 $0x26C0;
	s20 =	simm.s32 $0x6500  }
0x6: {  	s21 =	simm.s32 $0x6580;
	s9 =	sand.u32 $0x1, s0;
	s0 =	rddreg [dreg:$0x2]  }
0x7: {  	s24 =	simm.s32 $0x0;
	s5 =	smul.u32 $0x2710, s22;
	[smem:$0x7FF] =	sst s2  }
0x8: {  	s3 =	sadd.s32 $0x1E200, s8;
	s31 =	sshll.u32 s22, $0xB;
	p0 =	seq.s32 s22, $0x0  }
0x9: {  	s4 =	smul.u32 $0x27100, s9;
	_ =	strace $0x80000053;
	s6 =	ssub.s32 $0x2, s9  }
0xa: {  	s10 =	sadd.s32 s31, s8;
	p1 =	seq.s32 s9, $0x1;
	s18 =	sor.u32 s9, s22  }
0xb: {  	s11 =	sshrl.u32 s6, $0x1;
	p0 =	por !p0, !p1;
	p2 =	sne.s32 s18, $0x0  }
0xc: {  	s18 =	simm.s32 $0x6480;
	s4 =	sadd.s32 s5, s4;
	s5 =	sadd.s32 $0x28F200, s8  }
0xd: {  	s11 =	ssub.s32 s6, s11;
	p1 =	por !p0, !p0;
	p0 =	sne.s32 s22, $0x0  }
0xe: {  	s22 =	sshll.u32 @!p2 s22, $0x6;
	s23 =	sshrl.u32 @!p2 s1, $0x3;
	s4 =	sshrl.u32 s4, $0x3  }
0xf: {  	s9 =	smax.u32 s11, $0x1;
	s11 =	simm.s32 $0x3;
	s22 =	sor.u32 @!p2 $0x1C03, s22  }
0x10: {  	s7 =	sadd.s32 s4, s8;
	s4 =	sadd.s32 $0x2DD400, s8;
	s8 =	sadd.s32 $0x2B6300, s8  }
0x11: {  	s6 =	sadd.s32 $0x14400, s7;
	s7 =	sadd.s32 $0xC400, s10;
	s10 =	sshrl.u32 @!p0 s1, $0x3  }
.LBB2_1:
0x12: {  	s25 =	simm.s32 @!p0 $0x1C03  }
0x13: {  	[spmem:s10], [sflag:s25] =	dma.local @!p0 [hbm:s4], $0x27100  }
0x14: {  	s25 =	simm.s32 @!p0 $0x3  }
0x15: {  	_ =	swait.ge @!p0 [sflag:s25], $0x27100  }
0x16: {  	[sflag:s25] =	ssyncset.done @!p0 $0x0  }
0x17: {  	[sflag:s25] =	ssyncadd.s32 @!p0 $0xFFFD8F00  }
0x18: {  	[tilespmem:s2], [sflag:$0x3] =	stream.linear.gather [hbm4b:s6+s2], $0x2710, $0x38;
	[tilespmem:$0x1F000] =	vst v63  }
0x19: {  	_ =	swait.ge [sflag:s11], $0x2710  }
0x1a: {  	[sflag:s11] =	ssyncset.done $0x0  }
0x1b: {  	[sflag:s11] =	ssyncadd.s32 $0xFFFFD8F0  }
0x1c: {  	[tilespmem:s12], [sflag:$0x3] =	stream.linear.gather [hbm4b:s7+s2], $0x4000, $0x38;
	[tilespmem:$0x1F000] =	vst v63  }
0x1d: {  	_ =	swait.ge [sflag:s11], $0x4000  }
0x1e: {  	[sflag:s11] =	ssyncset.done $0x0  }
0x1f: {  	[sflag:s11] =	ssyncadd.s32 $0xFFFFC000  }
0x20: {  	[bflag:$0x0] =	sbarrier.arrive $0xFFFF  }
0x21: {  	[tilespmem:s14], [sflag:$0x1] =	stream.indirect.gather [hbm4b:s3+s13], $0x80, s2, s13, $0xb8;
	[tilespmem:$0x1F000] =	vst v63  }
0x22: {  	_ = 	snop  }
0x23: {  	[tilespmem:s15], [sflag:$0x2] =	stream.indirect.gather [hbm4b:s3+s13], $0x80, s13, s13, $0xb8;
	[tilespmem:$0x1F000] =	vst v63  }
0x24: {  	_ =	swait.ge [sflag:s16], $0x2800  }
0x25: {  	[sflag:s16] =	ssyncset.done $0x0  }
0x26: {  	s29 =	simm.s32 $0x2780;
	[sflag:s16] =	ssyncadd.s32 $0xFFFFD800  }
0x27: {  	[spmem:s1] =	stream.indirect.scatter.add.f32 [tilespmem:s14], [sflag:$0x3], $0x80, s29, s13, $0xb8;
	[tilespmem:$0x1F000] =	vst v63  }
0x28: {  	_ =	swait.ge [sflag:s11], $0x2800  }
0x29: {  	[sflag:s11] =	ssyncset.done $0x0  }
0x2a: {  	s30 =	simm.s32 $0xA0;
	[sflag:s11] =	ssyncadd.s32 $0xFFFFD800  }
0x2b: {  	[tilespmem:s14], [sflag:$0x1] =	stream.indirect.gather [hbm4b:s3+s13], $0x80, s30, s13, $0xb8;
	[tilespmem:$0x1F000] =	vst v63  }
0x2c: {  	_ =	swait.ge [sflag:s17], $0x2800  }
0x2d: {  	[sflag:s17] =	ssyncset.done $0x0  }
0x2e: {  	s31 =	simm.s32 $0x2800;
	[sflag:s17] =	ssyncadd.s32 $0xFFFFD800  }
0x2f: {  	[spmem:s1] =	stream.indirect.scatter.add.f32 [tilespmem:s15], [sflag:$0x3], $0x80, s31, s13, $0xb8;
	[tilespmem:$0x1F000] =	vst v63  }
0x30: {  	_ =	swait.ge [sflag:s11], $0x2800  }
0x31: {  	s28 =	simm.s32 $0xF0;
	[sflag:s11] =	ssyncset.done $0x0  }
0x32: {  	s26 =	simm.s32 $0x140;
	s25 =	simm.s32 $0x400;
	[sflag:s11] =	ssyncadd.s32 $0xFFFFD800  }
.LBB2_2:
0x33: {  	[tilespmem:s15], [sflag:$0x2] =	stream.indirect.gather [hbm4b:s3+s13], $0x80, s28, s13, $0xb8;
	[tilespmem:$0x1F000] =	vst v63  }
0x34: {  	s28 =	smov.u32 s25  }
0x35: {  	p3 =	sne.s32 s25, $0xF000;
	s25 =	sadd.s32 $0x400, s25;
	_ =	swait.ge [sflag:s16], $0x2800  }
0x36: {  	s28 =	sshra.s32 s28, $0x2;
	[sflag:s16] =	ssyncset.done $0x0  }
0x37: {  	s29 =	sadd.s32 $0x2780, s28;
	[sflag:s16] =	ssyncadd.s32 $0xFFFFD800  }
0x38: {  	[spmem:s1] =	stream.indirect.scatter.add.f32 [tilespmem:s14], [sflag:$0x3], $0x80, s29, s13, $0xb8;
	[tilespmem:$0x1F000] =	vst v63  }
0x39: {  	_ =	swait.ge [sflag:s11], $0x2800  }
0x3a: {  	[sflag:s11] =	ssyncset.done $0x0  }
0x3b: {  	[sflag:s11] =	ssyncadd.s32 $0xFFFFD800  }
0x3c: {  	[tilespmem:s14], [sflag:$0x1] =	stream.indirect.gather [hbm4b:s3+s13], $0x80, s26, s13, $0xb8;
	[tilespmem:$0x1F000] =	vst v63  }
0x3d: {  	_ =	swait.ge [sflag:s17], $0x2800  }
0x3e: {  	[sflag:s17] =	ssyncset.done $0x0  }
.Ltmp0:
0x3f: {  	s28 =	sadd.s32 $0x2800, s28;
	[sflag:s17] =	ssyncadd.s32 $0xFFFFD800;
	(pc) =	sbr.rel @p3 .LBB2_2-.Ltmp0, $4  }
0x40: {  	[spmem:s1] =	stream.indirect.scatter.add.f32 [tilespmem:s15], [sflag:$0x3], $0x80, s28, s13, $0xb8;
	[tilespmem:$0x1F000] =	vst v63  }
0x41: {  	_ =	swait.ge [sflag:s11], $0x2800  }
0x42: {  	[sflag:s11] =	ssyncset.done $0x0  }
0x43: {  	s28 =	sadd.s32 $0x50, s26;
	s26 =	sadd.s32 $0xA0, s26;
	[sflag:s11] =	ssyncadd.s32 $0xFFFFD800  }
0x44: {  	[tilespmem:s15], [sflag:$0x2] =	stream.indirect.gather [hbm4b:s3+s13], $0x80, s28, s13, $0xb8;
	[tilespmem:$0x1F000] =	vst v63  }
0x45: {  	_ =	swait.ge [sflag:s16], $0x2800  }
0x46: {  	[sflag:s16] =	ssyncset.done $0x0  }
0x47: {  	[sflag:s16] =	ssyncadd.s32 $0xFFFFD800  }
0x48: {  	[spmem:s1] =	stream.indirect.scatter.add.f32 [tilespmem:s14], [sflag:$0x3], $0x80, s18, s13, $0xb8;
	[tilespmem:$0x1F000] =	vst v63  }
0x49: {  	_ =	swait.ge [sflag:s11], $0x2800  }
0x4a: {  	[sflag:s11] =	ssyncset.done $0x0  }
0x4b: {  	[sflag:s11] =	ssyncadd.s32 $0xFFFFD800  }
0x4c: {  	[tilespmem:s14], [sflag:$0x1] =	stream.indirect.gather [hbm4b:s3+s13], $0x80, s19, s13, $0xb8;
	[tilespmem:$0x1F000] =	vst v63  }
0x4d: {  	_ =	swait.ge [sflag:s17], $0x2800  }
0x4e: {  	[sflag:s17] =	ssyncset.done $0x0  }
0x4f: {  	[sflag:s17] =	ssyncadd.s32 $0xFFFFD800  }
0x50: {  	[spmem:s1] =	stream.indirect.scatter.add.f32 [tilespmem:s15], [sflag:$0x3], $0x80, s20, s13, $0xb8;
	[tilespmem:$0x1F000] =	vst v63  }
0x51: {  	_ =	swait.ge [sflag:s11], $0x2800  }
0x52: {  	[sflag:s11] =	ssyncset.done $0x0  }
0x53: {  	[sflag:s11] =	ssyncadd.s32 $0xFFFFD800  }
0x54: {  	[tilespmem:s15], [sflag:$0x2] =	stream.indirect.gather [hbm4b:s3+s13], $0x80, s19, s13, $0xb8;
	[tilespmem:$0x1F000] =	vst v63  }
0x55: {  	_ =	swait.ge [sflag:s16], $0x2800  }
0x56: {  	[sflag:s16] =	ssyncset.done $0x0  }
0x57: {  	[sflag:s16] =	ssyncadd.s32 $0xFFFFD800  }
0x58: {  	[spmem:s1] =	stream.indirect.scatter.add.f32 [tilespmem:s14], [sflag:$0x3], $0x80, s21, s13, $0xb8;
	[tilespmem:$0x1F000] =	vst v63  }
0x59: {  	_ =	swait.ge [sflag:s11], $0x2800  }
0x5a: {  	[sflag:s11] =	ssyncset.done $0x0  }
0x5b: {  	[sflag:s11] =	ssyncadd.s32 $0xFFFFD800  }
0x5c: {  	_ =	swait.ge [sflag:s17], $0x2800  }
0x5d: {  	[sflag:s17] =	ssyncset.done $0x0  }
0x5e: {  	[sflag:s17] =	ssyncadd.s32 $0xFFFFD800  }
0x5f: {  	s25 =	simm.s32 @!p2 $0x3;
	[bflag:$0x0] =	sbarrier.arrive $0xFFFF  }
0x60: {  	[hbm:s5], [sflag:s22] =	dma.local @!p2 [spmem:s23], $0x27100  }
0x61: {  	_ =	swait.ge @!p2 [sflag:s25], $0x27100  }
0x62: {  	s26 =	simm.s32 @p1 $0x1C03;
	s24 =	sadd.s32 $0x1, s24;
	[sflag:s25] =	ssyncset.done @!p2 $0x0  }
0x63: {  	p3 =	sne.s32 s24, s9;
	[sflag:s25] =	ssyncadd.s32 @!p2 $0xFFFD8F00;
	s25 =	sshrl.u32 @p1 s1, $0x3  }
0x64: {  	[hbm:s8], [sflag:s26] =	dma.local @p1 [spmem:s25], $0x27100  }
.Ltmp1:
0x65: {  	_ = 	snop;
	(pc) =	sbr.rel @p3 .LBB2_1-.Ltmp1, $4  }
0x66: {  	s25 =	simm.s32 @p1 $0x3  }
0x67: {  	_ =	swait.ge @p1 [sflag:s25], $0x27100  }
0x68: {  	[sflag:s25] =	ssyncset.done @p1 $0x0  }
0x69: {  	[sflag:s25] =	ssyncadd.s32 @p1 $0xFFFD8F00  }
0x6a: {  	_ =	sfence.sel $0x180000  }
0x6b: {  	[bflag:$0x0] =	sbarrier.arrive $0xFFFF  }
0x6c: {  	_ =	strace $0x90000053  }
0x6d: {  	s0 =	sadd.s32 @!p0 $0x100000, s0;
	[bflag:$0x2] =	sbarrier.arrive $0xFFFF  }
0x6e: {  	[sflag:s0] =	ssyncadd.tile.s32 @!p0 $0x1;
	_ =	shalt  }
.Lfunc_end2:
_tile_overlayer_lowered:
.L_overlay_start_2:
0x6f: {  	(tag) =	ssettag $0x2  }
0x70: {  	s0 =	rddreg [dreg:$0x0];
	s2 =	stileid.u32  }
0x71: {  	s1 =	rddreg [dreg:$0x1];
	p0 =	sne.s32 s2, $0x0  }
0x72: {  	s3 =	rddreg [dreg:$0x2];
	[bflag:$0x3] =	sbarrier.arrive $0xFFFF;
	s2 =	simm.s32 @!p0 $0x1C03  }
0x73: {  	[timem:s3], [sflag:s2] =	dma.local @!p0 [hbm:s0], s1  }
0x74: {  	s0 =	simm.s32 @!p0 $0x3  }
0x75: {  	_ =	swait.ge @!p0 [sflag:s0], s1  }
0x76: {  	s1 =	ssub.s32 @!p0 $0x0, s1;
	[sflag:s0] =	ssyncset.done @!p0 $0x0  }
0x77: {  	[sflag:s0] =	ssyncadd.s32 @!p0 s1  }
0x78: {  	[bflag:$0x3] =	sbarrier.arrive $0xFFFF  }
0x79: {  	_ =	shalt  }

</sc_bundles>
